<compile_context>
chip_gen: v7x
topology: tpu7x:2x2x1
jax: 0.10.2.dev20260603
libtpu: 0.0.44.dev20260713+nightly
codegen_flags: <defaults>
</compile_context>

<pallas_src>
import jax
import jax.numpy as jnp
from jax import lax
from jax.experimental import pallas as pl
from jax.experimental.pallas import tpu as pltpu
from jax.experimental.pallas import tpu_sc as plsc

NC = 2
NS = 16


def _score_body(x_ref, p_ref, o_ref):
    p = p_ref[0, :]
    xb = x_ref[...].astype(jnp.bfloat16)
    pb = p.astype(jnp.bfloat16)[:, None]
    s = lax.dot_general(xb, pb, (((1,), (0,)), ((), ())),
                        preferred_element_type=jnp.float32)
    o_ref[...] = s * lax.rsqrt(jnp.sum(p * p))


def _gru_w(xg, vals, w0, wih, whh, bih, bhh):
    d = w0.shape[1]
    xt = xg * jnp.tanh(vals)
    gi = lax.dot_general(xt, wih, (((1,), (1,)), ((), ())),
                         preferred_element_type=jnp.float32, precision=lax.Precision.HIGHEST) + bih
    gh = lax.dot_general(w0, whh, (((1,), (1,)), ((), ())),
                         preferred_element_type=jnp.float32, precision=lax.Precision.HIGHEST) + bhh
    r = jax.nn.sigmoid(gi[:, :d] + gh[:, :d])
    z = jax.nn.sigmoid(gi[:, d:2 * d] + gh[:, d:2 * d])
    n = jnp.tanh(gi[:, 2 * d:] + r * gh[:, 2 * d:])
    return (1.0 - z) * n + z * w0


def _xw_body(x_ref, xg_ref, vals_ref, w0_ref, wih_ref, whh_ref, bih_ref,
             bhh_ref, d0_ref, d1_ref, y0_ref, y1_ref, dinv_ref, w_scr):
    h = y0_ref.shape[1]

    @pl.when(pl.program_id(0) == 0)
    def _():
        w_scr[...] = _gru_w(xg_ref[...], vals_ref[...], w0_ref[...],
                            wih_ref[...], whh_ref[...], bih_ref[...],
                            bhh_ref[...])

    deg = d0_ref[...] + d1_ref[...] + 1.0
    dinv = lax.rsqrt(deg)
    xw = jnp.dot(x_ref[...], w_scr[...], preferred_element_type=jnp.float32, precision=lax.Precision.HIGHEST)
    y = xw * dinv
    y0_ref[...] = y[:, :h]
    y1_ref[...] = y[:, h:]
    dinv_ref[...] = dinv


def _out_body(h0_ref, h1_ref, y0_ref, y1_ref, dinv_ref, lw_ref, lb_ref,
              o_ref):
    dinv = dinv_ref[...]
    pre = jnp.concatenate(
        [h0_ref[...] + y0_ref[...], h1_ref[...] + y1_ref[...]], axis=1)
    r = jnp.maximum(pre * dinv, 0.0)
    o_ref[...] = lax.dot_general(r, lw_ref[...], (((1,), (1,)), ((), ())),
                                 preferred_element_type=jnp.float32, precision=lax.Precision.HIGHEST) + lb_ref[...]


def _sc_gather_rows_body(x_hbm, perm_hbm, xg_out, permbuf, rowsbuf, gsem):
    c = lax.axis_index("c")
    s = lax.axis_index("s")
    wid = c * NS + s
    k_per = perm_hbm.shape[0] // (NC * NS)
    pltpu.sync_copy(perm_hbm.at[pl.ds(wid * k_per, k_per)], permbuf)
    pltpu.async_copy(x_hbm.at[permbuf], rowsbuf, gsem).wait()
    pltpu.sync_copy(rowsbuf, xg_out.at[pl.ds(wid * k_per, k_per), :])


def _sc_deg_body(dst2_hbm, deg0_out, deg1_out,
                 idxbuf, idxbuf1, onesbuf, zbuf, deg_sh, dsem0, dsem1):
    c = lax.axis_index("c")
    s = lax.axis_index("s")

    def fill_ones(i, carry):
        onesbuf[pl.ds(i * 16, 16)] = jnp.full((16,), 1.0, jnp.float32)
        return carry
    lax.fori_loop(0, onesbuf.shape[0] // 16, fill_ones, 0)

    def fill_z(i, carry):
        zbuf[pl.ds(i * 16, 16)] = jnp.zeros((16,), jnp.float32)
        return carry
    lax.fori_loop(0, zbuf.shape[0] // 16, fill_z, 0)

    @pl.when(s < 10)
    def _():
        pltpu.sync_copy(zbuf.at[pl.ds(0, 1000)],
                        deg_sh.at[pl.ds(s * 1000, 1000)])
    plsc.subcore_barrier()

    nrows = dst2_hbm.shape[0]
    half = nrows // NC
    lo = c * half

    hi = lo + half

    def step(ci, carry):
        r0 = lo + (2 * ci) * NS + s
        r1 = r0 + NS

        @pl.when(r0 < hi)
        def _():
            pltpu.sync_copy(dst2_hbm.at[r0], idxbuf)
            g0 = pltpu.async_copy(onesbuf, deg_sh.at[idxbuf], dsem0, add=True)

            @pl.when(r1 < hi)
            def _():
                pltpu.sync_copy(dst2_hbm.at[r1], idxbuf1)
                pltpu.async_copy(onesbuf, deg_sh.at[idxbuf1], dsem1,
                                 add=True).wait()
            g0.wait()
        return carry
    lax.fori_loop(0, (half + 2 * NS - 1) // (2 * NS), step, 0)
    plsc.subcore_barrier()

    @pl.when(s < 10)
    def _():
        pltpu.sync_copy(deg_sh.at[pl.ds(s * 1000, 1000)],
                        zbuf.at[pl.ds(0, 1000)])

        @pl.when(c == 0)
        def _():
            pltpu.sync_copy(zbuf.at[pl.ds(0, 1000)],
                            deg0_out.at[pl.ds(s * 1000, 1000)])

        @pl.when(c == 1)
        def _():
            pltpu.sync_copy(zbuf.at[pl.ds(0, 1000)],
                            deg1_out.at[pl.ds(s * 1000, 1000)])


def _sc_edge_body(y0_hbm, y1_hbm, sd_hbm, h0_out, h1_out,
                  sdbs, rowss, h_sh, gsems, ssems):
    c = lax.axis_index("c")
    s = lax.axis_index("s")
    nbuf = len(sdbs)
    rows0 = rowss[0]

    def zr(i, carry):
        rows0[i // 8, pl.ds((i % 8) * 16, 16)] = jnp.zeros((16,), jnp.float32)
        return carry
    lax.fori_loop(0, rows0.shape[0] * 8, zr, 0)

    @pl.when(s < 10)
    def _():
        sems = gsems + ssems
        zs = []
        for k in range(8):
            nr = 128 if k < 7 else 104
            zs.append(pltpu.async_copy(
                rows0.at[pl.ds(0, nr), :],
                h_sh.at[pl.ds(s * 1000 + k * 128, nr), :], sems[k % 6]))
        for z in zs:
            z.wait()
    plsc.subcore_barrier()

    nrows = sd_hbm.shape[0]

    def run(y_hbm):
        per = (nrows - s + NS - 1) // NS
        groups = per // nbuf

        def step(ci, carry):
            r0 = (nbuf * ci) * NS + s
            gs = []
            for b in range(nbuf):
                @pl.when(ci > 0)
                def _():
                    pltpu.make_async_copy(rowss[b],
                                          h_sh.at[sdbs[b].at[1]],
                                          ssems[b]).wait()
                pltpu.sync_copy(sd_hbm.at[r0 + b * NS], sdbs[b])
                gs.append(pltpu.async_copy(y_hbm.at[sdbs[b].at[0]], rowss[b],
                                           gsems[b]))
            for b in range(nbuf):
                gs[b].wait()
                pltpu.async_copy(rowss[b], h_sh.at[sdbs[b].at[1]],
                                 ssems[b], add=True)
            return carry
        lax.fori_loop(0, groups, step, 0)

        @pl.when(groups > 0)
        def _():
            for b in range(nbuf):
                pltpu.make_async_copy(rowss[b], h_sh.at[sdbs[b].at[1]],
                                      ssems[b]).wait()

        def tail(ti, carry):
            r = ti * NS + s
            pltpu.sync_copy(sd_hbm.at[r], sdbs[0])
            pltpu.async_copy(y_hbm.at[sdbs[0].at[0]], rowss[0],
                             gsems[0]).wait()
            pltpu.sync_copy(rowss[0], h_sh.at[sdbs[0].at[1]], add=True)
            return carry
        lax.fori_loop(groups * nbuf, per, tail, 0)

    @pl.when(c == 0)
    def _():
        run(y0_hbm)

    @pl.when(c == 1)
    def _():
        run(y1_hbm)
    plsc.subcore_barrier()

    @pl.when(s < 10)
    def _():
        for k in range(8):
            nr = 128 if k < 7 else 104
            base = pl.ds(s * 1000 + k * 128, nr)
            pltpu.sync_copy(h_sh.at[base, :], rows0.at[pl.ds(0, nr), :])

            @pl.when(c == 0)
            def _():
                pltpu.sync_copy(rows0.at[pl.ds(0, nr), :], h0_out.at[base, :])

            @pl.when(c == 1)
            def _():
                pltpu.sync_copy(rows0.at[pl.ds(0, nr), :], h1_out.at[base, :])


def kernel(x, edge_index, pool_p, gru_W_ih, gru_W_hh, gru_b_ih, gru_b_hh,
           W0, lin_W, lin_b):
    n, d = x.shape
    e = edge_index.shape[1]
    h = d // 2
    bn = 1000
    grid = n // bn

    dst2 = edge_index[1].reshape(e // 128, 128)
    sd2 = edge_index.reshape(2, e // 128, 128).transpose(1, 0, 2)
    mesh = plsc.VectorSubcoreMesh(core_axis_name="c", subcore_axis_name="s")

    deg0, deg1 = pl.kernel(
        _sc_deg_body,
        out_type=[jax.ShapeDtypeStruct((n,), jnp.float32),
                  jax.ShapeDtypeStruct((n,), jnp.float32)],
        mesh=mesh,
        scratch_types=[pltpu.VMEM((128,), jnp.int32),
                       pltpu.VMEM((128,), jnp.int32),
                       pltpu.VMEM((128,), jnp.float32),
                       pltpu.VMEM((1008,), jnp.float32),
                       pltpu.VMEM_SHARED((n,), jnp.float32),
                       pltpu.SemaphoreType.DMA,
                       pltpu.SemaphoreType.DMA],
    )(dst2)

    scores = pl.pallas_call(
        _score_body,
        grid=(grid,),
        in_specs=[pl.BlockSpec((bn, d), lambda i: (i, 0)),
                  pl.BlockSpec((1, d), lambda i: (0, 0))],
        out_specs=pl.BlockSpec((bn, 1), lambda i: (i, 0)),
        out_shape=jax.ShapeDtypeStruct((n, 1), jnp.float32),
    )(x, pool_p.reshape(1, d))

    vals, perm = lax.top_k(scores[:, 0], d)

    xg = pl.kernel(
        _sc_gather_rows_body,
        out_type=jax.ShapeDtypeStruct((d, d), jnp.float32),
        mesh=mesh,
        scratch_types=[pltpu.VMEM((d // (NC * NS),), jnp.int32),
                       pltpu.VMEM((d // (NC * NS), d), jnp.float32),
                       pltpu.SemaphoreType.DMA],
    )(x, perm.astype(jnp.int32))

    y0, y1, dinv = pl.pallas_call(
        _xw_body,
        grid=(grid,),
        in_specs=[pl.BlockSpec((bn, d), lambda i: (i, 0)),
                  pl.BlockSpec((d, d), lambda i: (0, 0)),
                  pl.BlockSpec((d, 1), lambda i: (0, 0)),
                  pl.BlockSpec((d, d), lambda i: (0, 0)),
                  pl.BlockSpec((3 * d, d), lambda i: (0, 0)),
                  pl.BlockSpec((3 * d, d), lambda i: (0, 0)),
                  pl.BlockSpec((1, 3 * d), lambda i: (0, 0)),
                  pl.BlockSpec((1, 3 * d), lambda i: (0, 0)),
                  pl.BlockSpec((bn, 1), lambda i: (i, 0)),
                  pl.BlockSpec((bn, 1), lambda i: (i, 0))],
        out_specs=[pl.BlockSpec((bn, h), lambda i: (i, 0)),
                   pl.BlockSpec((bn, h), lambda i: (i, 0)),
                   pl.BlockSpec((bn, 1), lambda i: (i, 0))],
        out_shape=[jax.ShapeDtypeStruct((n, h), jnp.float32),
                   jax.ShapeDtypeStruct((n, h), jnp.float32),
                   jax.ShapeDtypeStruct((n, 1), jnp.float32)],
        scratch_shapes=[pltpu.VMEM((d, d), jnp.float32)],
    )(x, xg, vals.reshape(d, 1), W0, gru_W_ih, gru_W_hh,
      gru_b_ih.reshape(1, 3 * d), gru_b_hh.reshape(1, 3 * d),
      deg0.reshape(n, 1), deg1.reshape(n, 1))

    h0, h1 = pl.kernel(
        _sc_edge_body,
        out_type=[jax.ShapeDtypeStruct((n, h), jnp.float32),
                  jax.ShapeDtypeStruct((n, h), jnp.float32)],
        mesh=mesh,
        scratch_types=[[pltpu.VMEM((2, 128), jnp.int32) for _ in range(3)],
                       [pltpu.VMEM((128, h), jnp.float32) for _ in range(3)],
                       pltpu.VMEM_SHARED((n, h), jnp.float32),
                       [pltpu.SemaphoreType.DMA for _ in range(3)],
                       [pltpu.SemaphoreType.DMA for _ in range(3)]],
    )(y0, y1, sd2)

    out = pl.pallas_call(
        _out_body,
        grid=(grid,),
        in_specs=[pl.BlockSpec((bn, h), lambda i: (i, 0)),
                  pl.BlockSpec((bn, h), lambda i: (i, 0)),
                  pl.BlockSpec((bn, h), lambda i: (i, 0)),
                  pl.BlockSpec((bn, h), lambda i: (i, 0)),
                  pl.BlockSpec((bn, 1), lambda i: (i, 0)),
                  pl.BlockSpec((d, d), lambda i: (0, 0)),
                  pl.BlockSpec((1, d), lambda i: (0, 0))],
        out_specs=pl.BlockSpec((bn, d), lambda i: (i, 0)),
        out_shape=jax.ShapeDtypeStruct((n, d), jnp.float32),
    )(h0, h1, y0, y1, dinv, lin_W, lin_b.reshape(1, d))
    return out

# --- scband reference (transcript-rebuilt; emitter-appended) ---
"""Pipeline reference for scband-evolve-gcn-h-7327214207508 (READ-ONLY COPY).

The authoritative reference and input builder live on the scoring server;
editing this copy changes nothing except your own understanding.
"""

import jax, jax.numpy as jnp
import numpy as np

N = 10000
D = 256
E = 160000


def setup_inputs(seed: int = 0) -> dict:
    key = jax.random.key(seed)
    ks = jax.random.split(key, 12)
    x = jax.random.normal(ks[0], (N, D), dtype=jnp.float32)
    edge_index = jax.random.randint(ks[1], (2, E), 0, N, dtype=jnp.int32)
    # TopKPooling projection vector p
    pool_p = jax.random.uniform(ks[2], (D,), minval=-1.0, maxval=1.0, dtype=jnp.float32) * (1.0 / np.sqrt(D))
    # GRU parameters (input_size=D, hidden_size=D, 1 layer), torch layout: (3D, D)
    s = 1.0 / np.sqrt(D)
    gru_W_ih = jax.random.uniform(ks[3], (3 * D, D), minval=-s, maxval=s, dtype=jnp.float32)
    gru_W_hh = jax.random.uniform(ks[4], (3 * D, D), minval=-s, maxval=s, dtype=jnp.float32)
    gru_b_ih = jax.random.uniform(ks[5], (3 * D,), minval=-s, maxval=s, dtype=jnp.float32)
    gru_b_hh = jax.random.uniform(ks[6], (3 * D,), minval=-s, maxval=s, dtype=jnp.float32)
    # initial evolved GCN weight, glorot
    g = np.sqrt(6.0 / (D + D))
    W0 = jax.random.uniform(ks[7], (D, D), minval=-g, maxval=g, dtype=jnp.float32)
    # final Linear(D, D)
    lin_W = jax.random.uniform(ks[8], (D, D), minval=-s, maxval=s, dtype=jnp.float32)
    lin_b = jax.random.uniform(ks[9], (D,), minval=-s, maxval=s, dtype=jnp.float32)
    return {"x": x, "edge_index": edge_index, "pool_p": pool_p,
            "gru_W_ih": gru_W_ih, "gru_W_hh": gru_W_hh, "gru_b_ih": gru_b_ih, "gru_b_hh": gru_b_hh,
            "W0": W0, "lin_W": lin_W, "lin_b": lin_b}


def _gru_step(x_in, h, W_ih, W_hh, b_ih, b_hh):
    gi = x_in @ W_ih.T + b_ih
    gh = h @ W_hh.T + b_hh
    i_r, i_z, i_n = jnp.split(gi, 3, axis=1)
    h_r, h_z, h_n = jnp.split(gh, 3, axis=1)
    r = jax.nn.sigmoid(i_r + h_r)
    z = jax.nn.sigmoid(i_z + h_z)
    n = jnp.tanh(i_n + r * h_n)
    return (1.0 - z) * n + z * h


def reference(x, edge_index, pool_p, gru_W_ih, gru_W_hh, gru_b_ih, gru_b_hh, W0, lin_W, lin_b):
    n_nodes, d = x.shape
    # --- TopKPooling: select k = d node summaries ---
    score = (x @ pool_p) / jnp.linalg.norm(pool_p)
    score = jnp.tanh(score)
    vals, perm = jax.lax.top_k(score, d)
    X_tilde = x[perm] * vals[:, None]            # (d, d)
    # --- GRU evolves the GCN weight matrix (batch=d, hidden=d, seq_len=1) ---
    W = _gru_step(X_tilde, W0, gru_W_ih, gru_W_hh, gru_b_ih, gru_b_hh)  # (d, d)
    # --- GCNConv_Fixed_W with symmetric normalization + self loops, no bias ---
    src = edge_index[0]
    dst = edge_index[1]
    loop = jnp.arange(n_nodes, dtype=src.dtype)
    src = jnp.concatenate([src, loop])
    dst = jnp.concatenate([dst, loop])
    ew = jnp.ones(src.shape[0], dtype=x.dtype)
    deg = jnp.zeros(n_nodes, dtype=x.dtype).at[dst].add(ew)
    dinv = jnp.where(deg > 0, jax.lax.rsqrt(jnp.maximum(deg, 1e-12)), 0.0)
    norm = dinv[src] * dinv[dst]
    xw = x @ W
    msgs = xw[src] * norm[:, None]
    h = jnp.zeros((n_nodes, d), dtype=x.dtype).at[dst].add(msgs)
    # --- relu + final Linear ---
    h = jax.nn.relu(h)
    h = h @ lin_W.T + lin_b
    return h

if __name__ == "__main__":
    import jax
    _d = setup_inputs()
    print(jax.jit(kernel)(*tuple(_d.values())))

</pallas_src>

<mosaic_0001>
#map = affine_map<(d0, d1) -> (0, 0)>
#map1 = affine_map<(d0, d1) -> (0)>
module attributes {stable_mosaic.version = 14 : i64} {
  func.func @_sc_deg_body(%arg0: i32, %arg1: i32, %arg2: memref<1250x128xi32, #tpu.memory_space<hbm>>, %arg3: memref<10000xf32, #tpu.memory_space<hbm>>, %arg4: memref<10000xf32, #tpu.memory_space<hbm>>, %arg5: memref<128xi32, #tpu.memory_space<vmem>>, %arg6: memref<128xi32, #tpu.memory_space<vmem>>, %arg7: memref<128xf32, #tpu.memory_space<vmem>>, %arg8: memref<1008xf32, #tpu.memory_space<vmem>>, %arg9: memref<10000xf32, #tpu.memory_space<vmem_shared>>, %arg10: memref<!tpu.dma_semaphore, #tpu.memory_space<semaphore_mem>>, %arg11: memref<!tpu.dma_semaphore, #tpu.memory_space<semaphore_mem>>) attributes {dimension_semantics = [#tpu.dimension_semantics<core_parallel>, #tpu.dimension_semantics<subcore_parallel>], iteration_bounds = array<i64: 2, 16>, scalar_prefetch = 0 : i64, scratch_operands = 7 : i64, tpu.core_type = #tpu.core_type<sc_vector_subcore>, window_params = [{transform_indices = #map}, {transform_indices = #map1}, {transform_indices = #map1}]} {
    %scan3A = arith.constant 0 : i32
    %scan3A_0 = arith.constant 0 : i32
    %scan3A_1 = arith.constant 8 : i32
    %scan3A_2 = arith.addi %scan3A_0, %scan3A_1 : i32
    %scan3A_3 = arith.constant 1 : i32
    scf.for %scan3A_27 = %scan3A_0 to %scan3A_2 step %scan3A_3  : i32 {
      %broadcast_in_dim3A = arith.constant 1.000000e+00 : f32
      %broadcast_in_dim3A_28 = vector.broadcast %broadcast_in_dim3A : f32 to vector<16xf32>
      %mul3A_29 = arith.constant 16 : i32
      %mul3A_30 = arith.muli %scan3A_27, %mul3A_29 : i32
      %swap3A = arith.index_cast %mul3A_30 : i32 to index
      %swap3A_31 = tpu.vector_load %arg7[%swap3A] {strides = array<i32>} : memref<128xf32, #tpu.memory_space<vmem>>, vector<16xf32>,
      %swap3A_32 = vector.shape_cast %swap3A_31 : vector<16xf32> to vector<16xf32>
      %swap3A_33 = vector.shape_cast %broadcast_in_dim3A_28 : vector<16xf32> to vector<16xf32>
      tpu.vector_store %arg7[%swap3A], %swap3A_33 {strides = array<i32>} : memref<128xf32, #tpu.memory_space<vmem>>, vector<16xf32>,
    }
    %scan3A_4 = arith.constant 8 : i32
    %scan3A_5 = arith.constant 0 : i32
    %scan3A_6 = arith.constant 0 : i32
    %scan3A_7 = arith.constant 63 : i32
    %scan3A_8 = arith.addi %scan3A_6, %scan3A_7 : i32
    %scan3A_9 = arith.constant 1 : i32
    scf.for %scan3A_27 = %scan3A_6 to %scan3A_8 step %scan3A_9  : i32 {
      %broadcast_in_dim3A = arith.constant 0.000000e+00 : f32
      %broadcast_in_dim3A_28 = vector.broadcast %broadcast_in_dim3A : f32 to vector<16xf32>
      %mul3A_29 = arith.constant 16 : i32
      %mul3A_30 = arith.muli %scan3A_27, %mul3A_29 : i32
      %swap3A = arith.index_cast %mul3A_30 : i32 to index
      %swap3A_31 = tpu.vector_load %arg8[%swap3A] {strides = array<i32>} : memref<1008xf32, #tpu.memory_space<vmem>>, vector<16xf32>,
      %swap3A_32 = vector.shape_cast %swap3A_31 : vector<16xf32> to vector<16xf32>
      %swap3A_33 = vector.shape_cast %broadcast_in_dim3A_28 : vector<16xf32> to vector<16xf32>
      tpu.vector_store %arg8[%swap3A], %swap3A_33 {strides = array<i32>} : memref<1008xf32, #tpu.memory_space<vmem>>, vector<16xf32>,
    }
    %scan3A_10 = arith.constant 63 : i32
    %lt3A = arith.constant 10 : i32
    %lt3A_11 = arith.cmpi slt, %arg1, %lt3A : i32
    %convert_element_type3A = arith.extui %lt3A_11 : i1 to i32
    %cond3A = arith.constant 0 : i32
    %cond3A_12 = arith.cmpi ne, %convert_element_type3A, %cond3A : i32
    scf.if %cond3A_12 {
      %mul3A_27 = arith.constant 1000 : i32
      %mul3A_28 = arith.muli %arg1, %mul3A_27 : i32
      "tpu.region"() ({
        %run_scoped3A = tpu.sem_alloc : memref<!tpu.dma_semaphore, #tpu.memory_space<semaphore_mem>>
        %dma_start3A = arith.constant 0 : i32
        %dma_start3A_29 = tpu.memref_slice %arg8[%dma_start3A] : memref<1008xf32, #tpu.memory_space<vmem>> -> memref<1000xf32, #tpu.memory_space<vmem>>
        %dma_start3A_30 = tpu.memref_slice %arg9[%mul3A_28] : memref<10000xf32, #tpu.memory_space<vmem_shared>> -> memref<1000xf32, #tpu.memory_space<vmem_shared>>
        %dma_start3A_31 = tpu.memref_slice %arg9[%mul3A_28] : memref<10000xf32, #tpu.memory_space<vmem_shared>> -> memref<1000xf32, #tpu.memory_space<vmem_shared>>
        %dma_start3A_32 = arith.constant 0 : i32
        %dma_start3A_33 = tpu.memref_slice %arg8[%dma_start3A_32] : memref<1008xf32, #tpu.memory_space<vmem>> -> memref<1000xf32, #tpu.memory_space<vmem>>
        tpu.enqueue_dma source(%dma_start3A_33 : memref<1000xf32, #tpu.memory_space<vmem>>) target(%dma_start3A_31 : memref<1000xf32, #tpu.memory_space<vmem_shared>>) target_semaphore(%run_scoped3A : memref<!tpu.dma_semaphore, #tpu.memory_space<semaphore_mem>>)
        %dma_wait3A = arith.constant 0 : i32
        %dma_wait3A_34 = tpu.memref_slice %arg8[%dma_wait3A] : memref<1008xf32, #tpu.memory_space<vmem>> -> memref<1000xf32, #tpu.memory_space<vmem>>
        %dma_wait3A_35 = tpu.memref_slice %arg9[%mul3A_28] : memref<10000xf32, #tpu.memory_space<vmem_shared>> -> memref<1000xf32, #tpu.memory_space<vmem_shared>>
        %dma_wait3A_36 = tpu.memref_slice %arg9[%mul3A_28] : memref<10000xf32, #tpu.memory_space<vmem_shared>> -> memref<1000xf32, #tpu.memory_space<vmem_shared>>
        %dma_wait3A_37 = arith.constant 0 : i32
        %dma_wait3A_38 = tpu.memref_slice %arg8[%dma_wait3A_37] : memref<1008xf32, #tpu.memory_space<vmem>> -> memref<1000xf32, #tpu.memory_space<vmem>>
        tpu.wait_dma2 semaphore(%run_scoped3A : memref<!tpu.dma_semaphore, #tpu.memory_space<semaphore_mem>>) src(%dma_wait3A_38 : memref<1000xf32, #tpu.memory_space<vmem>>) dst(%dma_wait3A_36 : memref<1000xf32, #tpu.memory_space<vmem_shared>>)
        tpu.yield
      }) : () -> ()
    } else {
    }
    %barrier3A = arith.constant 0 : index
    tpu.barrier barrier_id(%barrier3A)
    %mul3A = arith.constant 625 : i32
    %mul3A_13 = arith.muli %arg0, %mul3A : i32
    %add3A = arith.constant 625 : i32
    %add3A_14 = arith.addi %mul3A_13, %add3A : i32
    %scan3A_15 = arith.constant 0 : i32
    %scan3A_16 = arith.constant 0 : i32
    %scan3A_17 = arith.constant 20 : i32
    %scan3A_18 = arith.addi %scan3A_16, %scan3A_17 : i32
    %scan3A_19 = arith.constant 1 : i32
    scf.for %scan3A_27 = %scan3A_16 to %scan3A_18 step %scan3A_19  : i32 {
      %mul3A_28 = arith.constant 2 : i32
      %mul3A_29 = arith.muli %mul3A_28, %scan3A_27 : i32
      %mul3A_30 = arith.constant 16 : i32
      %mul3A_31 = arith.muli %mul3A_29, %mul3A_30 : i32
      %add3A_32 = arith.addi %mul3A_13, %mul3A_31 : i32
      %add3A_33 = arith.addi %add3A_32, %arg1 : i32
      %add3A_34 = arith.constant 16 : i32
      %add3A_35 = arith.addi %add3A_33, %add3A_34 : i32
      %lt3A_36 = arith.cmpi slt, %add3A_33, %add3A_14 : i32
      %convert_element_type3A_37 = arith.extui %lt3A_36 : i1 to i32
      %cond3A_38 = arith.constant 0 : i32
      %cond3A_39 = arith.cmpi ne, %convert_element_type3A_37, %cond3A_38 : i32
      scf.if %cond3A_39 {
        "tpu.region"() ({
          %run_scoped3A = tpu.sem_alloc : memref<!tpu.dma_semaphore, #tpu.memory_space<semaphore_mem>>
          %dma_start3A_46 = arith.constant 0 : i32
          %dma_start3A_47 = tpu.memref_slice %arg2[%add3A_33, %dma_start3A_46] : memref<1250x128xi32, #tpu.memory_space<hbm>> -> memref<1x128xi32, #tpu.memory_space<hbm>>
          %dma_start3A_48 = tpu.memref_squeeze %dma_start3A_47 : memref<1x128xi32, #tpu.memory_space<hbm>> -> memref<128xi32, #tpu.memory_space<hbm>>
          %dma_start3A_49 = arith.constant 0 : i32
          %dma_start3A_50 = tpu.memref_slice %arg2[%add3A_33, %dma_start3A_49] : memref<1250x128xi32, #tpu.memory_space<hbm>> -> memref<1x128xi32, #tpu.memory_space<hbm>>
          %dma_start3A_51 = tpu.memref_squeeze %dma_start3A_50 : memref<1x128xi32, #tpu.memory_space<hbm>> -> memref<128xi32, #tpu.memory_space<hbm>>
          tpu.enqueue_dma source(%dma_start3A_51 : memref<128xi32, #tpu.memory_space<hbm>>) target(%arg5 : memref<128xi32, #tpu.memory_space<vmem>>) target_semaphore(%run_scoped3A : memref<!tpu.dma_semaphore, #tpu.memory_space<semaphore_mem>>)
          %dma_wait3A_52 = arith.constant 0 : i32
          %dma_wait3A_53 = tpu.memref_slice %arg2[%add3A_33, %dma_wait3A_52] : memref<1250x128xi32, #tpu.memory_space<hbm>> -> memref<1x128xi32, #tpu.memory_space<hbm>>
          %dma_wait3A_54 = tpu.memref_squeeze %dma_wait3A_53 : memref<1x128xi32, #tpu.memory_space<hbm>> -> memref<128xi32, #tpu.memory_space<hbm>>
          %dma_wait3A_55 = arith.constant 0 : i32
          %dma_wait3A_56 = tpu.memref_slice %arg2[%add3A_33, %dma_wait3A_55] : memref<1250x128xi32, #tpu.memory_space<hbm>> -> memref<1x128xi32, #tpu.memory_space<hbm>>
          %dma_wait3A_57 = tpu.memref_squeeze %dma_wait3A_56 : memref<1x128xi32, #tpu.memory_space<hbm>> -> memref<128xi32, #tpu.memory_space<hbm>>
          tpu.wait_dma2 semaphore(%run_scoped3A : memref<!tpu.dma_semaphore, #tpu.memory_space<semaphore_mem>>) src(%dma_wait3A_57 : memref<128xi32, #tpu.memory_space<hbm>>) dst(%arg5 : memref<128xi32, #tpu.memory_space<vmem>>)
          tpu.yield
        }) : () -> ()
        %dma_start3A = arith.constant 0 : i32
        %dma_start3A_40 = tpu.memref_slice %arg9[%dma_start3A] : memref<10000xf32, #tpu.memory_space<vmem_shared>> -> memref<10000xf32, #tpu.memory_space<vmem_shared>>
        tpu.enqueue_indirect_dma source(%arg7 : memref<128xf32, #tpu.memory_space<vmem>>) target(%dma_start3A_40 : memref<10000xf32, #tpu.memory_space<vmem_shared>>) offsets(%arg5 : memref<128xi32, #tpu.memory_space<vmem>>) semaphore(%arg10 : memref<!tpu.dma_semaphore, #tpu.memory_space<semaphore_mem>>) {add = true}
        %lt3A_41 = arith.cmpi slt, %add3A_35, %add3A_14 : i32
        %convert_element_type3A_42 = arith.extui %lt3A_41 : i1 to i32
        %cond3A_43 = arith.constant 0 : i32
        %cond3A_44 = arith.cmpi ne, %convert_element_type3A_42, %cond3A_43 : i32
        scf.if %cond3A_44 {
          "tpu.region"() ({
            %run_scoped3A = tpu.sem_alloc : memref<!tpu.dma_semaphore, #tpu.memory_space<semaphore_mem>>
            %dma_start3A_50 = arith.constant 0 : i32
            %dma_start3A_51 = tpu.memref_slice %arg2[%add3A_35, %dma_start3A_50] : memref<1250x128xi32, #tpu.memory_space<hbm>> -> memref<1x128xi32, #tpu.memory_space<hbm>>
            %dma_start3A_52 = tpu.memref_squeeze %dma_start3A_51 : memref<1x128xi32, #tpu.memory_space<hbm>> -> memref<128xi32, #tpu.memory_space<hbm>>
            %dma_start3A_53 = arith.constant 0 : i32
            %dma_start3A_54 = tpu.memref_slice %arg2[%add3A_35, %dma_start3A_53] : memref<1250x128xi32, #tpu.memory_space<hbm>> -> memref<1x128xi32, #tpu.memory_space<hbm>>
            %dma_start3A_55 = tpu.memref_squeeze %dma_start3A_54 : memref<1x128xi32, #tpu.memory_space<hbm>> -> memref<128xi32, #tpu.memory_space<hbm>>
            tpu.enqueue_dma source(%dma_start3A_55 : memref<128xi32, #tpu.memory_space<hbm>>) target(%arg6 : memref<128xi32, #tpu.memory_space<vmem>>) target_semaphore(%run_scoped3A : memref<!tpu.dma_semaphore, #tpu.memory_space<semaphore_mem>>)
            %dma_wait3A_56 = arith.constant 0 : i32
            %dma_wait3A_57 = tpu.memref_slice %arg2[%add3A_35, %dma_wait3A_56] : memref<1250x128xi32, #tpu.memory_space<hbm>> -> memref<1x128xi32, #tpu.memory_space<hbm>>
            %dma_wait3A_58 = tpu.memref_squeeze %dma_wait3A_57 : memref<1x128xi32, #tpu.memory_space<hbm>> -> memref<128xi32, #tpu.memory_space<hbm>>
            %dma_wait3A_59 = arith.constant 0 : i32
            %dma_wait3A_60 = tpu.memref_slice %arg2[%add3A_35, %dma_wait3A_59] : memref<1250x128xi32, #tpu.memory_space<hbm>> -> memref<1x128xi32, #tpu.memory_space<hbm>>
            %dma_wait3A_61 = tpu.memref_squeeze %dma_wait3A_60 : memref<1x128xi32, #tpu.memory_space<hbm>> -> memref<128xi32, #tpu.memory_space<hbm>>
            tpu.wait_dma2 semaphore(%run_scoped3A : memref<!tpu.dma_semaphore, #tpu.memory_space<semaphore_mem>>) src(%dma_wait3A_61 : memref<128xi32, #tpu.memory_space<hbm>>) dst(%arg6 : memref<128xi32, #tpu.memory_space<vmem>>)
            tpu.yield
          }) : () -> ()
          %dma_start3A_46 = arith.constant 0 : i32
          %dma_start3A_47 = tpu.memref_slice %arg9[%dma_start3A_46] : memref<10000xf32, #tpu.memory_space<vmem_shared>> -> memref<10000xf32, #tpu.memory_space<vmem_shared>>
          tpu.enqueue_indirect_dma source(%arg7 : memref<128xf32, #tpu.memory_space<vmem>>) target(%dma_start3A_47 : memref<10000xf32, #tpu.memory_space<vmem_shared>>) offsets(%arg6 : memref<128xi32, #tpu.memory_space<vmem>>) semaphore(%arg11 : memref<!tpu.dma_semaphore, #tpu.memory_space<semaphore_mem>>) {add = true}
          %dma_wait3A_48 = arith.constant 0 : i32
          %dma_wait3A_49 = tpu.memref_slice %arg9[%dma_wait3A_48] : memref<10000xf32, #tpu.memory_space<vmem_shared>> -> memref<10000xf32, #tpu.memory_space<vmem_shared>>
          tpu.wait_indirect_dma semaphore(%arg11 : memref<!tpu.dma_semaphore, #tpu.memory_space<semaphore_mem>>) src(%arg7 : memref<128xf32, #tpu.memory_space<vmem>>) dst(%dma_wait3A_49 : memref<10000xf32, #tpu.memory_space<vmem_shared>>)
        } else {
        }
        %dma_wait3A = arith.constant 0 : i32
        %dma_wait3A_45 = tpu.memref_slice %arg9[%dma_wait3A] : memref<10000xf32, #tpu.memory_space<vmem_shared>> -> memref<10000xf32, #tpu.memory_space<vmem_shared>>
        tpu.wait_indirect_dma semaphore(%arg10 : memref<!tpu.dma_semaphore, #tpu.memory_space<semaphore_mem>>) src(%arg7 : memref<128xf32, #tpu.memory_space<vmem>>) dst(%dma_wait3A_45 : memref<10000xf32, #tpu.memory_space<vmem_shared>>)
      } else {
      }
    }
    %scan3A_20 = arith.constant 20 : i32
    %barrier3A_21 = arith.constant 0 : index
    tpu.barrier barrier_id(%barrier3A_21)
    %lt3A_22 = arith.constant 10 : i32
    %lt3A_23 = arith.cmpi slt, %arg1, %lt3A_22 : i32
    %convert_element_type3A_24 = arith.extui %lt3A_23 : i1 to i32
    %cond3A_25 = arith.constant 0 : i32
    %cond3A_26 = arith.cmpi ne, %convert_element_type3A_24, %cond3A_25 : i32
    scf.if %cond3A_26 {
      %mul3A_27 = arith.constant 1000 : i32
      %mul3A_28 = arith.muli %arg1, %mul3A_27 : i32
      "tpu.region"() ({
        %run_scoped3A = tpu.sem_alloc : memref<!tpu.dma_semaphore, #tpu.memory_space<semaphore_mem>>
        %dma_start3A = arith.constant 0 : i32
        %dma_start3A_38 = tpu.memref_slice %arg8[%dma_start3A] : memref<1008xf32, #tpu.memory_space<vmem>> -> memref<1000xf32, #tpu.memory_space<vmem>>
        %dma_start3A_39 = tpu.memref_slice %arg9[%mul3A_28] : memref<10000xf32, #tpu.memory_space<vmem_shared>> -> memref<1000xf32, #tpu.memory_space<vmem_shared>>
        %dma_start3A_40 = arith.constant 0 : i32
        %dma_start3A_41 = tpu.memref_slice %arg8[%dma_start3A_40] : memref<1008xf32, #tpu.memory_space<vmem>> -> memref<1000xf32, #tpu.memory_space<vmem>>
        %dma_start3A_42 = tpu.memref_slice %arg9[%mul3A_28] : memref<10000xf32, #tpu.memory_space<vmem_shared>> -> memref<1000xf32, #tpu.memory_space<vmem_shared>>
        tpu.enqueue_dma source(%dma_start3A_42 : memref<1000xf32, #tpu.memory_space<vmem_shared>>) target(%dma_start3A_41 : memref<1000xf32, #tpu.memory_space<vmem>>) target_semaphore(%run_scoped3A : memref<!tpu.dma_semaphore, #tpu.memory_space<semaphore_mem>>)
        %dma_wait3A = arith.constant 0 : i32
        %dma_wait3A_43 = tpu.memref_slice %arg8[%dma_wait3A] : memref<1008xf32, #tpu.memory_space<vmem>> -> memref<1000xf32, #tpu.memory_space<vmem>>
        %dma_wait3A_44 = tpu.memref_slice %arg9[%mul3A_28] : memref<10000xf32, #tpu.memory_space<vmem_shared>> -> memref<1000xf32, #tpu.memory_space<vmem_shared>>
        %dma_wait3A_45 = arith.constant 0 : i32
        %dma_wait3A_46 = tpu.memref_slice %arg8[%dma_wait3A_45] : memref<1008xf32, #tpu.memory_space<vmem>> -> memref<1000xf32, #tpu.memory_space<vmem>>
        %dma_wait3A_47 = tpu.memref_slice %arg9[%mul3A_28] : memref<10000xf32, #tpu.memory_space<vmem_shared>> -> memref<1000xf32, #tpu.memory_space<vmem_shared>>
        tpu.wait_dma2 semaphore(%run_scoped3A : memref<!tpu.dma_semaphore, #tpu.memory_space<semaphore_mem>>) src(%dma_wait3A_47 : memref<1000xf32, #tpu.memory_space<vmem_shared>>) dst(%dma_wait3A_46 : memref<1000xf32, #tpu.memory_space<vmem>>)
        tpu.yield
      }) : () -> ()
      %eq3A = arith.constant 0 : i32
      %eq3A_29 = arith.cmpi eq, %arg0, %eq3A : i32
      %convert_element_type3A_30 = arith.extui %eq3A_29 : i1 to i32
      %cond3A_31 = arith.constant 0 : i32
      %cond3A_32 = arith.cmpi ne, %convert_element_type3A_30, %cond3A_31 : i32
      scf.if %cond3A_32 {
        %mul3A_38 = arith.constant 1000 : i32
        %mul3A_39 = arith.muli %arg1, %mul3A_38 : i32
        "tpu.region"() ({
          %run_scoped3A = tpu.sem_alloc : memref<!tpu.dma_semaphore, #tpu.memory_space<semaphore_mem>>
          %dma_start3A = arith.constant 0 : i32
          %dma_start3A_40 = tpu.memref_slice %arg8[%dma_start3A] : memref<1008xf32, #tpu.memory_space<vmem>> -> memref<1000xf32, #tpu.memory_space<vmem>>
          %dma_start3A_41 = tpu.memref_slice %arg3[%mul3A_39] : memref<10000xf32, #tpu.memory_space<hbm>> -> memref<1000xf32, #tpu.memory_space<hbm>>
          %dma_start3A_42 = tpu.memref_slice %arg3[%mul3A_39] : memref<10000xf32, #tpu.memory_space<hbm>> -> memref<1000xf32, #tpu.memory_space<hbm>>
          %dma_start3A_43 = arith.constant 0 : i32
          %dma_start3A_44 = tpu.memref_slice %arg8[%dma_start3A_43] : memref<1008xf32, #tpu.memory_space<vmem>> -> memref<1000xf32, #tpu.memory_space<vmem>>
          tpu.enqueue_dma source(%dma_start3A_44 : memref<1000xf32, #tpu.memory_space<vmem>>) target(%dma_start3A_42 : memref<1000xf32, #tpu.memory_space<hbm>>) target_semaphore(%run_scoped3A : memref<!tpu.dma_semaphore, #tpu.memory_space<semaphore_mem>>)
          %dma_wait3A = arith.constant 0 : i32
          %dma_wait3A_45 = tpu.memref_slice %arg8[%dma_wait3A] : memref<1008xf32, #tpu.memory_space<vmem>> -> memref<1000xf32, #tpu.memory_space<vmem>>
          %dma_wait3A_46 = tpu.memref_slice %arg3[%mul3A_39] : memref<10000xf32, #tpu.memory_space<hbm>> -> memref<1000xf32, #tpu.memory_space<hbm>>
          %dma_wait3A_47 = tpu.memref_slice %arg3[%mul3A_39] : memref<10000xf32, #tpu.memory_space<hbm>> -> memref<1000xf32, #tpu.memory_space<hbm>>
          %dma_wait3A_48 = arith.constant 0 : i32
          %dma_wait3A_49 = tpu.memref_slice %arg8[%dma_wait3A_48] : memref<1008xf32, #tpu.memory_space<vmem>> -> memref<1000xf32, #tpu.memory_space<vmem>>
          tpu.wait_dma2 semaphore(%run_scoped3A : memref<!tpu.dma_semaphore, #tpu.memory_space<semaphore_mem>>) src(%dma_wait3A_49 : memref<1000xf32, #tpu.memory_space<vmem>>) dst(%dma_wait3A_47 : memref<1000xf32, #tpu.memory_space<hbm>>)
          tpu.yield
        }) : () -> ()
      } else {
      }
      %eq3A_33 = arith.constant 1 : i32
      %eq3A_34 = arith.cmpi eq, %arg0, %eq3A_33 : i32
      %convert_element_type3A_35 = arith.extui %eq3A_34 : i1 to i32
      %cond3A_36 = arith.constant 0 : i32
      %cond3A_37 = arith.cmpi ne, %convert_element_type3A_35, %cond3A_36 : i32
      scf.if %cond3A_37 {
        %mul3A_38 = arith.constant 1000 : i32
        %mul3A_39 = arith.muli %arg1, %mul3A_38 : i32
        "tpu.region"() ({
          %run_scoped3A = tpu.sem_alloc : memref<!tpu.dma_semaphore, #tpu.memory_space<semaphore_mem>>
          %dma_start3A = arith.constant 0 : i32
          %dma_start3A_40 = tpu.memref_slice %arg8[%dma_start3A] : memref<1008xf32, #tpu.memory_space<vmem>> -> memref<1000xf32, #tpu.memory_space<vmem>>
          %dma_start3A_41 = tpu.memref_slice %arg4[%mul3A_39] : memref<10000xf32, #tpu.memory_space<hbm>> -> memref<1000xf32, #tpu.memory_space<hbm>>
          %dma_start3A_42 = tpu.memref_slice %arg4[%mul3A_39] : memref<10000xf32, #tpu.memory_space<hbm>> -> memref<1000xf32, #tpu.memory_space<hbm>>
          %dma_start3A_43 = arith.constant 0 : i32
          %dma_start3A_44 = tpu.memref_slice %arg8[%dma_start3A_43] : memref<1008xf32, #tpu.memory_space<vmem>> -> memref<1000xf32, #tpu.memory_space<vmem>>
          tpu.enqueue_dma source(%dma_start3A_44 : memref<1000xf32, #tpu.memory_space<vmem>>) target(%dma_start3A_42 : memref<1000xf32, #tpu.memory_space<hbm>>) target_semaphore(%run_scoped3A : memref<!tpu.dma_semaphore, #tpu.memory_space<semaphore_mem>>)
          %dma_wait3A = arith.constant 0 : i32
          %dma_wait3A_45 = tpu.memref_slice %arg8[%dma_wait3A] : memref<1008xf32, #tpu.memory_space<vmem>> -> memref<1000xf32, #tpu.memory_space<vmem>>
          %dma_wait3A_46 = tpu.memref_slice %arg4[%mul3A_39] : memref<10000xf32, #tpu.memory_space<hbm>> -> memref<1000xf32, #tpu.memory_space<hbm>>
          %dma_wait3A_47 = tpu.memref_slice %arg4[%mul3A_39] : memref<10000xf32, #tpu.memory_space<hbm>> -> memref<1000xf32, #tpu.memory_space<hbm>>
          %dma_wait3A_48 = arith.constant 0 : i32
          %dma_wait3A_49 = tpu.memref_slice %arg8[%dma_wait3A_48] : memref<1008xf32, #tpu.memory_space<vmem>> -> memref<1000xf32, #tpu.memory_space<vmem>>
          tpu.wait_dma2 semaphore(%run_scoped3A : memref<!tpu.dma_semaphore, #tpu.memory_space<semaphore_mem>>) src(%dma_wait3A_49 : memref<1000xf32, #tpu.memory_space<vmem>>) dst(%dma_wait3A_47 : memref<1000xf32, #tpu.memory_space<hbm>>)
          tpu.yield
        }) : () -> ()
      } else {
      }
    } else {
    }
    return
  }
}

#map = affine_map<(d0, d1) -> (0, 0)>
#map1 = affine_map<(d0, d1) -> (0)>
module attributes {stable_mosaic.version = 14 : i64} {
  func.func @_sc_gather_rows_body(%arg0: i32, %arg1: i32, %arg2: memref<10000x256xf32, #tpu.memory_space<hbm>>, %arg3: memref<256xi32, #tpu.memory_space<hbm>>, %arg4: memref<256x256xf32, #tpu.memory_space<hbm>>, %arg5: memref<8xi32, #tpu.memory_space<vmem>>, %arg6: memref<8x256xf32, #tpu.memory_space<vmem>>, %arg7: memref<!tpu.dma_semaphore, #tpu.memory_space<semaphore_mem>>) attributes {dimension_semantics = [#tpu.dimension_semantics<core_parallel>, #tpu.dimension_semantics<subcore_parallel>], iteration_bounds = array<i64: 2, 16>, scalar_prefetch = 0 : i64, scratch_operands = 3 : i64, tpu.core_type = #tpu.core_type<sc_vector_subcore>, window_params = [{transform_indices = #map}, {transform_indices = #map1}, {transform_indices = #map}]} {
    %mul3A = arith.constant 16 : i32
    %mul3A_0 = arith.muli %arg0, %mul3A : i32
    %add3A = arith.addi %mul3A_0, %arg1 : i32
    %mul3A_1 = arith.constant 8 : i32
    %mul3A_2 = arith.muli %add3A, %mul3A_1 : i32
    "tpu.region"() ({
      %run_scoped3A = tpu.sem_alloc : memref<!tpu.dma_semaphore, #tpu.memory_space<semaphore_mem>>
      %dma_start3A_9 = tpu.memref_slice %arg3[%mul3A_2] : memref<256xi32, #tpu.memory_space<hbm>> -> memref<8xi32, #tpu.memory_space<hbm>>
      %dma_start3A_10 = tpu.memref_slice %arg3[%mul3A_2] : memref<256xi32, #tpu.memory_space<hbm>> -> memref<8xi32, #tpu.memory_space<hbm>>
      tpu.enqueue_dma source(%dma_start3A_10 : memref<8xi32, #tpu.memory_space<hbm>>) target(%arg5 : memref<8xi32, #tpu.memory_space<vmem>>) target_semaphore(%run_scoped3A : memref<!tpu.dma_semaphore, #tpu.memory_space<semaphore_mem>>)
      %dma_wait3A_11 = tpu.memref_slice %arg3[%mul3A_2] : memref<256xi32, #tpu.memory_space<hbm>> -> memref<8xi32, #tpu.memory_space<hbm>>
      %dma_wait3A_12 = tpu.memref_slice %arg3[%mul3A_2] : memref<256xi32, #tpu.memory_space<hbm>> -> memref<8xi32, #tpu.memory_space<hbm>>
      tpu.wait_dma2 semaphore(%run_scoped3A : memref<!tpu.dma_semaphore, #tpu.memory_space<semaphore_mem>>) src(%dma_wait3A_12 : memref<8xi32, #tpu.memory_space<hbm>>) dst(%arg5 : memref<8xi32, #tpu.memory_space<vmem>>)
      tpu.yield
    }) : () -> ()
    %dma_start3A = arith.constant 0 : i32
    %dma_start3A_3 = arith.constant 0 : i32
    %dma_start3A_4 = tpu.memref_slice %arg2[%dma_start3A, %dma_start3A_3] : memref<10000x256xf32, #tpu.memory_space<hbm>> -> memref<10000x256xf32, #tpu.memory_space<hbm>>
    tpu.enqueue_indirect_dma source(%dma_start3A_4 : memref<10000x256xf32, #tpu.memory_space<hbm>>) target(%arg6 : memref<8x256xf32, #tpu.memory_space<vmem>>) offsets(%arg5 : memref<8xi32, #tpu.memory_space<vmem>>) semaphore(%arg7 : memref<!tpu.dma_semaphore, #tpu.memory_space<semaphore_mem>>)
    %dma_wait3A = arith.constant 0 : i32
    %dma_wait3A_5 = arith.constant 0 : i32
    %dma_wait3A_6 = tpu.memref_slice %arg2[%dma_wait3A, %dma_wait3A_5] : memref<10000x256xf32, #tpu.memory_space<hbm>> -> memref<10000x256xf32, #tpu.memory_space<hbm>>
    tpu.wait_indirect_dma semaphore(%arg7 : memref<!tpu.dma_semaphore, #tpu.memory_space<semaphore_mem>>) src(%dma_wait3A_6 : memref<10000x256xf32, #tpu.memory_space<hbm>>) dst(%arg6 : memref<8x256xf32, #tpu.memory_space<vmem>>)
    %mul3A_7 = arith.constant 8 : i32
    %mul3A_8 = arith.muli %add3A, %mul3A_7 : i32
    "tpu.region"() ({
      %run_scoped3A = tpu.sem_alloc : memref<!tpu.dma_semaphore, #tpu.memory_space<semaphore_mem>>
      %dma_start3A_9 = arith.constant 0 : i32
      %dma_start3A_10 = tpu.memref_slice %arg4[%mul3A_8, %dma_start3A_9] : memref<256x256xf32, #tpu.memory_space<hbm>> -> memref<8x256xf32, #tpu.memory_space<hbm>>
      %dma_start3A_11 = arith.constant 0 : i32
      %dma_start3A_12 = tpu.memref_slice %arg4[%mul3A_8, %dma_start3A_11] : memref<256x256xf32, #tpu.memory_space<hbm>> -> memref<8x256xf32, #tpu.memory_space<hbm>>
      tpu.enqueue_dma source(%arg6 : memref<8x256xf32, #tpu.memory_space<vmem>>) target(%dma_start3A_12 : memref<8x256xf32, #tpu.memory_space<hbm>>) target_semaphore(%run_scoped3A : memref<!tpu.dma_semaphore, #tpu.memory_space<semaphore_mem>>)
      %dma_wait3A_13 = arith.constant 0 : i32
      %dma_wait3A_14 = tpu.memref_slice %arg4[%mul3A_8, %dma_wait3A_13] : memref<256x256xf32, #tpu.memory_space<hbm>> -> memref<8x256xf32, #tpu.memory_space<hbm>>
      %dma_wait3A_15 = arith.constant 0 : i32
      %dma_wait3A_16 = tpu.memref_slice %arg4[%mul3A_8, %dma_wait3A_15] : memref<256x256xf32, #tpu.memory_space<hbm>> -> memref<8x256xf32, #tpu.memory_space<hbm>>
      tpu.wait_dma2 semaphore(%run_scoped3A : memref<!tpu.dma_semaphore, #tpu.memory_space<semaphore_mem>>) src(%arg6 : memref<8x256xf32, #tpu.memory_space<vmem>>) dst(%dma_wait3A_16 : memref<8x256xf32, #tpu.memory_space<hbm>>)
      tpu.yield
    }) : () -> ()
    return
  }
}

#map = affine_map<(d0, d1) -> (0, 0)>
#map1 = affine_map<(d0, d1) -> (0, 0, 0)>
module attributes {stable_mosaic.version = 14 : i64} {
  func.func @_sc_edge_body(%arg0: i32, %arg1: i32, %arg2: memref<10000x128xf32, #tpu.memory_space<hbm>>, %arg3: memref<10000x128xf32, #tpu.memory_space<hbm>>, %arg4: memref<1250x2x128xi32, #tpu.memory_space<hbm>>, %arg5: memref<10000x128xf32, #tpu.memory_space<hbm>>, %arg6: memref<10000x128xf32, #tpu.memory_space<hbm>>, %arg7: memref<2x128xi32, #tpu.memory_space<vmem>>, %arg8: memref<2x128xi32, #tpu.memory_space<vmem>>, %arg9: memref<2x128xi32, #tpu.memory_space<vmem>>, %arg10: memref<128x128xf32, #tpu.memory_space<vmem>>, %arg11: memref<128x128xf32, #tpu.memory_space<vmem>>, %arg12: memref<128x128xf32, #tpu.memory_space<vmem>>, %arg13: memref<10000x128xf32, #tpu.memory_space<vmem_shared>>, %arg14: memref<!tpu.dma_semaphore, #tpu.memory_space<semaphore_mem>>, %arg15: memref<!tpu.dma_semaphore, #tpu.memory_space<semaphore_mem>>, %arg16: memref<!tpu.dma_semaphore, #tpu.memory_space<semaphore_mem>>, %arg17: memref<!tpu.dma_semaphore, #tpu.memory_space<semaphore_mem>>, %arg18: memref<!tpu.dma_semaphore, #tpu.memory_space<semaphore_mem>>, %arg19: memref<!tpu.dma_semaphore, #tpu.memory_space<semaphore_mem>>) attributes {dimension_semantics = [#tpu.dimension_semantics<core_parallel>, #tpu.dimension_semantics<subcore_parallel>], iteration_bounds = array<i64: 2, 16>, scalar_prefetch = 0 : i64, scratch_operands = 13 : i64, tpu.core_type = #tpu.core_type<sc_vector_subcore>, window_params = [{transform_indices = #map}, {transform_indices = #map}, {transform_indices = #map1}, {transform_indices = #map}, {transform_indices = #map}]} {
    %scan3A = arith.constant 0 : i32
    %scan3A_0 = arith.constant 0 : i32
    %scan3A_1 = arith.constant 1024 : i32
    %scan3A_2 = arith.addi %scan3A_0, %scan3A_1 : i32
    %scan3A_3 = arith.constant 1 : i32
    scf.for %scan3A_22 = %scan3A_0 to %scan3A_2 step %scan3A_3  : i32 {
      %broadcast_in_dim3A = arith.constant 0.000000e+00 : f32
      %broadcast_in_dim3A_23 = vector.broadcast %broadcast_in_dim3A : f32 to vector<16xf32>
      %jit3A = arith.constant 8 : i32
      %div3A = arith.divsi %scan3A_22, %jit3A : i32
      %sign3A = arith.constant 0 : i32
      %sign3A_24 = arith.cmpi sgt, %scan3A_22, %sign3A : i32
      %sign3A_25 = arith.extui %sign3A_24 : i1 to i32
      %sign3A_26 = arith.constant 0 : i32
      %sign3A_27 = arith.cmpi slt, %scan3A_22, %sign3A_26 : i32
      %sign3A_28 = arith.extui %sign3A_27 : i1 to i32
      %sign3A_29 = arith.subi %sign3A_25, %sign3A_28 : i32
      %sign3A_30 = arith.constant 0 : i32
      %sign3A_31 = arith.cmpi sgt, %jit3A, %sign3A_30 : i32
      %sign3A_32 = arith.extui %sign3A_31 : i1 to i32
      %sign3A_33 = arith.constant 0 : i32
      %sign3A_34 = arith.cmpi slt, %jit3A, %sign3A_33 : i32
      %sign3A_35 = arith.extui %sign3A_34 : i1 to i32
      %sign3A_36 = arith.subi %sign3A_32, %sign3A_35 : i32
      %ne3A = arith.cmpi ne, %sign3A_29, %sign3A_36 : i32
      %rem3A = arith.remsi %scan3A_22, %jit3A : i32
      %ne3A_37 = arith.constant 0 : i32
      %ne3A_38 = arith.cmpi ne, %rem3A, %ne3A_37 : i32
      %and3A = arith.andi %ne3A, %ne3A_38 : i1
      %sub3A = arith.constant 1 : i32
      %sub3A_39 = arith.subi %div3A, %sub3A : i32
      %select_n3A = arith.select %and3A, %sub3A_39, %div3A : i32
      %jit3A_40 = arith.constant 8 : i32
      %eq3A_41 = arith.constant 0 : i32
      %eq3A_42 = arith.cmpi eq, %jit3A_40, %eq3A_41 : i32
      %jit3A_43 = arith.constant 1 : i32
      %select_n3A_44 = arith.select %eq3A_42, %jit3A_43, %jit3A_40 : i32
      %rem3A_45 = arith.remsi %scan3A_22, %select_n3A_44 : i32
      %ne3A_46 = arith.constant 0 : i32
      %ne3A_47 = arith.cmpi ne, %rem3A_45, %ne3A_46 : i32
      %lt3A_48 = arith.constant 0 : i32
      %lt3A_49 = arith.cmpi slt, %rem3A_45, %lt3A_48 : i32
      %lt3A_50 = arith.constant 0 : i32
      %lt3A_51 = arith.cmpi slt, %select_n3A_44, %lt3A_50 : i32
      %ne3A_52 = arith.xori %lt3A_49, %lt3A_51 : i1
      %and3A_53 = arith.andi %ne3A_52, %ne3A_47 : i1
      %add3A = arith.addi %rem3A_45, %select_n3A_44 : i32
      %select_n3A_54 = arith.select %and3A_53, %add3A, %rem3A_45 : i32
      %mul3A = arith.constant 16 : i32
      %mul3A_55 = arith.muli %select_n3A_54, %mul3A : i32
      %swap3A = arith.index_cast %select_n3A : i32 to index
      %swap3A_56 = arith.index_cast %mul3A_55 : i32 to index
      %swap3A_57 = tpu.vector_load %arg10[%swap3A, %swap3A_56] {strides = array<i32>} : memref<128x128xf32, #tpu.memory_space<vmem>>, vector<1x16xf32>,
      %swap3A_58 = vector.shape_cast %swap3A_57 : vector<1x16xf32> to vector<16xf32>
      %swap3A_59 = vector.shape_cast %broadcast_in_dim3A_23 : vector<16xf32> to vector<1x16xf32>
      tpu.vector_store %arg10[%swap3A, %swap3A_56], %swap3A_59 {strides = array<i32>} : memref<128x128xf32, #tpu.memory_space<vmem>>, vector<1x16xf32>,
    }
    %scan3A_4 = arith.constant 1024 : i32
    %lt3A = arith.constant 10 : i32
    %lt3A_5 = arith.cmpi slt, %arg1, %lt3A : i32
    %convert_element_type3A = arith.extui %lt3A_5 : i1 to i32
    %cond3A = arith.constant 0 : i32
    %cond3A_6 = arith.cmpi ne, %convert_element_type3A, %cond3A : i32
    scf.if %cond3A_6 {
      %mul3A = arith.constant 1000 : i32
      %mul3A_22 = arith.muli %arg1, %mul3A : i32
      %add3A = arith.constant 0 : i32
      %add3A_23 = arith.addi %mul3A_22, %add3A : i32
      %dma_start3A = arith.constant 0 : i32
      %dma_start3A_24 = arith.constant 0 : i32
      %dma_start3A_25 = tpu.memref_slice %arg10[%dma_start3A, %dma_start3A_24] : memref<128x128xf32, #tpu.memory_space<vmem>> -> memref<128x128xf32, #tpu.memory_space<vmem>>
      %dma_start3A_26 = arith.constant 0 : i32
      %dma_start3A_27 = tpu.memref_slice %arg13[%add3A_23, %dma_start3A_26] : memref<10000x128xf32, #tpu.memory_space<vmem_shared>> -> memref<128x128xf32, #tpu.memory_space<vmem_shared>>
      %dma_start3A_28 = arith.constant 0 : i32
      %dma_start3A_29 = tpu.memref_slice %arg13[%add3A_23, %dma_start3A_28] : memref<10000x128xf32, #tpu.memory_space<vmem_shared>> -> memref<128x128xf32, #tpu.memory_space<vmem_shared>>
      %dma_start3A_30 = arith.constant 0 : i32
      %dma_start3A_31 = arith.constant 0 : i32
      %dma_start3A_32 = tpu.memref_slice %arg10[%dma_start3A_30, %dma_start3A_31] : memref<128x128xf32, #tpu.memory_space<vmem>> -> memref<128x128xf32, #tpu.memory_space<vmem>>
      tpu.enqueue_dma source(%dma_start3A_32 : memref<128x128xf32, #tpu.memory_space<vmem>>) target(%dma_start3A_29 : memref<128x128xf32, #tpu.memory_space<vmem_shared>>) target_semaphore(%arg14 : memref<!tpu.dma_semaphore, #tpu.memory_space<semaphore_mem>>)
      %mul3A_33 = arith.constant 1000 : i32
      %mul3A_34 = arith.muli %arg1, %mul3A_33 : i32
      %add3A_35 = arith.constant 128 : i32
      %add3A_36 = arith.addi %mul3A_34, %add3A_35 : i32
      %dma_start3A_37 = arith.constant 0 : i32
      %dma_start3A_38 = arith.constant 0 : i32
      %dma_start3A_39 = tpu.memref_slice %arg10[%dma_start3A_37, %dma_start3A_38] : memref<128x128xf32, #tpu.memory_space<vmem>> -> memref<128x128xf32, #tpu.memory_space<vmem>>
      %dma_start3A_40 = arith.constant 0 : i32
      %dma_start3A_41 = tpu.memref_slice %arg13[%add3A_36, %dma_start3A_40] : memref<10000x128xf32, #tpu.memory_space<vmem_shared>> -> memref<128x128xf32, #tpu.memory_space<vmem_shared>>
      %dma_start3A_42 = arith.constant 0 : i32
      %dma_start3A_43 = tpu.memref_slice %arg13[%add3A_36, %dma_start3A_42] : memref<10000x128xf32, #tpu.memory_space<vmem_shared>> -> memref<128x128xf32, #tpu.memory_space<vmem_shared>>
      %dma_start3A_44 = arith.constant 0 : i32
      %dma_start3A_45 = arith.constant 0 : i32
      %dma_start3A_46 = tpu.memref_slice %arg10[%dma_start3A_44, %dma_start3A_45] : memref<128x128xf32, #tpu.memory_space<vmem>> -> memref<128x128xf32, #tpu.memory_space<vmem>>
      tpu.enqueue_dma source(%dma_start3A_46 : memref<128x128xf32, #tpu.memory_space<vmem>>) target(%dma_start3A_43 : memref<128x128xf32, #tpu.memory_space<vmem_shared>>) target_semaphore(%arg15 : memref<!tpu.dma_semaphore, #tpu.memory_space<semaphore_mem>>)
      %mul3A_47 = arith.constant 1000 : i32
      %mul3A_48 = arith.muli %arg1, %mul3A_47 : i32
      %add3A_49 = arith.constant 256 : i32
      %add3A_50 = arith.addi %mul3A_48, %add3A_49 : i32
      %dma_start3A_51 = arith.constant 0 : i32
      %dma_start3A_52 = arith.constant 0 : i32
      %dma_start3A_53 = tpu.memref_slice %arg10[%dma_start3A_51, %dma_start3A_52] : memref<128x128xf32, #tpu.memory_space<vmem>> -> memref<128x128xf32, #tpu.memory_space<vmem>>
      %dma_start3A_54 = arith.constant 0 : i32
      %dma_start3A_55 = tpu.memref_slice %arg13[%add3A_50, %dma_start3A_54] : memref<10000x128xf32, #tpu.memory_space<vmem_shared>> -> memref<128x128xf32, #tpu.memory_space<vmem_shared>>
      %dma_start3A_56 = arith.constant 0 : i32
      %dma_start3A_57 = tpu.memref_slice %arg13[%add3A_50, %dma_start3A_56] : memref<10000x128xf32, #tpu.memory_space<vmem_shared>> -> memref<128x128xf32, #tpu.memory_space<vmem_shared>>
      %dma_start3A_58 = arith.constant 0 : i32
      %dma_start3A_59 = arith.constant 0 : i32
      %dma_start3A_60 = tpu.memref_slice %arg10[%dma_start3A_58, %dma_start3A_59] : memref<128x128xf32, #tpu.memory_space<vmem>> -> memref<128x128xf32, #tpu.memory_space<vmem>>
      tpu.enqueue_dma source(%dma_start3A_60 : memref<128x128xf32, #tpu.memory_space<vmem>>) target(%dma_start3A_57 : memref<128x128xf32, #tpu.memory_space<vmem_shared>>) target_semaphore(%arg16 : memref<!tpu.dma_semaphore, #tpu.memory_space<semaphore_mem>>)
      %mul3A_61 = arith.constant 1000 : i32
      %mul3A_62 = arith.muli %arg1, %mul3A_61 : i32
      %add3A_63 = arith.constant 384 : i32
      %add3A_64 = arith.addi %mul3A_62, %add3A_63 : i32
      %dma_start3A_65 = arith.constant 0 : i32
      %dma_start3A_66 = arith.constant 0 : i32
      %dma_start3A_67 = tpu.memref_slice %arg10[%dma_start3A_65, %dma_start3A_66] : memref<128x128xf32, #tpu.memory_space<vmem>> -> memref<128x128xf32, #tpu.memory_space<vmem>>
      %dma_start3A_68 = arith.constant 0 : i32
      %dma_start3A_69 = tpu.memref_slice %arg13[%add3A_64, %dma_start3A_68] : memref<10000x128xf32, #tpu.memory_space<vmem_shared>> -> memref<128x128xf32, #tpu.memory_space<vmem_shared>>
      %dma_start3A_70 = arith.constant 0 : i32
      %dma_start3A_71 = tpu.memref_slice %arg13[%add3A_64, %dma_start3A_70] : memref<10000x128xf32, #tpu.memory_space<vmem_shared>> -> memref<128x128xf32, #tpu.memory_space<vmem_shared>>
      %dma_start3A_72 = arith.constant 0 : i32
      %dma_start3A_73 = arith.constant 0 : i32
      %dma_start3A_74 = tpu.memref_slice %arg10[%dma_start3A_72, %dma_start3A_73] : memref<128x128xf32, #tpu.memory_space<vmem>> -> memref<128x128xf32, #tpu.memory_space<vmem>>
      tpu.enqueue_dma source(%dma_start3A_74 : memref<128x128xf32, #tpu.memory_space<vmem>>) target(%dma_start3A_71 : memref<128x128xf32, #tpu.memory_space<vmem_shared>>) target_semaphore(%arg17 : memref<!tpu.dma_semaphore, #tpu.memory_space<semaphore_mem>>)
      %mul3A_75 = arith.constant 1000 : i32
      %mul3A_76 = arith.muli %arg1, %mul3A_75 : i32
      %add3A_77 = arith.constant 512 : i32
      %add3A_78 = arith.addi %mul3A_76, %add3A_77 : i32
      %dma_start3A_79 = arith.constant 0 : i32
      %dma_start3A_80 = arith.constant 0 : i32
      %dma_start3A_81 = tpu.memref_slice %arg10[%dma_start3A_79, %dma_start3A_80] : memref<128x128xf32, #tpu.memory_space<vmem>> -> memref<128x128xf32, #tpu.memory_space<vmem>>
      %dma_start3A_82 = arith.constant 0 : i32
      %dma_start3A_83 = tpu.memref_slice %arg13[%add3A_78, %dma_start3A_82] : memref<10000x128xf32, #tpu.memory_space<vmem_shared>> -> memref<128x128xf32, #tpu.memory_space<vmem_shared>>
      %dma_start3A_84 = arith.constant 0 : i32
      %dma_start3A_85 = tpu.memref_slice %arg13[%add3A_78, %dma_start3A_84] : memref<10000x128xf32, #tpu.memory_space<vmem_shared>> -> memref<128x128xf32, #tpu.memory_space<vmem_shared>>
      %dma_start3A_86 = arith.constant 0 : i32
      %dma_start3A_87 = arith.constant 0 : i32
      %dma_start3A_88 = tpu.memref_slice %arg10[%dma_start3A_86, %dma_start3A_87] : memref<128x128xf32, #tpu.memory_space<vmem>> -> memref<128x128xf32, #tpu.memory_space<vmem>>
      tpu.enqueue_dma source(%dma_start3A_88 : memref<128x128xf32, #tpu.memory_space<vmem>>) target(%dma_start3A_85 : memref<128x128xf32, #tpu.memory_space<vmem_shared>>) target_semaphore(%arg18 : memref<!tpu.dma_semaphore, #tpu.memory_space<semaphore_mem>>)
      %mul3A_89 = arith.constant 1000 : i32
      %mul3A_90 = arith.muli %arg1, %mul3A_89 : i32
      %add3A_91 = arith.constant 640 : i32
      %add3A_92 = arith.addi %mul3A_90, %add3A_91 : i32
      %dma_start3A_93 = arith.constant 0 : i32
      %dma_start3A_94 = arith.constant 0 : i32
      %dma_start3A_95 = tpu.memref_slice %arg10[%dma_start3A_93, %dma_start3A_94] : memref<128x128xf32, #tpu.memory_space<vmem>> -> memref<128x128xf32, #tpu.memory_space<vmem>>
      %dma_start3A_96 = arith.constant 0 : i32
      %dma_start3A_97 = tpu.memref_slice %arg13[%add3A_92, %dma_start3A_96] : memref<10000x128xf32, #tpu.memory_space<vmem_shared>> -> memref<128x128xf32, #tpu.memory_space<vmem_shared>>
      %dma_start3A_98 = arith.constant 0 : i32
      %dma_start3A_99 = tpu.memref_slice %arg13[%add3A_92, %dma_start3A_98] : memref<10000x128xf32, #tpu.memory_space<vmem_shared>> -> memref<128x128xf32, #tpu.memory_space<vmem_shared>>
      %dma_start3A_100 = arith.constant 0 : i32
      %dma_start3A_101 = arith.constant 0 : i32
      %dma_start3A_102 = tpu.memref_slice %arg10[%dma_start3A_100, %dma_start3A_101] : memref<128x128xf32, #tpu.memory_space<vmem>> -> memref<128x128xf32, #tpu.memory_space<vmem>>
      tpu.enqueue_dma source(%dma_start3A_102 : memref<128x128xf32, #tpu.memory_space<vmem>>) target(%dma_start3A_99 : memref<128x128xf32, #tpu.memory_space<vmem_shared>>) target_semaphore(%arg19 : memref<!tpu.dma_semaphore, #tpu.memory_space<semaphore_mem>>)
      %mul3A_103 = arith.constant 1000 : i32
      %mul3A_104 = arith.muli %arg1, %mul3A_103 : i32
      %add3A_105 = arith.constant 768 : i32
      %add3A_106 = arith.addi %mul3A_104, %add3A_105 : i32
      %dma_start3A_107 = arith.constant 0 : i32
      %dma_start3A_108 = arith.constant 0 : i32
      %dma_start3A_109 = tpu.memref_slice %arg10[%dma_start3A_107, %dma_start3A_108] : memref<128x128xf32, #tpu.memory_space<vmem>> -> memref<128x128xf32, #tpu.memory_space<vmem>>
      %dma_start3A_110 = arith.constant 0 : i32
      %dma_start3A_111 = tpu.memref_slice %arg13[%add3A_106, %dma_start3A_110] : memref<10000x128xf32, #tpu.memory_space<vmem_shared>> -> memref<128x128xf32, #tpu.memory_space<vmem_shared>>
      %dma_start3A_112 = arith.constant 0 : i32
      %dma_start3A_113 = tpu.memref_slice %arg13[%add3A_106, %dma_start3A_112] : memref<10000x128xf32, #tpu.memory_space<vmem_shared>> -> memref<128x128xf32, #tpu.memory_space<vmem_shared>>
      %dma_start3A_114 = arith.constant 0 : i32
      %dma_start3A_115 = arith.constant 0 : i32
      %dma_start3A_116 = tpu.memref_slice %arg10[%dma_start3A_114, %dma_start3A_115] : memref<128x128xf32, #tpu.memory_space<vmem>> -> memref<128x128xf32, #tpu.memory_space<vmem>>
      tpu.enqueue_dma source(%dma_start3A_116 : memref<128x128xf32, #tpu.memory_space<vmem>>) target(%dma_start3A_113 : memref<128x128xf32, #tpu.memory_space<vmem_shared>>) target_semaphore(%arg14 : memref<!tpu.dma_semaphore, #tpu.memory_space<semaphore_mem>>)
      %mul3A_117 = arith.constant 1000 : i32
      %mul3A_118 = arith.muli %arg1, %mul3A_117 : i32
      %add3A_119 = arith.constant 896 : i32
      %add3A_120 = arith.addi %mul3A_118, %add3A_119 : i32
      %dma_start3A_121 = arith.constant 0 : i32
      %dma_start3A_122 = arith.constant 0 : i32
      %dma_start3A_123 = tpu.memref_slice %arg10[%dma_start3A_121, %dma_start3A_122] : memref<128x128xf32, #tpu.memory_space<vmem>> -> memref<104x128xf32, #tpu.memory_space<vmem>>
      %dma_start3A_124 = arith.constant 0 : i32
      %dma_start3A_125 = tpu.memref_slice %arg13[%add3A_120, %dma_start3A_124] : memref<10000x128xf32, #tpu.memory_space<vmem_shared>> -> memref<104x128xf32, #tpu.memory_space<vmem_shared>>
      %dma_start3A_126 = arith.constant 0 : i32
      %dma_start3A_127 = tpu.memref_slice %arg13[%add3A_120, %dma_start3A_126] : memref<10000x128xf32, #tpu.memory_space<vmem_shared>> -> memref<104x128xf32, #tpu.memory_space<vmem_shared>>
      %dma_start3A_128 = arith.constant 0 : i32
      %dma_start3A_129 = arith.constant 0 : i32
      %dma_start3A_130 = tpu.memref_slice %arg10[%dma_start3A_128, %dma_start3A_129] : memref<128x128xf32, #tpu.memory_space<vmem>> -> memref<104x128xf32, #tpu.memory_space<vmem>>
      tpu.enqueue_dma source(%dma_start3A_130 : memref<104x128xf32, #tpu.memory_space<vmem>>) target(%dma_start3A_127 : memref<104x128xf32, #tpu.memory_space<vmem_shared>>) target_semaphore(%arg15 : memref<!tpu.dma_semaphore, #tpu.memory_space<semaphore_mem>>)
      %dma_wait3A = arith.constant 0 : i32
      %dma_wait3A_131 = arith.constant 0 : i32
      %dma_wait3A_132 = tpu.memref_slice %arg10[%dma_wait3A, %dma_wait3A_131] : memref<128x128xf32, #tpu.memory_space<vmem>> -> memref<128x128xf32, #tpu.memory_space<vmem>>
      %dma_wait3A_133 = arith.constant 0 : i32
      %dma_wait3A_134 = tpu.memref_slice %arg13[%add3A_23, %dma_wait3A_133] : memref<10000x128xf32, #tpu.memory_space<vmem_shared>> -> memref<128x128xf32, #tpu.memory_space<vmem_shared>>
      %dma_wait3A_135 = arith.constant 0 : i32
      %dma_wait3A_136 = tpu.memref_slice %arg13[%add3A_23, %dma_wait3A_135] : memref<10000x128xf32, #tpu.memory_space<vmem_shared>> -> memref<128x128xf32, #tpu.memory_space<vmem_shared>>
      %dma_wait3A_137 = arith.constant 0 : i32
      %dma_wait3A_138 = arith.constant 0 : i32
      %dma_wait3A_139 = tpu.memref_slice %arg10[%dma_wait3A_137, %dma_wait3A_138] : memref<128x128xf32, #tpu.memory_space<vmem>> -> memref<128x128xf32, #tpu.memory_space<vmem>>
      tpu.wait_dma2 semaphore(%arg14 : memref<!tpu.dma_semaphore, #tpu.memory_space<semaphore_mem>>) src(%dma_wait3A_139 : memref<128x128xf32, #tpu.memory_space<vmem>>) dst(%dma_wait3A_136 : memref<128x128xf32, #tpu.memory_space<vmem_shared>>)
      %dma_wait3A_140 = arith.constant 0 : i32
      %dma_wait3A_141 = arith.constant 0 : i32
      %dma_wait3A_142 = tpu.memref_slice %arg10[%dma_wait3A_140, %dma_wait3A_141] : memref<128x128xf32, #tpu.memory_space<vmem>> -> memref<128x128xf32, #tpu.memory_space<vmem>>
      %dma_wait3A_143 = arith.constant 0 : i32
      %dma_wait3A_144 = tpu.memref_slice %arg13[%add3A_36, %dma_wait3A_143] : memref<10000x128xf32, #tpu.memory_space<vmem_shared>> -> memref<128x128xf32, #tpu.memory_space<vmem_shared>>
      %dma_wait3A_145 = arith.constant 0 : i32
      %dma_wait3A_146 = tpu.memref_slice %arg13[%add3A_36, %dma_wait3A_145] : memref<10000x128xf32, #tpu.memory_space<vmem_shared>> -> memref<128x128xf32, #tpu.memory_space<vmem_shared>>
      %dma_wait3A_147 = arith.constant 0 : i32
      %dma_wait3A_148 = arith.constant 0 : i32
      %dma_wait3A_149 = tpu.memref_slice %arg10[%dma_wait3A_147, %dma_wait3A_148] : memref<128x128xf32, #tpu.memory_space<vmem>> -> memref<128x128xf32, #tpu.memory_space<vmem>>
      tpu.wait_dma2 semaphore(%arg15 : memref<!tpu.dma_semaphore, #tpu.memory_space<semaphore_mem>>) src(%dma_wait3A_149 : memref<128x128xf32, #tpu.memory_space<vmem>>) dst(%dma_wait3A_146 : memref<128x128xf32, #tpu.memory_space<vmem_shared>>)
      %dma_wait3A_150 = arith.constant 0 : i32
      %dma_wait3A_151 = arith.constant 0 : i32
      %dma_wait3A_152 = tpu.memref_slice %arg10[%dma_wait3A_150, %dma_wait3A_151] : memref<128x128xf32, #tpu.memory_space<vmem>> -> memref<128x128xf32, #tpu.memory_space<vmem>>
      %dma_wait3A_153 = arith.constant 0 : i32
      %dma_wait3A_154 = tpu.memref_slice %arg13[%add3A_50, %dma_wait3A_153] : memref<10000x128xf32, #tpu.memory_space<vmem_shared>> -> memref<128x128xf32, #tpu.memory_space<vmem_shared>>
      %dma_wait3A_155 = arith.constant 0 : i32
      %dma_wait3A_156 = tpu.memref_slice %arg13[%add3A_50, %dma_wait3A_155] : memref<10000x128xf32, #tpu.memory_space<vmem_shared>> -> memref<128x128xf32, #tpu.memory_space<vmem_shared>>
      %dma_wait3A_157 = arith.constant 0 : i32
      %dma_wait3A_158 = arith.constant 0 : i32
      %dma_wait3A_159 = tpu.memref_slice %arg10[%dma_wait3A_157, %dma_wait3A_158] : memref<128x128xf32, #tpu.memory_space<vmem>> -> memref<128x128xf32, #tpu.memory_space<vmem>>
      tpu.wait_dma2 semaphore(%arg16 : memref<!tpu.dma_semaphore, #tpu.memory_space<semaphore_mem>>) src(%dma_wait3A_159 : memref<128x128xf32, #tpu.memory_space<vmem>>) dst(%dma_wait3A_156 : memref<128x128xf32, #tpu.memory_space<vmem_shared>>)
      %dma_wait3A_160 = arith.constant 0 : i32
      %dma_wait3A_161 = arith.constant 0 : i32
      %dma_wait3A_162 = tpu.memref_slice %arg10[%dma_wait3A_160, %dma_wait3A_161] : memref<128x128xf32, #tpu.memory_space<vmem>> -> memref<128x128xf32, #tpu.memory_space<vmem>>
      %dma_wait3A_163 = arith.constant 0 : i32
      %dma_wait3A_164 = tpu.memref_slice %arg13[%add3A_64, %dma_wait3A_163] : memref<10000x128xf32, #tpu.memory_space<vmem_shared>> -> memref<128x128xf32, #tpu.memory_space<vmem_shared>>
      %dma_wait3A_165 = arith.constant 0 : i32
      %dma_wait3A_166 = tpu.memref_slice %arg13[%add3A_64, %dma_wait3A_165] : memref<10000x128xf32, #tpu.memory_space<vmem_shared>> -> memref<128x128xf32, #tpu.memory_space<vmem_shared>>
      %dma_wait3A_167 = arith.constant 0 : i32
      %dma_wait3A_168 = arith.constant 0 : i32
      %dma_wait3A_169 = tpu.memref_slice %arg10[%dma_wait3A_167, %dma_wait3A_168] : memref<128x128xf32, #tpu.memory_space<vmem>> -> memref<128x128xf32, #tpu.memory_space<vmem>>
      tpu.wait_dma2 semaphore(%arg17 : memref<!tpu.dma_semaphore, #tpu.memory_space<semaphore_mem>>) src(%dma_wait3A_169 : memref<128x128xf32, #tpu.memory_space<vmem>>) dst(%dma_wait3A_166 : memref<128x128xf32, #tpu.memory_space<vmem_shared>>)
      %dma_wait3A_170 = arith.constant 0 : i32
      %dma_wait3A_171 = arith.constant 0 : i32
      %dma_wait3A_172 = tpu.memref_slice %arg10[%dma_wait3A_170, %dma_wait3A_171] : memref<128x128xf32, #tpu.memory_space<vmem>> -> memref<128x128xf32, #tpu.memory_space<vmem>>
      %dma_wait3A_173 = arith.constant 0 : i32
      %dma_wait3A_174 = tpu.memref_slice %arg13[%add3A_78, %dma_wait3A_173] : memref<10000x128xf32, #tpu.memory_space<vmem_shared>> -> memref<128x128xf32, #tpu.memory_space<vmem_shared>>
      %dma_wait3A_175 = arith.constant 0 : i32
      %dma_wait3A_176 = tpu.memref_slice %arg13[%add3A_78, %dma_wait3A_175] : memref<10000x128xf32, #tpu.memory_space<vmem_shared>> -> memref<128x128xf32, #tpu.memory_space<vmem_shared>>
      %dma_wait3A_177 = arith.constant 0 : i32
      %dma_wait3A_178 = arith.constant 0 : i32
      %dma_wait3A_179 = tpu.memref_slice %arg10[%dma_wait3A_177, %dma_wait3A_178] : memref<128x128xf32, #tpu.memory_space<vmem>> -> memref<128x128xf32, #tpu.memory_space<vmem>>
      tpu.wait_dma2 semaphore(%arg18 : memref<!tpu.dma_semaphore, #tpu.memory_space<semaphore_mem>>) src(%dma_wait3A_179 : memref<128x128xf32, #tpu.memory_space<vmem>>) dst(%dma_wait3A_176 : memref<128x128xf32, #tpu.memory_space<vmem_shared>>)
      %dma_wait3A_180 = arith.constant 0 : i32
      %dma_wait3A_181 = arith.constant 0 : i32
      %dma_wait3A_182 = tpu.memref_slice %arg10[%dma_wait3A_180, %dma_wait3A_181] : memref<128x128xf32, #tpu.memory_space<vmem>> -> memref<128x128xf32, #tpu.memory_space<vmem>>
      %dma_wait3A_183 = arith.constant 0 : i32
      %dma_wait3A_184 = tpu.memref_slice %arg13[%add3A_92, %dma_wait3A_183] : memref<10000x128xf32, #tpu.memory_space<vmem_shared>> -> memref<128x128xf32, #tpu.memory_space<vmem_shared>>
      %dma_wait3A_185 = arith.constant 0 : i32
      %dma_wait3A_186 = tpu.memref_slice %arg13[%add3A_92, %dma_wait3A_185] : memref<10000x128xf32, #tpu.memory_space<vmem_shared>> -> memref<128x128xf32, #tpu.memory_space<vmem_shared>>
      %dma_wait3A_187 = arith.constant 0 : i32
      %dma_wait3A_188 = arith.constant 0 : i32
      %dma_wait3A_189 = tpu.memref_slice %arg10[%dma_wait3A_187, %dma_wait3A_188] : memref<128x128xf32, #tpu.memory_space<vmem>> -> memref<128x128xf32, #tpu.memory_space<vmem>>
      tpu.wait_dma2 semaphore(%arg19 : memref<!tpu.dma_semaphore, #tpu.memory_space<semaphore_mem>>) src(%dma_wait3A_189 : memref<128x128xf32, #tpu.memory_space<vmem>>) dst(%dma_wait3A_186 : memref<128x128xf32, #tpu.memory_space<vmem_shared>>)
      %dma_wait3A_190 = arith.constant 0 : i32
      %dma_wait3A_191 = arith.constant 0 : i32
      %dma_wait3A_192 = tpu.memref_slice %arg10[%dma_wait3A_190, %dma_wait3A_191] : memref<128x128xf32, #tpu.memory_space<vmem>> -> memref<128x128xf32, #tpu.memory_space<vmem>>
      %dma_wait3A_193 = arith.constant 0 : i32
      %dma_wait3A_194 = tpu.memref_slice %arg13[%add3A_106, %dma_wait3A_193] : memref<10000x128xf32, #tpu.memory_space<vmem_shared>> -> memref<128x128xf32, #tpu.memory_space<vmem_shared>>
      %dma_wait3A_195 = arith.constant 0 : i32
      %dma_wait3A_196 = tpu.memref_slice %arg13[%add3A_106, %dma_wait3A_195] : memref<10000x128xf32, #tpu.memory_space<vmem_shared>> -> memref<128x128xf32, #tpu.memory_space<vmem_shared>>
      %dma_wait3A_197 = arith.constant 0 : i32
      %dma_wait3A_198 = arith.constant 0 : i32
      %dma_wait3A_199 = tpu.memref_slice %arg10[%dma_wait3A_197, %dma_wait3A_198] : memref<128x128xf32, #tpu.memory_space<vmem>> -> memref<128x128xf32, #tpu.memory_space<vmem>>
      tpu.wait_dma2 semaphore(%arg14 : memref<!tpu.dma_semaphore, #tpu.memory_space<semaphore_mem>>) src(%dma_wait3A_199 : memref<128x128xf32, #tpu.memory_space<vmem>>) dst(%dma_wait3A_196 : memref<128x128xf32, #tpu.memory_space<vmem_shared>>)
      %dma_wait3A_200 = arith.constant 0 : i32
      %dma_wait3A_201 = arith.constant 0 : i32
      %dma_wait3A_202 = tpu.memref_slice %arg10[%dma_wait3A_200, %dma_wait3A_201] : memref<128x128xf32, #tpu.memory_space<vmem>> -> memref<104x128xf32, #tpu.memory_space<vmem>>
      %dma_wait3A_203 = arith.constant 0 : i32
      %dma_wait3A_204 = tpu.memref_slice %arg13[%add3A_120, %dma_wait3A_203] : memref<10000x128xf32, #tpu.memory_space<vmem_shared>> -> memref<104x128xf32, #tpu.memory_space<vmem_shared>>
      %dma_wait3A_205 = arith.constant 0 : i32
      %dma_wait3A_206 = tpu.memref_slice %arg13[%add3A_120, %dma_wait3A_205] : memref<10000x128xf32, #tpu.memory_space<vmem_shared>> -> memref<104x128xf32, #tpu.memory_space<vmem_shared>>
      %dma_wait3A_207 = arith.constant 0 : i32
      %dma_wait3A_208 = arith.constant 0 : i32
      %dma_wait3A_209 = tpu.memref_slice %arg10[%dma_wait3A_207, %dma_wait3A_208] : memref<128x128xf32, #tpu.memory_space<vmem>> -> memref<104x128xf32, #tpu.memory_space<vmem>>
      tpu.wait_dma2 semaphore(%arg15 : memref<!tpu.dma_semaphore, #tpu.memory_space<semaphore_mem>>) src(%dma_wait3A_209 : memref<104x128xf32, #tpu.memory_space<vmem>>) dst(%dma_wait3A_206 : memref<104x128xf32, #tpu.memory_space<vmem_shared>>)
    } else {
    }
    %barrier3A = arith.constant 0 : index
    tpu.barrier barrier_id(%barrier3A)
    %eq3A = arith.constant 0 : i32
    %eq3A_7 = arith.cmpi eq, %arg0, %eq3A : i32
    %convert_element_type3A_8 = arith.extui %eq3A_7 : i1 to i32
    %cond3A_9 = arith.constant 0 : i32
    %cond3A_10 = arith.cmpi ne, %convert_element_type3A_8, %cond3A_9 : i32
    scf.if %cond3A_10 {
      %sub3A = arith.constant 1250 : i32
      %sub3A_22 = arith.subi %sub3A, %arg1 : i32
      %add3A = arith.constant 16 : i32
      %add3A_23 = arith.addi %sub3A_22, %add3A : i32
      %sub3A_24 = arith.constant 1 : i32
      %sub3A_25 = arith.subi %add3A_23, %sub3A_24 : i32
      %jit3A = arith.constant 16 : i32
      %div3A = arith.divsi %sub3A_25, %jit3A : i32
      %sign3A = arith.constant 0 : i32
      %sign3A_26 = arith.cmpi sgt, %sub3A_25, %sign3A : i32
      %sign3A_27 = arith.extui %sign3A_26 : i1 to i32
      %sign3A_28 = arith.constant 0 : i32
      %sign3A_29 = arith.cmpi slt, %sub3A_25, %sign3A_28 : i32
      %sign3A_30 = arith.extui %sign3A_29 : i1 to i32
      %sign3A_31 = arith.subi %sign3A_27, %sign3A_30 : i32
      %sign3A_32 = arith.constant 0 : i32
      %sign3A_33 = arith.cmpi sgt, %jit3A, %sign3A_32 : i32
      %sign3A_34 = arith.extui %sign3A_33 : i1 to i32
      %sign3A_35 = arith.constant 0 : i32
      %sign3A_36 = arith.cmpi slt, %jit3A, %sign3A_35 : i32
      %sign3A_37 = arith.extui %sign3A_36 : i1 to i32
      %sign3A_38 = arith.subi %sign3A_34, %sign3A_37 : i32
      %ne3A = arith.cmpi ne, %sign3A_31, %sign3A_38 : i32
      %rem3A = arith.remsi %sub3A_25, %jit3A : i32
      %ne3A_39 = arith.constant 0 : i32
      %ne3A_40 = arith.cmpi ne, %rem3A, %ne3A_39 : i32
      %and3A = arith.andi %ne3A, %ne3A_40 : i1
      %sub3A_41 = arith.constant 1 : i32
      %sub3A_42 = arith.subi %div3A, %sub3A_41 : i32
      %select_n3A = arith.select %and3A, %sub3A_42, %div3A : i32
      %jit3A_43 = arith.constant 3 : i32
      %div3A_44 = arith.divsi %select_n3A, %jit3A_43 : i32
      %sign3A_45 = arith.constant 0 : i32
      %sign3A_46 = arith.cmpi sgt, %select_n3A, %sign3A_45 : i32
      %sign3A_47 = arith.extui %sign3A_46 : i1 to i32
      %sign3A_48 = arith.constant 0 : i32
      %sign3A_49 = arith.cmpi slt, %select_n3A, %sign3A_48 : i32
      %sign3A_50 = arith.extui %sign3A_49 : i1 to i32
      %sign3A_51 = arith.subi %sign3A_47, %sign3A_50 : i32
      %sign3A_52 = arith.constant 0 : i32
      %sign3A_53 = arith.cmpi sgt, %jit3A_43, %sign3A_52 : i32
      %sign3A_54 = arith.extui %sign3A_53 : i1 to i32
      %sign3A_55 = arith.constant 0 : i32
      %sign3A_56 = arith.cmpi slt, %jit3A_43, %sign3A_55 : i32
      %sign3A_57 = arith.extui %sign3A_56 : i1 to i32
      %sign3A_58 = arith.subi %sign3A_54, %sign3A_57 : i32
      %ne3A_59 = arith.cmpi ne, %sign3A_51, %sign3A_58 : i32
      %rem3A_60 = arith.remsi %select_n3A, %jit3A_43 : i32
      %ne3A_61 = arith.constant 0 : i32
      %ne3A_62 = arith.cmpi ne, %rem3A_60, %ne3A_61 : i32
      %and3A_63 = arith.andi %ne3A_59, %ne3A_62 : i1
      %sub3A_64 = arith.constant 1 : i32
      %sub3A_65 = arith.subi %div3A_44, %sub3A_64 : i32
      %select_n3A_66 = arith.select %and3A_63, %sub3A_65, %div3A_44 : i32
      %while3A = arith.constant 0 : i32
      %while3A_67 = arith.constant 0 : i32
      %while3A_68 = arith.subi %select_n3A_66, %while3A_67 : i32
      %while3A_69 = arith.addi %while3A_67, %while3A_68 : i32
      %while3A_70 = arith.constant 1 : i32
      %while3A_71 = arith.divsi %while3A_68, %while3A_70 : i32
      %while3A_72 = arith.muli %while3A_71, %while3A_70 : i32
      %while3A_73 = arith.addi %while3A_67, %while3A_72 : i32
      %while3A_74 = arith.constant 1 : i32
      scf.for %while3A_90 = %while3A_67 to %while3A_73 step %while3A_74  : i32 {
        %mul3A_91 = arith.constant 3 : i32
        %mul3A_92 = arith.muli %mul3A_91, %while3A_90 : i32
        %mul3A_93 = arith.constant 16 : i32
        %mul3A_94 = arith.muli %mul3A_92, %mul3A_93 : i32
        %add3A_95 = arith.addi %mul3A_94, %arg1 : i32
        %gt3A_96 = arith.constant 0 : i32
        %gt3A_97 = arith.cmpi sgt, %while3A_90, %gt3A_96 : i32
        %convert_element_type3A_98 = arith.extui %gt3A_97 : i1 to i32
        %cond3A_99 = arith.constant 0 : i32
        %cond3A_100 = arith.cmpi ne, %convert_element_type3A_98, %cond3A_99 : i32
        scf.if %cond3A_100 {
          %dma_wait3A_178 = arith.constant 1 : i32
          %dma_wait3A_179 = arith.constant 0 : i32
          %dma_wait3A_180 = tpu.memref_slice %arg7[%dma_wait3A_178, %dma_wait3A_179] : memref<2x128xi32, #tpu.memory_space<vmem>> -> memref<1x128xi32, #tpu.memory_space<vmem>>
          %dma_wait3A_181 = tpu.memref_squeeze %dma_wait3A_180 : memref<1x128xi32, #tpu.memory_space<vmem>> -> memref<128xi32, #tpu.memory_space<vmem>>
          %dma_wait3A_182 = arith.constant 0 : i32
          %dma_wait3A_183 = arith.constant 0 : i32
          %dma_wait3A_184 = tpu.memref_slice %arg13[%dma_wait3A_182, %dma_wait3A_183] : memref<10000x128xf32, #tpu.memory_space<vmem_shared>> -> memref<10000x128xf32, #tpu.memory_space<vmem_shared>>
          tpu.wait_indirect_dma semaphore(%arg17 : memref<!tpu.dma_semaphore, #tpu.memory_space<semaphore_mem>>) src(%arg10 : memref<128x128xf32, #tpu.memory_space<vmem>>) dst(%dma_wait3A_184 : memref<10000x128xf32, #tpu.memory_space<vmem_shared>>)
        } else {
        }
        %add3A_101 = arith.constant 0 : i32
        %add3A_102 = arith.addi %add3A_95, %add3A_101 : i32
        "tpu.region"() ({
          %run_scoped3A = tpu.sem_alloc : memref<!tpu.dma_semaphore, #tpu.memory_space<semaphore_mem>>
          %dma_start3A_178 = arith.constant 0 : i32
          %dma_start3A_179 = arith.constant 0 : i32
          %dma_start3A_180 = tpu.memref_slice %arg4[%add3A_102, %dma_start3A_178, %dma_start3A_179] : memref<1250x2x128xi32, #tpu.memory_space<hbm>> -> memref<1x2x128xi32, #tpu.memory_space<hbm>>
          %dma_start3A_181 = tpu.memref_squeeze %dma_start3A_180 : memref<1x2x128xi32, #tpu.memory_space<hbm>> -> memref<2x128xi32, #tpu.memory_space<hbm>>
          %dma_start3A_182 = arith.constant 0 : i32
          %dma_start3A_183 = arith.constant 0 : i32
          %dma_start3A_184 = tpu.memref_slice %arg4[%add3A_102, %dma_start3A_182, %dma_start3A_183] : memref<1250x2x128xi32, #tpu.memory_space<hbm>> -> memref<1x2x128xi32, #tpu.memory_space<hbm>>
          %dma_start3A_185 = tpu.memref_squeeze %dma_start3A_184 : memref<1x2x128xi32, #tpu.memory_space<hbm>> -> memref<2x128xi32, #tpu.memory_space<hbm>>
          tpu.enqueue_dma source(%dma_start3A_185 : memref<2x128xi32, #tpu.memory_space<hbm>>) target(%arg7 : memref<2x128xi32, #tpu.memory_space<vmem>>) target_semaphore(%run_scoped3A : memref<!tpu.dma_semaphore, #tpu.memory_space<semaphore_mem>>)
          %dma_wait3A_186 = arith.constant 0 : i32
          %dma_wait3A_187 = arith.constant 0 : i32
          %dma_wait3A_188 = tpu.memref_slice %arg4[%add3A_102, %dma_wait3A_186, %dma_wait3A_187] : memref<1250x2x128xi32, #tpu.memory_space<hbm>> -> memref<1x2x128xi32, #tpu.memory_space<hbm>>
          %dma_wait3A_189 = tpu.memref_squeeze %dma_wait3A_188 : memref<1x2x128xi32, #tpu.memory_space<hbm>> -> memref<2x128xi32, #tpu.memory_space<hbm>>
          %dma_wait3A_190 = arith.constant 0 : i32
          %dma_wait3A_191 = arith.constant 0 : i32
          %dma_wait3A_192 = tpu.memref_slice %arg4[%add3A_102, %dma_wait3A_190, %dma_wait3A_191] : memref<1250x2x128xi32, #tpu.memory_space<hbm>> -> memref<1x2x128xi32, #tpu.memory_space<hbm>>
          %dma_wait3A_193 = tpu.memref_squeeze %dma_wait3A_192 : memref<1x2x128xi32, #tpu.memory_space<hbm>> -> memref<2x128xi32, #tpu.memory_space<hbm>>
          tpu.wait_dma2 semaphore(%run_scoped3A : memref<!tpu.dma_semaphore, #tpu.memory_space<semaphore_mem>>) src(%dma_wait3A_193 : memref<2x128xi32, #tpu.memory_space<hbm>>) dst(%arg7 : memref<2x128xi32, #tpu.memory_space<vmem>>)
          tpu.yield
        }) : () -> ()
        %dma_start3A = arith.constant 0 : i32
        %dma_start3A_103 = arith.constant 0 : i32
        %dma_start3A_104 = tpu.memref_slice %arg7[%dma_start3A, %dma_start3A_103] : memref<2x128xi32, #tpu.memory_space<vmem>> -> memref<1x128xi32, #tpu.memory_space<vmem>>
        %dma_start3A_105 = tpu.memref_squeeze %dma_start3A_104 : memref<1x128xi32, #tpu.memory_space<vmem>> -> memref<128xi32, #tpu.memory_space<vmem>>
        %dma_start3A_106 = arith.constant 0 : i32
        %dma_start3A_107 = arith.constant 0 : i32
        %dma_start3A_108 = tpu.memref_slice %arg2[%dma_start3A_106, %dma_start3A_107] : memref<10000x128xf32, #tpu.memory_space<hbm>> -> memref<10000x128xf32, #tpu.memory_space<hbm>>
        tpu.enqueue_indirect_dma source(%dma_start3A_108 : memref<10000x128xf32, #tpu.memory_space<hbm>>) target(%arg10 : memref<128x128xf32, #tpu.memory_space<vmem>>) offsets(%dma_start3A_105 : memref<128xi32, #tpu.memory_space<vmem>>) semaphore(%arg14 : memref<!tpu.dma_semaphore, #tpu.memory_space<semaphore_mem>>)
        %gt3A_109 = arith.constant 0 : i32
        %gt3A_110 = arith.cmpi sgt, %while3A_90, %gt3A_109 : i32
        %convert_element_type3A_111 = arith.extui %gt3A_110 : i1 to i32
        %cond3A_112 = arith.constant 0 : i32
        %cond3A_113 = arith.cmpi ne, %convert_element_type3A_111, %cond3A_112 : i32
        scf.if %cond3A_113 {
          %dma_wait3A_178 = arith.constant 1 : i32
          %dma_wait3A_179 = arith.constant 0 : i32
          %dma_wait3A_180 = tpu.memref_slice %arg8[%dma_wait3A_178, %dma_wait3A_179] : memref<2x128xi32, #tpu.memory_space<vmem>> -> memref<1x128xi32, #tpu.memory_space<vmem>>
          %dma_wait3A_181 = tpu.memref_squeeze %dma_wait3A_180 : memref<1x128xi32, #tpu.memory_space<vmem>> -> memref<128xi32, #tpu.memory_space<vmem>>
          %dma_wait3A_182 = arith.constant 0 : i32
          %dma_wait3A_183 = arith.constant 0 : i32
          %dma_wait3A_184 = tpu.memref_slice %arg13[%dma_wait3A_182, %dma_wait3A_183] : memref<10000x128xf32, #tpu.memory_space<vmem_shared>> -> memref<10000x128xf32, #tpu.memory_space<vmem_shared>>
          tpu.wait_indirect_dma semaphore(%arg18 : memref<!tpu.dma_semaphore, #tpu.memory_space<semaphore_mem>>) src(%arg11 : memref<128x128xf32, #tpu.memory_space<vmem>>) dst(%dma_wait3A_184 : memref<10000x128xf32, #tpu.memory_space<vmem_shared>>)
        } else {
        }
        %add3A_114 = arith.constant 16 : i32
        %add3A_115 = arith.addi %add3A_95, %add3A_114 : i32
        "tpu.region"() ({
          %run_scoped3A = tpu.sem_alloc : memref<!tpu.dma_semaphore, #tpu.memory_space<semaphore_mem>>
          %dma_start3A_178 = arith.constant 0 : i32
          %dma_start3A_179 = arith.constant 0 : i32
          %dma_start3A_180 = tpu.memref_slice %arg4[%add3A_115, %dma_start3A_178, %dma_start3A_179] : memref<1250x2x128xi32, #tpu.memory_space<hbm>> -> memref<1x2x128xi32, #tpu.memory_space<hbm>>
          %dma_start3A_181 = tpu.memref_squeeze %dma_start3A_180 : memref<1x2x128xi32, #tpu.memory_space<hbm>> -> memref<2x128xi32, #tpu.memory_space<hbm>>
          %dma_start3A_182 = arith.constant 0 : i32
          %dma_start3A_183 = arith.constant 0 : i32
          %dma_start3A_184 = tpu.memref_slice %arg4[%add3A_115, %dma_start3A_182, %dma_start3A_183] : memref<1250x2x128xi32, #tpu.memory_space<hbm>> -> memref<1x2x128xi32, #tpu.memory_space<hbm>>
          %dma_start3A_185 = tpu.memref_squeeze %dma_start3A_184 : memref<1x2x128xi32, #tpu.memory_space<hbm>> -> memref<2x128xi32, #tpu.memory_space<hbm>>
          tpu.enqueue_dma source(%dma_start3A_185 : memref<2x128xi32, #tpu.memory_space<hbm>>) target(%arg8 : memref<2x128xi32, #tpu.memory_space<vmem>>) target_semaphore(%run_scoped3A : memref<!tpu.dma_semaphore, #tpu.memory_space<semaphore_mem>>)
          %dma_wait3A_186 = arith.constant 0 : i32
          %dma_wait3A_187 = arith.constant 0 : i32
          %dma_wait3A_188 = tpu.memref_slice %arg4[%add3A_115, %dma_wait3A_186, %dma_wait3A_187] : memref<1250x2x128xi32, #tpu.memory_space<hbm>> -> memref<1x2x128xi32, #tpu.memory_space<hbm>>
          %dma_wait3A_189 = tpu.memref_squeeze %dma_wait3A_188 : memref<1x2x128xi32, #tpu.memory_space<hbm>> -> memref<2x128xi32, #tpu.memory_space<hbm>>
          %dma_wait3A_190 = arith.constant 0 : i32
          %dma_wait3A_191 = arith.constant 0 : i32
          %dma_wait3A_192 = tpu.memref_slice %arg4[%add3A_115, %dma_wait3A_190, %dma_wait3A_191] : memref<1250x2x128xi32, #tpu.memory_space<hbm>> -> memref<1x2x128xi32, #tpu.memory_space<hbm>>
          %dma_wait3A_193 = tpu.memref_squeeze %dma_wait3A_192 : memref<1x2x128xi32, #tpu.memory_space<hbm>> -> memref<2x128xi32, #tpu.memory_space<hbm>>
          tpu.wait_dma2 semaphore(%run_scoped3A : memref<!tpu.dma_semaphore, #tpu.memory_space<semaphore_mem>>) src(%dma_wait3A_193 : memref<2x128xi32, #tpu.memory_space<hbm>>) dst(%arg8 : memref<2x128xi32, #tpu.memory_space<vmem>>)
          tpu.yield
        }) : () -> ()
        %dma_start3A_116 = arith.constant 0 : i32
        %dma_start3A_117 = arith.constant 0 : i32
        %dma_start3A_118 = tpu.memref_slice %arg8[%dma_start3A_116, %dma_start3A_117] : memref<2x128xi32, #tpu.memory_space<vmem>> -> memref<1x128xi32, #tpu.memory_space<vmem>>
        %dma_start3A_119 = tpu.memref_squeeze %dma_start3A_118 : memref<1x128xi32, #tpu.memory_space<vmem>> -> memref<128xi32, #tpu.memory_space<vmem>>
        %dma_start3A_120 = arith.constant 0 : i32
        %dma_start3A_121 = arith.constant 0 : i32
        %dma_start3A_122 = tpu.memref_slice %arg2[%dma_start3A_120, %dma_start3A_121] : memref<10000x128xf32, #tpu.memory_space<hbm>> -> memref<10000x128xf32, #tpu.memory_space<hbm>>
        tpu.enqueue_indirect_dma source(%dma_start3A_122 : memref<10000x128xf32, #tpu.memory_space<hbm>>) target(%arg11 : memref<128x128xf32, #tpu.memory_space<vmem>>) offsets(%dma_start3A_119 : memref<128xi32, #tpu.memory_space<vmem>>) semaphore(%arg15 : memref<!tpu.dma_semaphore, #tpu.memory_space<semaphore_mem>>)
        %gt3A_123 = arith.constant 0 : i32
        %gt3A_124 = arith.cmpi sgt, %while3A_90, %gt3A_123 : i32
        %convert_element_type3A_125 = arith.extui %gt3A_124 : i1 to i32
        %cond3A_126 = arith.constant 0 : i32
        %cond3A_127 = arith.cmpi ne, %convert_element_type3A_125, %cond3A_126 : i32
        scf.if %cond3A_127 {
          %dma_wait3A_178 = arith.constant 1 : i32
          %dma_wait3A_179 = arith.constant 0 : i32
          %dma_wait3A_180 = tpu.memref_slice %arg9[%dma_wait3A_178, %dma_wait3A_179] : memref<2x128xi32, #tpu.memory_space<vmem>> -> memref<1x128xi32, #tpu.memory_space<vmem>>
          %dma_wait3A_181 = tpu.memref_squeeze %dma_wait3A_180 : memref<1x128xi32, #tpu.memory_space<vmem>> -> memref<128xi32, #tpu.memory_space<vmem>>
          %dma_wait3A_182 = arith.constant 0 : i32
          %dma_wait3A_183 = arith.constant 0 : i32
          %dma_wait3A_184 = tpu.memref_slice %arg13[%dma_wait3A_182, %dma_wait3A_183] : memref<10000x128xf32, #tpu.memory_space<vmem_shared>> -> memref<10000x128xf32, #tpu.memory_space<vmem_shared>>
          tpu.wait_indirect_dma semaphore(%arg19 : memref<!tpu.dma_semaphore, #tpu.memory_space<semaphore_mem>>) src(%arg12 : memref<128x128xf32, #tpu.memory_space<vmem>>) dst(%dma_wait3A_184 : memref<10000x128xf32, #tpu.memory_space<vmem_shared>>)
        } else {
        }
        %add3A_128 = arith.constant 32 : i32
        %add3A_129 = arith.addi %add3A_95, %add3A_128 : i32
        "tpu.region"() ({
          %run_scoped3A = tpu.sem_alloc : memref<!tpu.dma_semaphore, #tpu.memory_space<semaphore_mem>>
          %dma_start3A_178 = arith.constant 0 : i32
          %dma_start3A_179 = arith.constant 0 : i32
          %dma_start3A_180 = tpu.memref_slice %arg4[%add3A_129, %dma_start3A_178, %dma_start3A_179] : memref<1250x2x128xi32, #tpu.memory_space<hbm>> -> memref<1x2x128xi32, #tpu.memory_space<hbm>>
          %dma_start3A_181 = tpu.memref_squeeze %dma_start3A_180 : memref<1x2x128xi32, #tpu.memory_space<hbm>> -> memref<2x128xi32, #tpu.memory_space<hbm>>
          %dma_start3A_182 = arith.constant 0 : i32
          %dma_start3A_183 = arith.constant 0 : i32
          %dma_start3A_184 = tpu.memref_slice %arg4[%add3A_129, %dma_start3A_182, %dma_start3A_183] : memref<1250x2x128xi32, #tpu.memory_space<hbm>> -> memref<1x2x128xi32, #tpu.memory_space<hbm>>
          %dma_start3A_185 = tpu.memref_squeeze %dma_start3A_184 : memref<1x2x128xi32, #tpu.memory_space<hbm>> -> memref<2x128xi32, #tpu.memory_space<hbm>>
          tpu.enqueue_dma source(%dma_start3A_185 : memref<2x128xi32, #tpu.memory_space<hbm>>) target(%arg9 : memref<2x128xi32, #tpu.memory_space<vmem>>) target_semaphore(%run_scoped3A : memref<!tpu.dma_semaphore, #tpu.memory_space<semaphore_mem>>)
          %dma_wait3A_186 = arith.constant 0 : i32
          %dma_wait3A_187 = arith.constant 0 : i32
          %dma_wait3A_188 = tpu.memref_slice %arg4[%add3A_129, %dma_wait3A_186, %dma_wait3A_187] : memref<1250x2x128xi32, #tpu.memory_space<hbm>> -> memref<1x2x128xi32, #tpu.memory_space<hbm>>
          %dma_wait3A_189 = tpu.memref_squeeze %dma_wait3A_188 : memref<1x2x128xi32, #tpu.memory_space<hbm>> -> memref<2x128xi32, #tpu.memory_space<hbm>>
          %dma_wait3A_190 = arith.constant 0 : i32
          %dma_wait3A_191 = arith.constant 0 : i32
          %dma_wait3A_192 = tpu.memref_slice %arg4[%add3A_129, %dma_wait3A_190, %dma_wait3A_191] : memref<1250x2x128xi32, #tpu.memory_space<hbm>> -> memref<1x2x128xi32, #tpu.memory_space<hbm>>
          %dma_wait3A_193 = tpu.memref_squeeze %dma_wait3A_192 : memref<1x2x128xi32, #tpu.memory_space<hbm>> -> memref<2x128xi32, #tpu.memory_space<hbm>>
          tpu.wait_dma2 semaphore(%run_scoped3A : memref<!tpu.dma_semaphore, #tpu.memory_space<semaphore_mem>>) src(%dma_wait3A_193 : memref<2x128xi32, #tpu.memory_space<hbm>>) dst(%arg9 : memref<2x128xi32, #tpu.memory_space<vmem>>)
          tpu.yield
        }) : () -> ()
        %dma_start3A_130 = arith.constant 0 : i32
        %dma_start3A_131 = arith.constant 0 : i32
        %dma_start3A_132 = tpu.memref_slice %arg9[%dma_start3A_130, %dma_start3A_131] : memref<2x128xi32, #tpu.memory_space<vmem>> -> memref<1x128xi32, #tpu.memory_space<vmem>>
        %dma_start3A_133 = tpu.memref_squeeze %dma_start3A_132 : memref<1x128xi32, #tpu.memory_space<vmem>> -> memref<128xi32, #tpu.memory_space<vmem>>
        %dma_start3A_134 = arith.constant 0 : i32
        %dma_start3A_135 = arith.constant 0 : i32
        %dma_start3A_136 = tpu.memref_slice %arg2[%dma_start3A_134, %dma_start3A_135] : memref<10000x128xf32, #tpu.memory_space<hbm>> -> memref<10000x128xf32, #tpu.memory_space<hbm>>
        tpu.enqueue_indirect_dma source(%dma_start3A_136 : memref<10000x128xf32, #tpu.memory_space<hbm>>) target(%arg12 : memref<128x128xf32, #tpu.memory_space<vmem>>) offsets(%dma_start3A_133 : memref<128xi32, #tpu.memory_space<vmem>>) semaphore(%arg16 : memref<!tpu.dma_semaphore, #tpu.memory_space<semaphore_mem>>)
        %dma_wait3A = arith.constant 0 : i32
        %dma_wait3A_137 = arith.constant 0 : i32
        %dma_wait3A_138 = tpu.memref_slice %arg7[%dma_wait3A, %dma_wait3A_137] : memref<2x128xi32, #tpu.memory_space<vmem>> -> memref<1x128xi32, #tpu.memory_space<vmem>>
        %dma_wait3A_139 = tpu.memref_squeeze %dma_wait3A_138 : memref<1x128xi32, #tpu.memory_space<vmem>> -> memref<128xi32, #tpu.memory_space<vmem>>
        %dma_wait3A_140 = arith.constant 0 : i32
        %dma_wait3A_141 = arith.constant 0 : i32
        %dma_wait3A_142 = tpu.memref_slice %arg2[%dma_wait3A_140, %dma_wait3A_141] : memref<10000x128xf32, #tpu.memory_space<hbm>> -> memref<10000x128xf32, #tpu.memory_space<hbm>>
        tpu.wait_indirect_dma semaphore(%arg14 : memref<!tpu.dma_semaphore, #tpu.memory_space<semaphore_mem>>) src(%dma_wait3A_142 : memref<10000x128xf32, #tpu.memory_space<hbm>>) dst(%arg10 : memref<128x128xf32, #tpu.memory_space<vmem>>)
        %dma_start3A_143 = arith.constant 1 : i32
        %dma_start3A_144 = arith.constant 0 : i32
        %dma_start3A_145 = tpu.memref_slice %arg7[%dma_start3A_143, %dma_start3A_144] : memref<2x128xi32, #tpu.memory_space<vmem>> -> memref<1x128xi32, #tpu.memory_space<vmem>>
        %dma_start3A_146 = tpu.memref_squeeze %dma_start3A_145 : memref<1x128xi32, #tpu.memory_space<vmem>> -> memref<128xi32, #tpu.memory_space<vmem>>
        %dma_start3A_147 = arith.constant 0 : i32
        %dma_start3A_148 = arith.constant 0 : i32
        %dma_start3A_149 = tpu.memref_slice %arg13[%dma_start3A_147, %dma_start3A_148] : memref<10000x128xf32, #tpu.memory_space<vmem_shared>> -> memref<10000x128xf32, #tpu.memory_space<vmem_shared>>
        tpu.enqueue_indirect_dma source(%arg10 : memref<128x128xf32, #tpu.memory_space<vmem>>) target(%dma_start3A_149 : memref<10000x128xf32, #tpu.memory_space<vmem_shared>>) offsets(%dma_start3A_146 : memref<128xi32, #tpu.memory_space<vmem>>) semaphore(%arg17 : memref<!tpu.dma_semaphore, #tpu.memory_space<semaphore_mem>>) {add = true}
        %dma_wait3A_150 = arith.constant 0 : i32
        %dma_wait3A_151 = arith.constant 0 : i32
        %dma_wait3A_152 = tpu.memref_slice %arg8[%dma_wait3A_150, %dma_wait3A_151] : memref<2x128xi32, #tpu.memory_space<vmem>> -> memref<1x128xi32, #tpu.memory_space<vmem>>
        %dma_wait3A_153 = tpu.memref_squeeze %dma_wait3A_152 : memref<1x128xi32, #tpu.memory_space<vmem>> -> memref<128xi32, #tpu.memory_space<vmem>>
        %dma_wait3A_154 = arith.constant 0 : i32
        %dma_wait3A_155 = arith.constant 0 : i32
        %dma_wait3A_156 = tpu.memref_slice %arg2[%dma_wait3A_154, %dma_wait3A_155] : memref<10000x128xf32, #tpu.memory_space<hbm>> -> memref<10000x128xf32, #tpu.memory_space<hbm>>
        tpu.wait_indirect_dma semaphore(%arg15 : memref<!tpu.dma_semaphore, #tpu.memory_space<semaphore_mem>>) src(%dma_wait3A_156 : memref<10000x128xf32, #tpu.memory_space<hbm>>) dst(%arg11 : memref<128x128xf32, #tpu.memory_space<vmem>>)
        %dma_start3A_157 = arith.constant 1 : i32
        %dma_start3A_158 = arith.constant 0 : i32
        %dma_start3A_159 = tpu.memref_slice %arg8[%dma_start3A_157, %dma_start3A_158] : memref<2x128xi32, #tpu.memory_space<vmem>> -> memref<1x128xi32, #tpu.memory_space<vmem>>
        %dma_start3A_160 = tpu.memref_squeeze %dma_start3A_159 : memref<1x128xi32, #tpu.memory_space<vmem>> -> memref<128xi32, #tpu.memory_space<vmem>>
        %dma_start3A_161 = arith.constant 0 : i32
        %dma_start3A_162 = arith.constant 0 : i32
        %dma_start3A_163 = tpu.memref_slice %arg13[%dma_start3A_161, %dma_start3A_162] : memref<10000x128xf32, #tpu.memory_space<vmem_shared>> -> memref<10000x128xf32, #tpu.memory_space<vmem_shared>>
        tpu.enqueue_indirect_dma source(%arg11 : memref<128x128xf32, #tpu.memory_space<vmem>>) target(%dma_start3A_163 : memref<10000x128xf32, #tpu.memory_space<vmem_shared>>) offsets(%dma_start3A_160 : memref<128xi32, #tpu.memory_space<vmem>>) semaphore(%arg18 : memref<!tpu.dma_semaphore, #tpu.memory_space<semaphore_mem>>) {add = true}
        %dma_wait3A_164 = arith.constant 0 : i32
        %dma_wait3A_165 = arith.constant 0 : i32
        %dma_wait3A_166 = tpu.memref_slice %arg9[%dma_wait3A_164, %dma_wait3A_165] : memref<2x128xi32, #tpu.memory_space<vmem>> -> memref<1x128xi32, #tpu.memory_space<vmem>>
        %dma_wait3A_167 = tpu.memref_squeeze %dma_wait3A_166 : memref<1x128xi32, #tpu.memory_space<vmem>> -> memref<128xi32, #tpu.memory_space<vmem>>
        %dma_wait3A_168 = arith.constant 0 : i32
        %dma_wait3A_169 = arith.constant 0 : i32
        %dma_wait3A_170 = tpu.memref_slice %arg2[%dma_wait3A_168, %dma_wait3A_169] : memref<10000x128xf32, #tpu.memory_space<hbm>> -> memref<10000x128xf32, #tpu.memory_space<hbm>>
        tpu.wait_indirect_dma semaphore(%arg16 : memref<!tpu.dma_semaphore, #tpu.memory_space<semaphore_mem>>) src(%dma_wait3A_170 : memref<10000x128xf32, #tpu.memory_space<hbm>>) dst(%arg12 : memref<128x128xf32, #tpu.memory_space<vmem>>)
        %dma_start3A_171 = arith.constant 1 : i32
        %dma_start3A_172 = arith.constant 0 : i32
        %dma_start3A_173 = tpu.memref_slice %arg9[%dma_start3A_171, %dma_start3A_172] : memref<2x128xi32, #tpu.memory_space<vmem>> -> memref<1x128xi32, #tpu.memory_space<vmem>>
        %dma_start3A_174 = tpu.memref_squeeze %dma_start3A_173 : memref<1x128xi32, #tpu.memory_space<vmem>> -> memref<128xi32, #tpu.memory_space<vmem>>
        %dma_start3A_175 = arith.constant 0 : i32
        %dma_start3A_176 = arith.constant 0 : i32
        %dma_start3A_177 = tpu.memref_slice %arg13[%dma_start3A_175, %dma_start3A_176] : memref<10000x128xf32, #tpu.memory_space<vmem_shared>> -> memref<10000x128xf32, #tpu.memory_space<vmem_shared>>
        tpu.enqueue_indirect_dma source(%arg12 : memref<128x128xf32, #tpu.memory_space<vmem>>) target(%dma_start3A_177 : memref<10000x128xf32, #tpu.memory_space<vmem_shared>>) offsets(%dma_start3A_174 : memref<128xi32, #tpu.memory_space<vmem>>) semaphore(%arg19 : memref<!tpu.dma_semaphore, #tpu.memory_space<semaphore_mem>>) {add = true}
      }
      %while3A_75 = arith.constant 1 : i32
      scf.for %while3A_90 = %while3A_73 to %while3A_69 step %while3A_75  : i32 {
        %mul3A_91 = arith.constant 3 : i32
        %mul3A_92 = arith.muli %mul3A_91, %while3A_90 : i32
        %mul3A_93 = arith.constant 16 : i32
        %mul3A_94 = arith.muli %mul3A_92, %mul3A_93 : i32
        %add3A_95 = arith.addi %mul3A_94, %arg1 : i32
        %gt3A_96 = arith.constant 0 : i32
        %gt3A_97 = arith.cmpi sgt, %while3A_90, %gt3A_96 : i32
        %convert_element_type3A_98 = arith.extui %gt3A_97 : i1 to i32
        %cond3A_99 = arith.constant 0 : i32
        %cond3A_100 = arith.cmpi ne, %convert_element_type3A_98, %cond3A_99 : i32
        scf.if %cond3A_100 {
          %dma_wait3A_178 = arith.constant 1 : i32
          %dma_wait3A_179 = arith.constant 0 : i32
          %dma_wait3A_180 = tpu.memref_slice %arg7[%dma_wait3A_178, %dma_wait3A_179] : memref<2x128xi32, #tpu.memory_space<vmem>> -> memref<1x128xi32, #tpu.memory_space<vmem>>
          %dma_wait3A_181 = tpu.memref_squeeze %dma_wait3A_180 : memref<1x128xi32, #tpu.memory_space<vmem>> -> memref<128xi32, #tpu.memory_space<vmem>>
          %dma_wait3A_182 = arith.constant 0 : i32
          %dma_wait3A_183 = arith.constant 0 : i32
          %dma_wait3A_184 = tpu.memref_slice %arg13[%dma_wait3A_182, %dma_wait3A_183] : memref<10000x128xf32, #tpu.memory_space<vmem_shared>> -> memref<10000x128xf32, #tpu.memory_space<vmem_shared>>
          tpu.wait_indirect_dma semaphore(%arg17 : memref<!tpu.dma_semaphore, #tpu.memory_space<semaphore_mem>>) src(%arg10 : memref<128x128xf32, #tpu.memory_space<vmem>>) dst(%dma_wait3A_184 : memref<10000x128xf32, #tpu.memory_space<vmem_shared>>)
        } else {
        }
        %add3A_101 = arith.constant 0 : i32
        %add3A_102 = arith.addi %add3A_95, %add3A_101 : i32
        "tpu.region"() ({
          %run_scoped3A = tpu.sem_alloc : memref<!tpu.dma_semaphore, #tpu.memory_space<semaphore_mem>>
          %dma_start3A_178 = arith.constant 0 : i32
          %dma_start3A_179 = arith.constant 0 : i32
          %dma_start3A_180 = tpu.memref_slice %arg4[%add3A_102, %dma_start3A_178, %dma_start3A_179] : memref<1250x2x128xi32, #tpu.memory_space<hbm>> -> memref<1x2x128xi32, #tpu.memory_space<hbm>>
          %dma_start3A_181 = tpu.memref_squeeze %dma_start3A_180 : memref<1x2x128xi32, #tpu.memory_space<hbm>> -> memref<2x128xi32, #tpu.memory_space<hbm>>
          %dma_start3A_182 = arith.constant 0 : i32
          %dma_start3A_183 = arith.constant 0 : i32
          %dma_start3A_184 = tpu.memref_slice %arg4[%add3A_102, %dma_start3A_182, %dma_start3A_183] : memref<1250x2x128xi32, #tpu.memory_space<hbm>> -> memref<1x2x128xi32, #tpu.memory_space<hbm>>
          %dma_start3A_185 = tpu.memref_squeeze %dma_start3A_184 : memref<1x2x128xi32, #tpu.memory_space<hbm>> -> memref<2x128xi32, #tpu.memory_space<hbm>>
          tpu.enqueue_dma source(%dma_start3A_185 : memref<2x128xi32, #tpu.memory_space<hbm>>) target(%arg7 : memref<2x128xi32, #tpu.memory_space<vmem>>) target_semaphore(%run_scoped3A : memref<!tpu.dma_semaphore, #tpu.memory_space<semaphore_mem>>)
          %dma_wait3A_186 = arith.constant 0 : i32
          %dma_wait3A_187 = arith.constant 0 : i32
          %dma_wait3A_188 = tpu.memref_slice %arg4[%add3A_102, %dma_wait3A_186, %dma_wait3A_187] : memref<1250x2x128xi32, #tpu.memory_space<hbm>> -> memref<1x2x128xi32, #tpu.memory_space<hbm>>
          %dma_wait3A_189 = tpu.memref_squeeze %dma_wait3A_188 : memref<1x2x128xi32, #tpu.memory_space<hbm>> -> memref<2x128xi32, #tpu.memory_space<hbm>>
          %dma_wait3A_190 = arith.constant 0 : i32
          %dma_wait3A_191 = arith.constant 0 : i32
          %dma_wait3A_192 = tpu.memref_slice %arg4[%add3A_102, %dma_wait3A_190, %dma_wait3A_191] : memref<1250x2x128xi32, #tpu.memory_space<hbm>> -> memref<1x2x128xi32, #tpu.memory_space<hbm>>
          %dma_wait3A_193 = tpu.memref_squeeze %dma_wait3A_192 : memref<1x2x128xi32, #tpu.memory_space<hbm>> -> memref<2x128xi32, #tpu.memory_space<hbm>>
          tpu.wait_dma2 semaphore(%run_scoped3A : memref<!tpu.dma_semaphore, #tpu.memory_space<semaphore_mem>>) src(%dma_wait3A_193 : memref<2x128xi32, #tpu.memory_space<hbm>>) dst(%arg7 : memref<2x128xi32, #tpu.memory_space<vmem>>)
          tpu.yield
        }) : () -> ()
        %dma_start3A = arith.constant 0 : i32
        %dma_start3A_103 = arith.constant 0 : i32
        %dma_start3A_104 = tpu.memref_slice %arg7[%dma_start3A, %dma_start3A_103] : memref<2x128xi32, #tpu.memory_space<vmem>> -> memref<1x128xi32, #tpu.memory_space<vmem>>
        %dma_start3A_105 = tpu.memref_squeeze %dma_start3A_104 : memref<1x128xi32, #tpu.memory_space<vmem>> -> memref<128xi32, #tpu.memory_space<vmem>>
        %dma_start3A_106 = arith.constant 0 : i32
        %dma_start3A_107 = arith.constant 0 : i32
        %dma_start3A_108 = tpu.memref_slice %arg2[%dma_start3A_106, %dma_start3A_107] : memref<10000x128xf32, #tpu.memory_space<hbm>> -> memref<10000x128xf32, #tpu.memory_space<hbm>>
        tpu.enqueue_indirect_dma source(%dma_start3A_108 : memref<10000x128xf32, #tpu.memory_space<hbm>>) target(%arg10 : memref<128x128xf32, #tpu.memory_space<vmem>>) offsets(%dma_start3A_105 : memref<128xi32, #tpu.memory_space<vmem>>) semaphore(%arg14 : memref<!tpu.dma_semaphore, #tpu.memory_space<semaphore_mem>>)
        %gt3A_109 = arith.constant 0 : i32
        %gt3A_110 = arith.cmpi sgt, %while3A_90, %gt3A_109 : i32
        %convert_element_type3A_111 = arith.extui %gt3A_110 : i1 to i32
        %cond3A_112 = arith.constant 0 : i32
        %cond3A_113 = arith.cmpi ne, %convert_element_type3A_111, %cond3A_112 : i32
        scf.if %cond3A_113 {
          %dma_wait3A_178 = arith.constant 1 : i32
          %dma_wait3A_179 = arith.constant 0 : i32
          %dma_wait3A_180 = tpu.memref_slice %arg8[%dma_wait3A_178, %dma_wait3A_179] : memref<2x128xi32, #tpu.memory_space<vmem>> -> memref<1x128xi32, #tpu.memory_space<vmem>>
          %dma_wait3A_181 = tpu.memref_squeeze %dma_wait3A_180 : memref<1x128xi32, #tpu.memory_space<vmem>> -> memref<128xi32, #tpu.memory_space<vmem>>
          %dma_wait3A_182 = arith.constant 0 : i32
          %dma_wait3A_183 = arith.constant 0 : i32
          %dma_wait3A_184 = tpu.memref_slice %arg13[%dma_wait3A_182, %dma_wait3A_183] : memref<10000x128xf32, #tpu.memory_space<vmem_shared>> -> memref<10000x128xf32, #tpu.memory_space<vmem_shared>>
          tpu.wait_indirect_dma semaphore(%arg18 : memref<!tpu.dma_semaphore, #tpu.memory_space<semaphore_mem>>) src(%arg11 : memref<128x128xf32, #tpu.memory_space<vmem>>) dst(%dma_wait3A_184 : memref<10000x128xf32, #tpu.memory_space<vmem_shared>>)
        } else {
        }
        %add3A_114 = arith.constant 16 : i32
        %add3A_115 = arith.addi %add3A_95, %add3A_114 : i32
        "tpu.region"() ({
          %run_scoped3A = tpu.sem_alloc : memref<!tpu.dma_semaphore, #tpu.memory_space<semaphore_mem>>
          %dma_start3A_178 = arith.constant 0 : i32
          %dma_start3A_179 = arith.constant 0 : i32
          %dma_start3A_180 = tpu.memref_slice %arg4[%add3A_115, %dma_start3A_178, %dma_start3A_179] : memref<1250x2x128xi32, #tpu.memory_space<hbm>> -> memref<1x2x128xi32, #tpu.memory_space<hbm>>
          %dma_start3A_181 = tpu.memref_squeeze %dma_start3A_180 : memref<1x2x128xi32, #tpu.memory_space<hbm>> -> memref<2x128xi32, #tpu.memory_space<hbm>>
          %dma_start3A_182 = arith.constant 0 : i32
          %dma_start3A_183 = arith.constant 0 : i32
          %dma_start3A_184 = tpu.memref_slice %arg4[%add3A_115, %dma_start3A_182, %dma_start3A_183] : memref<1250x2x128xi32, #tpu.memory_space<hbm>> -> memref<1x2x128xi32, #tpu.memory_space<hbm>>
          %dma_start3A_185 = tpu.memref_squeeze %dma_start3A_184 : memref<1x2x128xi32, #tpu.memory_space<hbm>> -> memref<2x128xi32, #tpu.memory_space<hbm>>
          tpu.enqueue_dma source(%dma_start3A_185 : memref<2x128xi32, #tpu.memory_space<hbm>>) target(%arg8 : memref<2x128xi32, #tpu.memory_space<vmem>>) target_semaphore(%run_scoped3A : memref<!tpu.dma_semaphore, #tpu.memory_space<semaphore_mem>>)
          %dma_wait3A_186 = arith.constant 0 : i32
          %dma_wait3A_187 = arith.constant 0 : i32
          %dma_wait3A_188 = tpu.memref_slice %arg4[%add3A_115, %dma_wait3A_186, %dma_wait3A_187] : memref<1250x2x128xi32, #tpu.memory_space<hbm>> -> memref<1x2x128xi32, #tpu.memory_space<hbm>>
          %dma_wait3A_189 = tpu.memref_squeeze %dma_wait3A_188 : memref<1x2x128xi32, #tpu.memory_space<hbm>> -> memref<2x128xi32, #tpu.memory_space<hbm>>
          %dma_wait3A_190 = arith.constant 0 : i32
          %dma_wait3A_191 = arith.constant 0 : i32
          %dma_wait3A_192 = tpu.memref_slice %arg4[%add3A_115, %dma_wait3A_190, %dma_wait3A_191] : memref<1250x2x128xi32, #tpu.memory_space<hbm>> -> memref<1x2x128xi32, #tpu.memory_space<hbm>>
          %dma_wait3A_193 = tpu.memref_squeeze %dma_wait3A_192 : memref<1x2x128xi32, #tpu.memory_space<hbm>> -> memref<2x128xi32, #tpu.memory_space<hbm>>
          tpu.wait_dma2 semaphore(%run_scoped3A : memref<!tpu.dma_semaphore, #tpu.memory_space<semaphore_mem>>) src(%dma_wait3A_193 : memref<2x128xi32, #tpu.memory_space<hbm>>) dst(%arg8 : memref<2x128xi32, #tpu.memory_space<vmem>>)
          tpu.yield
        }) : () -> ()
        %dma_start3A_116 = arith.constant 0 : i32
        %dma_start3A_117 = arith.constant 0 : i32
        %dma_start3A_118 = tpu.memref_slice %arg8[%dma_start3A_116, %dma_start3A_117] : memref<2x128xi32, #tpu.memory_space<vmem>> -> memref<1x128xi32, #tpu.memory_space<vmem>>
        %dma_start3A_119 = tpu.memref_squeeze %dma_start3A_118 : memref<1x128xi32, #tpu.memory_space<vmem>> -> memref<128xi32, #tpu.memory_space<vmem>>
        %dma_start3A_120 = arith.constant 0 : i32
        %dma_start3A_121 = arith.constant 0 : i32
        %dma_start3A_122 = tpu.memref_slice %arg2[%dma_start3A_120, %dma_start3A_121] : memref<10000x128xf32, #tpu.memory_space<hbm>> -> memref<10000x128xf32, #tpu.memory_space<hbm>>
        tpu.enqueue_indirect_dma source(%dma_start3A_122 : memref<10000x128xf32, #tpu.memory_space<hbm>>) target(%arg11 : memref<128x128xf32, #tpu.memory_space<vmem>>) offsets(%dma_start3A_119 : memref<128xi32, #tpu.memory_space<vmem>>) semaphore(%arg15 : memref<!tpu.dma_semaphore, #tpu.memory_space<semaphore_mem>>)
        %gt3A_123 = arith.constant 0 : i32
        %gt3A_124 = arith.cmpi sgt, %while3A_90, %gt3A_123 : i32
        %convert_element_type3A_125 = arith.extui %gt3A_124 : i1 to i32
        %cond3A_126 = arith.constant 0 : i32
        %cond3A_127 = arith.cmpi ne, %convert_element_type3A_125, %cond3A_126 : i32
        scf.if %cond3A_127 {
          %dma_wait3A_178 = arith.constant 1 : i32
          %dma_wait3A_179 = arith.constant 0 : i32
          %dma_wait3A_180 = tpu.memref_slice %arg9[%dma_wait3A_178, %dma_wait3A_179] : memref<2x128xi32, #tpu.memory_space<vmem>> -> memref<1x128xi32, #tpu.memory_space<vmem>>
          %dma_wait3A_181 = tpu.memref_squeeze %dma_wait3A_180 : memref<1x128xi32, #tpu.memory_space<vmem>> -> memref<128xi32, #tpu.memory_space<vmem>>
          %dma_wait3A_182 = arith.constant 0 : i32
          %dma_wait3A_183 = arith.constant 0 : i32
          %dma_wait3A_184 = tpu.memref_slice %arg13[%dma_wait3A_182, %dma_wait3A_183] : memref<10000x128xf32, #tpu.memory_space<vmem_shared>> -> memref<10000x128xf32, #tpu.memory_space<vmem_shared>>
          tpu.wait_indirect_dma semaphore(%arg19 : memref<!tpu.dma_semaphore, #tpu.memory_space<semaphore_mem>>) src(%arg12 : memref<128x128xf32, #tpu.memory_space<vmem>>) dst(%dma_wait3A_184 : memref<10000x128xf32, #tpu.memory_space<vmem_shared>>)
        } else {
        }
        %add3A_128 = arith.constant 32 : i32
        %add3A_129 = arith.addi %add3A_95, %add3A_128 : i32
        "tpu.region"() ({
          %run_scoped3A = tpu.sem_alloc : memref<!tpu.dma_semaphore, #tpu.memory_space<semaphore_mem>>
          %dma_start3A_178 = arith.constant 0 : i32
          %dma_start3A_179 = arith.constant 0 : i32
          %dma_start3A_180 = tpu.memref_slice %arg4[%add3A_129, %dma_start3A_178, %dma_start3A_179] : memref<1250x2x128xi32, #tpu.memory_space<hbm>> -> memref<1x2x128xi32, #tpu.memory_space<hbm>>
          %dma_start3A_181 = tpu.memref_squeeze %dma_start3A_180 : memref<1x2x128xi32, #tpu.memory_space<hbm>> -> memref<2x128xi32, #tpu.memory_space<hbm>>
          %dma_start3A_182 = arith.constant 0 : i32
          %dma_start3A_183 = arith.constant 0 : i32
          %dma_start3A_184 = tpu.memref_slice %arg4[%add3A_129, %dma_start3A_182, %dma_start3A_183] : memref<1250x2x128xi32, #tpu.memory_space<hbm>> -> memref<1x2x128xi32, #tpu.memory_space<hbm>>
          %dma_start3A_185 = tpu.memref_squeeze %dma_start3A_184 : memref<1x2x128xi32, #tpu.memory_space<hbm>> -> memref<2x128xi32, #tpu.memory_space<hbm>>
          tpu.enqueue_dma source(%dma_start3A_185 : memref<2x128xi32, #tpu.memory_space<hbm>>) target(%arg9 : memref<2x128xi32, #tpu.memory_space<vmem>>) target_semaphore(%run_scoped3A : memref<!tpu.dma_semaphore, #tpu.memory_space<semaphore_mem>>)
          %dma_wait3A_186 = arith.constant 0 : i32
          %dma_wait3A_187 = arith.constant 0 : i32
          %dma_wait3A_188 = tpu.memref_slice %arg4[%add3A_129, %dma_wait3A_186, %dma_wait3A_187] : memref<1250x2x128xi32, #tpu.memory_space<hbm>> -> memref<1x2x128xi32, #tpu.memory_space<hbm>>
          %dma_wait3A_189 = tpu.memref_squeeze %dma_wait3A_188 : memref<1x2x128xi32, #tpu.memory_space<hbm>> -> memref<2x128xi32, #tpu.memory_space<hbm>>
          %dma_wait3A_190 = arith.constant 0 : i32
          %dma_wait3A_191 = arith.constant 0 : i32
          %dma_wait3A_192 = tpu.memref_slice %arg4[%add3A_129, %dma_wait3A_190, %dma_wait3A_191] : memref<1250x2x128xi32, #tpu.memory_space<hbm>> -> memref<1x2x128xi32, #tpu.memory_space<hbm>>
          %dma_wait3A_193 = tpu.memref_squeeze %dma_wait3A_192 : memref<1x2x128xi32, #tpu.memory_space<hbm>> -> memref<2x128xi32, #tpu.memory_space<hbm>>
          tpu.wait_dma2 semaphore(%run_scoped3A : memref<!tpu.dma_semaphore, #tpu.memory_space<semaphore_mem>>) src(%dma_wait3A_193 : memref<2x128xi32, #tpu.memory_space<hbm>>) dst(%arg9 : memref<2x128xi32, #tpu.memory_space<vmem>>)
          tpu.yield
        }) : () -> ()
        %dma_start3A_130 = arith.constant 0 : i32
        %dma_start3A_131 = arith.constant 0 : i32
        %dma_start3A_132 = tpu.memref_slice %arg9[%dma_start3A_130, %dma_start3A_131] : memref<2x128xi32, #tpu.memory_space<vmem>> -> memref<1x128xi32, #tpu.memory_space<vmem>>
        %dma_start3A_133 = tpu.memref_squeeze %dma_start3A_132 : memref<1x128xi32, #tpu.memory_space<vmem>> -> memref<128xi32, #tpu.memory_space<vmem>>
        %dma_start3A_134 = arith.constant 0 : i32
        %dma_start3A_135 = arith.constant 0 : i32
        %dma_start3A_136 = tpu.memref_slice %arg2[%dma_start3A_134, %dma_start3A_135] : memref<10000x128xf32, #tpu.memory_space<hbm>> -> memref<10000x128xf32, #tpu.memory_space<hbm>>
        tpu.enqueue_indirect_dma source(%dma_start3A_136 : memref<10000x128xf32, #tpu.memory_space<hbm>>) target(%arg12 : memref<128x128xf32, #tpu.memory_space<vmem>>) offsets(%dma_start3A_133 : memref<128xi32, #tpu.memory_space<vmem>>) semaphore(%arg16 : memref<!tpu.dma_semaphore, #tpu.memory_space<semaphore_mem>>)
        %dma_wait3A = arith.constant 0 : i32
        %dma_wait3A_137 = arith.constant 0 : i32
        %dma_wait3A_138 = tpu.memref_slice %arg7[%dma_wait3A, %dma_wait3A_137] : memref<2x128xi32, #tpu.memory_space<vmem>> -> memref<1x128xi32, #tpu.memory_space<vmem>>
        %dma_wait3A_139 = tpu.memref_squeeze %dma_wait3A_138 : memref<1x128xi32, #tpu.memory_space<vmem>> -> memref<128xi32, #tpu.memory_space<vmem>>
        %dma_wait3A_140 = arith.constant 0 : i32
        %dma_wait3A_141 = arith.constant 0 : i32
        %dma_wait3A_142 = tpu.memref_slice %arg2[%dma_wait3A_140, %dma_wait3A_141] : memref<10000x128xf32, #tpu.memory_space<hbm>> -> memref<10000x128xf32, #tpu.memory_space<hbm>>
        tpu.wait_indirect_dma semaphore(%arg14 : memref<!tpu.dma_semaphore, #tpu.memory_space<semaphore_mem>>) src(%dma_wait3A_142 : memref<10000x128xf32, #tpu.memory_space<hbm>>) dst(%arg10 : memref<128x128xf32, #tpu.memory_space<vmem>>)
        %dma_start3A_143 = arith.constant 1 : i32
        %dma_start3A_144 = arith.constant 0 : i32
        %dma_start3A_145 = tpu.memref_slice %arg7[%dma_start3A_143, %dma_start3A_144] : memref<2x128xi32, #tpu.memory_space<vmem>> -> memref<1x128xi32, #tpu.memory_space<vmem>>
        %dma_start3A_146 = tpu.memref_squeeze %dma_start3A_145 : memref<1x128xi32, #tpu.memory_space<vmem>> -> memref<128xi32, #tpu.memory_space<vmem>>
        %dma_start3A_147 = arith.constant 0 : i32
        %dma_start3A_148 = arith.constant 0 : i32
        %dma_start3A_149 = tpu.memref_slice %arg13[%dma_start3A_147, %dma_start3A_148] : memref<10000x128xf32, #tpu.memory_space<vmem_shared>> -> memref<10000x128xf32, #tpu.memory_space<vmem_shared>>
        tpu.enqueue_indirect_dma source(%arg10 : memref<128x128xf32, #tpu.memory_space<vmem>>) target(%dma_start3A_149 : memref<10000x128xf32, #tpu.memory_space<vmem_shared>>) offsets(%dma_start3A_146 : memref<128xi32, #tpu.memory_space<vmem>>) semaphore(%arg17 : memref<!tpu.dma_semaphore, #tpu.memory_space<semaphore_mem>>) {add = true}
        %dma_wait3A_150 = arith.constant 0 : i32
        %dma_wait3A_151 = arith.constant 0 : i32
        %dma_wait3A_152 = tpu.memref_slice %arg8[%dma_wait3A_150, %dma_wait3A_151] : memref<2x128xi32, #tpu.memory_space<vmem>> -> memref<1x128xi32, #tpu.memory_space<vmem>>
        %dma_wait3A_153 = tpu.memref_squeeze %dma_wait3A_152 : memref<1x128xi32, #tpu.memory_space<vmem>> -> memref<128xi32, #tpu.memory_space<vmem>>
        %dma_wait3A_154 = arith.constant 0 : i32
        %dma_wait3A_155 = arith.constant 0 : i32
        %dma_wait3A_156 = tpu.memref_slice %arg2[%dma_wait3A_154, %dma_wait3A_155] : memref<10000x128xf32, #tpu.memory_space<hbm>> -> memref<10000x128xf32, #tpu.memory_space<hbm>>
        tpu.wait_indirect_dma semaphore(%arg15 : memref<!tpu.dma_semaphore, #tpu.memory_space<semaphore_mem>>) src(%dma_wait3A_156 : memref<10000x128xf32, #tpu.memory_space<hbm>>) dst(%arg11 : memref<128x128xf32, #tpu.memory_space<vmem>>)
        %dma_start3A_157 = arith.constant 1 : i32
        %dma_start3A_158 = arith.constant 0 : i32
        %dma_start3A_159 = tpu.memref_slice %arg8[%dma_start3A_157, %dma_start3A_158] : memref<2x128xi32, #tpu.memory_space<vmem>> -> memref<1x128xi32, #tpu.memory_space<vmem>>
        %dma_start3A_160 = tpu.memref_squeeze %dma_start3A_159 : memref<1x128xi32, #tpu.memory_space<vmem>> -> memref<128xi32, #tpu.memory_space<vmem>>
        %dma_start3A_161 = arith.constant 0 : i32
        %dma_start3A_162 = arith.constant 0 : i32
        %dma_start3A_163 = tpu.memref_slice %arg13[%dma_start3A_161, %dma_start3A_162] : memref<10000x128xf32, #tpu.memory_space<vmem_shared>> -> memref<10000x128xf32, #tpu.memory_space<vmem_shared>>
        tpu.enqueue_indirect_dma source(%arg11 : memref<128x128xf32, #tpu.memory_space<vmem>>) target(%dma_start3A_163 : memref<10000x128xf32, #tpu.memory_space<vmem_shared>>) offsets(%dma_start3A_160 : memref<128xi32, #tpu.memory_space<vmem>>) semaphore(%arg18 : memref<!tpu.dma_semaphore, #tpu.memory_space<semaphore_mem>>) {add = true}
        %dma_wait3A_164 = arith.constant 0 : i32
        %dma_wait3A_165 = arith.constant 0 : i32
        %dma_wait3A_166 = tpu.memref_slice %arg9[%dma_wait3A_164, %dma_wait3A_165] : memref<2x128xi32, #tpu.memory_space<vmem>> -> memref<1x128xi32, #tpu.memory_space<vmem>>
        %dma_wait3A_167 = tpu.memref_squeeze %dma_wait3A_166 : memref<1x128xi32, #tpu.memory_space<vmem>> -> memref<128xi32, #tpu.memory_space<vmem>>
        %dma_wait3A_168 = arith.constant 0 : i32
        %dma_wait3A_169 = arith.constant 0 : i32
        %dma_wait3A_170 = tpu.memref_slice %arg2[%dma_wait3A_168, %dma_wait3A_169] : memref<10000x128xf32, #tpu.memory_space<hbm>> -> memref<10000x128xf32, #tpu.memory_space<hbm>>
        tpu.wait_indirect_dma semaphore(%arg16 : memref<!tpu.dma_semaphore, #tpu.memory_space<semaphore_mem>>) src(%dma_wait3A_170 : memref<10000x128xf32, #tpu.memory_space<hbm>>) dst(%arg12 : memref<128x128xf32, #tpu.memory_space<vmem>>)
        %dma_start3A_171 = arith.constant 1 : i32
        %dma_start3A_172 = arith.constant 0 : i32
        %dma_start3A_173 = tpu.memref_slice %arg9[%dma_start3A_171, %dma_start3A_172] : memref<2x128xi32, #tpu.memory_space<vmem>> -> memref<1x128xi32, #tpu.memory_space<vmem>>
        %dma_start3A_174 = tpu.memref_squeeze %dma_start3A_173 : memref<1x128xi32, #tpu.memory_space<vmem>> -> memref<128xi32, #tpu.memory_space<vmem>>
        %dma_start3A_175 = arith.constant 0 : i32
        %dma_start3A_176 = arith.constant 0 : i32
        %dma_start3A_177 = tpu.memref_slice %arg13[%dma_start3A_175, %dma_start3A_176] : memref<10000x128xf32, #tpu.memory_space<vmem_shared>> -> memref<10000x128xf32, #tpu.memory_space<vmem_shared>>
        tpu.enqueue_indirect_dma source(%arg12 : memref<128x128xf32, #tpu.memory_space<vmem>>) target(%dma_start3A_177 : memref<10000x128xf32, #tpu.memory_space<vmem_shared>>) offsets(%dma_start3A_174 : memref<128xi32, #tpu.memory_space<vmem>>) semaphore(%arg19 : memref<!tpu.dma_semaphore, #tpu.memory_space<semaphore_mem>>) {add = true}
      }
      %gt3A = arith.constant 0 : i32
      %gt3A_76 = arith.cmpi sgt, %select_n3A_66, %gt3A : i32
      %convert_element_type3A_77 = arith.extui %gt3A_76 : i1 to i32
      %cond3A_78 = arith.constant 0 : i32
      %cond3A_79 = arith.cmpi ne, %convert_element_type3A_77, %cond3A_78 : i32
      scf.if %cond3A_79 {
        %dma_wait3A = arith.constant 1 : i32
        %dma_wait3A_90 = arith.constant 0 : i32
        %dma_wait3A_91 = tpu.memref_slice %arg7[%dma_wait3A, %dma_wait3A_90] : memref<2x128xi32, #tpu.memory_space<vmem>> -> memref<1x128xi32, #tpu.memory_space<vmem>>
        %dma_wait3A_92 = tpu.memref_squeeze %dma_wait3A_91 : memref<1x128xi32, #tpu.memory_space<vmem>> -> memref<128xi32, #tpu.memory_space<vmem>>
        %dma_wait3A_93 = arith.constant 0 : i32
        %dma_wait3A_94 = arith.constant 0 : i32
        %dma_wait3A_95 = tpu.memref_slice %arg13[%dma_wait3A_93, %dma_wait3A_94] : memref<10000x128xf32, #tpu.memory_space<vmem_shared>> -> memref<10000x128xf32, #tpu.memory_space<vmem_shared>>
        tpu.wait_indirect_dma semaphore(%arg17 : memref<!tpu.dma_semaphore, #tpu.memory_space<semaphore_mem>>) src(%arg10 : memref<128x128xf32, #tpu.memory_space<vmem>>) dst(%dma_wait3A_95 : memref<10000x128xf32, #tpu.memory_space<vmem_shared>>)
        %dma_wait3A_96 = arith.constant 1 : i32
        %dma_wait3A_97 = arith.constant 0 : i32
        %dma_wait3A_98 = tpu.memref_slice %arg8[%dma_wait3A_96, %dma_wait3A_97] : memref<2x128xi32, #tpu.memory_space<vmem>> -> memref<1x128xi32, #tpu.memory_space<vmem>>
        %dma_wait3A_99 = tpu.memref_squeeze %dma_wait3A_98 : memref<1x128xi32, #tpu.memory_space<vmem>> -> memref<128xi32, #tpu.memory_space<vmem>>
        %dma_wait3A_100 = arith.constant 0 : i32
        %dma_wait3A_101 = arith.constant 0 : i32
        %dma_wait3A_102 = tpu.memref_slice %arg13[%dma_wait3A_100, %dma_wait3A_101] : memref<10000x128xf32, #tpu.memory_space<vmem_shared>> -> memref<10000x128xf32, #tpu.memory_space<vmem_shared>>
        tpu.wait_indirect_dma semaphore(%arg18 : memref<!tpu.dma_semaphore, #tpu.memory_space<semaphore_mem>>) src(%arg11 : memref<128x128xf32, #tpu.memory_space<vmem>>) dst(%dma_wait3A_102 : memref<10000x128xf32, #tpu.memory_space<vmem_shared>>)
        %dma_wait3A_103 = arith.constant 1 : i32
        %dma_wait3A_104 = arith.constant 0 : i32
        %dma_wait3A_105 = tpu.memref_slice %arg9[%dma_wait3A_103, %dma_wait3A_104] : memref<2x128xi32, #tpu.memory_space<vmem>> -> memref<1x128xi32, #tpu.memory_space<vmem>>
        %dma_wait3A_106 = tpu.memref_squeeze %dma_wait3A_105 : memref<1x128xi32, #tpu.memory_space<vmem>> -> memref<128xi32, #tpu.memory_space<vmem>>
        %dma_wait3A_107 = arith.constant 0 : i32
        %dma_wait3A_108 = arith.constant 0 : i32
        %dma_wait3A_109 = tpu.memref_slice %arg13[%dma_wait3A_107, %dma_wait3A_108] : memref<10000x128xf32, #tpu.memory_space<vmem_shared>> -> memref<10000x128xf32, #tpu.memory_space<vmem_shared>>
        tpu.wait_indirect_dma semaphore(%arg19 : memref<!tpu.dma_semaphore, #tpu.memory_space<semaphore_mem>>) src(%arg12 : memref<128x128xf32, #tpu.memory_space<vmem>>) dst(%dma_wait3A_109 : memref<10000x128xf32, #tpu.memory_space<vmem_shared>>)
      } else {
      }
      %mul3A = arith.constant 3 : i32
      %mul3A_80 = arith.muli %select_n3A_66, %mul3A : i32
      %while3A_81 = arith.constant 0 : i32
      %while3A_82 = arith.subi %select_n3A, %mul3A_80 : i32
      %while3A_83 = arith.addi %mul3A_80, %while3A_82 : i32
      %while3A_84 = arith.constant 1 : i32
      %while3A_85 = arith.divsi %while3A_82, %while3A_84 : i32
      %while3A_86 = arith.muli %while3A_85, %while3A_84 : i32
      %while3A_87 = arith.addi %mul3A_80, %while3A_86 : i32
      %while3A_88 = arith.constant 1 : i32
      scf.for %while3A_90 = %mul3A_80 to %while3A_87 step %while3A_88  : i32 {
        %mul3A_91 = arith.constant 16 : i32
        %mul3A_92 = arith.muli %while3A_90, %mul3A_91 : i32
        %add3A_93 = arith.addi %mul3A_92, %arg1 : i32
        "tpu.region"() ({
          %run_scoped3A_106 = tpu.sem_alloc : memref<!tpu.dma_semaphore, #tpu.memory_space<semaphore_mem>>
          %dma_start3A_107 = arith.constant 0 : i32
          %dma_start3A_108 = arith.constant 0 : i32
          %dma_start3A_109 = tpu.memref_slice %arg4[%add3A_93, %dma_start3A_107, %dma_start3A_108] : memref<1250x2x128xi32, #tpu.memory_space<hbm>> -> memref<1x2x128xi32, #tpu.memory_space<hbm>>
          %dma_start3A_110 = tpu.memref_squeeze %dma_start3A_109 : memref<1x2x128xi32, #tpu.memory_space<hbm>> -> memref<2x128xi32, #tpu.memory_space<hbm>>
          %dma_start3A_111 = arith.constant 0 : i32
          %dma_start3A_112 = arith.constant 0 : i32
          %dma_start3A_113 = tpu.memref_slice %arg4[%add3A_93, %dma_start3A_111, %dma_start3A_112] : memref<1250x2x128xi32, #tpu.memory_space<hbm>> -> memref<1x2x128xi32, #tpu.memory_space<hbm>>
          %dma_start3A_114 = tpu.memref_squeeze %dma_start3A_113 : memref<1x2x128xi32, #tpu.memory_space<hbm>> -> memref<2x128xi32, #tpu.memory_space<hbm>>
          tpu.enqueue_dma source(%dma_start3A_114 : memref<2x128xi32, #tpu.memory_space<hbm>>) target(%arg7 : memref<2x128xi32, #tpu.memory_space<vmem>>) target_semaphore(%run_scoped3A_106 : memref<!tpu.dma_semaphore, #tpu.memory_space<semaphore_mem>>)
          %dma_wait3A_115 = arith.constant 0 : i32
          %dma_wait3A_116 = arith.constant 0 : i32
          %dma_wait3A_117 = tpu.memref_slice %arg4[%add3A_93, %dma_wait3A_115, %dma_wait3A_116] : memref<1250x2x128xi32, #tpu.memory_space<hbm>> -> memref<1x2x128xi32, #tpu.memory_space<hbm>>
          %dma_wait3A_118 = tpu.memref_squeeze %dma_wait3A_117 : memref<1x2x128xi32, #tpu.memory_space<hbm>> -> memref<2x128xi32, #tpu.memory_space<hbm>>
          %dma_wait3A_119 = arith.constant 0 : i32
          %dma_wait3A_120 = arith.constant 0 : i32
          %dma_wait3A_121 = tpu.memref_slice %arg4[%add3A_93, %dma_wait3A_119, %dma_wait3A_120] : memref<1250x2x128xi32, #tpu.memory_space<hbm>> -> memref<1x2x128xi32, #tpu.memory_space<hbm>>
          %dma_wait3A_122 = tpu.memref_squeeze %dma_wait3A_121 : memref<1x2x128xi32, #tpu.memory_space<hbm>> -> memref<2x128xi32, #tpu.memory_space<hbm>>
          tpu.wait_dma2 semaphore(%run_scoped3A_106 : memref<!tpu.dma_semaphore, #tpu.memory_space<semaphore_mem>>) src(%dma_wait3A_122 : memref<2x128xi32, #tpu.memory_space<hbm>>) dst(%arg7 : memref<2x128xi32, #tpu.memory_space<vmem>>)
          tpu.yield
        }) : () -> ()
        %dma_start3A = arith.constant 0 : i32
        %dma_start3A_94 = arith.constant 0 : i32
        %dma_start3A_95 = tpu.memref_slice %arg7[%dma_start3A, %dma_start3A_94] : memref<2x128xi32, #tpu.memory_space<vmem>> -> memref<1x128xi32, #tpu.memory_space<vmem>>
        %dma_start3A_96 = tpu.memref_squeeze %dma_start3A_95 : memref<1x128xi32, #tpu.memory_space<vmem>> -> memref<128xi32, #tpu.memory_space<vmem>>
        %dma_start3A_97 = arith.constant 0 : i32
        %dma_start3A_98 = arith.constant 0 : i32
        %dma_start3A_99 = tpu.memref_slice %arg2[%dma_start3A_97, %dma_start3A_98] : memref<10000x128xf32, #tpu.memory_space<hbm>> -> memref<10000x128xf32, #tpu.memory_space<hbm>>
        tpu.enqueue_indirect_dma source(%dma_start3A_99 : memref<10000x128xf32, #tpu.memory_space<hbm>>) target(%arg10 : memref<128x128xf32, #tpu.memory_space<vmem>>) offsets(%dma_start3A_96 : memref<128xi32, #tpu.memory_space<vmem>>) semaphore(%arg14 : memref<!tpu.dma_semaphore, #tpu.memory_space<semaphore_mem>>)
        %dma_wait3A = arith.constant 0 : i32
        %dma_wait3A_100 = arith.constant 0 : i32
        %dma_wait3A_101 = tpu.memref_slice %arg7[%dma_wait3A, %dma_wait3A_100] : memref<2x128xi32, #tpu.memory_space<vmem>> -> memref<1x128xi32, #tpu.memory_space<vmem>>
        %dma_wait3A_102 = tpu.memref_squeeze %dma_wait3A_101 : memref<1x128xi32, #tpu.memory_space<vmem>> -> memref<128xi32, #tpu.memory_space<vmem>>
        %dma_wait3A_103 = arith.constant 0 : i32
        %dma_wait3A_104 = arith.constant 0 : i32
        %dma_wait3A_105 = tpu.memref_slice %arg2[%dma_wait3A_103, %dma_wait3A_104] : memref<10000x128xf32, #tpu.memory_space<hbm>> -> memref<10000x128xf32, #tpu.memory_space<hbm>>
        tpu.wait_indirect_dma semaphore(%arg14 : memref<!tpu.dma_semaphore, #tpu.memory_space<semaphore_mem>>) src(%dma_wait3A_105 : memref<10000x128xf32, #tpu.memory_space<hbm>>) dst(%arg10 : memref<128x128xf32, #tpu.memory_space<vmem>>)
        %run_scoped3A = arith.constant 1 : i32
        "tpu.region"() ({
          %run_scoped3A_106 = tpu.sem_alloc : memref<!tpu.dma_semaphore, #tpu.memory_space<semaphore_mem>>
          %dma_start3A_107 = arith.constant 0 : i32
          %dma_start3A_108 = tpu.memref_slice %arg7[%run_scoped3A, %dma_start3A_107] : memref<2x128xi32, #tpu.memory_space<vmem>> -> memref<1x128xi32, #tpu.memory_space<vmem>>
          %dma_start3A_109 = tpu.memref_squeeze %dma_start3A_108 : memref<1x128xi32, #tpu.memory_space<vmem>> -> memref<128xi32, #tpu.memory_space<vmem>>
          %dma_start3A_110 = arith.constant 0 : i32
          %dma_start3A_111 = arith.constant 0 : i32
          %dma_start3A_112 = tpu.memref_slice %arg13[%dma_start3A_110, %dma_start3A_111] : memref<10000x128xf32, #tpu.memory_space<vmem_shared>> -> memref<10000x128xf32, #tpu.memory_space<vmem_shared>>
          tpu.enqueue_indirect_dma source(%arg10 : memref<128x128xf32, #tpu.memory_space<vmem>>) target(%dma_start3A_112 : memref<10000x128xf32, #tpu.memory_space<vmem_shared>>) offsets(%dma_start3A_109 : memref<128xi32, #tpu.memory_space<vmem>>) semaphore(%run_scoped3A_106 : memref<!tpu.dma_semaphore, #tpu.memory_space<semaphore_mem>>) {add = true}
          %dma_wait3A_113 = arith.constant 0 : i32
          %dma_wait3A_114 = tpu.memref_slice %arg7[%run_scoped3A, %dma_wait3A_113] : memref<2x128xi32, #tpu.memory_space<vmem>> -> memref<1x128xi32, #tpu.memory_space<vmem>>
          %dma_wait3A_115 = tpu.memref_squeeze %dma_wait3A_114 : memref<1x128xi32, #tpu.memory_space<vmem>> -> memref<128xi32, #tpu.memory_space<vmem>>
          %dma_wait3A_116 = arith.constant 0 : i32
          %dma_wait3A_117 = arith.constant 0 : i32
          %dma_wait3A_118 = tpu.memref_slice %arg13[%dma_wait3A_116, %dma_wait3A_117] : memref<10000x128xf32, #tpu.memory_space<vmem_shared>> -> memref<10000x128xf32, #tpu.memory_space<vmem_shared>>
          tpu.wait_indirect_dma semaphore(%run_scoped3A_106 : memref<!tpu.dma_semaphore, #tpu.memory_space<semaphore_mem>>) src(%arg10 : memref<128x128xf32, #tpu.memory_space<vmem>>) dst(%dma_wait3A_118 : memref<10000x128xf32, #tpu.memory_space<vmem_shared>>)
          tpu.yield
        }) : () -> ()
      }
      %while3A_89 = arith.constant 1 : i32
      scf.for %while3A_90 = %while3A_87 to %while3A_83 step %while3A_89  : i32 {
        %mul3A_91 = arith.constant 16 : i32
        %mul3A_92 = arith.muli %while3A_90, %mul3A_91 : i32
        %add3A_93 = arith.addi %mul3A_92, %arg1 : i32
        "tpu.region"() ({
          %run_scoped3A_106 = tpu.sem_alloc : memref<!tpu.dma_semaphore, #tpu.memory_space<semaphore_mem>>
          %dma_start3A_107 = arith.constant 0 : i32
          %dma_start3A_108 = arith.constant 0 : i32
          %dma_start3A_109 = tpu.memref_slice %arg4[%add3A_93, %dma_start3A_107, %dma_start3A_108] : memref<1250x2x128xi32, #tpu.memory_space<hbm>> -> memref<1x2x128xi32, #tpu.memory_space<hbm>>
          %dma_start3A_110 = tpu.memref_squeeze %dma_start3A_109 : memref<1x2x128xi32, #tpu.memory_space<hbm>> -> memref<2x128xi32, #tpu.memory_space<hbm>>
          %dma_start3A_111 = arith.constant 0 : i32
          %dma_start3A_112 = arith.constant 0 : i32
          %dma_start3A_113 = tpu.memref_slice %arg4[%add3A_93, %dma_start3A_111, %dma_start3A_112] : memref<1250x2x128xi32, #tpu.memory_space<hbm>> -> memref<1x2x128xi32, #tpu.memory_space<hbm>>
          %dma_start3A_114 = tpu.memref_squeeze %dma_start3A_113 : memref<1x2x128xi32, #tpu.memory_space<hbm>> -> memref<2x128xi32, #tpu.memory_space<hbm>>
          tpu.enqueue_dma source(%dma_start3A_114 : memref<2x128xi32, #tpu.memory_space<hbm>>) target(%arg7 : memref<2x128xi32, #tpu.memory_space<vmem>>) target_semaphore(%run_scoped3A_106 : memref<!tpu.dma_semaphore, #tpu.memory_space<semaphore_mem>>)
          %dma_wait3A_115 = arith.constant 0 : i32
          %dma_wait3A_116 = arith.constant 0 : i32
          %dma_wait3A_117 = tpu.memref_slice %arg4[%add3A_93, %dma_wait3A_115, %dma_wait3A_116] : memref<1250x2x128xi32, #tpu.memory_space<hbm>> -> memref<1x2x128xi32, #tpu.memory_space<hbm>>
          %dma_wait3A_118 = tpu.memref_squeeze %dma_wait3A_117 : memref<1x2x128xi32, #tpu.memory_space<hbm>> -> memref<2x128xi32, #tpu.memory_space<hbm>>
          %dma_wait3A_119 = arith.constant 0 : i32
          %dma_wait3A_120 = arith.constant 0 : i32
          %dma_wait3A_121 = tpu.memref_slice %arg4[%add3A_93, %dma_wait3A_119, %dma_wait3A_120] : memref<1250x2x128xi32, #tpu.memory_space<hbm>> -> memref<1x2x128xi32, #tpu.memory_space<hbm>>
          %dma_wait3A_122 = tpu.memref_squeeze %dma_wait3A_121 : memref<1x2x128xi32, #tpu.memory_space<hbm>> -> memref<2x128xi32, #tpu.memory_space<hbm>>
          tpu.wait_dma2 semaphore(%run_scoped3A_106 : memref<!tpu.dma_semaphore, #tpu.memory_space<semaphore_mem>>) src(%dma_wait3A_122 : memref<2x128xi32, #tpu.memory_space<hbm>>) dst(%arg7 : memref<2x128xi32, #tpu.memory_space<vmem>>)
          tpu.yield
        }) : () -> ()
        %dma_start3A = arith.constant 0 : i32
        %dma_start3A_94 = arith.constant 0 : i32
        %dma_start3A_95 = tpu.memref_slice %arg7[%dma_start3A, %dma_start3A_94] : memref<2x128xi32, #tpu.memory_space<vmem>> -> memref<1x128xi32, #tpu.memory_space<vmem>>
        %dma_start3A_96 = tpu.memref_squeeze %dma_start3A_95 : memref<1x128xi32, #tpu.memory_space<vmem>> -> memref<128xi32, #tpu.memory_space<vmem>>
        %dma_start3A_97 = arith.constant 0 : i32
        %dma_start3A_98 = arith.constant 0 : i32
        %dma_start3A_99 = tpu.memref_slice %arg2[%dma_start3A_97, %dma_start3A_98] : memref<10000x128xf32, #tpu.memory_space<hbm>> -> memref<10000x128xf32, #tpu.memory_space<hbm>>
        tpu.enqueue_indirect_dma source(%dma_start3A_99 : memref<10000x128xf32, #tpu.memory_space<hbm>>) target(%arg10 : memref<128x128xf32, #tpu.memory_space<vmem>>) offsets(%dma_start3A_96 : memref<128xi32, #tpu.memory_space<vmem>>) semaphore(%arg14 : memref<!tpu.dma_semaphore, #tpu.memory_space<semaphore_mem>>)
        %dma_wait3A = arith.constant 0 : i32
        %dma_wait3A_100 = arith.constant 0 : i32
        %dma_wait3A_101 = tpu.memref_slice %arg7[%dma_wait3A, %dma_wait3A_100] : memref<2x128xi32, #tpu.memory_space<vmem>> -> memref<1x128xi32, #tpu.memory_space<vmem>>
        %dma_wait3A_102 = tpu.memref_squeeze %dma_wait3A_101 : memref<1x128xi32, #tpu.memory_space<vmem>> -> memref<128xi32, #tpu.memory_space<vmem>>
        %dma_wait3A_103 = arith.constant 0 : i32
        %dma_wait3A_104 = arith.constant 0 : i32
        %dma_wait3A_105 = tpu.memref_slice %arg2[%dma_wait3A_103, %dma_wait3A_104] : memref<10000x128xf32, #tpu.memory_space<hbm>> -> memref<10000x128xf32, #tpu.memory_space<hbm>>
        tpu.wait_indirect_dma semaphore(%arg14 : memref<!tpu.dma_semaphore, #tpu.memory_space<semaphore_mem>>) src(%dma_wait3A_105 : memref<10000x128xf32, #tpu.memory_space<hbm>>) dst(%arg10 : memref<128x128xf32, #tpu.memory_space<vmem>>)
        %run_scoped3A = arith.constant 1 : i32
        "tpu.region"() ({
          %run_scoped3A_106 = tpu.sem_alloc : memref<!tpu.dma_semaphore, #tpu.memory_space<semaphore_mem>>
          %dma_start3A_107 = arith.constant 0 : i32
          %dma_start3A_108 = tpu.memref_slice %arg7[%run_scoped3A, %dma_start3A_107] : memref<2x128xi32, #tpu.memory_space<vmem>> -> memref<1x128xi32, #tpu.memory_space<vmem>>
          %dma_start3A_109 = tpu.memref_squeeze %dma_start3A_108 : memref<1x128xi32, #tpu.memory_space<vmem>> -> memref<128xi32, #tpu.memory_space<vmem>>
          %dma_start3A_110 = arith.constant 0 : i32
          %dma_start3A_111 = arith.constant 0 : i32
          %dma_start3A_112 = tpu.memref_slice %arg13[%dma_start3A_110, %dma_start3A_111] : memref<10000x128xf32, #tpu.memory_space<vmem_shared>> -> memref<10000x128xf32, #tpu.memory_space<vmem_shared>>
          tpu.enqueue_indirect_dma source(%arg10 : memref<128x128xf32, #tpu.memory_space<vmem>>) target(%dma_start3A_112 : memref<10000x128xf32, #tpu.memory_space<vmem_shared>>) offsets(%dma_start3A_109 : memref<128xi32, #tpu.memory_space<vmem>>) semaphore(%run_scoped3A_106 : memref<!tpu.dma_semaphore, #tpu.memory_space<semaphore_mem>>) {add = true}
          %dma_wait3A_113 = arith.constant 0 : i32
          %dma_wait3A_114 = tpu.memref_slice %arg7[%run_scoped3A, %dma_wait3A_113] : memref<2x128xi32, #tpu.memory_space<vmem>> -> memref<1x128xi32, #tpu.memory_space<vmem>>
          %dma_wait3A_115 = tpu.memref_squeeze %dma_wait3A_114 : memref<1x128xi32, #tpu.memory_space<vmem>> -> memref<128xi32, #tpu.memory_space<vmem>>
          %dma_wait3A_116 = arith.constant 0 : i32
          %dma_wait3A_117 = arith.constant 0 : i32
          %dma_wait3A_118 = tpu.memref_slice %arg13[%dma_wait3A_116, %dma_wait3A_117] : memref<10000x128xf32, #tpu.memory_space<vmem_shared>> -> memref<10000x128xf32, #tpu.memory_space<vmem_shared>>
          tpu.wait_indirect_dma semaphore(%run_scoped3A_106 : memref<!tpu.dma_semaphore, #tpu.memory_space<semaphore_mem>>) src(%arg10 : memref<128x128xf32, #tpu.memory_space<vmem>>) dst(%dma_wait3A_118 : memref<10000x128xf32, #tpu.memory_space<vmem_shared>>)
          tpu.yield
        }) : () -> ()
      }
    } else {
    }
    %eq3A_11 = arith.constant 1 : i32
    %eq3A_12 = arith.cmpi eq, %arg0, %eq3A_11 : i32
    %convert_element_type3A_13 = arith.extui %eq3A_12 : i1 to i32
    %cond3A_14 = arith.constant 0 : i32
    %cond3A_15 = arith.cmpi ne, %convert_element_type3A_13, %cond3A_14 : i32
    scf.if %cond3A_15 {
      %sub3A = arith.constant 1250 : i32
      %sub3A_22 = arith.subi %sub3A, %arg1 : i32
      %add3A = arith.constant 16 : i32
      %add3A_23 = arith.addi %sub3A_22, %add3A : i32
      %sub3A_24 = arith.constant 1 : i32
      %sub3A_25 = arith.subi %add3A_23, %sub3A_24 : i32
      %jit3A = arith.constant 16 : i32
      %div3A = arith.divsi %sub3A_25, %jit3A : i32
      %sign3A = arith.constant 0 : i32
      %sign3A_26 = arith.cmpi sgt, %sub3A_25, %sign3A : i32
      %sign3A_27 = arith.extui %sign3A_26 : i1 to i32
      %sign3A_28 = arith.constant 0 : i32
      %sign3A_29 = arith.cmpi slt, %sub3A_25, %sign3A_28 : i32
      %sign3A_30 = arith.extui %sign3A_29 : i1 to i32
      %sign3A_31 = arith.subi %sign3A_27, %sign3A_30 : i32
      %sign3A_32 = arith.constant 0 : i32
      %sign3A_33 = arith.cmpi sgt, %jit3A, %sign3A_32 : i32
      %sign3A_34 = arith.extui %sign3A_33 : i1 to i32
      %sign3A_35 = arith.constant 0 : i32
      %sign3A_36 = arith.cmpi slt, %jit3A, %sign3A_35 : i32
      %sign3A_37 = arith.extui %sign3A_36 : i1 to i32
      %sign3A_38 = arith.subi %sign3A_34, %sign3A_37 : i32
      %ne3A = arith.cmpi ne, %sign3A_31, %sign3A_38 : i32
      %rem3A = arith.remsi %sub3A_25, %jit3A : i32
      %ne3A_39 = arith.constant 0 : i32
      %ne3A_40 = arith.cmpi ne, %rem3A, %ne3A_39 : i32
      %and3A = arith.andi %ne3A, %ne3A_40 : i1
      %sub3A_41 = arith.constant 1 : i32
      %sub3A_42 = arith.subi %div3A, %sub3A_41 : i32
      %select_n3A = arith.select %and3A, %sub3A_42, %div3A : i32
      %jit3A_43 = arith.constant 3 : i32
      %div3A_44 = arith.divsi %select_n3A, %jit3A_43 : i32
      %sign3A_45 = arith.constant 0 : i32
      %sign3A_46 = arith.cmpi sgt, %select_n3A, %sign3A_45 : i32
      %sign3A_47 = arith.extui %sign3A_46 : i1 to i32
      %sign3A_48 = arith.constant 0 : i32
      %sign3A_49 = arith.cmpi slt, %select_n3A, %sign3A_48 : i32
      %sign3A_50 = arith.extui %sign3A_49 : i1 to i32
      %sign3A_51 = arith.subi %sign3A_47, %sign3A_50 : i32
      %sign3A_52 = arith.constant 0 : i32
      %sign3A_53 = arith.cmpi sgt, %jit3A_43, %sign3A_52 : i32
      %sign3A_54 = arith.extui %sign3A_53 : i1 to i32
      %sign3A_55 = arith.constant 0 : i32
      %sign3A_56 = arith.cmpi slt, %jit3A_43, %sign3A_55 : i32
      %sign3A_57 = arith.extui %sign3A_56 : i1 to i32
      %sign3A_58 = arith.subi %sign3A_54, %sign3A_57 : i32
      %ne3A_59 = arith.cmpi ne, %sign3A_51, %sign3A_58 : i32
      %rem3A_60 = arith.remsi %select_n3A, %jit3A_43 : i32
      %ne3A_61 = arith.constant 0 : i32
      %ne3A_62 = arith.cmpi ne, %rem3A_60, %ne3A_61 : i32
      %and3A_63 = arith.andi %ne3A_59, %ne3A_62 : i1
      %sub3A_64 = arith.constant 1 : i32
      %sub3A_65 = arith.subi %div3A_44, %sub3A_64 : i32
      %select_n3A_66 = arith.select %and3A_63, %sub3A_65, %div3A_44 : i32
      %while3A = arith.constant 0 : i32
      %while3A_67 = arith.constant 0 : i32
      %while3A_68 = arith.subi %select_n3A_66, %while3A_67 : i32
      %while3A_69 = arith.addi %while3A_67, %while3A_68 : i32
      %while3A_70 = arith.constant 1 : i32
      %while3A_71 = arith.divsi %while3A_68, %while3A_70 : i32
      %while3A_72 = arith.muli %while3A_71, %while3A_70 : i32
      %while3A_73 = arith.addi %while3A_67, %while3A_72 : i32
      %while3A_74 = arith.constant 1 : i32
      scf.for %while3A_90 = %while3A_67 to %while3A_73 step %while3A_74  : i32 {
        %mul3A_91 = arith.constant 3 : i32
        %mul3A_92 = arith.muli %mul3A_91, %while3A_90 : i32
        %mul3A_93 = arith.constant 16 : i32
        %mul3A_94 = arith.muli %mul3A_92, %mul3A_93 : i32
        %add3A_95 = arith.addi %mul3A_94, %arg1 : i32
        %gt3A_96 = arith.constant 0 : i32
        %gt3A_97 = arith.cmpi sgt, %while3A_90, %gt3A_96 : i32
        %convert_element_type3A_98 = arith.extui %gt3A_97 : i1 to i32
        %cond3A_99 = arith.constant 0 : i32
        %cond3A_100 = arith.cmpi ne, %convert_element_type3A_98, %cond3A_99 : i32
        scf.if %cond3A_100 {
          %dma_wait3A_178 = arith.constant 1 : i32
          %dma_wait3A_179 = arith.constant 0 : i32
          %dma_wait3A_180 = tpu.memref_slice %arg7[%dma_wait3A_178, %dma_wait3A_179] : memref<2x128xi32, #tpu.memory_space<vmem>> -> memref<1x128xi32, #tpu.memory_space<vmem>>
          %dma_wait3A_181 = tpu.memref_squeeze %dma_wait3A_180 : memref<1x128xi32, #tpu.memory_space<vmem>> -> memref<128xi32, #tpu.memory_space<vmem>>
          %dma_wait3A_182 = arith.constant 0 : i32
          %dma_wait3A_183 = arith.constant 0 : i32
          %dma_wait3A_184 = tpu.memref_slice %arg13[%dma_wait3A_182, %dma_wait3A_183] : memref<10000x128xf32, #tpu.memory_space<vmem_shared>> -> memref<10000x128xf32, #tpu.memory_space<vmem_shared>>
          tpu.wait_indirect_dma semaphore(%arg17 : memref<!tpu.dma_semaphore, #tpu.memory_space<semaphore_mem>>) src(%arg10 : memref<128x128xf32, #tpu.memory_space<vmem>>) dst(%dma_wait3A_184 : memref<10000x128xf32, #tpu.memory_space<vmem_shared>>)
        } else {
        }
        %add3A_101 = arith.constant 0 : i32
        %add3A_102 = arith.addi %add3A_95, %add3A_101 : i32
        "tpu.region"() ({
          %run_scoped3A = tpu.sem_alloc : memref<!tpu.dma_semaphore, #tpu.memory_space<semaphore_mem>>
          %dma_start3A_178 = arith.constant 0 : i32
          %dma_start3A_179 = arith.constant 0 : i32
          %dma_start3A_180 = tpu.memref_slice %arg4[%add3A_102, %dma_start3A_178, %dma_start3A_179] : memref<1250x2x128xi32, #tpu.memory_space<hbm>> -> memref<1x2x128xi32, #tpu.memory_space<hbm>>
          %dma_start3A_181 = tpu.memref_squeeze %dma_start3A_180 : memref<1x2x128xi32, #tpu.memory_space<hbm>> -> memref<2x128xi32, #tpu.memory_space<hbm>>
          %dma_start3A_182 = arith.constant 0 : i32
          %dma_start3A_183 = arith.constant 0 : i32
          %dma_start3A_184 = tpu.memref_slice %arg4[%add3A_102, %dma_start3A_182, %dma_start3A_183] : memref<1250x2x128xi32, #tpu.memory_space<hbm>> -> memref<1x2x128xi32, #tpu.memory_space<hbm>>
          %dma_start3A_185 = tpu.memref_squeeze %dma_start3A_184 : memref<1x2x128xi32, #tpu.memory_space<hbm>> -> memref<2x128xi32, #tpu.memory_space<hbm>>
          tpu.enqueue_dma source(%dma_start3A_185 : memref<2x128xi32, #tpu.memory_space<hbm>>) target(%arg7 : memref<2x128xi32, #tpu.memory_space<vmem>>) target_semaphore(%run_scoped3A : memref<!tpu.dma_semaphore, #tpu.memory_space<semaphore_mem>>)
          %dma_wait3A_186 = arith.constant 0 : i32
          %dma_wait3A_187 = arith.constant 0 : i32
          %dma_wait3A_188 = tpu.memref_slice %arg4[%add3A_102, %dma_wait3A_186, %dma_wait3A_187] : memref<1250x2x128xi32, #tpu.memory_space<hbm>> -> memref<1x2x128xi32, #tpu.memory_space<hbm>>
          %dma_wait3A_189 = tpu.memref_squeeze %dma_wait3A_188 : memref<1x2x128xi32, #tpu.memory_space<hbm>> -> memref<2x128xi32, #tpu.memory_space<hbm>>
          %dma_wait3A_190 = arith.constant 0 : i32
          %dma_wait3A_191 = arith.constant 0 : i32
          %dma_wait3A_192 = tpu.memref_slice %arg4[%add3A_102, %dma_wait3A_190, %dma_wait3A_191] : memref<1250x2x128xi32, #tpu.memory_space<hbm>> -> memref<1x2x128xi32, #tpu.memory_space<hbm>>
          %dma_wait3A_193 = tpu.memref_squeeze %dma_wait3A_192 : memref<1x2x128xi32, #tpu.memory_space<hbm>> -> memref<2x128xi32, #tpu.memory_space<hbm>>
          tpu.wait_dma2 semaphore(%run_scoped3A : memref<!tpu.dma_semaphore, #tpu.memory_space<semaphore_mem>>) src(%dma_wait3A_193 : memref<2x128xi32, #tpu.memory_space<hbm>>) dst(%arg7 : memref<2x128xi32, #tpu.memory_space<vmem>>)
          tpu.yield
        }) : () -> ()
        %dma_start3A = arith.constant 0 : i32
        %dma_start3A_103 = arith.constant 0 : i32
        %dma_start3A_104 = tpu.memref_slice %arg7[%dma_start3A, %dma_start3A_103] : memref<2x128xi32, #tpu.memory_space<vmem>> -> memref<1x128xi32, #tpu.memory_space<vmem>>
        %dma_start3A_105 = tpu.memref_squeeze %dma_start3A_104 : memref<1x128xi32, #tpu.memory_space<vmem>> -> memref<128xi32, #tpu.memory_space<vmem>>
        %dma_start3A_106 = arith.constant 0 : i32
        %dma_start3A_107 = arith.constant 0 : i32
        %dma_start3A_108 = tpu.memref_slice %arg3[%dma_start3A_106, %dma_start3A_107] : memref<10000x128xf32, #tpu.memory_space<hbm>> -> memref<10000x128xf32, #tpu.memory_space<hbm>>
        tpu.enqueue_indirect_dma source(%dma_start3A_108 : memref<10000x128xf32, #tpu.memory_space<hbm>>) target(%arg10 : memref<128x128xf32, #tpu.memory_space<vmem>>) offsets(%dma_start3A_105 : memref<128xi32, #tpu.memory_space<vmem>>) semaphore(%arg14 : memref<!tpu.dma_semaphore, #tpu.memory_space<semaphore_mem>>)
        %gt3A_109 = arith.constant 0 : i32
        %gt3A_110 = arith.cmpi sgt, %while3A_90, %gt3A_109 : i32
        %convert_element_type3A_111 = arith.extui %gt3A_110 : i1 to i32
        %cond3A_112 = arith.constant 0 : i32
        %cond3A_113 = arith.cmpi ne, %convert_element_type3A_111, %cond3A_112 : i32
        scf.if %cond3A_113 {
          %dma_wait3A_178 = arith.constant 1 : i32
          %dma_wait3A_179 = arith.constant 0 : i32
          %dma_wait3A_180 = tpu.memref_slice %arg8[%dma_wait3A_178, %dma_wait3A_179] : memref<2x128xi32, #tpu.memory_space<vmem>> -> memref<1x128xi32, #tpu.memory_space<vmem>>
          %dma_wait3A_181 = tpu.memref_squeeze %dma_wait3A_180 : memref<1x128xi32, #tpu.memory_space<vmem>> -> memref<128xi32, #tpu.memory_space<vmem>>
          %dma_wait3A_182 = arith.constant 0 : i32
          %dma_wait3A_183 = arith.constant 0 : i32
          %dma_wait3A_184 = tpu.memref_slice %arg13[%dma_wait3A_182, %dma_wait3A_183] : memref<10000x128xf32, #tpu.memory_space<vmem_shared>> -> memref<10000x128xf32, #tpu.memory_space<vmem_shared>>
          tpu.wait_indirect_dma semaphore(%arg18 : memref<!tpu.dma_semaphore, #tpu.memory_space<semaphore_mem>>) src(%arg11 : memref<128x128xf32, #tpu.memory_space<vmem>>) dst(%dma_wait3A_184 : memref<10000x128xf32, #tpu.memory_space<vmem_shared>>)
        } else {
        }
        %add3A_114 = arith.constant 16 : i32
        %add3A_115 = arith.addi %add3A_95, %add3A_114 : i32
        "tpu.region"() ({
          %run_scoped3A = tpu.sem_alloc : memref<!tpu.dma_semaphore, #tpu.memory_space<semaphore_mem>>
          %dma_start3A_178 = arith.constant 0 : i32
          %dma_start3A_179 = arith.constant 0 : i32
          %dma_start3A_180 = tpu.memref_slice %arg4[%add3A_115, %dma_start3A_178, %dma_start3A_179] : memref<1250x2x128xi32, #tpu.memory_space<hbm>> -> memref<1x2x128xi32, #tpu.memory_space<hbm>>
          %dma_start3A_181 = tpu.memref_squeeze %dma_start3A_180 : memref<1x2x128xi32, #tpu.memory_space<hbm>> -> memref<2x128xi32, #tpu.memory_space<hbm>>
          %dma_start3A_182 = arith.constant 0 : i32
          %dma_start3A_183 = arith.constant 0 : i32
          %dma_start3A_184 = tpu.memref_slice %arg4[%add3A_115, %dma_start3A_182, %dma_start3A_183] : memref<1250x2x128xi32, #tpu.memory_space<hbm>> -> memref<1x2x128xi32, #tpu.memory_space<hbm>>
          %dma_start3A_185 = tpu.memref_squeeze %dma_start3A_184 : memref<1x2x128xi32, #tpu.memory_space<hbm>> -> memref<2x128xi32, #tpu.memory_space<hbm>>
          tpu.enqueue_dma source(%dma_start3A_185 : memref<2x128xi32, #tpu.memory_space<hbm>>) target(%arg8 : memref<2x128xi32, #tpu.memory_space<vmem>>) target_semaphore(%run_scoped3A : memref<!tpu.dma_semaphore, #tpu.memory_space<semaphore_mem>>)
          %dma_wait3A_186 = arith.constant 0 : i32
          %dma_wait3A_187 = arith.constant 0 : i32
          %dma_wait3A_188 = tpu.memref_slice %arg4[%add3A_115, %dma_wait3A_186, %dma_wait3A_187] : memref<1250x2x128xi32, #tpu.memory_space<hbm>> -> memref<1x2x128xi32, #tpu.memory_space<hbm>>
          %dma_wait3A_189 = tpu.memref_squeeze %dma_wait3A_188 : memref<1x2x128xi32, #tpu.memory_space<hbm>> -> memref<2x128xi32, #tpu.memory_space<hbm>>
          %dma_wait3A_190 = arith.constant 0 : i32
          %dma_wait3A_191 = arith.constant 0 : i32
          %dma_wait3A_192 = tpu.memref_slice %arg4[%add3A_115, %dma_wait3A_190, %dma_wait3A_191] : memref<1250x2x128xi32, #tpu.memory_space<hbm>> -> memref<1x2x128xi32, #tpu.memory_space<hbm>>
          %dma_wait3A_193 = tpu.memref_squeeze %dma_wait3A_192 : memref<1x2x128xi32, #tpu.memory_space<hbm>> -> memref<2x128xi32, #tpu.memory_space<hbm>>
          tpu.wait_dma2 semaphore(%run_scoped3A : memref<!tpu.dma_semaphore, #tpu.memory_space<semaphore_mem>>) src(%dma_wait3A_193 : memref<2x128xi32, #tpu.memory_space<hbm>>) dst(%arg8 : memref<2x128xi32, #tpu.memory_space<vmem>>)
          tpu.yield
        }) : () -> ()
        %dma_start3A_116 = arith.constant 0 : i32
        %dma_start3A_117 = arith.constant 0 : i32
        %dma_start3A_118 = tpu.memref_slice %arg8[%dma_start3A_116, %dma_start3A_117] : memref<2x128xi32, #tpu.memory_space<vmem>> -> memref<1x128xi32, #tpu.memory_space<vmem>>
        %dma_start3A_119 = tpu.memref_squeeze %dma_start3A_118 : memref<1x128xi32, #tpu.memory_space<vmem>> -> memref<128xi32, #tpu.memory_space<vmem>>
        %dma_start3A_120 = arith.constant 0 : i32
        %dma_start3A_121 = arith.constant 0 : i32
        %dma_start3A_122 = tpu.memref_slice %arg3[%dma_start3A_120, %dma_start3A_121] : memref<10000x128xf32, #tpu.memory_space<hbm>> -> memref<10000x128xf32, #tpu.memory_space<hbm>>
        tpu.enqueue_indirect_dma source(%dma_start3A_122 : memref<10000x128xf32, #tpu.memory_space<hbm>>) target(%arg11 : memref<128x128xf32, #tpu.memory_space<vmem>>) offsets(%dma_start3A_119 : memref<128xi32, #tpu.memory_space<vmem>>) semaphore(%arg15 : memref<!tpu.dma_semaphore, #tpu.memory_space<semaphore_mem>>)
        %gt3A_123 = arith.constant 0 : i32
        %gt3A_124 = arith.cmpi sgt, %while3A_90, %gt3A_123 : i32
        %convert_element_type3A_125 = arith.extui %gt3A_124 : i1 to i32
        %cond3A_126 = arith.constant 0 : i32
        %cond3A_127 = arith.cmpi ne, %convert_element_type3A_125, %cond3A_126 : i32
        scf.if %cond3A_127 {
          %dma_wait3A_178 = arith.constant 1 : i32
          %dma_wait3A_179 = arith.constant 0 : i32
          %dma_wait3A_180 = tpu.memref_slice %arg9[%dma_wait3A_178, %dma_wait3A_179] : memref<2x128xi32, #tpu.memory_space<vmem>> -> memref<1x128xi32, #tpu.memory_space<vmem>>
          %dma_wait3A_181 = tpu.memref_squeeze %dma_wait3A_180 : memref<1x128xi32, #tpu.memory_space<vmem>> -> memref<128xi32, #tpu.memory_space<vmem>>
          %dma_wait3A_182 = arith.constant 0 : i32
          %dma_wait3A_183 = arith.constant 0 : i32
          %dma_wait3A_184 = tpu.memref_slice %arg13[%dma_wait3A_182, %dma_wait3A_183] : memref<10000x128xf32, #tpu.memory_space<vmem_shared>> -> memref<10000x128xf32, #tpu.memory_space<vmem_shared>>
          tpu.wait_indirect_dma semaphore(%arg19 : memref<!tpu.dma_semaphore, #tpu.memory_space<semaphore_mem>>) src(%arg12 : memref<128x128xf32, #tpu.memory_space<vmem>>) dst(%dma_wait3A_184 : memref<10000x128xf32, #tpu.memory_space<vmem_shared>>)
        } else {
        }
        %add3A_128 = arith.constant 32 : i32
        %add3A_129 = arith.addi %add3A_95, %add3A_128 : i32
        "tpu.region"() ({
          %run_scoped3A = tpu.sem_alloc : memref<!tpu.dma_semaphore, #tpu.memory_space<semaphore_mem>>
          %dma_start3A_178 = arith.constant 0 : i32
          %dma_start3A_179 = arith.constant 0 : i32
          %dma_start3A_180 = tpu.memref_slice %arg4[%add3A_129, %dma_start3A_178, %dma_start3A_179] : memref<1250x2x128xi32, #tpu.memory_space<hbm>> -> memref<1x2x128xi32, #tpu.memory_space<hbm>>
          %dma_start3A_181 = tpu.memref_squeeze %dma_start3A_180 : memref<1x2x128xi32, #tpu.memory_space<hbm>> -> memref<2x128xi32, #tpu.memory_space<hbm>>
          %dma_start3A_182 = arith.constant 0 : i32
          %dma_start3A_183 = arith.constant 0 : i32
          %dma_start3A_184 = tpu.memref_slice %arg4[%add3A_129, %dma_start3A_182, %dma_start3A_183] : memref<1250x2x128xi32, #tpu.memory_space<hbm>> -> memref<1x2x128xi32, #tpu.memory_space<hbm>>
          %dma_start3A_185 = tpu.memref_squeeze %dma_start3A_184 : memref<1x2x128xi32, #tpu.memory_space<hbm>> -> memref<2x128xi32, #tpu.memory_space<hbm>>
          tpu.enqueue_dma source(%dma_start3A_185 : memref<2x128xi32, #tpu.memory_space<hbm>>) target(%arg9 : memref<2x128xi32, #tpu.memory_space<vmem>>) target_semaphore(%run_scoped3A : memref<!tpu.dma_semaphore, #tpu.memory_space<semaphore_mem>>)
          %dma_wait3A_186 = arith.constant 0 : i32
          %dma_wait3A_187 = arith.constant 0 : i32
          %dma_wait3A_188 = tpu.memref_slice %arg4[%add3A_129, %dma_wait3A_186, %dma_wait3A_187] : memref<1250x2x128xi32, #tpu.memory_space<hbm>> -> memref<1x2x128xi32, #tpu.memory_space<hbm>>
          %dma_wait3A_189 = tpu.memref_squeeze %dma_wait3A_188 : memref<1x2x128xi32, #tpu.memory_space<hbm>> -> memref<2x128xi32, #tpu.memory_space<hbm>>
          %dma_wait3A_190 = arith.constant 0 : i32
          %dma_wait3A_191 = arith.constant 0 : i32
          %dma_wait3A_192 = tpu.memref_slice %arg4[%add3A_129, %dma_wait3A_190, %dma_wait3A_191] : memref<1250x2x128xi32, #tpu.memory_space<hbm>> -> memref<1x2x128xi32, #tpu.memory_space<hbm>>
          %dma_wait3A_193 = tpu.memref_squeeze %dma_wait3A_192 : memref<1x2x128xi32, #tpu.memory_space<hbm>> -> memref<2x128xi32, #tpu.memory_space<hbm>>
          tpu.wait_dma2 semaphore(%run_scoped3A : memref<!tpu.dma_semaphore, #tpu.memory_space<semaphore_mem>>) src(%dma_wait3A_193 : memref<2x128xi32, #tpu.memory_space<hbm>>) dst(%arg9 : memref<2x128xi32, #tpu.memory_space<vmem>>)
          tpu.yield
        }) : () -> ()
        %dma_start3A_130 = arith.constant 0 : i32
        %dma_start3A_131 = arith.constant 0 : i32
        %dma_start3A_132 = tpu.memref_slice %arg9[%dma_start3A_130, %dma_start3A_131] : memref<2x128xi32, #tpu.memory_space<vmem>> -> memref<1x128xi32, #tpu.memory_space<vmem>>
        %dma_start3A_133 = tpu.memref_squeeze %dma_start3A_132 : memref<1x128xi32, #tpu.memory_space<vmem>> -> memref<128xi32, #tpu.memory_space<vmem>>
        %dma_start3A_134 = arith.constant 0 : i32
        %dma_start3A_135 = arith.constant 0 : i32
        %dma_start3A_136 = tpu.memref_slice %arg3[%dma_start3A_134, %dma_start3A_135] : memref<10000x128xf32, #tpu.memory_space<hbm>> -> memref<10000x128xf32, #tpu.memory_space<hbm>>
        tpu.enqueue_indirect_dma source(%dma_start3A_136 : memref<10000x128xf32, #tpu.memory_space<hbm>>) target(%arg12 : memref<128x128xf32, #tpu.memory_space<vmem>>) offsets(%dma_start3A_133 : memref<128xi32, #tpu.memory_space<vmem>>) semaphore(%arg16 : memref<!tpu.dma_semaphore, #tpu.memory_space<semaphore_mem>>)
        %dma_wait3A = arith.constant 0 : i32
        %dma_wait3A_137 = arith.constant 0 : i32
        %dma_wait3A_138 = tpu.memref_slice %arg7[%dma_wait3A, %dma_wait3A_137] : memref<2x128xi32, #tpu.memory_space<vmem>> -> memref<1x128xi32, #tpu.memory_space<vmem>>
        %dma_wait3A_139 = tpu.memref_squeeze %dma_wait3A_138 : memref<1x128xi32, #tpu.memory_space<vmem>> -> memref<128xi32, #tpu.memory_space<vmem>>
        %dma_wait3A_140 = arith.constant 0 : i32
        %dma_wait3A_141 = arith.constant 0 : i32
        %dma_wait3A_142 = tpu.memref_slice %arg3[%dma_wait3A_140, %dma_wait3A_141] : memref<10000x128xf32, #tpu.memory_space<hbm>> -> memref<10000x128xf32, #tpu.memory_space<hbm>>
        tpu.wait_indirect_dma semaphore(%arg14 : memref<!tpu.dma_semaphore, #tpu.memory_space<semaphore_mem>>) src(%dma_wait3A_142 : memref<10000x128xf32, #tpu.memory_space<hbm>>) dst(%arg10 : memref<128x128xf32, #tpu.memory_space<vmem>>)
        %dma_start3A_143 = arith.constant 1 : i32
        %dma_start3A_144 = arith.constant 0 : i32
        %dma_start3A_145 = tpu.memref_slice %arg7[%dma_start3A_143, %dma_start3A_144] : memref<2x128xi32, #tpu.memory_space<vmem>> -> memref<1x128xi32, #tpu.memory_space<vmem>>
        %dma_start3A_146 = tpu.memref_squeeze %dma_start3A_145 : memref<1x128xi32, #tpu.memory_space<vmem>> -> memref<128xi32, #tpu.memory_space<vmem>>
        %dma_start3A_147 = arith.constant 0 : i32
        %dma_start3A_148 = arith.constant 0 : i32
        %dma_start3A_149 = tpu.memref_slice %arg13[%dma_start3A_147, %dma_start3A_148] : memref<10000x128xf32, #tpu.memory_space<vmem_shared>> -> memref<10000x128xf32, #tpu.memory_space<vmem_shared>>
        tpu.enqueue_indirect_dma source(%arg10 : memref<128x128xf32, #tpu.memory_space<vmem>>) target(%dma_start3A_149 : memref<10000x128xf32, #tpu.memory_space<vmem_shared>>) offsets(%dma_start3A_146 : memref<128xi32, #tpu.memory_space<vmem>>) semaphore(%arg17 : memref<!tpu.dma_semaphore, #tpu.memory_space<semaphore_mem>>) {add = true}
        %dma_wait3A_150 = arith.constant 0 : i32
        %dma_wait3A_151 = arith.constant 0 : i32
        %dma_wait3A_152 = tpu.memref_slice %arg8[%dma_wait3A_150, %dma_wait3A_151] : memref<2x128xi32, #tpu.memory_space<vmem>> -> memref<1x128xi32, #tpu.memory_space<vmem>>
        %dma_wait3A_153 = tpu.memref_squeeze %dma_wait3A_152 : memref<1x128xi32, #tpu.memory_space<vmem>> -> memref<128xi32, #tpu.memory_space<vmem>>
        %dma_wait3A_154 = arith.constant 0 : i32
        %dma_wait3A_155 = arith.constant 0 : i32
        %dma_wait3A_156 = tpu.memref_slice %arg3[%dma_wait3A_154, %dma_wait3A_155] : memref<10000x128xf32, #tpu.memory_space<hbm>> -> memref<10000x128xf32, #tpu.memory_space<hbm>>
        tpu.wait_indirect_dma semaphore(%arg15 : memref<!tpu.dma_semaphore, #tpu.memory_space<semaphore_mem>>) src(%dma_wait3A_156 : memref<10000x128xf32, #tpu.memory_space<hbm>>) dst(%arg11 : memref<128x128xf32, #tpu.memory_space<vmem>>)
        %dma_start3A_157 = arith.constant 1 : i32
        %dma_start3A_158 = arith.constant 0 : i32
        %dma_start3A_159 = tpu.memref_slice %arg8[%dma_start3A_157, %dma_start3A_158] : memref<2x128xi32, #tpu.memory_space<vmem>> -> memref<1x128xi32, #tpu.memory_space<vmem>>
        %dma_start3A_160 = tpu.memref_squeeze %dma_start3A_159 : memref<1x128xi32, #tpu.memory_space<vmem>> -> memref<128xi32, #tpu.memory_space<vmem>>
        %dma_start3A_161 = arith.constant 0 : i32
        %dma_start3A_162 = arith.constant 0 : i32
        %dma_start3A_163 = tpu.memref_slice %arg13[%dma_start3A_161, %dma_start3A_162] : memref<10000x128xf32, #tpu.memory_space<vmem_shared>> -> memref<10000x128xf32, #tpu.memory_space<vmem_shared>>
        tpu.enqueue_indirect_dma source(%arg11 : memref<128x128xf32, #tpu.memory_space<vmem>>) target(%dma_start3A_163 : memref<10000x128xf32, #tpu.memory_space<vmem_shared>>) offsets(%dma_start3A_160 : memref<128xi32, #tpu.memory_space<vmem>>) semaphore(%arg18 : memref<!tpu.dma_semaphore, #tpu.memory_space<semaphore_mem>>) {add = true}
        %dma_wait3A_164 = arith.constant 0 : i32
        %dma_wait3A_165 = arith.constant 0 : i32
        %dma_wait3A_166 = tpu.memref_slice %arg9[%dma_wait3A_164, %dma_wait3A_165] : memref<2x128xi32, #tpu.memory_space<vmem>> -> memref<1x128xi32, #tpu.memory_space<vmem>>
        %dma_wait3A_167 = tpu.memref_squeeze %dma_wait3A_166 : memref<1x128xi32, #tpu.memory_space<vmem>> -> memref<128xi32, #tpu.memory_space<vmem>>
        %dma_wait3A_168 = arith.constant 0 : i32
        %dma_wait3A_169 = arith.constant 0 : i32
        %dma_wait3A_170 = tpu.memref_slice %arg3[%dma_wait3A_168, %dma_wait3A_169] : memref<10000x128xf32, #tpu.memory_space<hbm>> -> memref<10000x128xf32, #tpu.memory_space<hbm>>
        tpu.wait_indirect_dma semaphore(%arg16 : memref<!tpu.dma_semaphore, #tpu.memory_space<semaphore_mem>>) src(%dma_wait3A_170 : memref<10000x128xf32, #tpu.memory_space<hbm>>) dst(%arg12 : memref<128x128xf32, #tpu.memory_space<vmem>>)
        %dma_start3A_171 = arith.constant 1 : i32
        %dma_start3A_172 = arith.constant 0 : i32
        %dma_start3A_173 = tpu.memref_slice %arg9[%dma_start3A_171, %dma_start3A_172] : memref<2x128xi32, #tpu.memory_space<vmem>> -> memref<1x128xi32, #tpu.memory_space<vmem>>
        %dma_start3A_174 = tpu.memref_squeeze %dma_start3A_173 : memref<1x128xi32, #tpu.memory_space<vmem>> -> memref<128xi32, #tpu.memory_space<vmem>>
        %dma_start3A_175 = arith.constant 0 : i32
        %dma_start3A_176 = arith.constant 0 : i32
        %dma_start3A_177 = tpu.memref_slice %arg13[%dma_start3A_175, %dma_start3A_176] : memref<10000x128xf32, #tpu.memory_space<vmem_shared>> -> memref<10000x128xf32, #tpu.memory_space<vmem_shared>>
        tpu.enqueue_indirect_dma source(%arg12 : memref<128x128xf32, #tpu.memory_space<vmem>>) target(%dma_start3A_177 : memref<10000x128xf32, #tpu.memory_space<vmem_shared>>) offsets(%dma_start3A_174 : memref<128xi32, #tpu.memory_space<vmem>>) semaphore(%arg19 : memref<!tpu.dma_semaphore, #tpu.memory_space<semaphore_mem>>) {add = true}
      }
      %while3A_75 = arith.constant 1 : i32
      scf.for %while3A_90 = %while3A_73 to %while3A_69 step %while3A_75  : i32 {
        %mul3A_91 = arith.constant 3 : i32
        %mul3A_92 = arith.muli %mul3A_91, %while3A_90 : i32
        %mul3A_93 = arith.constant 16 : i32
        %mul3A_94 = arith.muli %mul3A_92, %mul3A_93 : i32
        %add3A_95 = arith.addi %mul3A_94, %arg1 : i32
        %gt3A_96 = arith.constant 0 : i32
        %gt3A_97 = arith.cmpi sgt, %while3A_90, %gt3A_96 : i32
        %convert_element_type3A_98 = arith.extui %gt3A_97 : i1 to i32
        %cond3A_99 = arith.constant 0 : i32
        %cond3A_100 = arith.cmpi ne, %convert_element_type3A_98, %cond3A_99 : i32
        scf.if %cond3A_100 {
          %dma_wait3A_178 = arith.constant 1 : i32
          %dma_wait3A_179 = arith.constant 0 : i32
          %dma_wait3A_180 = tpu.memref_slice %arg7[%dma_wait3A_178, %dma_wait3A_179] : memref<2x128xi32, #tpu.memory_space<vmem>> -> memref<1x128xi32, #tpu.memory_space<vmem>>
          %dma_wait3A_181 = tpu.memref_squeeze %dma_wait3A_180 : memref<1x128xi32, #tpu.memory_space<vmem>> -> memref<128xi32, #tpu.memory_space<vmem>>
          %dma_wait3A_182 = arith.constant 0 : i32
          %dma_wait3A_183 = arith.constant 0 : i32
          %dma_wait3A_184 = tpu.memref_slice %arg13[%dma_wait3A_182, %dma_wait3A_183] : memref<10000x128xf32, #tpu.memory_space<vmem_shared>> -> memref<10000x128xf32, #tpu.memory_space<vmem_shared>>
          tpu.wait_indirect_dma semaphore(%arg17 : memref<!tpu.dma_semaphore, #tpu.memory_space<semaphore_mem>>) src(%arg10 : memref<128x128xf32, #tpu.memory_space<vmem>>) dst(%dma_wait3A_184 : memref<10000x128xf32, #tpu.memory_space<vmem_shared>>)
        } else {
        }
        %add3A_101 = arith.constant 0 : i32
        %add3A_102 = arith.addi %add3A_95, %add3A_101 : i32
        "tpu.region"() ({
          %run_scoped3A = tpu.sem_alloc : memref<!tpu.dma_semaphore, #tpu.memory_space<semaphore_mem>>
          %dma_start3A_178 = arith.constant 0 : i32
          %dma_start3A_179 = arith.constant 0 : i32
          %dma_start3A_180 = tpu.memref_slice %arg4[%add3A_102, %dma_start3A_178, %dma_start3A_179] : memref<1250x2x128xi32, #tpu.memory_space<hbm>> -> memref<1x2x128xi32, #tpu.memory_space<hbm>>
          %dma_start3A_181 = tpu.memref_squeeze %dma_start3A_180 : memref<1x2x128xi32, #tpu.memory_space<hbm>> -> memref<2x128xi32, #tpu.memory_space<hbm>>
          %dma_start3A_182 = arith.constant 0 : i32
          %dma_start3A_183 = arith.constant 0 : i32
          %dma_start3A_184 = tpu.memref_slice %arg4[%add3A_102, %dma_start3A_182, %dma_start3A_183] : memref<1250x2x128xi32, #tpu.memory_space<hbm>> -> memref<1x2x128xi32, #tpu.memory_space<hbm>>
          %dma_start3A_185 = tpu.memref_squeeze %dma_start3A_184 : memref<1x2x128xi32, #tpu.memory_space<hbm>> -> memref<2x128xi32, #tpu.memory_space<hbm>>
          tpu.enqueue_dma source(%dma_start3A_185 : memref<2x128xi32, #tpu.memory_space<hbm>>) target(%arg7 : memref<2x128xi32, #tpu.memory_space<vmem>>) target_semaphore(%run_scoped3A : memref<!tpu.dma_semaphore, #tpu.memory_space<semaphore_mem>>)
          %dma_wait3A_186 = arith.constant 0 : i32
          %dma_wait3A_187 = arith.constant 0 : i32
          %dma_wait3A_188 = tpu.memref_slice %arg4[%add3A_102, %dma_wait3A_186, %dma_wait3A_187] : memref<1250x2x128xi32, #tpu.memory_space<hbm>> -> memref<1x2x128xi32, #tpu.memory_space<hbm>>
          %dma_wait3A_189 = tpu.memref_squeeze %dma_wait3A_188 : memref<1x2x128xi32, #tpu.memory_space<hbm>> -> memref<2x128xi32, #tpu.memory_space<hbm>>
          %dma_wait3A_190 = arith.constant 0 : i32
          %dma_wait3A_191 = arith.constant 0 : i32
          %dma_wait3A_192 = tpu.memref_slice %arg4[%add3A_102, %dma_wait3A_190, %dma_wait3A_191] : memref<1250x2x128xi32, #tpu.memory_space<hbm>> -> memref<1x2x128xi32, #tpu.memory_space<hbm>>
          %dma_wait3A_193 = tpu.memref_squeeze %dma_wait3A_192 : memref<1x2x128xi32, #tpu.memory_space<hbm>> -> memref<2x128xi32, #tpu.memory_space<hbm>>
          tpu.wait_dma2 semaphore(%run_scoped3A : memref<!tpu.dma_semaphore, #tpu.memory_space<semaphore_mem>>) src(%dma_wait3A_193 : memref<2x128xi32, #tpu.memory_space<hbm>>) dst(%arg7 : memref<2x128xi32, #tpu.memory_space<vmem>>)
          tpu.yield
        }) : () -> ()
        %dma_start3A = arith.constant 0 : i32
        %dma_start3A_103 = arith.constant 0 : i32
        %dma_start3A_104 = tpu.memref_slice %arg7[%dma_start3A, %dma_start3A_103] : memref<2x128xi32, #tpu.memory_space<vmem>> -> memref<1x128xi32, #tpu.memory_space<vmem>>
        %dma_start3A_105 = tpu.memref_squeeze %dma_start3A_104 : memref<1x128xi32, #tpu.memory_space<vmem>> -> memref<128xi32, #tpu.memory_space<vmem>>
        %dma_start3A_106 = arith.constant 0 : i32
        %dma_start3A_107 = arith.constant 0 : i32
        %dma_start3A_108 = tpu.memref_slice %arg3[%dma_start3A_106, %dma_start3A_107] : memref<10000x128xf32, #tpu.memory_space<hbm>> -> memref<10000x128xf32, #tpu.memory_space<hbm>>
        tpu.enqueue_indirect_dma source(%dma_start3A_108 : memref<10000x128xf32, #tpu.memory_space<hbm>>) target(%arg10 : memref<128x128xf32, #tpu.memory_space<vmem>>) offsets(%dma_start3A_105 : memref<128xi32, #tpu.memory_space<vmem>>) semaphore(%arg14 : memref<!tpu.dma_semaphore, #tpu.memory_space<semaphore_mem>>)
        %gt3A_109 = arith.constant 0 : i32
        %gt3A_110 = arith.cmpi sgt, %while3A_90, %gt3A_109 : i32
        %convert_element_type3A_111 = arith.extui %gt3A_110 : i1 to i32
        %cond3A_112 = arith.constant 0 : i32
        %cond3A_113 = arith.cmpi ne, %convert_element_type3A_111, %cond3A_112 : i32
        scf.if %cond3A_113 {
          %dma_wait3A_178 = arith.constant 1 : i32
          %dma_wait3A_179 = arith.constant 0 : i32
          %dma_wait3A_180 = tpu.memref_slice %arg8[%dma_wait3A_178, %dma_wait3A_179] : memref<2x128xi32, #tpu.memory_space<vmem>> -> memref<1x128xi32, #tpu.memory_space<vmem>>
          %dma_wait3A_181 = tpu.memref_squeeze %dma_wait3A_180 : memref<1x128xi32, #tpu.memory_space<vmem>> -> memref<128xi32, #tpu.memory_space<vmem>>
          %dma_wait3A_182 = arith.constant 0 : i32
          %dma_wait3A_183 = arith.constant 0 : i32
          %dma_wait3A_184 = tpu.memref_slice %arg13[%dma_wait3A_182, %dma_wait3A_183] : memref<10000x128xf32, #tpu.memory_space<vmem_shared>> -> memref<10000x128xf32, #tpu.memory_space<vmem_shared>>
          tpu.wait_indirect_dma semaphore(%arg18 : memref<!tpu.dma_semaphore, #tpu.memory_space<semaphore_mem>>) src(%arg11 : memref<128x128xf32, #tpu.memory_space<vmem>>) dst(%dma_wait3A_184 : memref<10000x128xf32, #tpu.memory_space<vmem_shared>>)
        } else {
        }
        %add3A_114 = arith.constant 16 : i32
        %add3A_115 = arith.addi %add3A_95, %add3A_114 : i32
        "tpu.region"() ({
          %run_scoped3A = tpu.sem_alloc : memref<!tpu.dma_semaphore, #tpu.memory_space<semaphore_mem>>
          %dma_start3A_178 = arith.constant 0 : i32
          %dma_start3A_179 = arith.constant 0 : i32
          %dma_start3A_180 = tpu.memref_slice %arg4[%add3A_115, %dma_start3A_178, %dma_start3A_179] : memref<1250x2x128xi32, #tpu.memory_space<hbm>> -> memref<1x2x128xi32, #tpu.memory_space<hbm>>
          %dma_start3A_181 = tpu.memref_squeeze %dma_start3A_180 : memref<1x2x128xi32, #tpu.memory_space<hbm>> -> memref<2x128xi32, #tpu.memory_space<hbm>>
          %dma_start3A_182 = arith.constant 0 : i32
          %dma_start3A_183 = arith.constant 0 : i32
          %dma_start3A_184 = tpu.memref_slice %arg4[%add3A_115, %dma_start3A_182, %dma_start3A_183] : memref<1250x2x128xi32, #tpu.memory_space<hbm>> -> memref<1x2x128xi32, #tpu.memory_space<hbm>>
          %dma_start3A_185 = tpu.memref_squeeze %dma_start3A_184 : memref<1x2x128xi32, #tpu.memory_space<hbm>> -> memref<2x128xi32, #tpu.memory_space<hbm>>
          tpu.enqueue_dma source(%dma_start3A_185 : memref<2x128xi32, #tpu.memory_space<hbm>>) target(%arg8 : memref<2x128xi32, #tpu.memory_space<vmem>>) target_semaphore(%run_scoped3A : memref<!tpu.dma_semaphore, #tpu.memory_space<semaphore_mem>>)
          %dma_wait3A_186 = arith.constant 0 : i32
          %dma_wait3A_187 = arith.constant 0 : i32
          %dma_wait3A_188 = tpu.memref_slice %arg4[%add3A_115, %dma_wait3A_186, %dma_wait3A_187] : memref<1250x2x128xi32, #tpu.memory_space<hbm>> -> memref<1x2x128xi32, #tpu.memory_space<hbm>>
          %dma_wait3A_189 = tpu.memref_squeeze %dma_wait3A_188 : memref<1x2x128xi32, #tpu.memory_space<hbm>> -> memref<2x128xi32, #tpu.memory_space<hbm>>
          %dma_wait3A_190 = arith.constant 0 : i32
          %dma_wait3A_191 = arith.constant 0 : i32
          %dma_wait3A_192 = tpu.memref_slice %arg4[%add3A_115, %dma_wait3A_190, %dma_wait3A_191] : memref<1250x2x128xi32, #tpu.memory_space<hbm>> -> memref<1x2x128xi32, #tpu.memory_space<hbm>>
          %dma_wait3A_193 = tpu.memref_squeeze %dma_wait3A_192 : memref<1x2x128xi32, #tpu.memory_space<hbm>> -> memref<2x128xi32, #tpu.memory_space<hbm>>
          tpu.wait_dma2 semaphore(%run_scoped3A : memref<!tpu.dma_semaphore, #tpu.memory_space<semaphore_mem>>) src(%dma_wait3A_193 : memref<2x128xi32, #tpu.memory_space<hbm>>) dst(%arg8 : memref<2x128xi32, #tpu.memory_space<vmem>>)
          tpu.yield
        }) : () -> ()
        %dma_start3A_116 = arith.constant 0 : i32
        %dma_start3A_117 = arith.constant 0 : i32
        %dma_start3A_118 = tpu.memref_slice %arg8[%dma_start3A_116, %dma_start3A_117] : memref<2x128xi32, #tpu.memory_space<vmem>> -> memref<1x128xi32, #tpu.memory_space<vmem>>
        %dma_start3A_119 = tpu.memref_squeeze %dma_start3A_118 : memref<1x128xi32, #tpu.memory_space<vmem>> -> memref<128xi32, #tpu.memory_space<vmem>>
        %dma_start3A_120 = arith.constant 0 : i32
        %dma_start3A_121 = arith.constant 0 : i32
        %dma_start3A_122 = tpu.memref_slice %arg3[%dma_start3A_120, %dma_start3A_121] : memref<10000x128xf32, #tpu.memory_space<hbm>> -> memref<10000x128xf32, #tpu.memory_space<hbm>>
        tpu.enqueue_indirect_dma source(%dma_start3A_122 : memref<10000x128xf32, #tpu.memory_space<hbm>>) target(%arg11 : memref<128x128xf32, #tpu.memory_space<vmem>>) offsets(%dma_start3A_119 : memref<128xi32, #tpu.memory_space<vmem>>) semaphore(%arg15 : memref<!tpu.dma_semaphore, #tpu.memory_space<semaphore_mem>>)
        %gt3A_123 = arith.constant 0 : i32
        %gt3A_124 = arith.cmpi sgt, %while3A_90, %gt3A_123 : i32
        %convert_element_type3A_125 = arith.extui %gt3A_124 : i1 to i32
        %cond3A_126 = arith.constant 0 : i32
        %cond3A_127 = arith.cmpi ne, %convert_element_type3A_125, %cond3A_126 : i32
        scf.if %cond3A_127 {
          %dma_wait3A_178 = arith.constant 1 : i32
          %dma_wait3A_179 = arith.constant 0 : i32
          %dma_wait3A_180 = tpu.memref_slice %arg9[%dma_wait3A_178, %dma_wait3A_179] : memref<2x128xi32, #tpu.memory_space<vmem>> -> memref<1x128xi32, #tpu.memory_space<vmem>>
          %dma_wait3A_181 = tpu.memref_squeeze %dma_wait3A_180 : memref<1x128xi32, #tpu.memory_space<vmem>> -> memref<128xi32, #tpu.memory_space<vmem>>
          %dma_wait3A_182 = arith.constant 0 : i32
          %dma_wait3A_183 = arith.constant 0 : i32
          %dma_wait3A_184 = tpu.memref_slice %arg13[%dma_wait3A_182, %dma_wait3A_183] : memref<10000x128xf32, #tpu.memory_space<vmem_shared>> -> memref<10000x128xf32, #tpu.memory_space<vmem_shared>>
          tpu.wait_indirect_dma semaphore(%arg19 : memref<!tpu.dma_semaphore, #tpu.memory_space<semaphore_mem>>) src(%arg12 : memref<128x128xf32, #tpu.memory_space<vmem>>) dst(%dma_wait3A_184 : memref<10000x128xf32, #tpu.memory_space<vmem_shared>>)
        } else {
        }
        %add3A_128 = arith.constant 32 : i32
        %add3A_129 = arith.addi %add3A_95, %add3A_128 : i32
        "tpu.region"() ({
          %run_scoped3A = tpu.sem_alloc : memref<!tpu.dma_semaphore, #tpu.memory_space<semaphore_mem>>
          %dma_start3A_178 = arith.constant 0 : i32
          %dma_start3A_179 = arith.constant 0 : i32
          %dma_start3A_180 = tpu.memref_slice %arg4[%add3A_129, %dma_start3A_178, %dma_start3A_179] : memref<1250x2x128xi32, #tpu.memory_space<hbm>> -> memref<1x2x128xi32, #tpu.memory_space<hbm>>
          %dma_start3A_181 = tpu.memref_squeeze %dma_start3A_180 : memref<1x2x128xi32, #tpu.memory_space<hbm>> -> memref<2x128xi32, #tpu.memory_space<hbm>>
          %dma_start3A_182 = arith.constant 0 : i32
          %dma_start3A_183 = arith.constant 0 : i32
          %dma_start3A_184 = tpu.memref_slice %arg4[%add3A_129, %dma_start3A_182, %dma_start3A_183] : memref<1250x2x128xi32, #tpu.memory_space<hbm>> -> memref<1x2x128xi32, #tpu.memory_space<hbm>>
          %dma_start3A_185 = tpu.memref_squeeze %dma_start3A_184 : memref<1x2x128xi32, #tpu.memory_space<hbm>> -> memref<2x128xi32, #tpu.memory_space<hbm>>
          tpu.enqueue_dma source(%dma_start3A_185 : memref<2x128xi32, #tpu.memory_space<hbm>>) target(%arg9 : memref<2x128xi32, #tpu.memory_space<vmem>>) target_semaphore(%run_scoped3A : memref<!tpu.dma_semaphore, #tpu.memory_space<semaphore_mem>>)
          %dma_wait3A_186 = arith.constant 0 : i32
          %dma_wait3A_187 = arith.constant 0 : i32
          %dma_wait3A_188 = tpu.memref_slice %arg4[%add3A_129, %dma_wait3A_186, %dma_wait3A_187] : memref<1250x2x128xi32, #tpu.memory_space<hbm>> -> memref<1x2x128xi32, #tpu.memory_space<hbm>>
          %dma_wait3A_189 = tpu.memref_squeeze %dma_wait3A_188 : memref<1x2x128xi32, #tpu.memory_space<hbm>> -> memref<2x128xi32, #tpu.memory_space<hbm>>
          %dma_wait3A_190 = arith.constant 0 : i32
          %dma_wait3A_191 = arith.constant 0 : i32
          %dma_wait3A_192 = tpu.memref_slice %arg4[%add3A_129, %dma_wait3A_190, %dma_wait3A_191] : memref<1250x2x128xi32, #tpu.memory_space<hbm>> -> memref<1x2x128xi32, #tpu.memory_space<hbm>>
          %dma_wait3A_193 = tpu.memref_squeeze %dma_wait3A_192 : memref<1x2x128xi32, #tpu.memory_space<hbm>> -> memref<2x128xi32, #tpu.memory_space<hbm>>
          tpu.wait_dma2 semaphore(%run_scoped3A : memref<!tpu.dma_semaphore, #tpu.memory_space<semaphore_mem>>) src(%dma_wait3A_193 : memref<2x128xi32, #tpu.memory_space<hbm>>) dst(%arg9 : memref<2x128xi32, #tpu.memory_space<vmem>>)
          tpu.yield
        }) : () -> ()
        %dma_start3A_130 = arith.constant 0 : i32
        %dma_start3A_131 = arith.constant 0 : i32
        %dma_start3A_132 = tpu.memref_slice %arg9[%dma_start3A_130, %dma_start3A_131] : memref<2x128xi32, #tpu.memory_space<vmem>> -> memref<1x128xi32, #tpu.memory_space<vmem>>
        %dma_start3A_133 = tpu.memref_squeeze %dma_start3A_132 : memref<1x128xi32, #tpu.memory_space<vmem>> -> memref<128xi32, #tpu.memory_space<vmem>>
        %dma_start3A_134 = arith.constant 0 : i32
        %dma_start3A_135 = arith.constant 0 : i32
        %dma_start3A_136 = tpu.memref_slice %arg3[%dma_start3A_134, %dma_start3A_135] : memref<10000x128xf32, #tpu.memory_space<hbm>> -> memref<10000x128xf32, #tpu.memory_space<hbm>>
        tpu.enqueue_indirect_dma source(%dma_start3A_136 : memref<10000x128xf32, #tpu.memory_space<hbm>>) target(%arg12 : memref<128x128xf32, #tpu.memory_space<vmem>>) offsets(%dma_start3A_133 : memref<128xi32, #tpu.memory_space<vmem>>) semaphore(%arg16 : memref<!tpu.dma_semaphore, #tpu.memory_space<semaphore_mem>>)
        %dma_wait3A = arith.constant 0 : i32
        %dma_wait3A_137 = arith.constant 0 : i32
        %dma_wait3A_138 = tpu.memref_slice %arg7[%dma_wait3A, %dma_wait3A_137] : memref<2x128xi32, #tpu.memory_space<vmem>> -> memref<1x128xi32, #tpu.memory_space<vmem>>
        %dma_wait3A_139 = tpu.memref_squeeze %dma_wait3A_138 : memref<1x128xi32, #tpu.memory_space<vmem>> -> memref<128xi32, #tpu.memory_space<vmem>>
        %dma_wait3A_140 = arith.constant 0 : i32
        %dma_wait3A_141 = arith.constant 0 : i32
        %dma_wait3A_142 = tpu.memref_slice %arg3[%dma_wait3A_140, %dma_wait3A_141] : memref<10000x128xf32, #tpu.memory_space<hbm>> -> memref<10000x128xf32, #tpu.memory_space<hbm>>
        tpu.wait_indirect_dma semaphore(%arg14 : memref<!tpu.dma_semaphore, #tpu.memory_space<semaphore_mem>>) src(%dma_wait3A_142 : memref<10000x128xf32, #tpu.memory_space<hbm>>) dst(%arg10 : memref<128x128xf32, #tpu.memory_space<vmem>>)
        %dma_start3A_143 = arith.constant 1 : i32
        %dma_start3A_144 = arith.constant 0 : i32
        %dma_start3A_145 = tpu.memref_slice %arg7[%dma_start3A_143, %dma_start3A_144] : memref<2x128xi32, #tpu.memory_space<vmem>> -> memref<1x128xi32, #tpu.memory_space<vmem>>
        %dma_start3A_146 = tpu.memref_squeeze %dma_start3A_145 : memref<1x128xi32, #tpu.memory_space<vmem>> -> memref<128xi32, #tpu.memory_space<vmem>>
        %dma_start3A_147 = arith.constant 0 : i32
        %dma_start3A_148 = arith.constant 0 : i32
        %dma_start3A_149 = tpu.memref_slice %arg13[%dma_start3A_147, %dma_start3A_148] : memref<10000x128xf32, #tpu.memory_space<vmem_shared>> -> memref<10000x128xf32, #tpu.memory_space<vmem_shared>>
        tpu.enqueue_indirect_dma source(%arg10 : memref<128x128xf32, #tpu.memory_space<vmem>>) target(%dma_start3A_149 : memref<10000x128xf32, #tpu.memory_space<vmem_shared>>) offsets(%dma_start3A_146 : memref<128xi32, #tpu.memory_space<vmem>>) semaphore(%arg17 : memref<!tpu.dma_semaphore, #tpu.memory_space<semaphore_mem>>) {add = true}
        %dma_wait3A_150 = arith.constant 0 : i32
        %dma_wait3A_151 = arith.constant 0 : i32
        %dma_wait3A_152 = tpu.memref_slice %arg8[%dma_wait3A_150, %dma_wait3A_151] : memref<2x128xi32, #tpu.memory_space<vmem>> -> memref<1x128xi32, #tpu.memory_space<vmem>>
        %dma_wait3A_153 = tpu.memref_squeeze %dma_wait3A_152 : memref<1x128xi32, #tpu.memory_space<vmem>> -> memref<128xi32, #tpu.memory_space<vmem>>
        %dma_wait3A_154 = arith.constant 0 : i32
        %dma_wait3A_155 = arith.constant 0 : i32
        %dma_wait3A_156 = tpu.memref_slice %arg3[%dma_wait3A_154, %dma_wait3A_155] : memref<10000x128xf32, #tpu.memory_space<hbm>> -> memref<10000x128xf32, #tpu.memory_space<hbm>>
        tpu.wait_indirect_dma semaphore(%arg15 : memref<!tpu.dma_semaphore, #tpu.memory_space<semaphore_mem>>) src(%dma_wait3A_156 : memref<10000x128xf32, #tpu.memory_space<hbm>>) dst(%arg11 : memref<128x128xf32, #tpu.memory_space<vmem>>)
        %dma_start3A_157 = arith.constant 1 : i32
        %dma_start3A_158 = arith.constant 0 : i32
        %dma_start3A_159 = tpu.memref_slice %arg8[%dma_start3A_157, %dma_start3A_158] : memref<2x128xi32, #tpu.memory_space<vmem>> -> memref<1x128xi32, #tpu.memory_space<vmem>>
        %dma_start3A_160 = tpu.memref_squeeze %dma_start3A_159 : memref<1x128xi32, #tpu.memory_space<vmem>> -> memref<128xi32, #tpu.memory_space<vmem>>
        %dma_start3A_161 = arith.constant 0 : i32
        %dma_start3A_162 = arith.constant 0 : i32
        %dma_start3A_163 = tpu.memref_slice %arg13[%dma_start3A_161, %dma_start3A_162] : memref<10000x128xf32, #tpu.memory_space<vmem_shared>> -> memref<10000x128xf32, #tpu.memory_space<vmem_shared>>
        tpu.enqueue_indirect_dma source(%arg11 : memref<128x128xf32, #tpu.memory_space<vmem>>) target(%dma_start3A_163 : memref<10000x128xf32, #tpu.memory_space<vmem_shared>>) offsets(%dma_start3A_160 : memref<128xi32, #tpu.memory_space<vmem>>) semaphore(%arg18 : memref<!tpu.dma_semaphore, #tpu.memory_space<semaphore_mem>>) {add = true}
        %dma_wait3A_164 = arith.constant 0 : i32
        %dma_wait3A_165 = arith.constant 0 : i32
        %dma_wait3A_166 = tpu.memref_slice %arg9[%dma_wait3A_164, %dma_wait3A_165] : memref<2x128xi32, #tpu.memory_space<vmem>> -> memref<1x128xi32, #tpu.memory_space<vmem>>
        %dma_wait3A_167 = tpu.memref_squeeze %dma_wait3A_166 : memref<1x128xi32, #tpu.memory_space<vmem>> -> memref<128xi32, #tpu.memory_space<vmem>>
        %dma_wait3A_168 = arith.constant 0 : i32
        %dma_wait3A_169 = arith.constant 0 : i32
        %dma_wait3A_170 = tpu.memref_slice %arg3[%dma_wait3A_168, %dma_wait3A_169] : memref<10000x128xf32, #tpu.memory_space<hbm>> -> memref<10000x128xf32, #tpu.memory_space<hbm>>
        tpu.wait_indirect_dma semaphore(%arg16 : memref<!tpu.dma_semaphore, #tpu.memory_space<semaphore_mem>>) src(%dma_wait3A_170 : memref<10000x128xf32, #tpu.memory_space<hbm>>) dst(%arg12 : memref<128x128xf32, #tpu.memory_space<vmem>>)
        %dma_start3A_171 = arith.constant 1 : i32
        %dma_start3A_172 = arith.constant 0 : i32
        %dma_start3A_173 = tpu.memref_slice %arg9[%dma_start3A_171, %dma_start3A_172] : memref<2x128xi32, #tpu.memory_space<vmem>> -> memref<1x128xi32, #tpu.memory_space<vmem>>
        %dma_start3A_174 = tpu.memref_squeeze %dma_start3A_173 : memref<1x128xi32, #tpu.memory_space<vmem>> -> memref<128xi32, #tpu.memory_space<vmem>>
        %dma_start3A_175 = arith.constant 0 : i32
        %dma_start3A_176 = arith.constant 0 : i32
        %dma_start3A_177 = tpu.memref_slice %arg13[%dma_start3A_175, %dma_start3A_176] : memref<10000x128xf32, #tpu.memory_space<vmem_shared>> -> memref<10000x128xf32, #tpu.memory_space<vmem_shared>>
        tpu.enqueue_indirect_dma source(%arg12 : memref<128x128xf32, #tpu.memory_space<vmem>>) target(%dma_start3A_177 : memref<10000x128xf32, #tpu.memory_space<vmem_shared>>) offsets(%dma_start3A_174 : memref<128xi32, #tpu.memory_space<vmem>>) semaphore(%arg19 : memref<!tpu.dma_semaphore, #tpu.memory_space<semaphore_mem>>) {add = true}
      }
      %gt3A = arith.constant 0 : i32
      %gt3A_76 = arith.cmpi sgt, %select_n3A_66, %gt3A : i32
      %convert_element_type3A_77 = arith.extui %gt3A_76 : i1 to i32
      %cond3A_78 = arith.constant 0 : i32
      %cond3A_79 = arith.cmpi ne, %convert_element_type3A_77, %cond3A_78 : i32
      scf.if %cond3A_79 {
        %dma_wait3A = arith.constant 1 : i32
        %dma_wait3A_90 = arith.constant 0 : i32
        %dma_wait3A_91 = tpu.memref_slice %arg7[%dma_wait3A, %dma_wait3A_90] : memref<2x128xi32, #tpu.memory_space<vmem>> -> memref<1x128xi32, #tpu.memory_space<vmem>>
        %dma_wait3A_92 = tpu.memref_squeeze %dma_wait3A_91 : memref<1x128xi32, #tpu.memory_space<vmem>> -> memref<128xi32, #tpu.memory_space<vmem>>
        %dma_wait3A_93 = arith.constant 0 : i32
        %dma_wait3A_94 = arith.constant 0 : i32
        %dma_wait3A_95 = tpu.memref_slice %arg13[%dma_wait3A_93, %dma_wait3A_94] : memref<10000x128xf32, #tpu.memory_space<vmem_shared>> -> memref<10000x128xf32, #tpu.memory_space<vmem_shared>>
        tpu.wait_indirect_dma semaphore(%arg17 : memref<!tpu.dma_semaphore, #tpu.memory_space<semaphore_mem>>) src(%arg10 : memref<128x128xf32, #tpu.memory_space<vmem>>) dst(%dma_wait3A_95 : memref<10000x128xf32, #tpu.memory_space<vmem_shared>>)
        %dma_wait3A_96 = arith.constant 1 : i32
        %dma_wait3A_97 = arith.constant 0 : i32
        %dma_wait3A_98 = tpu.memref_slice %arg8[%dma_wait3A_96, %dma_wait3A_97] : memref<2x128xi32, #tpu.memory_space<vmem>> -> memref<1x128xi32, #tpu.memory_space<vmem>>
        %dma_wait3A_99 = tpu.memref_squeeze %dma_wait3A_98 : memref<1x128xi32, #tpu.memory_space<vmem>> -> memref<128xi32, #tpu.memory_space<vmem>>
        %dma_wait3A_100 = arith.constant 0 : i32
        %dma_wait3A_101 = arith.constant 0 : i32
        %dma_wait3A_102 = tpu.memref_slice %arg13[%dma_wait3A_100, %dma_wait3A_101] : memref<10000x128xf32, #tpu.memory_space<vmem_shared>> -> memref<10000x128xf32, #tpu.memory_space<vmem_shared>>
        tpu.wait_indirect_dma semaphore(%arg18 : memref<!tpu.dma_semaphore, #tpu.memory_space<semaphore_mem>>) src(%arg11 : memref<128x128xf32, #tpu.memory_space<vmem>>) dst(%dma_wait3A_102 : memref<10000x128xf32, #tpu.memory_space<vmem_shared>>)
        %dma_wait3A_103 = arith.constant 1 : i32
        %dma_wait3A_104 = arith.constant 0 : i32
        %dma_wait3A_105 = tpu.memref_slice %arg9[%dma_wait3A_103, %dma_wait3A_104] : memref<2x128xi32, #tpu.memory_space<vmem>> -> memref<1x128xi32, #tpu.memory_space<vmem>>
        %dma_wait3A_106 = tpu.memref_squeeze %dma_wait3A_105 : memref<1x128xi32, #tpu.memory_space<vmem>> -> memref<128xi32, #tpu.memory_space<vmem>>
        %dma_wait3A_107 = arith.constant 0 : i32
        %dma_wait3A_108 = arith.constant 0 : i32
        %dma_wait3A_109 = tpu.memref_slice %arg13[%dma_wait3A_107, %dma_wait3A_108] : memref<10000x128xf32, #tpu.memory_space<vmem_shared>> -> memref<10000x128xf32, #tpu.memory_space<vmem_shared>>
        tpu.wait_indirect_dma semaphore(%arg19 : memref<!tpu.dma_semaphore, #tpu.memory_space<semaphore_mem>>) src(%arg12 : memref<128x128xf32, #tpu.memory_space<vmem>>) dst(%dma_wait3A_109 : memref<10000x128xf32, #tpu.memory_space<vmem_shared>>)
      } else {
      }
      %mul3A = arith.constant 3 : i32
      %mul3A_80 = arith.muli %select_n3A_66, %mul3A : i32
      %while3A_81 = arith.constant 0 : i32
      %while3A_82 = arith.subi %select_n3A, %mul3A_80 : i32
      %while3A_83 = arith.addi %mul3A_80, %while3A_82 : i32
      %while3A_84 = arith.constant 1 : i32
      %while3A_85 = arith.divsi %while3A_82, %while3A_84 : i32
      %while3A_86 = arith.muli %while3A_85, %while3A_84 : i32
      %while3A_87 = arith.addi %mul3A_80, %while3A_86 : i32
      %while3A_88 = arith.constant 1 : i32
      scf.for %while3A_90 = %mul3A_80 to %while3A_87 step %while3A_88  : i32 {
        %mul3A_91 = arith.constant 16 : i32
        %mul3A_92 = arith.muli %while3A_90, %mul3A_91 : i32
        %add3A_93 = arith.addi %mul3A_92, %arg1 : i32
        "tpu.region"() ({
          %run_scoped3A_106 = tpu.sem_alloc : memref<!tpu.dma_semaphore, #tpu.memory_space<semaphore_mem>>
          %dma_start3A_107 = arith.constant 0 : i32
          %dma_start3A_108 = arith.constant 0 : i32
          %dma_start3A_109 = tpu.memref_slice %arg4[%add3A_93, %dma_start3A_107, %dma_start3A_108] : memref<1250x2x128xi32, #tpu.memory_space<hbm>> -> memref<1x2x128xi32, #tpu.memory_space<hbm>>
          %dma_start3A_110 = tpu.memref_squeeze %dma_start3A_109 : memref<1x2x128xi32, #tpu.memory_space<hbm>> -> memref<2x128xi32, #tpu.memory_space<hbm>>
          %dma_start3A_111 = arith.constant 0 : i32
          %dma_start3A_112 = arith.constant 0 : i32
          %dma_start3A_113 = tpu.memref_slice %arg4[%add3A_93, %dma_start3A_111, %dma_start3A_112] : memref<1250x2x128xi32, #tpu.memory_space<hbm>> -> memref<1x2x128xi32, #tpu.memory_space<hbm>>
          %dma_start3A_114 = tpu.memref_squeeze %dma_start3A_113 : memref<1x2x128xi32, #tpu.memory_space<hbm>> -> memref<2x128xi32, #tpu.memory_space<hbm>>
          tpu.enqueue_dma source(%dma_start3A_114 : memref<2x128xi32, #tpu.memory_space<hbm>>) target(%arg7 : memref<2x128xi32, #tpu.memory_space<vmem>>) target_semaphore(%run_scoped3A_106 : memref<!tpu.dma_semaphore, #tpu.memory_space<semaphore_mem>>)
          %dma_wait3A_115 = arith.constant 0 : i32
          %dma_wait3A_116 = arith.constant 0 : i32
          %dma_wait3A_117 = tpu.memref_slice %arg4[%add3A_93, %dma_wait3A_115, %dma_wait3A_116] : memref<1250x2x128xi32, #tpu.memory_space<hbm>> -> memref<1x2x128xi32, #tpu.memory_space<hbm>>
          %dma_wait3A_118 = tpu.memref_squeeze %dma_wait3A_117 : memref<1x2x128xi32, #tpu.memory_space<hbm>> -> memref<2x128xi32, #tpu.memory_space<hbm>>
          %dma_wait3A_119 = arith.constant 0 : i32
          %dma_wait3A_120 = arith.constant 0 : i32
          %dma_wait3A_121 = tpu.memref_slice %arg4[%add3A_93, %dma_wait3A_119, %dma_wait3A_120] : memref<1250x2x128xi32, #tpu.memory_space<hbm>> -> memref<1x2x128xi32, #tpu.memory_space<hbm>>
          %dma_wait3A_122 = tpu.memref_squeeze %dma_wait3A_121 : memref<1x2x128xi32, #tpu.memory_space<hbm>> -> memref<2x128xi32, #tpu.memory_space<hbm>>
          tpu.wait_dma2 semaphore(%run_scoped3A_106 : memref<!tpu.dma_semaphore, #tpu.memory_space<semaphore_mem>>) src(%dma_wait3A_122 : memref<2x128xi32, #tpu.memory_space<hbm>>) dst(%arg7 : memref<2x128xi32, #tpu.memory_space<vmem>>)
          tpu.yield
        }) : () -> ()
        %dma_start3A = arith.constant 0 : i32
        %dma_start3A_94 = arith.constant 0 : i32
        %dma_start3A_95 = tpu.memref_slice %arg7[%dma_start3A, %dma_start3A_94] : memref<2x128xi32, #tpu.memory_space<vmem>> -> memref<1x128xi32, #tpu.memory_space<vmem>>
        %dma_start3A_96 = tpu.memref_squeeze %dma_start3A_95 : memref<1x128xi32, #tpu.memory_space<vmem>> -> memref<128xi32, #tpu.memory_space<vmem>>
        %dma_start3A_97 = arith.constant 0 : i32
        %dma_start3A_98 = arith.constant 0 : i32
        %dma_start3A_99 = tpu.memref_slice %arg3[%dma_start3A_97, %dma_start3A_98] : memref<10000x128xf32, #tpu.memory_space<hbm>> -> memref<10000x128xf32, #tpu.memory_space<hbm>>
        tpu.enqueue_indirect_dma source(%dma_start3A_99 : memref<10000x128xf32, #tpu.memory_space<hbm>>) target(%arg10 : memref<128x128xf32, #tpu.memory_space<vmem>>) offsets(%dma_start3A_96 : memref<128xi32, #tpu.memory_space<vmem>>) semaphore(%arg14 : memref<!tpu.dma_semaphore, #tpu.memory_space<semaphore_mem>>)
        %dma_wait3A = arith.constant 0 : i32
        %dma_wait3A_100 = arith.constant 0 : i32
        %dma_wait3A_101 = tpu.memref_slice %arg7[%dma_wait3A, %dma_wait3A_100] : memref<2x128xi32, #tpu.memory_space<vmem>> -> memref<1x128xi32, #tpu.memory_space<vmem>>
        %dma_wait3A_102 = tpu.memref_squeeze %dma_wait3A_101 : memref<1x128xi32, #tpu.memory_space<vmem>> -> memref<128xi32, #tpu.memory_space<vmem>>
        %dma_wait3A_103 = arith.constant 0 : i32
        %dma_wait3A_104 = arith.constant 0 : i32
        %dma_wait3A_105 = tpu.memref_slice %arg3[%dma_wait3A_103, %dma_wait3A_104] : memref<10000x128xf32, #tpu.memory_space<hbm>> -> memref<10000x128xf32, #tpu.memory_space<hbm>>
        tpu.wait_indirect_dma semaphore(%arg14 : memref<!tpu.dma_semaphore, #tpu.memory_space<semaphore_mem>>) src(%dma_wait3A_105 : memref<10000x128xf32, #tpu.memory_space<hbm>>) dst(%arg10 : memref<128x128xf32, #tpu.memory_space<vmem>>)
        %run_scoped3A = arith.constant 1 : i32
        "tpu.region"() ({
          %run_scoped3A_106 = tpu.sem_alloc : memref<!tpu.dma_semaphore, #tpu.memory_space<semaphore_mem>>
          %dma_start3A_107 = arith.constant 0 : i32
          %dma_start3A_108 = tpu.memref_slice %arg7[%run_scoped3A, %dma_start3A_107] : memref<2x128xi32, #tpu.memory_space<vmem>> -> memref<1x128xi32, #tpu.memory_space<vmem>>
          %dma_start3A_109 = tpu.memref_squeeze %dma_start3A_108 : memref<1x128xi32, #tpu.memory_space<vmem>> -> memref<128xi32, #tpu.memory_space<vmem>>
          %dma_start3A_110 = arith.constant 0 : i32
          %dma_start3A_111 = arith.constant 0 : i32
          %dma_start3A_112 = tpu.memref_slice %arg13[%dma_start3A_110, %dma_start3A_111] : memref<10000x128xf32, #tpu.memory_space<vmem_shared>> -> memref<10000x128xf32, #tpu.memory_space<vmem_shared>>
          tpu.enqueue_indirect_dma source(%arg10 : memref<128x128xf32, #tpu.memory_space<vmem>>) target(%dma_start3A_112 : memref<10000x128xf32, #tpu.memory_space<vmem_shared>>) offsets(%dma_start3A_109 : memref<128xi32, #tpu.memory_space<vmem>>) semaphore(%run_scoped3A_106 : memref<!tpu.dma_semaphore, #tpu.memory_space<semaphore_mem>>) {add = true}
          %dma_wait3A_113 = arith.constant 0 : i32
          %dma_wait3A_114 = tpu.memref_slice %arg7[%run_scoped3A, %dma_wait3A_113] : memref<2x128xi32, #tpu.memory_space<vmem>> -> memref<1x128xi32, #tpu.memory_space<vmem>>
          %dma_wait3A_115 = tpu.memref_squeeze %dma_wait3A_114 : memref<1x128xi32, #tpu.memory_space<vmem>> -> memref<128xi32, #tpu.memory_space<vmem>>
          %dma_wait3A_116 = arith.constant 0 : i32
          %dma_wait3A_117 = arith.constant 0 : i32
          %dma_wait3A_118 = tpu.memref_slice %arg13[%dma_wait3A_116, %dma_wait3A_117] : memref<10000x128xf32, #tpu.memory_space<vmem_shared>> -> memref<10000x128xf32, #tpu.memory_space<vmem_shared>>
          tpu.wait_indirect_dma semaphore(%run_scoped3A_106 : memref<!tpu.dma_semaphore, #tpu.memory_space<semaphore_mem>>) src(%arg10 : memref<128x128xf32, #tpu.memory_space<vmem>>) dst(%dma_wait3A_118 : memref<10000x128xf32, #tpu.memory_space<vmem_shared>>)
          tpu.yield
        }) : () -> ()
      }
      %while3A_89 = arith.constant 1 : i32
      scf.for %while3A_90 = %while3A_87 to %while3A_83 step %while3A_89  : i32 {
        %mul3A_91 = arith.constant 16 : i32
        %mul3A_92 = arith.muli %while3A_90, %mul3A_91 : i32
        %add3A_93 = arith.addi %mul3A_92, %arg1 : i32
        "tpu.region"() ({
          %run_scoped3A_106 = tpu.sem_alloc : memref<!tpu.dma_semaphore, #tpu.memory_space<semaphore_mem>>
          %dma_start3A_107 = arith.constant 0 : i32
          %dma_start3A_108 = arith.constant 0 : i32
          %dma_start3A_109 = tpu.memref_slice %arg4[%add3A_93, %dma_start3A_107, %dma_start3A_108] : memref<1250x2x128xi32, #tpu.memory_space<hbm>> -> memref<1x2x128xi32, #tpu.memory_space<hbm>>
          %dma_start3A_110 = tpu.memref_squeeze %dma_start3A_109 : memref<1x2x128xi32, #tpu.memory_space<hbm>> -> memref<2x128xi32, #tpu.memory_space<hbm>>
          %dma_start3A_111 = arith.constant 0 : i32
          %dma_start3A_112 = arith.constant 0 : i32
          %dma_start3A_113 = tpu.memref_slice %arg4[%add3A_93, %dma_start3A_111, %dma_start3A_112] : memref<1250x2x128xi32, #tpu.memory_space<hbm>> -> memref<1x2x128xi32, #tpu.memory_space<hbm>>
          %dma_start3A_114 = tpu.memref_squeeze %dma_start3A_113 : memref<1x2x128xi32, #tpu.memory_space<hbm>> -> memref<2x128xi32, #tpu.memory_space<hbm>>
          tpu.enqueue_dma source(%dma_start3A_114 : memref<2x128xi32, #tpu.memory_space<hbm>>) target(%arg7 : memref<2x128xi32, #tpu.memory_space<vmem>>) target_semaphore(%run_scoped3A_106 : memref<!tpu.dma_semaphore, #tpu.memory_space<semaphore_mem>>)
          %dma_wait3A_115 = arith.constant 0 : i32
          %dma_wait3A_116 = arith.constant 0 : i32
          %dma_wait3A_117 = tpu.memref_slice %arg4[%add3A_93, %dma_wait3A_115, %dma_wait3A_116] : memref<1250x2x128xi32, #tpu.memory_space<hbm>> -> memref<1x2x128xi32, #tpu.memory_space<hbm>>
          %dma_wait3A_118 = tpu.memref_squeeze %dma_wait3A_117 : memref<1x2x128xi32, #tpu.memory_space<hbm>> -> memref<2x128xi32, #tpu.memory_space<hbm>>
          %dma_wait3A_119 = arith.constant 0 : i32
          %dma_wait3A_120 = arith.constant 0 : i32
          %dma_wait3A_121 = tpu.memref_slice %arg4[%add3A_93, %dma_wait3A_119, %dma_wait3A_120] : memref<1250x2x128xi32, #tpu.memory_space<hbm>> -> memref<1x2x128xi32, #tpu.memory_space<hbm>>
          %dma_wait3A_122 = tpu.memref_squeeze %dma_wait3A_121 : memref<1x2x128xi32, #tpu.memory_space<hbm>> -> memref<2x128xi32, #tpu.memory_space<hbm>>
          tpu.wait_dma2 semaphore(%run_scoped3A_106 : memref<!tpu.dma_semaphore, #tpu.memory_space<semaphore_mem>>) src(%dma_wait3A_122 : memref<2x128xi32, #tpu.memory_space<hbm>>) dst(%arg7 : memref<2x128xi32, #tpu.memory_space<vmem>>)
          tpu.yield
        }) : () -> ()
        %dma_start3A = arith.constant 0 : i32
        %dma_start3A_94 = arith.constant 0 : i32
        %dma_start3A_95 = tpu.memref_slice %arg7[%dma_start3A, %dma_start3A_94] : memref<2x128xi32, #tpu.memory_space<vmem>> -> memref<1x128xi32, #tpu.memory_space<vmem>>
        %dma_start3A_96 = tpu.memref_squeeze %dma_start3A_95 : memref<1x128xi32, #tpu.memory_space<vmem>> -> memref<128xi32, #tpu.memory_space<vmem>>
        %dma_start3A_97 = arith.constant 0 : i32
        %dma_start3A_98 = arith.constant 0 : i32
        %dma_start3A_99 = tpu.memref_slice %arg3[%dma_start3A_97, %dma_start3A_98] : memref<10000x128xf32, #tpu.memory_space<hbm>> -> memref<10000x128xf32, #tpu.memory_space<hbm>>
        tpu.enqueue_indirect_dma source(%dma_start3A_99 : memref<10000x128xf32, #tpu.memory_space<hbm>>) target(%arg10 : memref<128x128xf32, #tpu.memory_space<vmem>>) offsets(%dma_start3A_96 : memref<128xi32, #tpu.memory_space<vmem>>) semaphore(%arg14 : memref<!tpu.dma_semaphore, #tpu.memory_space<semaphore_mem>>)
        %dma_wait3A = arith.constant 0 : i32
        %dma_wait3A_100 = arith.constant 0 : i32
        %dma_wait3A_101 = tpu.memref_slice %arg7[%dma_wait3A, %dma_wait3A_100] : memref<2x128xi32, #tpu.memory_space<vmem>> -> memref<1x128xi32, #tpu.memory_space<vmem>>
        %dma_wait3A_102 = tpu.memref_squeeze %dma_wait3A_101 : memref<1x128xi32, #tpu.memory_space<vmem>> -> memref<128xi32, #tpu.memory_space<vmem>>
        %dma_wait3A_103 = arith.constant 0 : i32
        %dma_wait3A_104 = arith.constant 0 : i32
        %dma_wait3A_105 = tpu.memref_slice %arg3[%dma_wait3A_103, %dma_wait3A_104] : memref<10000x128xf32, #tpu.memory_space<hbm>> -> memref<10000x128xf32, #tpu.memory_space<hbm>>
        tpu.wait_indirect_dma semaphore(%arg14 : memref<!tpu.dma_semaphore, #tpu.memory_space<semaphore_mem>>) src(%dma_wait3A_105 : memref<10000x128xf32, #tpu.memory_space<hbm>>) dst(%arg10 : memref<128x128xf32, #tpu.memory_space<vmem>>)
        %run_scoped3A = arith.constant 1 : i32
        "tpu.region"() ({
          %run_scoped3A_106 = tpu.sem_alloc : memref<!tpu.dma_semaphore, #tpu.memory_space<semaphore_mem>>
          %dma_start3A_107 = arith.constant 0 : i32
          %dma_start3A_108 = tpu.memref_slice %arg7[%run_scoped3A, %dma_start3A_107] : memref<2x128xi32, #tpu.memory_space<vmem>> -> memref<1x128xi32, #tpu.memory_space<vmem>>
          %dma_start3A_109 = tpu.memref_squeeze %dma_start3A_108 : memref<1x128xi32, #tpu.memory_space<vmem>> -> memref<128xi32, #tpu.memory_space<vmem>>
          %dma_start3A_110 = arith.constant 0 : i32
          %dma_start3A_111 = arith.constant 0 : i32
          %dma_start3A_112 = tpu.memref_slice %arg13[%dma_start3A_110, %dma_start3A_111] : memref<10000x128xf32, #tpu.memory_space<vmem_shared>> -> memref<10000x128xf32, #tpu.memory_space<vmem_shared>>
          tpu.enqueue_indirect_dma source(%arg10 : memref<128x128xf32, #tpu.memory_space<vmem>>) target(%dma_start3A_112 : memref<10000x128xf32, #tpu.memory_space<vmem_shared>>) offsets(%dma_start3A_109 : memref<128xi32, #tpu.memory_space<vmem>>) semaphore(%run_scoped3A_106 : memref<!tpu.dma_semaphore, #tpu.memory_space<semaphore_mem>>) {add = true}
          %dma_wait3A_113 = arith.constant 0 : i32
          %dma_wait3A_114 = tpu.memref_slice %arg7[%run_scoped3A, %dma_wait3A_113] : memref<2x128xi32, #tpu.memory_space<vmem>> -> memref<1x128xi32, #tpu.memory_space<vmem>>
          %dma_wait3A_115 = tpu.memref_squeeze %dma_wait3A_114 : memref<1x128xi32, #tpu.memory_space<vmem>> -> memref<128xi32, #tpu.memory_space<vmem>>
          %dma_wait3A_116 = arith.constant 0 : i32
          %dma_wait3A_117 = arith.constant 0 : i32
          %dma_wait3A_118 = tpu.memref_slice %arg13[%dma_wait3A_116, %dma_wait3A_117] : memref<10000x128xf32, #tpu.memory_space<vmem_shared>> -> memref<10000x128xf32, #tpu.memory_space<vmem_shared>>
          tpu.wait_indirect_dma semaphore(%run_scoped3A_106 : memref<!tpu.dma_semaphore, #tpu.memory_space<semaphore_mem>>) src(%arg10 : memref<128x128xf32, #tpu.memory_space<vmem>>) dst(%dma_wait3A_118 : memref<10000x128xf32, #tpu.memory_space<vmem_shared>>)
          tpu.yield
        }) : () -> ()
      }
    } else {
    }
    %barrier3A_16 = arith.constant 0 : index
    tpu.barrier barrier_id(%barrier3A_16)
    %lt3A_17 = arith.constant 10 : i32
    %lt3A_18 = arith.cmpi slt, %arg1, %lt3A_17 : i32
    %convert_element_type3A_19 = arith.extui %lt3A_18 : i1 to i32
    %cond3A_20 = arith.constant 0 : i32
    %cond3A_21 = arith.cmpi ne, %convert_element_type3A_19, %cond3A_20 : i32
    scf.if %cond3A_21 {
      %mul3A = arith.constant 1000 : i32
      %mul3A_22 = arith.muli %arg1, %mul3A : i32
      %add3A = arith.constant 0 : i32
      %add3A_23 = arith.addi %mul3A_22, %add3A : i32
      "tpu.region"() ({
        %run_scoped3A = tpu.sem_alloc : memref<!tpu.dma_semaphore, #tpu.memory_space<semaphore_mem>>
        %dma_start3A = arith.constant 0 : i32
        %dma_start3A_132 = arith.constant 0 : i32
        %dma_start3A_133 = tpu.memref_slice %arg10[%dma_start3A, %dma_start3A_132] : memref<128x128xf32, #tpu.memory_space<vmem>> -> memref<128x128xf32, #tpu.memory_space<vmem>>
        %dma_start3A_134 = arith.constant 0 : i32
        %dma_start3A_135 = tpu.memref_slice %arg13[%add3A_23, %dma_start3A_134] : memref<10000x128xf32, #tpu.memory_space<vmem_shared>> -> memref<128x128xf32, #tpu.memory_space<vmem_shared>>
        %dma_start3A_136 = arith.constant 0 : i32
        %dma_start3A_137 = arith.constant 0 : i32
        %dma_start3A_138 = tpu.memref_slice %arg10[%dma_start3A_136, %dma_start3A_137] : memref<128x128xf32, #tpu.memory_space<vmem>> -> memref<128x128xf32, #tpu.memory_space<vmem>>
        %dma_start3A_139 = arith.constant 0 : i32
        %dma_start3A_140 = tpu.memref_slice %arg13[%add3A_23, %dma_start3A_139] : memref<10000x128xf32, #tpu.memory_space<vmem_shared>> -> memref<128x128xf32, #tpu.memory_space<vmem_shared>>
        tpu.enqueue_dma source(%dma_start3A_140 : memref<128x128xf32, #tpu.memory_space<vmem_shared>>) target(%dma_start3A_138 : memref<128x128xf32, #tpu.memory_space<vmem>>) target_semaphore(%run_scoped3A : memref<!tpu.dma_semaphore, #tpu.memory_space<semaphore_mem>>)
        %dma_wait3A = arith.constant 0 : i32
        %dma_wait3A_141 = arith.constant 0 : i32
        %dma_wait3A_142 = tpu.memref_slice %arg10[%dma_wait3A, %dma_wait3A_141] : memref<128x128xf32, #tpu.memory_space<vmem>> -> memref<128x128xf32, #tpu.memory_space<vmem>>
        %dma_wait3A_143 = arith.constant 0 : i32
        %dma_wait3A_144 = tpu.memref_slice %arg13[%add3A_23, %dma_wait3A_143] : memref<10000x128xf32, #tpu.memory_space<vmem_shared>> -> memref<128x128xf32, #tpu.memory_space<vmem_shared>>
        %dma_wait3A_145 = arith.constant 0 : i32
        %dma_wait3A_146 = arith.constant 0 : i32
        %dma_wait3A_147 = tpu.memref_slice %arg10[%dma_wait3A_145, %dma_wait3A_146] : memref<128x128xf32, #tpu.memory_space<vmem>> -> memref<128x128xf32, #tpu.memory_space<vmem>>
        %dma_wait3A_148 = arith.constant 0 : i32
        %dma_wait3A_149 = tpu.memref_slice %arg13[%add3A_23, %dma_wait3A_148] : memref<10000x128xf32, #tpu.memory_space<vmem_shared>> -> memref<128x128xf32, #tpu.memory_space<vmem_shared>>
        tpu.wait_dma2 semaphore(%run_scoped3A : memref<!tpu.dma_semaphore, #tpu.memory_space<semaphore_mem>>) src(%dma_wait3A_149 : memref<128x128xf32, #tpu.memory_space<vmem_shared>>) dst(%dma_wait3A_147 : memref<128x128xf32, #tpu.memory_space<vmem>>)
        tpu.yield
      }) : () -> ()
      %eq3A_24 = arith.constant 0 : i32
      %eq3A_25 = arith.cmpi eq, %arg0, %eq3A_24 : i32
      %convert_element_type3A_26 = arith.extui %eq3A_25 : i1 to i32
      %cond3A_27 = arith.constant 0 : i32
      %cond3A_28 = arith.cmpi ne, %convert_element_type3A_26, %cond3A_27 : i32
      scf.if %cond3A_28 {
        "tpu.region"() ({
          %run_scoped3A = tpu.sem_alloc : memref<!tpu.dma_semaphore, #tpu.memory_space<semaphore_mem>>
          %dma_start3A = arith.constant 0 : i32
          %dma_start3A_132 = arith.constant 0 : i32
          %dma_start3A_133 = tpu.memref_slice %arg10[%dma_start3A, %dma_start3A_132] : memref<128x128xf32, #tpu.memory_space<vmem>> -> memref<128x128xf32, #tpu.memory_space<vmem>>
          %dma_start3A_134 = arith.constant 0 : i32
          %dma_start3A_135 = tpu.memref_slice %arg5[%add3A_23, %dma_start3A_134] : memref<10000x128xf32, #tpu.memory_space<hbm>> -> memref<128x128xf32, #tpu.memory_space<hbm>>
          %dma_start3A_136 = arith.constant 0 : i32
          %dma_start3A_137 = tpu.memref_slice %arg5[%add3A_23, %dma_start3A_136] : memref<10000x128xf32, #tpu.memory_space<hbm>> -> memref<128x128xf32, #tpu.memory_space<hbm>>
          %dma_start3A_138 = arith.constant 0 : i32
          %dma_start3A_139 = arith.constant 0 : i32
          %dma_start3A_140 = tpu.memref_slice %arg10[%dma_start3A_138, %dma_start3A_139] : memref<128x128xf32, #tpu.memory_space<vmem>> -> memref<128x128xf32, #tpu.memory_space<vmem>>
          tpu.enqueue_dma source(%dma_start3A_140 : memref<128x128xf32, #tpu.memory_space<vmem>>) target(%dma_start3A_137 : memref<128x128xf32, #tpu.memory_space<hbm>>) target_semaphore(%run_scoped3A : memref<!tpu.dma_semaphore, #tpu.memory_space<semaphore_mem>>)
          %dma_wait3A = arith.constant 0 : i32
          %dma_wait3A_141 = arith.constant 0 : i32
          %dma_wait3A_142 = tpu.memref_slice %arg10[%dma_wait3A, %dma_wait3A_141] : memref<128x128xf32, #tpu.memory_space<vmem>> -> memref<128x128xf32, #tpu.memory_space<vmem>>
          %dma_wait3A_143 = arith.constant 0 : i32
          %dma_wait3A_144 = tpu.memref_slice %arg5[%add3A_23, %dma_wait3A_143] : memref<10000x128xf32, #tpu.memory_space<hbm>> -> memref<128x128xf32, #tpu.memory_space<hbm>>
          %dma_wait3A_145 = arith.constant 0 : i32
          %dma_wait3A_146 = tpu.memref_slice %arg5[%add3A_23, %dma_wait3A_145] : memref<10000x128xf32, #tpu.memory_space<hbm>> -> memref<128x128xf32, #tpu.memory_space<hbm>>
          %dma_wait3A_147 = arith.constant 0 : i32
          %dma_wait3A_148 = arith.constant 0 : i32
          %dma_wait3A_149 = tpu.memref_slice %arg10[%dma_wait3A_147, %dma_wait3A_148] : memref<128x128xf32, #tpu.memory_space<vmem>> -> memref<128x128xf32, #tpu.memory_space<vmem>>
          tpu.wait_dma2 semaphore(%run_scoped3A : memref<!tpu.dma_semaphore, #tpu.memory_space<semaphore_mem>>) src(%dma_wait3A_149 : memref<128x128xf32, #tpu.memory_space<vmem>>) dst(%dma_wait3A_146 : memref<128x128xf32, #tpu.memory_space<hbm>>)
          tpu.yield
        }) : () -> ()
      } else {
      }
      %eq3A_29 = arith.constant 1 : i32
      %eq3A_30 = arith.cmpi eq, %arg0, %eq3A_29 : i32
      %convert_element_type3A_31 = arith.extui %eq3A_30 : i1 to i32
      %cond3A_32 = arith.constant 0 : i32
      %cond3A_33 = arith.cmpi ne, %convert_element_type3A_31, %cond3A_32 : i32
      scf.if %cond3A_33 {
        "tpu.region"() ({
          %run_scoped3A = tpu.sem_alloc : memref<!tpu.dma_semaphore, #tpu.memory_space<semaphore_mem>>
          %dma_start3A = arith.constant 0 : i32
          %dma_start3A_132 = arith.constant 0 : i32
          %dma_start3A_133 = tpu.memref_slice %arg10[%dma_start3A, %dma_start3A_132] : memref<128x128xf32, #tpu.memory_space<vmem>> -> memref<128x128xf32, #tpu.memory_space<vmem>>
          %dma_start3A_134 = arith.constant 0 : i32
          %dma_start3A_135 = tpu.memref_slice %arg6[%add3A_23, %dma_start3A_134] : memref<10000x128xf32, #tpu.memory_space<hbm>> -> memref<128x128xf32, #tpu.memory_space<hbm>>
          %dma_start3A_136 = arith.constant 0 : i32
          %dma_start3A_137 = tpu.memref_slice %arg6[%add3A_23, %dma_start3A_136] : memref<10000x128xf32, #tpu.memory_space<hbm>> -> memref<128x128xf32, #tpu.memory_space<hbm>>
          %dma_start3A_138 = arith.constant 0 : i32
          %dma_start3A_139 = arith.constant 0 : i32
          %dma_start3A_140 = tpu.memref_slice %arg10[%dma_start3A_138, %dma_start3A_139] : memref<128x128xf32, #tpu.memory_space<vmem>> -> memref<128x128xf32, #tpu.memory_space<vmem>>
          tpu.enqueue_dma source(%dma_start3A_140 : memref<128x128xf32, #tpu.memory_space<vmem>>) target(%dma_start3A_137 : memref<128x128xf32, #tpu.memory_space<hbm>>) target_semaphore(%run_scoped3A : memref<!tpu.dma_semaphore, #tpu.memory_space<semaphore_mem>>)
          %dma_wait3A = arith.constant 0 : i32
          %dma_wait3A_141 = arith.constant 0 : i32
          %dma_wait3A_142 = tpu.memref_slice %arg10[%dma_wait3A, %dma_wait3A_141] : memref<128x128xf32, #tpu.memory_space<vmem>> -> memref<128x128xf32, #tpu.memory_space<vmem>>
          %dma_wait3A_143 = arith.constant 0 : i32
          %dma_wait3A_144 = tpu.memref_slice %arg6[%add3A_23, %dma_wait3A_143] : memref<10000x128xf32, #tpu.memory_space<hbm>> -> memref<128x128xf32, #tpu.memory_space<hbm>>
          %dma_wait3A_145 = arith.constant 0 : i32
          %dma_wait3A_146 = tpu.memref_slice %arg6[%add3A_23, %dma_wait3A_145] : memref<10000x128xf32, #tpu.memory_space<hbm>> -> memref<128x128xf32, #tpu.memory_space<hbm>>
          %dma_wait3A_147 = arith.constant 0 : i32
          %dma_wait3A_148 = arith.constant 0 : i32
          %dma_wait3A_149 = tpu.memref_slice %arg10[%dma_wait3A_147, %dma_wait3A_148] : memref<128x128xf32, #tpu.memory_space<vmem>> -> memref<128x128xf32, #tpu.memory_space<vmem>>
          tpu.wait_dma2 semaphore(%run_scoped3A : memref<!tpu.dma_semaphore, #tpu.memory_space<semaphore_mem>>) src(%dma_wait3A_149 : memref<128x128xf32, #tpu.memory_space<vmem>>) dst(%dma_wait3A_146 : memref<128x128xf32, #tpu.memory_space<hbm>>)
          tpu.yield
        }) : () -> ()
      } else {
      }
      %mul3A_34 = arith.constant 1000 : i32
      %mul3A_35 = arith.muli %arg1, %mul3A_34 : i32
      %add3A_36 = arith.constant 128 : i32
      %add3A_37 = arith.addi %mul3A_35, %add3A_36 : i32
      "tpu.region"() ({
        %run_scoped3A = tpu.sem_alloc : memref<!tpu.dma_semaphore, #tpu.memory_space<semaphore_mem>>
        %dma_start3A = arith.constant 0 : i32
        %dma_start3A_132 = arith.constant 0 : i32
        %dma_start3A_133 = tpu.memref_slice %arg10[%dma_start3A, %dma_start3A_132] : memref<128x128xf32, #tpu.memory_space<vmem>> -> memref<128x128xf32, #tpu.memory_space<vmem>>
        %dma_start3A_134 = arith.constant 0 : i32
        %dma_start3A_135 = tpu.memref_slice %arg13[%add3A_37, %dma_start3A_134] : memref<10000x128xf32, #tpu.memory_space<vmem_shared>> -> memref<128x128xf32, #tpu.memory_space<vmem_shared>>
        %dma_start3A_136 = arith.constant 0 : i32
        %dma_start3A_137 = arith.constant 0 : i32
        %dma_start3A_138 = tpu.memref_slice %arg10[%dma_start3A_136, %dma_start3A_137] : memref<128x128xf32, #tpu.memory_space<vmem>> -> memref<128x128xf32, #tpu.memory_space<vmem>>
        %dma_start3A_139 = arith.constant 0 : i32
        %dma_start3A_140 = tpu.memref_slice %arg13[%add3A_37, %dma_start3A_139] : memref<10000x128xf32, #tpu.memory_space<vmem_shared>> -> memref<128x128xf32, #tpu.memory_space<vmem_shared>>
        tpu.enqueue_dma source(%dma_start3A_140 : memref<128x128xf32, #tpu.memory_space<vmem_shared>>) target(%dma_start3A_138 : memref<128x128xf32, #tpu.memory_space<vmem>>) target_semaphore(%run_scoped3A : memref<!tpu.dma_semaphore, #tpu.memory_space<semaphore_mem>>)
        %dma_wait3A = arith.constant 0 : i32
        %dma_wait3A_141 = arith.constant 0 : i32
        %dma_wait3A_142 = tpu.memref_slice %arg10[%dma_wait3A, %dma_wait3A_141] : memref<128x128xf32, #tpu.memory_space<vmem>> -> memref<128x128xf32, #tpu.memory_space<vmem>>
        %dma_wait3A_143 = arith.constant 0 : i32
        %dma_wait3A_144 = tpu.memref_slice %arg13[%add3A_37, %dma_wait3A_143] : memref<10000x128xf32, #tpu.memory_space<vmem_shared>> -> memref<128x128xf32, #tpu.memory_space<vmem_shared>>
        %dma_wait3A_145 = arith.constant 0 : i32
        %dma_wait3A_146 = arith.constant 0 : i32
        %dma_wait3A_147 = tpu.memref_slice %arg10[%dma_wait3A_145, %dma_wait3A_146] : memref<128x128xf32, #tpu.memory_space<vmem>> -> memref<128x128xf32, #tpu.memory_space<vmem>>
        %dma_wait3A_148 = arith.constant 0 : i32
        %dma_wait3A_149 = tpu.memref_slice %arg13[%add3A_37, %dma_wait3A_148] : memref<10000x128xf32, #tpu.memory_space<vmem_shared>> -> memref<128x128xf32, #tpu.memory_space<vmem_shared>>
        tpu.wait_dma2 semaphore(%run_scoped3A : memref<!tpu.dma_semaphore, #tpu.memory_space<semaphore_mem>>) src(%dma_wait3A_149 : memref<128x128xf32, #tpu.memory_space<vmem_shared>>) dst(%dma_wait3A_147 : memref<128x128xf32, #tpu.memory_space<vmem>>)
        tpu.yield
      }) : () -> ()
      %eq3A_38 = arith.constant 0 : i32
      %eq3A_39 = arith.cmpi eq, %arg0, %eq3A_38 : i32
      %convert_element_type3A_40 = arith.extui %eq3A_39 : i1 to i32
      %cond3A_41 = arith.constant 0 : i32
      %cond3A_42 = arith.cmpi ne, %convert_element_type3A_40, %cond3A_41 : i32
      scf.if %cond3A_42 {
        "tpu.region"() ({
          %run_scoped3A = tpu.sem_alloc : memref<!tpu.dma_semaphore, #tpu.memory_space<semaphore_mem>>
          %dma_start3A = arith.constant 0 : i32
          %dma_start3A_132 = arith.constant 0 : i32
          %dma_start3A_133 = tpu.memref_slice %arg10[%dma_start3A, %dma_start3A_132] : memref<128x128xf32, #tpu.memory_space<vmem>> -> memref<128x128xf32, #tpu.memory_space<vmem>>
          %dma_start3A_134 = arith.constant 0 : i32
          %dma_start3A_135 = tpu.memref_slice %arg5[%add3A_37, %dma_start3A_134] : memref<10000x128xf32, #tpu.memory_space<hbm>> -> memref<128x128xf32, #tpu.memory_space<hbm>>
          %dma_start3A_136 = arith.constant 0 : i32
          %dma_start3A_137 = tpu.memref_slice %arg5[%add3A_37, %dma_start3A_136] : memref<10000x128xf32, #tpu.memory_space<hbm>> -> memref<128x128xf32, #tpu.memory_space<hbm>>
          %dma_start3A_138 = arith.constant 0 : i32
          %dma_start3A_139 = arith.constant 0 : i32
          %dma_start3A_140 = tpu.memref_slice %arg10[%dma_start3A_138, %dma_start3A_139] : memref<128x128xf32, #tpu.memory_space<vmem>> -> memref<128x128xf32, #tpu.memory_space<vmem>>
          tpu.enqueue_dma source(%dma_start3A_140 : memref<128x128xf32, #tpu.memory_space<vmem>>) target(%dma_start3A_137 : memref<128x128xf32, #tpu.memory_space<hbm>>) target_semaphore(%run_scoped3A : memref<!tpu.dma_semaphore, #tpu.memory_space<semaphore_mem>>)
          %dma_wait3A = arith.constant 0 : i32
          %dma_wait3A_141 = arith.constant 0 : i32
          %dma_wait3A_142 = tpu.memref_slice %arg10[%dma_wait3A, %dma_wait3A_141] : memref<128x128xf32, #tpu.memory_space<vmem>> -> memref<128x128xf32, #tpu.memory_space<vmem>>
          %dma_wait3A_143 = arith.constant 0 : i32
          %dma_wait3A_144 = tpu.memref_slice %arg5[%add3A_37, %dma_wait3A_143] : memref<10000x128xf32, #tpu.memory_space<hbm>> -> memref<128x128xf32, #tpu.memory_space<hbm>>
          %dma_wait3A_145 = arith.constant 0 : i32
          %dma_wait3A_146 = tpu.memref_slice %arg5[%add3A_37, %dma_wait3A_145] : memref<10000x128xf32, #tpu.memory_space<hbm>> -> memref<128x128xf32, #tpu.memory_space<hbm>>
          %dma_wait3A_147 = arith.constant 0 : i32
          %dma_wait3A_148 = arith.constant 0 : i32
          %dma_wait3A_149 = tpu.memref_slice %arg10[%dma_wait3A_147, %dma_wait3A_148] : memref<128x128xf32, #tpu.memory_space<vmem>> -> memref<128x128xf32, #tpu.memory_space<vmem>>
          tpu.wait_dma2 semaphore(%run_scoped3A : memref<!tpu.dma_semaphore, #tpu.memory_space<semaphore_mem>>) src(%dma_wait3A_149 : memref<128x128xf32, #tpu.memory_space<vmem>>) dst(%dma_wait3A_146 : memref<128x128xf32, #tpu.memory_space<hbm>>)
          tpu.yield
        }) : () -> ()
      } else {
      }
      %eq3A_43 = arith.constant 1 : i32
      %eq3A_44 = arith.cmpi eq, %arg0, %eq3A_43 : i32
      %convert_element_type3A_45 = arith.extui %eq3A_44 : i1 to i32
      %cond3A_46 = arith.constant 0 : i32
      %cond3A_47 = arith.cmpi ne, %convert_element_type3A_45, %cond3A_46 : i32
      scf.if %cond3A_47 {
        "tpu.region"() ({
          %run_scoped3A = tpu.sem_alloc : memref<!tpu.dma_semaphore, #tpu.memory_space<semaphore_mem>>
          %dma_start3A = arith.constant 0 : i32
          %dma_start3A_132 = arith.constant 0 : i32
          %dma_start3A_133 = tpu.memref_slice %arg10[%dma_start3A, %dma_start3A_132] : memref<128x128xf32, #tpu.memory_space<vmem>> -> memref<128x128xf32, #tpu.memory_space<vmem>>
          %dma_start3A_134 = arith.constant 0 : i32
          %dma_start3A_135 = tpu.memref_slice %arg6[%add3A_37, %dma_start3A_134] : memref<10000x128xf32, #tpu.memory_space<hbm>> -> memref<128x128xf32, #tpu.memory_space<hbm>>
          %dma_start3A_136 = arith.constant 0 : i32
          %dma_start3A_137 = tpu.memref_slice %arg6[%add3A_37, %dma_start3A_136] : memref<10000x128xf32, #tpu.memory_space<hbm>> -> memref<128x128xf32, #tpu.memory_space<hbm>>
          %dma_start3A_138 = arith.constant 0 : i32
          %dma_start3A_139 = arith.constant 0 : i32
          %dma_start3A_140 = tpu.memref_slice %arg10[%dma_start3A_138, %dma_start3A_139] : memref<128x128xf32, #tpu.memory_space<vmem>> -> memref<128x128xf32, #tpu.memory_space<vmem>>
          tpu.enqueue_dma source(%dma_start3A_140 : memref<128x128xf32, #tpu.memory_space<vmem>>) target(%dma_start3A_137 : memref<128x128xf32, #tpu.memory_space<hbm>>) target_semaphore(%run_scoped3A : memref<!tpu.dma_semaphore, #tpu.memory_space<semaphore_mem>>)
          %dma_wait3A = arith.constant 0 : i32
          %dma_wait3A_141 = arith.constant 0 : i32
          %dma_wait3A_142 = tpu.memref_slice %arg10[%dma_wait3A, %dma_wait3A_141] : memref<128x128xf32, #tpu.memory_space<vmem>> -> memref<128x128xf32, #tpu.memory_space<vmem>>
          %dma_wait3A_143 = arith.constant 0 : i32
          %dma_wait3A_144 = tpu.memref_slice %arg6[%add3A_37, %dma_wait3A_143] : memref<10000x128xf32, #tpu.memory_space<hbm>> -> memref<128x128xf32, #tpu.memory_space<hbm>>
          %dma_wait3A_145 = arith.constant 0 : i32
          %dma_wait3A_146 = tpu.memref_slice %arg6[%add3A_37, %dma_wait3A_145] : memref<10000x128xf32, #tpu.memory_space<hbm>> -> memref<128x128xf32, #tpu.memory_space<hbm>>
          %dma_wait3A_147 = arith.constant 0 : i32
          %dma_wait3A_148 = arith.constant 0 : i32
          %dma_wait3A_149 = tpu.memref_slice %arg10[%dma_wait3A_147, %dma_wait3A_148] : memref<128x128xf32, #tpu.memory_space<vmem>> -> memref<128x128xf32, #tpu.memory_space<vmem>>
          tpu.wait_dma2 semaphore(%run_scoped3A : memref<!tpu.dma_semaphore, #tpu.memory_space<semaphore_mem>>) src(%dma_wait3A_149 : memref<128x128xf32, #tpu.memory_space<vmem>>) dst(%dma_wait3A_146 : memref<128x128xf32, #tpu.memory_space<hbm>>)
          tpu.yield
        }) : () -> ()
      } else {
      }
      %mul3A_48 = arith.constant 1000 : i32
      %mul3A_49 = arith.muli %arg1, %mul3A_48 : i32
      %add3A_50 = arith.constant 256 : i32
      %add3A_51 = arith.addi %mul3A_49, %add3A_50 : i32
      "tpu.region"() ({
        %run_scoped3A = tpu.sem_alloc : memref<!tpu.dma_semaphore, #tpu.memory_space<semaphore_mem>>
        %dma_start3A = arith.constant 0 : i32
        %dma_start3A_132 = arith.constant 0 : i32
        %dma_start3A_133 = tpu.memref_slice %arg10[%dma_start3A, %dma_start3A_132] : memref<128x128xf32, #tpu.memory_space<vmem>> -> memref<128x128xf32, #tpu.memory_space<vmem>>
        %dma_start3A_134 = arith.constant 0 : i32
        %dma_start3A_135 = tpu.memref_slice %arg13[%add3A_51, %dma_start3A_134] : memref<10000x128xf32, #tpu.memory_space<vmem_shared>> -> memref<128x128xf32, #tpu.memory_space<vmem_shared>>
        %dma_start3A_136 = arith.constant 0 : i32
        %dma_start3A_137 = arith.constant 0 : i32
        %dma_start3A_138 = tpu.memref_slice %arg10[%dma_start3A_136, %dma_start3A_137] : memref<128x128xf32, #tpu.memory_space<vmem>> -> memref<128x128xf32, #tpu.memory_space<vmem>>
        %dma_start3A_139 = arith.constant 0 : i32
        %dma_start3A_140 = tpu.memref_slice %arg13[%add3A_51, %dma_start3A_139] : memref<10000x128xf32, #tpu.memory_space<vmem_shared>> -> memref<128x128xf32, #tpu.memory_space<vmem_shared>>
        tpu.enqueue_dma source(%dma_start3A_140 : memref<128x128xf32, #tpu.memory_space<vmem_shared>>) target(%dma_start3A_138 : memref<128x128xf32, #tpu.memory_space<vmem>>) target_semaphore(%run_scoped3A : memref<!tpu.dma_semaphore, #tpu.memory_space<semaphore_mem>>)
        %dma_wait3A = arith.constant 0 : i32
        %dma_wait3A_141 = arith.constant 0 : i32
        %dma_wait3A_142 = tpu.memref_slice %arg10[%dma_wait3A, %dma_wait3A_141] : memref<128x128xf32, #tpu.memory_space<vmem>> -> memref<128x128xf32, #tpu.memory_space<vmem>>
        %dma_wait3A_143 = arith.constant 0 : i32
        %dma_wait3A_144 = tpu.memref_slice %arg13[%add3A_51, %dma_wait3A_143] : memref<10000x128xf32, #tpu.memory_space<vmem_shared>> -> memref<128x128xf32, #tpu.memory_space<vmem_shared>>
        %dma_wait3A_145 = arith.constant 0 : i32
        %dma_wait3A_146 = arith.constant 0 : i32
        %dma_wait3A_147 = tpu.memref_slice %arg10[%dma_wait3A_145, %dma_wait3A_146] : memref<128x128xf32, #tpu.memory_space<vmem>> -> memref<128x128xf32, #tpu.memory_space<vmem>>
        %dma_wait3A_148 = arith.constant 0 : i32
        %dma_wait3A_149 = tpu.memref_slice %arg13[%add3A_51, %dma_wait3A_148] : memref<10000x128xf32, #tpu.memory_space<vmem_shared>> -> memref<128x128xf32, #tpu.memory_space<vmem_shared>>
        tpu.wait_dma2 semaphore(%run_scoped3A : memref<!tpu.dma_semaphore, #tpu.memory_space<semaphore_mem>>) src(%dma_wait3A_149 : memref<128x128xf32, #tpu.memory_space<vmem_shared>>) dst(%dma_wait3A_147 : memref<128x128xf32, #tpu.memory_space<vmem>>)
        tpu.yield
      }) : () -> ()
      %eq3A_52 = arith.constant 0 : i32
      %eq3A_53 = arith.cmpi eq, %arg0, %eq3A_52 : i32
      %convert_element_type3A_54 = arith.extui %eq3A_53 : i1 to i32
      %cond3A_55 = arith.constant 0 : i32
      %cond3A_56 = arith.cmpi ne, %convert_element_type3A_54, %cond3A_55 : i32
      scf.if %cond3A_56 {
        "tpu.region"() ({
          %run_scoped3A = tpu.sem_alloc : memref<!tpu.dma_semaphore, #tpu.memory_space<semaphore_mem>>
          %dma_start3A = arith.constant 0 : i32
          %dma_start3A_132 = arith.constant 0 : i32
          %dma_start3A_133 = tpu.memref_slice %arg10[%dma_start3A, %dma_start3A_132] : memref<128x128xf32, #tpu.memory_space<vmem>> -> memref<128x128xf32, #tpu.memory_space<vmem>>
          %dma_start3A_134 = arith.constant 0 : i32
          %dma_start3A_135 = tpu.memref_slice %arg5[%add3A_51, %dma_start3A_134] : memref<10000x128xf32, #tpu.memory_space<hbm>> -> memref<128x128xf32, #tpu.memory_space<hbm>>
          %dma_start3A_136 = arith.constant 0 : i32
          %dma_start3A_137 = tpu.memref_slice %arg5[%add3A_51, %dma_start3A_136] : memref<10000x128xf32, #tpu.memory_space<hbm>> -> memref<128x128xf32, #tpu.memory_space<hbm>>
          %dma_start3A_138 = arith.constant 0 : i32
          %dma_start3A_139 = arith.constant 0 : i32
          %dma_start3A_140 = tpu.memref_slice %arg10[%dma_start3A_138, %dma_start3A_139] : memref<128x128xf32, #tpu.memory_space<vmem>> -> memref<128x128xf32, #tpu.memory_space<vmem>>
          tpu.enqueue_dma source(%dma_start3A_140 : memref<128x128xf32, #tpu.memory_space<vmem>>) target(%dma_start3A_137 : memref<128x128xf32, #tpu.memory_space<hbm>>) target_semaphore(%run_scoped3A : memref<!tpu.dma_semaphore, #tpu.memory_space<semaphore_mem>>)
          %dma_wait3A = arith.constant 0 : i32
          %dma_wait3A_141 = arith.constant 0 : i32
          %dma_wait3A_142 = tpu.memref_slice %arg10[%dma_wait3A, %dma_wait3A_141] : memref<128x128xf32, #tpu.memory_space<vmem>> -> memref<128x128xf32, #tpu.memory_space<vmem>>
          %dma_wait3A_143 = arith.constant 0 : i32
          %dma_wait3A_144 = tpu.memref_slice %arg5[%add3A_51, %dma_wait3A_143] : memref<10000x128xf32, #tpu.memory_space<hbm>> -> memref<128x128xf32, #tpu.memory_space<hbm>>
          %dma_wait3A_145 = arith.constant 0 : i32
          %dma_wait3A_146 = tpu.memref_slice %arg5[%add3A_51, %dma_wait3A_145] : memref<10000x128xf32, #tpu.memory_space<hbm>> -> memref<128x128xf32, #tpu.memory_space<hbm>>
          %dma_wait3A_147 = arith.constant 0 : i32
          %dma_wait3A_148 = arith.constant 0 : i32
          %dma_wait3A_149 = tpu.memref_slice %arg10[%dma_wait3A_147, %dma_wait3A_148] : memref<128x128xf32, #tpu.memory_space<vmem>> -> memref<128x128xf32, #tpu.memory_space<vmem>>
          tpu.wait_dma2 semaphore(%run_scoped3A : memref<!tpu.dma_semaphore, #tpu.memory_space<semaphore_mem>>) src(%dma_wait3A_149 : memref<128x128xf32, #tpu.memory_space<vmem>>) dst(%dma_wait3A_146 : memref<128x128xf32, #tpu.memory_space<hbm>>)
          tpu.yield
        }) : () -> ()
      } else {
      }
      %eq3A_57 = arith.constant 1 : i32
      %eq3A_58 = arith.cmpi eq, %arg0, %eq3A_57 : i32
      %convert_element_type3A_59 = arith.extui %eq3A_58 : i1 to i32
      %cond3A_60 = arith.constant 0 : i32
      %cond3A_61 = arith.cmpi ne, %convert_element_type3A_59, %cond3A_60 : i32
      scf.if %cond3A_61 {
        "tpu.region"() ({
          %run_scoped3A = tpu.sem_alloc : memref<!tpu.dma_semaphore, #tpu.memory_space<semaphore_mem>>
          %dma_start3A = arith.constant 0 : i32
          %dma_start3A_132 = arith.constant 0 : i32
          %dma_start3A_133 = tpu.memref_slice %arg10[%dma_start3A, %dma_start3A_132] : memref<128x128xf32, #tpu.memory_space<vmem>> -> memref<128x128xf32, #tpu.memory_space<vmem>>
          %dma_start3A_134 = arith.constant 0 : i32
          %dma_start3A_135 = tpu.memref_slice %arg6[%add3A_51, %dma_start3A_134] : memref<10000x128xf32, #tpu.memory_space<hbm>> -> memref<128x128xf32, #tpu.memory_space<hbm>>
          %dma_start3A_136 = arith.constant 0 : i32
          %dma_start3A_137 = tpu.memref_slice %arg6[%add3A_51, %dma_start3A_136] : memref<10000x128xf32, #tpu.memory_space<hbm>> -> memref<128x128xf32, #tpu.memory_space<hbm>>
          %dma_start3A_138 = arith.constant 0 : i32
          %dma_start3A_139 = arith.constant 0 : i32
          %dma_start3A_140 = tpu.memref_slice %arg10[%dma_start3A_138, %dma_start3A_139] : memref<128x128xf32, #tpu.memory_space<vmem>> -> memref<128x128xf32, #tpu.memory_space<vmem>>
          tpu.enqueue_dma source(%dma_start3A_140 : memref<128x128xf32, #tpu.memory_space<vmem>>) target(%dma_start3A_137 : memref<128x128xf32, #tpu.memory_space<hbm>>) target_semaphore(%run_scoped3A : memref<!tpu.dma_semaphore, #tpu.memory_space<semaphore_mem>>)
          %dma_wait3A = arith.constant 0 : i32
          %dma_wait3A_141 = arith.constant 0 : i32
          %dma_wait3A_142 = tpu.memref_slice %arg10[%dma_wait3A, %dma_wait3A_141] : memref<128x128xf32, #tpu.memory_space<vmem>> -> memref<128x128xf32, #tpu.memory_space<vmem>>
          %dma_wait3A_143 = arith.constant 0 : i32
          %dma_wait3A_144 = tpu.memref_slice %arg6[%add3A_51, %dma_wait3A_143] : memref<10000x128xf32, #tpu.memory_space<hbm>> -> memref<128x128xf32, #tpu.memory_space<hbm>>
          %dma_wait3A_145 = arith.constant 0 : i32
          %dma_wait3A_146 = tpu.memref_slice %arg6[%add3A_51, %dma_wait3A_145] : memref<10000x128xf32, #tpu.memory_space<hbm>> -> memref<128x128xf32, #tpu.memory_space<hbm>>
          %dma_wait3A_147 = arith.constant 0 : i32
          %dma_wait3A_148 = arith.constant 0 : i32
          %dma_wait3A_149 = tpu.memref_slice %arg10[%dma_wait3A_147, %dma_wait3A_148] : memref<128x128xf32, #tpu.memory_space<vmem>> -> memref<128x128xf32, #tpu.memory_space<vmem>>
          tpu.wait_dma2 semaphore(%run_scoped3A : memref<!tpu.dma_semaphore, #tpu.memory_space<semaphore_mem>>) src(%dma_wait3A_149 : memref<128x128xf32, #tpu.memory_space<vmem>>) dst(%dma_wait3A_146 : memref<128x128xf32, #tpu.memory_space<hbm>>)
          tpu.yield
        }) : () -> ()
      } else {
      }
      %mul3A_62 = arith.constant 1000 : i32
      %mul3A_63 = arith.muli %arg1, %mul3A_62 : i32
      %add3A_64 = arith.constant 384 : i32
      %add3A_65 = arith.addi %mul3A_63, %add3A_64 : i32
      "tpu.region"() ({
        %run_scoped3A = tpu.sem_alloc : memref<!tpu.dma_semaphore, #tpu.memory_space<semaphore_mem>>
        %dma_start3A = arith.constant 0 : i32
        %dma_start3A_132 = arith.constant 0 : i32
        %dma_start3A_133 = tpu.memref_slice %arg10[%dma_start3A, %dma_start3A_132] : memref<128x128xf32, #tpu.memory_space<vmem>> -> memref<128x128xf32, #tpu.memory_space<vmem>>
        %dma_start3A_134 = arith.constant 0 : i32
        %dma_start3A_135 = tpu.memref_slice %arg13[%add3A_65, %dma_start3A_134] : memref<10000x128xf32, #tpu.memory_space<vmem_shared>> -> memref<128x128xf32, #tpu.memory_space<vmem_shared>>
        %dma_start3A_136 = arith.constant 0 : i32
        %dma_start3A_137 = arith.constant 0 : i32
        %dma_start3A_138 = tpu.memref_slice %arg10[%dma_start3A_136, %dma_start3A_137] : memref<128x128xf32, #tpu.memory_space<vmem>> -> memref<128x128xf32, #tpu.memory_space<vmem>>
        %dma_start3A_139 = arith.constant 0 : i32
        %dma_start3A_140 = tpu.memref_slice %arg13[%add3A_65, %dma_start3A_139] : memref<10000x128xf32, #tpu.memory_space<vmem_shared>> -> memref<128x128xf32, #tpu.memory_space<vmem_shared>>
        tpu.enqueue_dma source(%dma_start3A_140 : memref<128x128xf32, #tpu.memory_space<vmem_shared>>) target(%dma_start3A_138 : memref<128x128xf32, #tpu.memory_space<vmem>>) target_semaphore(%run_scoped3A : memref<!tpu.dma_semaphore, #tpu.memory_space<semaphore_mem>>)
        %dma_wait3A = arith.constant 0 : i32
        %dma_wait3A_141 = arith.constant 0 : i32
        %dma_wait3A_142 = tpu.memref_slice %arg10[%dma_wait3A, %dma_wait3A_141] : memref<128x128xf32, #tpu.memory_space<vmem>> -> memref<128x128xf32, #tpu.memory_space<vmem>>
        %dma_wait3A_143 = arith.constant 0 : i32
        %dma_wait3A_144 = tpu.memref_slice %arg13[%add3A_65, %dma_wait3A_143] : memref<10000x128xf32, #tpu.memory_space<vmem_shared>> -> memref<128x128xf32, #tpu.memory_space<vmem_shared>>
        %dma_wait3A_145 = arith.constant 0 : i32
        %dma_wait3A_146 = arith.constant 0 : i32
        %dma_wait3A_147 = tpu.memref_slice %arg10[%dma_wait3A_145, %dma_wait3A_146] : memref<128x128xf32, #tpu.memory_space<vmem>> -> memref<128x128xf32, #tpu.memory_space<vmem>>
        %dma_wait3A_148 = arith.constant 0 : i32
        %dma_wait3A_149 = tpu.memref_slice %arg13[%add3A_65, %dma_wait3A_148] : memref<10000x128xf32, #tpu.memory_space<vmem_shared>> -> memref<128x128xf32, #tpu.memory_space<vmem_shared>>
        tpu.wait_dma2 semaphore(%run_scoped3A : memref<!tpu.dma_semaphore, #tpu.memory_space<semaphore_mem>>) src(%dma_wait3A_149 : memref<128x128xf32, #tpu.memory_space<vmem_shared>>) dst(%dma_wait3A_147 : memref<128x128xf32, #tpu.memory_space<vmem>>)
        tpu.yield
      }) : () -> ()
      %eq3A_66 = arith.constant 0 : i32
      %eq3A_67 = arith.cmpi eq, %arg0, %eq3A_66 : i32
      %convert_element_type3A_68 = arith.extui %eq3A_67 : i1 to i32
      %cond3A_69 = arith.constant 0 : i32
      %cond3A_70 = arith.cmpi ne, %convert_element_type3A_68, %cond3A_69 : i32
      scf.if %cond3A_70 {
        "tpu.region"() ({
          %run_scoped3A = tpu.sem_alloc : memref<!tpu.dma_semaphore, #tpu.memory_space<semaphore_mem>>
          %dma_start3A = arith.constant 0 : i32
          %dma_start3A_132 = arith.constant 0 : i32
          %dma_start3A_133 = tpu.memref_slice %arg10[%dma_start3A, %dma_start3A_132] : memref<128x128xf32, #tpu.memory_space<vmem>> -> memref<128x128xf32, #tpu.memory_space<vmem>>
          %dma_start3A_134 = arith.constant 0 : i32
          %dma_start3A_135 = tpu.memref_slice %arg5[%add3A_65, %dma_start3A_134] : memref<10000x128xf32, #tpu.memory_space<hbm>> -> memref<128x128xf32, #tpu.memory_space<hbm>>
          %dma_start3A_136 = arith.constant 0 : i32
          %dma_start3A_137 = tpu.memref_slice %arg5[%add3A_65, %dma_start3A_136] : memref<10000x128xf32, #tpu.memory_space<hbm>> -> memref<128x128xf32, #tpu.memory_space<hbm>>
          %dma_start3A_138 = arith.constant 0 : i32
          %dma_start3A_139 = arith.constant 0 : i32
          %dma_start3A_140 = tpu.memref_slice %arg10[%dma_start3A_138, %dma_start3A_139] : memref<128x128xf32, #tpu.memory_space<vmem>> -> memref<128x128xf32, #tpu.memory_space<vmem>>
          tpu.enqueue_dma source(%dma_start3A_140 : memref<128x128xf32, #tpu.memory_space<vmem>>) target(%dma_start3A_137 : memref<128x128xf32, #tpu.memory_space<hbm>>) target_semaphore(%run_scoped3A : memref<!tpu.dma_semaphore, #tpu.memory_space<semaphore_mem>>)
          %dma_wait3A = arith.constant 0 : i32
          %dma_wait3A_141 = arith.constant 0 : i32
          %dma_wait3A_142 = tpu.memref_slice %arg10[%dma_wait3A, %dma_wait3A_141] : memref<128x128xf32, #tpu.memory_space<vmem>> -> memref<128x128xf32, #tpu.memory_space<vmem>>
          %dma_wait3A_143 = arith.constant 0 : i32
          %dma_wait3A_144 = tpu.memref_slice %arg5[%add3A_65, %dma_wait3A_143] : memref<10000x128xf32, #tpu.memory_space<hbm>> -> memref<128x128xf32, #tpu.memory_space<hbm>>
          %dma_wait3A_145 = arith.constant 0 : i32
          %dma_wait3A_146 = tpu.memref_slice %arg5[%add3A_65, %dma_wait3A_145] : memref<10000x128xf32, #tpu.memory_space<hbm>> -> memref<128x128xf32, #tpu.memory_space<hbm>>
          %dma_wait3A_147 = arith.constant 0 : i32
          %dma_wait3A_148 = arith.constant 0 : i32
          %dma_wait3A_149 = tpu.memref_slice %arg10[%dma_wait3A_147, %dma_wait3A_148] : memref<128x128xf32, #tpu.memory_space<vmem>> -> memref<128x128xf32, #tpu.memory_space<vmem>>
          tpu.wait_dma2 semaphore(%run_scoped3A : memref<!tpu.dma_semaphore, #tpu.memory_space<semaphore_mem>>) src(%dma_wait3A_149 : memref<128x128xf32, #tpu.memory_space<vmem>>) dst(%dma_wait3A_146 : memref<128x128xf32, #tpu.memory_space<hbm>>)
          tpu.yield
        }) : () -> ()
      } else {
      }
      %eq3A_71 = arith.constant 1 : i32
      %eq3A_72 = arith.cmpi eq, %arg0, %eq3A_71 : i32
      %convert_element_type3A_73 = arith.extui %eq3A_72 : i1 to i32
      %cond3A_74 = arith.constant 0 : i32
      %cond3A_75 = arith.cmpi ne, %convert_element_type3A_73, %cond3A_74 : i32
      scf.if %cond3A_75 {
        "tpu.region"() ({
          %run_scoped3A = tpu.sem_alloc : memref<!tpu.dma_semaphore, #tpu.memory_space<semaphore_mem>>
          %dma_start3A = arith.constant 0 : i32
          %dma_start3A_132 = arith.constant 0 : i32
          %dma_start3A_133 = tpu.memref_slice %arg10[%dma_start3A, %dma_start3A_132] : memref<128x128xf32, #tpu.memory_space<vmem>> -> memref<128x128xf32, #tpu.memory_space<vmem>>
          %dma_start3A_134 = arith.constant 0 : i32
          %dma_start3A_135 = tpu.memref_slice %arg6[%add3A_65, %dma_start3A_134] : memref<10000x128xf32, #tpu.memory_space<hbm>> -> memref<128x128xf32, #tpu.memory_space<hbm>>
          %dma_start3A_136 = arith.constant 0 : i32
          %dma_start3A_137 = tpu.memref_slice %arg6[%add3A_65, %dma_start3A_136] : memref<10000x128xf32, #tpu.memory_space<hbm>> -> memref<128x128xf32, #tpu.memory_space<hbm>>
          %dma_start3A_138 = arith.constant 0 : i32
          %dma_start3A_139 = arith.constant 0 : i32
          %dma_start3A_140 = tpu.memref_slice %arg10[%dma_start3A_138, %dma_start3A_139] : memref<128x128xf32, #tpu.memory_space<vmem>> -> memref<128x128xf32, #tpu.memory_space<vmem>>
          tpu.enqueue_dma source(%dma_start3A_140 : memref<128x128xf32, #tpu.memory_space<vmem>>) target(%dma_start3A_137 : memref<128x128xf32, #tpu.memory_space<hbm>>) target_semaphore(%run_scoped3A : memref<!tpu.dma_semaphore, #tpu.memory_space<semaphore_mem>>)
          %dma_wait3A = arith.constant 0 : i32
          %dma_wait3A_141 = arith.constant 0 : i32
          %dma_wait3A_142 = tpu.memref_slice %arg10[%dma_wait3A, %dma_wait3A_141] : memref<128x128xf32, #tpu.memory_space<vmem>> -> memref<128x128xf32, #tpu.memory_space<vmem>>
          %dma_wait3A_143 = arith.constant 0 : i32
          %dma_wait3A_144 = tpu.memref_slice %arg6[%add3A_65, %dma_wait3A_143] : memref<10000x128xf32, #tpu.memory_space<hbm>> -> memref<128x128xf32, #tpu.memory_space<hbm>>
          %dma_wait3A_145 = arith.constant 0 : i32
          %dma_wait3A_146 = tpu.memref_slice %arg6[%add3A_65, %dma_wait3A_145] : memref<10000x128xf32, #tpu.memory_space<hbm>> -> memref<128x128xf32, #tpu.memory_space<hbm>>
          %dma_wait3A_147 = arith.constant 0 : i32
          %dma_wait3A_148 = arith.constant 0 : i32
          %dma_wait3A_149 = tpu.memref_slice %arg10[%dma_wait3A_147, %dma_wait3A_148] : memref<128x128xf32, #tpu.memory_space<vmem>> -> memref<128x128xf32, #tpu.memory_space<vmem>>
          tpu.wait_dma2 semaphore(%run_scoped3A : memref<!tpu.dma_semaphore, #tpu.memory_space<semaphore_mem>>) src(%dma_wait3A_149 : memref<128x128xf32, #tpu.memory_space<vmem>>) dst(%dma_wait3A_146 : memref<128x128xf32, #tpu.memory_space<hbm>>)
          tpu.yield
        }) : () -> ()
      } else {
      }
      %mul3A_76 = arith.constant 1000 : i32
      %mul3A_77 = arith.muli %arg1, %mul3A_76 : i32
      %add3A_78 = arith.constant 512 : i32
      %add3A_79 = arith.addi %mul3A_77, %add3A_78 : i32
      "tpu.region"() ({
        %run_scoped3A = tpu.sem_alloc : memref<!tpu.dma_semaphore, #tpu.memory_space<semaphore_mem>>
        %dma_start3A = arith.constant 0 : i32
        %dma_start3A_132 = arith.constant 0 : i32
        %dma_start3A_133 = tpu.memref_slice %arg10[%dma_start3A, %dma_start3A_132] : memref<128x128xf32, #tpu.memory_space<vmem>> -> memref<128x128xf32, #tpu.memory_space<vmem>>
        %dma_start3A_134 = arith.constant 0 : i32
        %dma_start3A_135 = tpu.memref_slice %arg13[%add3A_79, %dma_start3A_134] : memref<10000x128xf32, #tpu.memory_space<vmem_shared>> -> memref<128x128xf32, #tpu.memory_space<vmem_shared>>
        %dma_start3A_136 = arith.constant 0 : i32
        %dma_start3A_137 = arith.constant 0 : i32
        %dma_start3A_138 = tpu.memref_slice %arg10[%dma_start3A_136, %dma_start3A_137] : memref<128x128xf32, #tpu.memory_space<vmem>> -> memref<128x128xf32, #tpu.memory_space<vmem>>
        %dma_start3A_139 = arith.constant 0 : i32
        %dma_start3A_140 = tpu.memref_slice %arg13[%add3A_79, %dma_start3A_139] : memref<10000x128xf32, #tpu.memory_space<vmem_shared>> -> memref<128x128xf32, #tpu.memory_space<vmem_shared>>
        tpu.enqueue_dma source(%dma_start3A_140 : memref<128x128xf32, #tpu.memory_space<vmem_shared>>) target(%dma_start3A_138 : memref<128x128xf32, #tpu.memory_space<vmem>>) target_semaphore(%run_scoped3A : memref<!tpu.dma_semaphore, #tpu.memory_space<semaphore_mem>>)
        %dma_wait3A = arith.constant 0 : i32
        %dma_wait3A_141 = arith.constant 0 : i32
        %dma_wait3A_142 = tpu.memref_slice %arg10[%dma_wait3A, %dma_wait3A_141] : memref<128x128xf32, #tpu.memory_space<vmem>> -> memref<128x128xf32, #tpu.memory_space<vmem>>
        %dma_wait3A_143 = arith.constant 0 : i32
        %dma_wait3A_144 = tpu.memref_slice %arg13[%add3A_79, %dma_wait3A_143] : memref<10000x128xf32, #tpu.memory_space<vmem_shared>> -> memref<128x128xf32, #tpu.memory_space<vmem_shared>>
        %dma_wait3A_145 = arith.constant 0 : i32
        %dma_wait3A_146 = arith.constant 0 : i32
        %dma_wait3A_147 = tpu.memref_slice %arg10[%dma_wait3A_145, %dma_wait3A_146] : memref<128x128xf32, #tpu.memory_space<vmem>> -> memref<128x128xf32, #tpu.memory_space<vmem>>
        %dma_wait3A_148 = arith.constant 0 : i32
        %dma_wait3A_149 = tpu.memref_slice %arg13[%add3A_79, %dma_wait3A_148] : memref<10000x128xf32, #tpu.memory_space<vmem_shared>> -> memref<128x128xf32, #tpu.memory_space<vmem_shared>>
        tpu.wait_dma2 semaphore(%run_scoped3A : memref<!tpu.dma_semaphore, #tpu.memory_space<semaphore_mem>>) src(%dma_wait3A_149 : memref<128x128xf32, #tpu.memory_space<vmem_shared>>) dst(%dma_wait3A_147 : memref<128x128xf32, #tpu.memory_space<vmem>>)
        tpu.yield
      }) : () -> ()
      %eq3A_80 = arith.constant 0 : i32
      %eq3A_81 = arith.cmpi eq, %arg0, %eq3A_80 : i32
      %convert_element_type3A_82 = arith.extui %eq3A_81 : i1 to i32
      %cond3A_83 = arith.constant 0 : i32
      %cond3A_84 = arith.cmpi ne, %convert_element_type3A_82, %cond3A_83 : i32
      scf.if %cond3A_84 {
        "tpu.region"() ({
          %run_scoped3A = tpu.sem_alloc : memref<!tpu.dma_semaphore, #tpu.memory_space<semaphore_mem>>
          %dma_start3A = arith.constant 0 : i32
          %dma_start3A_132 = arith.constant 0 : i32
          %dma_start3A_133 = tpu.memref_slice %arg10[%dma_start3A, %dma_start3A_132] : memref<128x128xf32, #tpu.memory_space<vmem>> -> memref<128x128xf32, #tpu.memory_space<vmem>>
          %dma_start3A_134 = arith.constant 0 : i32
          %dma_start3A_135 = tpu.memref_slice %arg5[%add3A_79, %dma_start3A_134] : memref<10000x128xf32, #tpu.memory_space<hbm>> -> memref<128x128xf32, #tpu.memory_space<hbm>>
          %dma_start3A_136 = arith.constant 0 : i32
          %dma_start3A_137 = tpu.memref_slice %arg5[%add3A_79, %dma_start3A_136] : memref<10000x128xf32, #tpu.memory_space<hbm>> -> memref<128x128xf32, #tpu.memory_space<hbm>>
          %dma_start3A_138 = arith.constant 0 : i32
          %dma_start3A_139 = arith.constant 0 : i32
          %dma_start3A_140 = tpu.memref_slice %arg10[%dma_start3A_138, %dma_start3A_139] : memref<128x128xf32, #tpu.memory_space<vmem>> -> memref<128x128xf32, #tpu.memory_space<vmem>>
          tpu.enqueue_dma source(%dma_start3A_140 : memref<128x128xf32, #tpu.memory_space<vmem>>) target(%dma_start3A_137 : memref<128x128xf32, #tpu.memory_space<hbm>>) target_semaphore(%run_scoped3A : memref<!tpu.dma_semaphore, #tpu.memory_space<semaphore_mem>>)
          %dma_wait3A = arith.constant 0 : i32
          %dma_wait3A_141 = arith.constant 0 : i32
          %dma_wait3A_142 = tpu.memref_slice %arg10[%dma_wait3A, %dma_wait3A_141] : memref<128x128xf32, #tpu.memory_space<vmem>> -> memref<128x128xf32, #tpu.memory_space<vmem>>
          %dma_wait3A_143 = arith.constant 0 : i32
          %dma_wait3A_144 = tpu.memref_slice %arg5[%add3A_79, %dma_wait3A_143] : memref<10000x128xf32, #tpu.memory_space<hbm>> -> memref<128x128xf32, #tpu.memory_space<hbm>>
          %dma_wait3A_145 = arith.constant 0 : i32
          %dma_wait3A_146 = tpu.memref_slice %arg5[%add3A_79, %dma_wait3A_145] : memref<10000x128xf32, #tpu.memory_space<hbm>> -> memref<128x128xf32, #tpu.memory_space<hbm>>
          %dma_wait3A_147 = arith.constant 0 : i32
          %dma_wait3A_148 = arith.constant 0 : i32
          %dma_wait3A_149 = tpu.memref_slice %arg10[%dma_wait3A_147, %dma_wait3A_148] : memref<128x128xf32, #tpu.memory_space<vmem>> -> memref<128x128xf32, #tpu.memory_space<vmem>>
          tpu.wait_dma2 semaphore(%run_scoped3A : memref<!tpu.dma_semaphore, #tpu.memory_space<semaphore_mem>>) src(%dma_wait3A_149 : memref<128x128xf32, #tpu.memory_space<vmem>>) dst(%dma_wait3A_146 : memref<128x128xf32, #tpu.memory_space<hbm>>)
          tpu.yield
        }) : () -> ()
      } else {
      }
      %eq3A_85 = arith.constant 1 : i32
      %eq3A_86 = arith.cmpi eq, %arg0, %eq3A_85 : i32
      %convert_element_type3A_87 = arith.extui %eq3A_86 : i1 to i32
      %cond3A_88 = arith.constant 0 : i32
      %cond3A_89 = arith.cmpi ne, %convert_element_type3A_87, %cond3A_88 : i32
      scf.if %cond3A_89 {
        "tpu.region"() ({
          %run_scoped3A = tpu.sem_alloc : memref<!tpu.dma_semaphore, #tpu.memory_space<semaphore_mem>>
          %dma_start3A = arith.constant 0 : i32
          %dma_start3A_132 = arith.constant 0 : i32
          %dma_start3A_133 = tpu.memref_slice %arg10[%dma_start3A, %dma_start3A_132] : memref<128x128xf32, #tpu.memory_space<vmem>> -> memref<128x128xf32, #tpu.memory_space<vmem>>
          %dma_start3A_134 = arith.constant 0 : i32
          %dma_start3A_135 = tpu.memref_slice %arg6[%add3A_79, %dma_start3A_134] : memref<10000x128xf32, #tpu.memory_space<hbm>> -> memref<128x128xf32, #tpu.memory_space<hbm>>
          %dma_start3A_136 = arith.constant 0 : i32
          %dma_start3A_137 = tpu.memref_slice %arg6[%add3A_79, %dma_start3A_136] : memref<10000x128xf32, #tpu.memory_space<hbm>> -> memref<128x128xf32, #tpu.memory_space<hbm>>
          %dma_start3A_138 = arith.constant 0 : i32
          %dma_start3A_139 = arith.constant 0 : i32
          %dma_start3A_140 = tpu.memref_slice %arg10[%dma_start3A_138, %dma_start3A_139] : memref<128x128xf32, #tpu.memory_space<vmem>> -> memref<128x128xf32, #tpu.memory_space<vmem>>
          tpu.enqueue_dma source(%dma_start3A_140 : memref<128x128xf32, #tpu.memory_space<vmem>>) target(%dma_start3A_137 : memref<128x128xf32, #tpu.memory_space<hbm>>) target_semaphore(%run_scoped3A : memref<!tpu.dma_semaphore, #tpu.memory_space<semaphore_mem>>)
          %dma_wait3A = arith.constant 0 : i32
          %dma_wait3A_141 = arith.constant 0 : i32
          %dma_wait3A_142 = tpu.memref_slice %arg10[%dma_wait3A, %dma_wait3A_141] : memref<128x128xf32, #tpu.memory_space<vmem>> -> memref<128x128xf32, #tpu.memory_space<vmem>>
          %dma_wait3A_143 = arith.constant 0 : i32
          %dma_wait3A_144 = tpu.memref_slice %arg6[%add3A_79, %dma_wait3A_143] : memref<10000x128xf32, #tpu.memory_space<hbm>> -> memref<128x128xf32, #tpu.memory_space<hbm>>
          %dma_wait3A_145 = arith.constant 0 : i32
          %dma_wait3A_146 = tpu.memref_slice %arg6[%add3A_79, %dma_wait3A_145] : memref<10000x128xf32, #tpu.memory_space<hbm>> -> memref<128x128xf32, #tpu.memory_space<hbm>>
          %dma_wait3A_147 = arith.constant 0 : i32
          %dma_wait3A_148 = arith.constant 0 : i32
          %dma_wait3A_149 = tpu.memref_slice %arg10[%dma_wait3A_147, %dma_wait3A_148] : memref<128x128xf32, #tpu.memory_space<vmem>> -> memref<128x128xf32, #tpu.memory_space<vmem>>
          tpu.wait_dma2 semaphore(%run_scoped3A : memref<!tpu.dma_semaphore, #tpu.memory_space<semaphore_mem>>) src(%dma_wait3A_149 : memref<128x128xf32, #tpu.memory_space<vmem>>) dst(%dma_wait3A_146 : memref<128x128xf32, #tpu.memory_space<hbm>>)
          tpu.yield
        }) : () -> ()
      } else {
      }
      %mul3A_90 = arith.constant 1000 : i32
      %mul3A_91 = arith.muli %arg1, %mul3A_90 : i32
      %add3A_92 = arith.constant 640 : i32
      %add3A_93 = arith.addi %mul3A_91, %add3A_92 : i32
      "tpu.region"() ({
        %run_scoped3A = tpu.sem_alloc : memref<!tpu.dma_semaphore, #tpu.memory_space<semaphore_mem>>
        %dma_start3A = arith.constant 0 : i32
        %dma_start3A_132 = arith.constant 0 : i32
        %dma_start3A_133 = tpu.memref_slice %arg10[%dma_start3A, %dma_start3A_132] : memref<128x128xf32, #tpu.memory_space<vmem>> -> memref<128x128xf32, #tpu.memory_space<vmem>>
        %dma_start3A_134 = arith.constant 0 : i32
        %dma_start3A_135 = tpu.memref_slice %arg13[%add3A_93, %dma_start3A_134] : memref<10000x128xf32, #tpu.memory_space<vmem_shared>> -> memref<128x128xf32, #tpu.memory_space<vmem_shared>>
        %dma_start3A_136 = arith.constant 0 : i32
        %dma_start3A_137 = arith.constant 0 : i32
        %dma_start3A_138 = tpu.memref_slice %arg10[%dma_start3A_136, %dma_start3A_137] : memref<128x128xf32, #tpu.memory_space<vmem>> -> memref<128x128xf32, #tpu.memory_space<vmem>>
        %dma_start3A_139 = arith.constant 0 : i32
        %dma_start3A_140 = tpu.memref_slice %arg13[%add3A_93, %dma_start3A_139] : memref<10000x128xf32, #tpu.memory_space<vmem_shared>> -> memref<128x128xf32, #tpu.memory_space<vmem_shared>>
        tpu.enqueue_dma source(%dma_start3A_140 : memref<128x128xf32, #tpu.memory_space<vmem_shared>>) target(%dma_start3A_138 : memref<128x128xf32, #tpu.memory_space<vmem>>) target_semaphore(%run_scoped3A : memref<!tpu.dma_semaphore, #tpu.memory_space<semaphore_mem>>)
        %dma_wait3A = arith.constant 0 : i32
        %dma_wait3A_141 = arith.constant 0 : i32
        %dma_wait3A_142 = tpu.memref_slice %arg10[%dma_wait3A, %dma_wait3A_141] : memref<128x128xf32, #tpu.memory_space<vmem>> -> memref<128x128xf32, #tpu.memory_space<vmem>>
        %dma_wait3A_143 = arith.constant 0 : i32
        %dma_wait3A_144 = tpu.memref_slice %arg13[%add3A_93, %dma_wait3A_143] : memref<10000x128xf32, #tpu.memory_space<vmem_shared>> -> memref<128x128xf32, #tpu.memory_space<vmem_shared>>
        %dma_wait3A_145 = arith.constant 0 : i32
        %dma_wait3A_146 = arith.constant 0 : i32
        %dma_wait3A_147 = tpu.memref_slice %arg10[%dma_wait3A_145, %dma_wait3A_146] : memref<128x128xf32, #tpu.memory_space<vmem>> -> memref<128x128xf32, #tpu.memory_space<vmem>>
        %dma_wait3A_148 = arith.constant 0 : i32
        %dma_wait3A_149 = tpu.memref_slice %arg13[%add3A_93, %dma_wait3A_148] : memref<10000x128xf32, #tpu.memory_space<vmem_shared>> -> memref<128x128xf32, #tpu.memory_space<vmem_shared>>
        tpu.wait_dma2 semaphore(%run_scoped3A : memref<!tpu.dma_semaphore, #tpu.memory_space<semaphore_mem>>) src(%dma_wait3A_149 : memref<128x128xf32, #tpu.memory_space<vmem_shared>>) dst(%dma_wait3A_147 : memref<128x128xf32, #tpu.memory_space<vmem>>)
        tpu.yield
      }) : () -> ()
      %eq3A_94 = arith.constant 0 : i32
      %eq3A_95 = arith.cmpi eq, %arg0, %eq3A_94 : i32
      %convert_element_type3A_96 = arith.extui %eq3A_95 : i1 to i32
      %cond3A_97 = arith.constant 0 : i32
      %cond3A_98 = arith.cmpi ne, %convert_element_type3A_96, %cond3A_97 : i32
      scf.if %cond3A_98 {
        "tpu.region"() ({
          %run_scoped3A = tpu.sem_alloc : memref<!tpu.dma_semaphore, #tpu.memory_space<semaphore_mem>>
          %dma_start3A = arith.constant 0 : i32
          %dma_start3A_132 = arith.constant 0 : i32
          %dma_start3A_133 = tpu.memref_slice %arg10[%dma_start3A, %dma_start3A_132] : memref<128x128xf32, #tpu.memory_space<vmem>> -> memref<128x128xf32, #tpu.memory_space<vmem>>
          %dma_start3A_134 = arith.constant 0 : i32
          %dma_start3A_135 = tpu.memref_slice %arg5[%add3A_93, %dma_start3A_134] : memref<10000x128xf32, #tpu.memory_space<hbm>> -> memref<128x128xf32, #tpu.memory_space<hbm>>
          %dma_start3A_136 = arith.constant 0 : i32
          %dma_start3A_137 = tpu.memref_slice %arg5[%add3A_93, %dma_start3A_136] : memref<10000x128xf32, #tpu.memory_space<hbm>> -> memref<128x128xf32, #tpu.memory_space<hbm>>
          %dma_start3A_138 = arith.constant 0 : i32
          %dma_start3A_139 = arith.constant 0 : i32
          %dma_start3A_140 = tpu.memref_slice %arg10[%dma_start3A_138, %dma_start3A_139] : memref<128x128xf32, #tpu.memory_space<vmem>> -> memref<128x128xf32, #tpu.memory_space<vmem>>
          tpu.enqueue_dma source(%dma_start3A_140 : memref<128x128xf32, #tpu.memory_space<vmem>>) target(%dma_start3A_137 : memref<128x128xf32, #tpu.memory_space<hbm>>) target_semaphore(%run_scoped3A : memref<!tpu.dma_semaphore, #tpu.memory_space<semaphore_mem>>)
          %dma_wait3A = arith.constant 0 : i32
          %dma_wait3A_141 = arith.constant 0 : i32
          %dma_wait3A_142 = tpu.memref_slice %arg10[%dma_wait3A, %dma_wait3A_141] : memref<128x128xf32, #tpu.memory_space<vmem>> -> memref<128x128xf32, #tpu.memory_space<vmem>>
          %dma_wait3A_143 = arith.constant 0 : i32
          %dma_wait3A_144 = tpu.memref_slice %arg5[%add3A_93, %dma_wait3A_143] : memref<10000x128xf32, #tpu.memory_space<hbm>> -> memref<128x128xf32, #tpu.memory_space<hbm>>
          %dma_wait3A_145 = arith.constant 0 : i32
          %dma_wait3A_146 = tpu.memref_slice %arg5[%add3A_93, %dma_wait3A_145] : memref<10000x128xf32, #tpu.memory_space<hbm>> -> memref<128x128xf32, #tpu.memory_space<hbm>>
          %dma_wait3A_147 = arith.constant 0 : i32
          %dma_wait3A_148 = arith.constant 0 : i32
          %dma_wait3A_149 = tpu.memref_slice %arg10[%dma_wait3A_147, %dma_wait3A_148] : memref<128x128xf32, #tpu.memory_space<vmem>> -> memref<128x128xf32, #tpu.memory_space<vmem>>
          tpu.wait_dma2 semaphore(%run_scoped3A : memref<!tpu.dma_semaphore, #tpu.memory_space<semaphore_mem>>) src(%dma_wait3A_149 : memref<128x128xf32, #tpu.memory_space<vmem>>) dst(%dma_wait3A_146 : memref<128x128xf32, #tpu.memory_space<hbm>>)
          tpu.yield
        }) : () -> ()
      } else {
      }
      %eq3A_99 = arith.constant 1 : i32
      %eq3A_100 = arith.cmpi eq, %arg0, %eq3A_99 : i32
      %convert_element_type3A_101 = arith.extui %eq3A_100 : i1 to i32
      %cond3A_102 = arith.constant 0 : i32
      %cond3A_103 = arith.cmpi ne, %convert_element_type3A_101, %cond3A_102 : i32
      scf.if %cond3A_103 {
        "tpu.region"() ({
          %run_scoped3A = tpu.sem_alloc : memref<!tpu.dma_semaphore, #tpu.memory_space<semaphore_mem>>
          %dma_start3A = arith.constant 0 : i32
          %dma_start3A_132 = arith.constant 0 : i32
          %dma_start3A_133 = tpu.memref_slice %arg10[%dma_start3A, %dma_start3A_132] : memref<128x128xf32, #tpu.memory_space<vmem>> -> memref<128x128xf32, #tpu.memory_space<vmem>>
          %dma_start3A_134 = arith.constant 0 : i32
          %dma_start3A_135 = tpu.memref_slice %arg6[%add3A_93, %dma_start3A_134] : memref<10000x128xf32, #tpu.memory_space<hbm>> -> memref<128x128xf32, #tpu.memory_space<hbm>>
          %dma_start3A_136 = arith.constant 0 : i32
          %dma_start3A_137 = tpu.memref_slice %arg6[%add3A_93, %dma_start3A_136] : memref<10000x128xf32, #tpu.memory_space<hbm>> -> memref<128x128xf32, #tpu.memory_space<hbm>>
          %dma_start3A_138 = arith.constant 0 : i32
          %dma_start3A_139 = arith.constant 0 : i32
          %dma_start3A_140 = tpu.memref_slice %arg10[%dma_start3A_138, %dma_start3A_139] : memref<128x128xf32, #tpu.memory_space<vmem>> -> memref<128x128xf32, #tpu.memory_space<vmem>>
          tpu.enqueue_dma source(%dma_start3A_140 : memref<128x128xf32, #tpu.memory_space<vmem>>) target(%dma_start3A_137 : memref<128x128xf32, #tpu.memory_space<hbm>>) target_semaphore(%run_scoped3A : memref<!tpu.dma_semaphore, #tpu.memory_space<semaphore_mem>>)
          %dma_wait3A = arith.constant 0 : i32
          %dma_wait3A_141 = arith.constant 0 : i32
          %dma_wait3A_142 = tpu.memref_slice %arg10[%dma_wait3A, %dma_wait3A_141] : memref<128x128xf32, #tpu.memory_space<vmem>> -> memref<128x128xf32, #tpu.memory_space<vmem>>
          %dma_wait3A_143 = arith.constant 0 : i32
          %dma_wait3A_144 = tpu.memref_slice %arg6[%add3A_93, %dma_wait3A_143] : memref<10000x128xf32, #tpu.memory_space<hbm>> -> memref<128x128xf32, #tpu.memory_space<hbm>>
          %dma_wait3A_145 = arith.constant 0 : i32
          %dma_wait3A_146 = tpu.memref_slice %arg6[%add3A_93, %dma_wait3A_145] : memref<10000x128xf32, #tpu.memory_space<hbm>> -> memref<128x128xf32, #tpu.memory_space<hbm>>
          %dma_wait3A_147 = arith.constant 0 : i32
          %dma_wait3A_148 = arith.constant 0 : i32
          %dma_wait3A_149 = tpu.memref_slice %arg10[%dma_wait3A_147, %dma_wait3A_148] : memref<128x128xf32, #tpu.memory_space<vmem>> -> memref<128x128xf32, #tpu.memory_space<vmem>>
          tpu.wait_dma2 semaphore(%run_scoped3A : memref<!tpu.dma_semaphore, #tpu.memory_space<semaphore_mem>>) src(%dma_wait3A_149 : memref<128x128xf32, #tpu.memory_space<vmem>>) dst(%dma_wait3A_146 : memref<128x128xf32, #tpu.memory_space<hbm>>)
          tpu.yield
        }) : () -> ()
      } else {
      }
      %mul3A_104 = arith.constant 1000 : i32
      %mul3A_105 = arith.muli %arg1, %mul3A_104 : i32
      %add3A_106 = arith.constant 768 : i32
      %add3A_107 = arith.addi %mul3A_105, %add3A_106 : i32
      "tpu.region"() ({
        %run_scoped3A = tpu.sem_alloc : memref<!tpu.dma_semaphore, #tpu.memory_space<semaphore_mem>>
        %dma_start3A = arith.constant 0 : i32
        %dma_start3A_132 = arith.constant 0 : i32
        %dma_start3A_133 = tpu.memref_slice %arg10[%dma_start3A, %dma_start3A_132] : memref<128x128xf32, #tpu.memory_space<vmem>> -> memref<128x128xf32, #tpu.memory_space<vmem>>
        %dma_start3A_134 = arith.constant 0 : i32
        %dma_start3A_135 = tpu.memref_slice %arg13[%add3A_107, %dma_start3A_134] : memref<10000x128xf32, #tpu.memory_space<vmem_shared>> -> memref<128x128xf32, #tpu.memory_space<vmem_shared>>
        %dma_start3A_136 = arith.constant 0 : i32
        %dma_start3A_137 = arith.constant 0 : i32
        %dma_start3A_138 = tpu.memref_slice %arg10[%dma_start3A_136, %dma_start3A_137] : memref<128x128xf32, #tpu.memory_space<vmem>> -> memref<128x128xf32, #tpu.memory_space<vmem>>
        %dma_start3A_139 = arith.constant 0 : i32
        %dma_start3A_140 = tpu.memref_slice %arg13[%add3A_107, %dma_start3A_139] : memref<10000x128xf32, #tpu.memory_space<vmem_shared>> -> memref<128x128xf32, #tpu.memory_space<vmem_shared>>
        tpu.enqueue_dma source(%dma_start3A_140 : memref<128x128xf32, #tpu.memory_space<vmem_shared>>) target(%dma_start3A_138 : memref<128x128xf32, #tpu.memory_space<vmem>>) target_semaphore(%run_scoped3A : memref<!tpu.dma_semaphore, #tpu.memory_space<semaphore_mem>>)
        %dma_wait3A = arith.constant 0 : i32
        %dma_wait3A_141 = arith.constant 0 : i32
        %dma_wait3A_142 = tpu.memref_slice %arg10[%dma_wait3A, %dma_wait3A_141] : memref<128x128xf32, #tpu.memory_space<vmem>> -> memref<128x128xf32, #tpu.memory_space<vmem>>
        %dma_wait3A_143 = arith.constant 0 : i32
        %dma_wait3A_144 = tpu.memref_slice %arg13[%add3A_107, %dma_wait3A_143] : memref<10000x128xf32, #tpu.memory_space<vmem_shared>> -> memref<128x128xf32, #tpu.memory_space<vmem_shared>>
        %dma_wait3A_145 = arith.constant 0 : i32
        %dma_wait3A_146 = arith.constant 0 : i32
        %dma_wait3A_147 = tpu.memref_slice %arg10[%dma_wait3A_145, %dma_wait3A_146] : memref<128x128xf32, #tpu.memory_space<vmem>> -> memref<128x128xf32, #tpu.memory_space<vmem>>
        %dma_wait3A_148 = arith.constant 0 : i32
        %dma_wait3A_149 = tpu.memref_slice %arg13[%add3A_107, %dma_wait3A_148] : memref<10000x128xf32, #tpu.memory_space<vmem_shared>> -> memref<128x128xf32, #tpu.memory_space<vmem_shared>>
        tpu.wait_dma2 semaphore(%run_scoped3A : memref<!tpu.dma_semaphore, #tpu.memory_space<semaphore_mem>>) src(%dma_wait3A_149 : memref<128x128xf32, #tpu.memory_space<vmem_shared>>) dst(%dma_wait3A_147 : memref<128x128xf32, #tpu.memory_space<vmem>>)
        tpu.yield
      }) : () -> ()
      %eq3A_108 = arith.constant 0 : i32
      %eq3A_109 = arith.cmpi eq, %arg0, %eq3A_108 : i32
      %convert_element_type3A_110 = arith.extui %eq3A_109 : i1 to i32
      %cond3A_111 = arith.constant 0 : i32
      %cond3A_112 = arith.cmpi ne, %convert_element_type3A_110, %cond3A_111 : i32
      scf.if %cond3A_112 {
        "tpu.region"() ({
          %run_scoped3A = tpu.sem_alloc : memref<!tpu.dma_semaphore, #tpu.memory_space<semaphore_mem>>
          %dma_start3A = arith.constant 0 : i32
          %dma_start3A_132 = arith.constant 0 : i32
          %dma_start3A_133 = tpu.memref_slice %arg10[%dma_start3A, %dma_start3A_132] : memref<128x128xf32, #tpu.memory_space<vmem>> -> memref<128x128xf32, #tpu.memory_space<vmem>>
          %dma_start3A_134 = arith.constant 0 : i32
          %dma_start3A_135 = tpu.memref_slice %arg5[%add3A_107, %dma_start3A_134] : memref<10000x128xf32, #tpu.memory_space<hbm>> -> memref<128x128xf32, #tpu.memory_space<hbm>>
          %dma_start3A_136 = arith.constant 0 : i32
          %dma_start3A_137 = tpu.memref_slice %arg5[%add3A_107, %dma_start3A_136] : memref<10000x128xf32, #tpu.memory_space<hbm>> -> memref<128x128xf32, #tpu.memory_space<hbm>>
          %dma_start3A_138 = arith.constant 0 : i32
          %dma_start3A_139 = arith.constant 0 : i32
          %dma_start3A_140 = tpu.memref_slice %arg10[%dma_start3A_138, %dma_start3A_139] : memref<128x128xf32, #tpu.memory_space<vmem>> -> memref<128x128xf32, #tpu.memory_space<vmem>>
          tpu.enqueue_dma source(%dma_start3A_140 : memref<128x128xf32, #tpu.memory_space<vmem>>) target(%dma_start3A_137 : memref<128x128xf32, #tpu.memory_space<hbm>>) target_semaphore(%run_scoped3A : memref<!tpu.dma_semaphore, #tpu.memory_space<semaphore_mem>>)
          %dma_wait3A = arith.constant 0 : i32
          %dma_wait3A_141 = arith.constant 0 : i32
          %dma_wait3A_142 = tpu.memref_slice %arg10[%dma_wait3A, %dma_wait3A_141] : memref<128x128xf32, #tpu.memory_space<vmem>> -> memref<128x128xf32, #tpu.memory_space<vmem>>
          %dma_wait3A_143 = arith.constant 0 : i32
          %dma_wait3A_144 = tpu.memref_slice %arg5[%add3A_107, %dma_wait3A_143] : memref<10000x128xf32, #tpu.memory_space<hbm>> -> memref<128x128xf32, #tpu.memory_space<hbm>>
          %dma_wait3A_145 = arith.constant 0 : i32
          %dma_wait3A_146 = tpu.memref_slice %arg5[%add3A_107, %dma_wait3A_145] : memref<10000x128xf32, #tpu.memory_space<hbm>> -> memref<128x128xf32, #tpu.memory_space<hbm>>
          %dma_wait3A_147 = arith.constant 0 : i32
          %dma_wait3A_148 = arith.constant 0 : i32
          %dma_wait3A_149 = tpu.memref_slice %arg10[%dma_wait3A_147, %dma_wait3A_148] : memref<128x128xf32, #tpu.memory_space<vmem>> -> memref<128x128xf32, #tpu.memory_space<vmem>>
          tpu.wait_dma2 semaphore(%run_scoped3A : memref<!tpu.dma_semaphore, #tpu.memory_space<semaphore_mem>>) src(%dma_wait3A_149 : memref<128x128xf32, #tpu.memory_space<vmem>>) dst(%dma_wait3A_146 : memref<128x128xf32, #tpu.memory_space<hbm>>)
          tpu.yield
        }) : () -> ()
      } else {
      }
      %eq3A_113 = arith.constant 1 : i32
      %eq3A_114 = arith.cmpi eq, %arg0, %eq3A_113 : i32
      %convert_element_type3A_115 = arith.extui %eq3A_114 : i1 to i32
      %cond3A_116 = arith.constant 0 : i32
      %cond3A_117 = arith.cmpi ne, %convert_element_type3A_115, %cond3A_116 : i32
      scf.if %cond3A_117 {
        "tpu.region"() ({
          %run_scoped3A = tpu.sem_alloc : memref<!tpu.dma_semaphore, #tpu.memory_space<semaphore_mem>>
          %dma_start3A = arith.constant 0 : i32
          %dma_start3A_132 = arith.constant 0 : i32
          %dma_start3A_133 = tpu.memref_slice %arg10[%dma_start3A, %dma_start3A_132] : memref<128x128xf32, #tpu.memory_space<vmem>> -> memref<128x128xf32, #tpu.memory_space<vmem>>
          %dma_start3A_134 = arith.constant 0 : i32
          %dma_start3A_135 = tpu.memref_slice %arg6[%add3A_107, %dma_start3A_134] : memref<10000x128xf32, #tpu.memory_space<hbm>> -> memref<128x128xf32, #tpu.memory_space<hbm>>
          %dma_start3A_136 = arith.constant 0 : i32
          %dma_start3A_137 = tpu.memref_slice %arg6[%add3A_107, %dma_start3A_136] : memref<10000x128xf32, #tpu.memory_space<hbm>> -> memref<128x128xf32, #tpu.memory_space<hbm>>
          %dma_start3A_138 = arith.constant 0 : i32
          %dma_start3A_139 = arith.constant 0 : i32
          %dma_start3A_140 = tpu.memref_slice %arg10[%dma_start3A_138, %dma_start3A_139] : memref<128x128xf32, #tpu.memory_space<vmem>> -> memref<128x128xf32, #tpu.memory_space<vmem>>
          tpu.enqueue_dma source(%dma_start3A_140 : memref<128x128xf32, #tpu.memory_space<vmem>>) target(%dma_start3A_137 : memref<128x128xf32, #tpu.memory_space<hbm>>) target_semaphore(%run_scoped3A : memref<!tpu.dma_semaphore, #tpu.memory_space<semaphore_mem>>)
          %dma_wait3A = arith.constant 0 : i32
          %dma_wait3A_141 = arith.constant 0 : i32
          %dma_wait3A_142 = tpu.memref_slice %arg10[%dma_wait3A, %dma_wait3A_141] : memref<128x128xf32, #tpu.memory_space<vmem>> -> memref<128x128xf32, #tpu.memory_space<vmem>>
          %dma_wait3A_143 = arith.constant 0 : i32
          %dma_wait3A_144 = tpu.memref_slice %arg6[%add3A_107, %dma_wait3A_143] : memref<10000x128xf32, #tpu.memory_space<hbm>> -> memref<128x128xf32, #tpu.memory_space<hbm>>
          %dma_wait3A_145 = arith.constant 0 : i32
          %dma_wait3A_146 = tpu.memref_slice %arg6[%add3A_107, %dma_wait3A_145] : memref<10000x128xf32, #tpu.memory_space<hbm>> -> memref<128x128xf32, #tpu.memory_space<hbm>>
          %dma_wait3A_147 = arith.constant 0 : i32
          %dma_wait3A_148 = arith.constant 0 : i32
          %dma_wait3A_149 = tpu.memref_slice %arg10[%dma_wait3A_147, %dma_wait3A_148] : memref<128x128xf32, #tpu.memory_space<vmem>> -> memref<128x128xf32, #tpu.memory_space<vmem>>
          tpu.wait_dma2 semaphore(%run_scoped3A : memref<!tpu.dma_semaphore, #tpu.memory_space<semaphore_mem>>) src(%dma_wait3A_149 : memref<128x128xf32, #tpu.memory_space<vmem>>) dst(%dma_wait3A_146 : memref<128x128xf32, #tpu.memory_space<hbm>>)
          tpu.yield
        }) : () -> ()
      } else {
      }
      %mul3A_118 = arith.constant 1000 : i32
      %mul3A_119 = arith.muli %arg1, %mul3A_118 : i32
      %add3A_120 = arith.constant 896 : i32
      %add3A_121 = arith.addi %mul3A_119, %add3A_120 : i32
      "tpu.region"() ({
        %run_scoped3A = tpu.sem_alloc : memref<!tpu.dma_semaphore, #tpu.memory_space<semaphore_mem>>
        %dma_start3A = arith.constant 0 : i32
        %dma_start3A_132 = arith.constant 0 : i32
        %dma_start3A_133 = tpu.memref_slice %arg10[%dma_start3A, %dma_start3A_132] : memref<128x128xf32, #tpu.memory_space<vmem>> -> memref<104x128xf32, #tpu.memory_space<vmem>>
        %dma_start3A_134 = arith.constant 0 : i32
        %dma_start3A_135 = tpu.memref_slice %arg13[%add3A_121, %dma_start3A_134] : memref<10000x128xf32, #tpu.memory_space<vmem_shared>> -> memref<104x128xf32, #tpu.memory_space<vmem_shared>>
        %dma_start3A_136 = arith.constant 0 : i32
        %dma_start3A_137 = arith.constant 0 : i32
        %dma_start3A_138 = tpu.memref_slice %arg10[%dma_start3A_136, %dma_start3A_137] : memref<128x128xf32, #tpu.memory_space<vmem>> -> memref<104x128xf32, #tpu.memory_space<vmem>>
        %dma_start3A_139 = arith.constant 0 : i32
        %dma_start3A_140 = tpu.memref_slice %arg13[%add3A_121, %dma_start3A_139] : memref<10000x128xf32, #tpu.memory_space<vmem_shared>> -> memref<104x128xf32, #tpu.memory_space<vmem_shared>>
        tpu.enqueue_dma source(%dma_start3A_140 : memref<104x128xf32, #tpu.memory_space<vmem_shared>>) target(%dma_start3A_138 : memref<104x128xf32, #tpu.memory_space<vmem>>) target_semaphore(%run_scoped3A : memref<!tpu.dma_semaphore, #tpu.memory_space<semaphore_mem>>)
        %dma_wait3A = arith.constant 0 : i32
        %dma_wait3A_141 = arith.constant 0 : i32
        %dma_wait3A_142 = tpu.memref_slice %arg10[%dma_wait3A, %dma_wait3A_141] : memref<128x128xf32, #tpu.memory_space<vmem>> -> memref<104x128xf32, #tpu.memory_space<vmem>>
        %dma_wait3A_143 = arith.constant 0 : i32
        %dma_wait3A_144 = tpu.memref_slice %arg13[%add3A_121, %dma_wait3A_143] : memref<10000x128xf32, #tpu.memory_space<vmem_shared>> -> memref<104x128xf32, #tpu.memory_space<vmem_shared>>
        %dma_wait3A_145 = arith.constant 0 : i32
        %dma_wait3A_146 = arith.constant 0 : i32
        %dma_wait3A_147 = tpu.memref_slice %arg10[%dma_wait3A_145, %dma_wait3A_146] : memref<128x128xf32, #tpu.memory_space<vmem>> -> memref<104x128xf32, #tpu.memory_space<vmem>>
        %dma_wait3A_148 = arith.constant 0 : i32
        %dma_wait3A_149 = tpu.memref_slice %arg13[%add3A_121, %dma_wait3A_148] : memref<10000x128xf32, #tpu.memory_space<vmem_shared>> -> memref<104x128xf32, #tpu.memory_space<vmem_shared>>
        tpu.wait_dma2 semaphore(%run_scoped3A : memref<!tpu.dma_semaphore, #tpu.memory_space<semaphore_mem>>) src(%dma_wait3A_149 : memref<104x128xf32, #tpu.memory_space<vmem_shared>>) dst(%dma_wait3A_147 : memref<104x128xf32, #tpu.memory_space<vmem>>)
        tpu.yield
      }) : () -> ()
      %eq3A_122 = arith.constant 0 : i32
      %eq3A_123 = arith.cmpi eq, %arg0, %eq3A_122 : i32
      %convert_element_type3A_124 = arith.extui %eq3A_123 : i1 to i32
      %cond3A_125 = arith.constant 0 : i32
      %cond3A_126 = arith.cmpi ne, %convert_element_type3A_124, %cond3A_125 : i32
      scf.if %cond3A_126 {
        "tpu.region"() ({
          %run_scoped3A = tpu.sem_alloc : memref<!tpu.dma_semaphore, #tpu.memory_space<semaphore_mem>>
          %dma_start3A = arith.constant 0 : i32
          %dma_start3A_132 = arith.constant 0 : i32
          %dma_start3A_133 = tpu.memref_slice %arg10[%dma_start3A, %dma_start3A_132] : memref<128x128xf32, #tpu.memory_space<vmem>> -> memref<104x128xf32, #tpu.memory_space<vmem>>
          %dma_start3A_134 = arith.constant 0 : i32
          %dma_start3A_135 = tpu.memref_slice %arg5[%add3A_121, %dma_start3A_134] : memref<10000x128xf32, #tpu.memory_space<hbm>> -> memref<104x128xf32, #tpu.memory_space<hbm>>
          %dma_start3A_136 = arith.constant 0 : i32
          %dma_start3A_137 = tpu.memref_slice %arg5[%add3A_121, %dma_start3A_136] : memref<10000x128xf32, #tpu.memory_space<hbm>> -> memref<104x128xf32, #tpu.memory_space<hbm>>
          %dma_start3A_138 = arith.constant 0 : i32
          %dma_start3A_139 = arith.constant 0 : i32
          %dma_start3A_140 = tpu.memref_slice %arg10[%dma_start3A_138, %dma_start3A_139] : memref<128x128xf32, #tpu.memory_space<vmem>> -> memref<104x128xf32, #tpu.memory_space<vmem>>
          tpu.enqueue_dma source(%dma_start3A_140 : memref<104x128xf32, #tpu.memory_space<vmem>>) target(%dma_start3A_137 : memref<104x128xf32, #tpu.memory_space<hbm>>) target_semaphore(%run_scoped3A : memref<!tpu.dma_semaphore, #tpu.memory_space<semaphore_mem>>)
          %dma_wait3A = arith.constant 0 : i32
          %dma_wait3A_141 = arith.constant 0 : i32
          %dma_wait3A_142 = tpu.memref_slice %arg10[%dma_wait3A, %dma_wait3A_141] : memref<128x128xf32, #tpu.memory_space<vmem>> -> memref<104x128xf32, #tpu.memory_space<vmem>>
          %dma_wait3A_143 = arith.constant 0 : i32
          %dma_wait3A_144 = tpu.memref_slice %arg5[%add3A_121, %dma_wait3A_143] : memref<10000x128xf32, #tpu.memory_space<hbm>> -> memref<104x128xf32, #tpu.memory_space<hbm>>
          %dma_wait3A_145 = arith.constant 0 : i32
          %dma_wait3A_146 = tpu.memref_slice %arg5[%add3A_121, %dma_wait3A_145] : memref<10000x128xf32, #tpu.memory_space<hbm>> -> memref<104x128xf32, #tpu.memory_space<hbm>>
          %dma_wait3A_147 = arith.constant 0 : i32
          %dma_wait3A_148 = arith.constant 0 : i32
          %dma_wait3A_149 = tpu.memref_slice %arg10[%dma_wait3A_147, %dma_wait3A_148] : memref<128x128xf32, #tpu.memory_space<vmem>> -> memref<104x128xf32, #tpu.memory_space<vmem>>
          tpu.wait_dma2 semaphore(%run_scoped3A : memref<!tpu.dma_semaphore, #tpu.memory_space<semaphore_mem>>) src(%dma_wait3A_149 : memref<104x128xf32, #tpu.memory_space<vmem>>) dst(%dma_wait3A_146 : memref<104x128xf32, #tpu.memory_space<hbm>>)
          tpu.yield
        }) : () -> ()
      } else {
      }
      %eq3A_127 = arith.constant 1 : i32
      %eq3A_128 = arith.cmpi eq, %arg0, %eq3A_127 : i32
      %convert_element_type3A_129 = arith.extui %eq3A_128 : i1 to i32
      %cond3A_130 = arith.constant 0 : i32
      %cond3A_131 = arith.cmpi ne, %convert_element_type3A_129, %cond3A_130 : i32
      scf.if %cond3A_131 {
        "tpu.region"() ({
          %run_scoped3A = tpu.sem_alloc : memref<!tpu.dma_semaphore, #tpu.memory_space<semaphore_mem>>
          %dma_start3A = arith.constant 0 : i32
          %dma_start3A_132 = arith.constant 0 : i32
          %dma_start3A_133 = tpu.memref_slice %arg10[%dma_start3A, %dma_start3A_132] : memref<128x128xf32, #tpu.memory_space<vmem>> -> memref<104x128xf32, #tpu.memory_space<vmem>>
          %dma_start3A_134 = arith.constant 0 : i32
          %dma_start3A_135 = tpu.memref_slice %arg6[%add3A_121, %dma_start3A_134] : memref<10000x128xf32, #tpu.memory_space<hbm>> -> memref<104x128xf32, #tpu.memory_space<hbm>>
          %dma_start3A_136 = arith.constant 0 : i32
          %dma_start3A_137 = tpu.memref_slice %arg6[%add3A_121, %dma_start3A_136] : memref<10000x128xf32, #tpu.memory_space<hbm>> -> memref<104x128xf32, #tpu.memory_space<hbm>>
          %dma_start3A_138 = arith.constant 0 : i32
          %dma_start3A_139 = arith.constant 0 : i32
          %dma_start3A_140 = tpu.memref_slice %arg10[%dma_start3A_138, %dma_start3A_139] : memref<128x128xf32, #tpu.memory_space<vmem>> -> memref<104x128xf32, #tpu.memory_space<vmem>>
          tpu.enqueue_dma source(%dma_start3A_140 : memref<104x128xf32, #tpu.memory_space<vmem>>) target(%dma_start3A_137 : memref<104x128xf32, #tpu.memory_space<hbm>>) target_semaphore(%run_scoped3A : memref<!tpu.dma_semaphore, #tpu.memory_space<semaphore_mem>>)
          %dma_wait3A = arith.constant 0 : i32
          %dma_wait3A_141 = arith.constant 0 : i32
          %dma_wait3A_142 = tpu.memref_slice %arg10[%dma_wait3A, %dma_wait3A_141] : memref<128x128xf32, #tpu.memory_space<vmem>> -> memref<104x128xf32, #tpu.memory_space<vmem>>
          %dma_wait3A_143 = arith.constant 0 : i32
          %dma_wait3A_144 = tpu.memref_slice %arg6[%add3A_121, %dma_wait3A_143] : memref<10000x128xf32, #tpu.memory_space<hbm>> -> memref<104x128xf32, #tpu.memory_space<hbm>>
          %dma_wait3A_145 = arith.constant 0 : i32
          %dma_wait3A_146 = tpu.memref_slice %arg6[%add3A_121, %dma_wait3A_145] : memref<10000x128xf32, #tpu.memory_space<hbm>> -> memref<104x128xf32, #tpu.memory_space<hbm>>
          %dma_wait3A_147 = arith.constant 0 : i32
          %dma_wait3A_148 = arith.constant 0 : i32
          %dma_wait3A_149 = tpu.memref_slice %arg10[%dma_wait3A_147, %dma_wait3A_148] : memref<128x128xf32, #tpu.memory_space<vmem>> -> memref<104x128xf32, #tpu.memory_space<vmem>>
          tpu.wait_dma2 semaphore(%run_scoped3A : memref<!tpu.dma_semaphore, #tpu.memory_space<semaphore_mem>>) src(%dma_wait3A_149 : memref<104x128xf32, #tpu.memory_space<vmem>>) dst(%dma_wait3A_146 : memref<104x128xf32, #tpu.memory_space<hbm>>)
          tpu.yield
        }) : () -> ()
      } else {
      }
    } else {
    }
    return
  }
}

module attributes {stable_mosaic.version = 14 : i64} {
  func.func @_score_body(%arg0: i32, %arg1: memref<1000x256xf32, #tpu.memory_space<vmem>>, %arg2: memref<1x256xf32, #tpu.memory_space<vmem>>, %arg3: memref<1000x1xf32, #tpu.memory_space<vmem>>) attributes {dimension_semantics = [#tpu.dimension_semantics<arbitrary>], iteration_bounds = array<i64: 10>, scalar_prefetch = 0 : i64, scratch_operands = 0 : i64, tpu.core_type = #tpu.core_type<tc>, window_params = [{transform_indices = @transform_0, window_bounds = array<i64: 1000, 256>}, {pipeline_mode = #tpu.pipeline_mode<synchronous>, transform_indices = @transform_1, window_bounds = array<i64: 1, 256>}, {transform_indices = @transform_2, window_bounds = array<i64: 1000, 1>}]} {
    %get3A = arith.constant 0 : index
    %get3A_0 = arith.constant 0 : index
    %get3A_1 = vector.load %arg2[%get3A, %get3A_0] : memref<1x256xf32, #tpu.memory_space<vmem>>, vector<1x256xf32>
    %get3A_2 = vector.shape_cast %get3A_1 : vector<1x256xf32> to vector<256xf32>
    %get3A_3 = arith.constant 0 : index
    %get3A_4 = arith.constant 0 : index
    %get3A_5 = vector.load %arg1[%get3A_3, %get3A_4] : memref<1000x256xf32, #tpu.memory_space<vmem>>, vector<1000x256xf32>
    %convert_element_type3A = arith.truncf %get3A_5 : vector<1000x256xf32> to vector<1000x256xbf16>
    %convert_element_type3A_6 = arith.truncf %get3A_2 : vector<256xf32> to vector<256xbf16>
    %broadcast_in_dim3A = vector.shape_cast %convert_element_type3A_6 : vector<256xbf16> to vector<256x1xbf16>
    %dot_general3A = arith.constant dense<0.000000e+00> : vector<1000x1xf32>
    %dot_general3A_7 = tpu.matmul %convert_element_type3A, %broadcast_in_dim3A, %dot_general3A {dimension_numbers = #tpu.dot_dimension_numbers<[1], [0], [0], [1], [0, 0, 1, 1], [], []>, transpose_lhs_hint = false} : vector<1000x256xbf16>, vector<256x1xbf16>, vector<1000x1xf32> -> vector<1000x1xf32>
    %mul3A = arith.mulf %get3A_2, %get3A_2 : vector<256xf32>
    %reduce_sum3A = vector.shape_cast %mul3A : vector<256xf32> to vector<1x256xf32>
    %reduce_sum3A_8 = arith.constant dense<0.000000e+00> : vector<1xf32>
    %reduce_sum3A_9 = vector.multi_reduction <add>, %reduce_sum3A, %reduce_sum3A_8 [1] : vector<1x256xf32> to vector<1xf32>
    %reduce_sum3A_10 = vector.shape_cast %reduce_sum3A_9 : vector<1xf32> to vector<1x1xf32>
    %reduce_sum3A_11 = vector.extract %reduce_sum3A_10[0, 0] : f32 from vector<1x1xf32>
    %rsqrt3A = math.rsqrt %reduce_sum3A_11 : f32
    %mul3A_12 = vector.broadcast %rsqrt3A : f32 to vector<1000x1xf32>
    %mul3A_13 = arith.mulf %dot_general3A_7, %mul3A_12 : vector<1000x1xf32>
    %swap3A = arith.constant 0 : index
    %swap3A_14 = arith.constant 0 : index
    %swap3A_15 = vector.load %arg3[%swap3A, %swap3A_14] : memref<1000x1xf32, #tpu.memory_space<vmem>>, vector<1000x1xf32>
    tpu.vector_store %arg3[%swap3A, %swap3A_14], %mul3A_13 {strides = array<i32>} : memref<1000x1xf32, #tpu.memory_space<vmem>>, vector<1000x1xf32>,
    return
  }
  func.func @transform_0(%arg0: i32) -> (i32, i32) {
    %c0_i32 = arith.constant 0 : i32
    %c0_i32_0 = arith.constant 0 : i32
    return %arg0, %c0_i32 : i32, i32
  }
  func.func @transform_1(%arg0: i32) -> (i32, i32) {
    %c0_i32 = arith.constant 0 : i32
    %c0_i32_0 = arith.constant 0 : i32
    %c0_i32_1 = arith.constant 0 : i32
    return %c0_i32, %c0_i32_0 : i32, i32
  }
  func.func @transform_2(%arg0: i32) -> (i32, i32) {
    %c0_i32 = arith.constant 0 : i32
    %c0_i32_0 = arith.constant 0 : i32
    return %arg0, %c0_i32 : i32, i32
  }
}

module attributes {stable_mosaic.version = 14 : i64} {
  func.func @_xw_body(%arg0: i32, %arg1: memref<1000x256xf32, #tpu.memory_space<vmem>>, %arg2: memref<256x256xf32, #tpu.memory_space<vmem>>, %arg3: memref<256x1xf32, #tpu.memory_space<vmem>>, %arg4: memref<256x256xf32, #tpu.memory_space<vmem>>, %arg5: memref<768x256xf32, #tpu.memory_space<vmem>>, %arg6: memref<768x256xf32, #tpu.memory_space<vmem>>, %arg7: memref<1x768xf32, #tpu.memory_space<vmem>>, %arg8: memref<1x768xf32, #tpu.memory_space<vmem>>, %arg9: memref<1000x1xf32, #tpu.memory_space<vmem>>, %arg10: memref<1000x1xf32, #tpu.memory_space<vmem>>, %arg11: memref<1000x128xf32, #tpu.memory_space<vmem>>, %arg12: memref<1000x128xf32, #tpu.memory_space<vmem>>, %arg13: memref<1000x1xf32, #tpu.memory_space<vmem>>, %arg14: memref<256x256xf32, #tpu.memory_space<vmem>>) attributes {dimension_semantics = [#tpu.dimension_semantics<arbitrary>], iteration_bounds = array<i64: 10>, scalar_prefetch = 0 : i64, scratch_operands = 1 : i64, tpu.core_type = #tpu.core_type<tc>, window_params = [{transform_indices = @transform_0, window_bounds = array<i64: 1000, 256>}, {pipeline_mode = #tpu.pipeline_mode<synchronous>, transform_indices = @transform_1, window_bounds = array<i64: 256, 256>}, {pipeline_mode = #tpu.pipeline_mode<synchronous>, transform_indices = @transform_2, window_bounds = array<i64: 256, 1>}, {pipeline_mode = #tpu.pipeline_mode<synchronous>, transform_indices = @transform_3, window_bounds = array<i64: 256, 256>}, {pipeline_mode = #tpu.pipeline_mode<synchronous>, transform_indices = @transform_4, window_bounds = array<i64: 768, 256>}, {pipeline_mode = #tpu.pipeline_mode<synchronous>, transform_indices = @transform_5, window_bounds = array<i64: 768, 256>}, {pipeline_mode = #tpu.pipeline_mode<synchronous>, transform_indices = @transform_6, window_bounds = array<i64: 1, 768>}, {pipeline_mode = #tpu.pipeline_mode<synchronous>, transform_indices = @transform_7, window_bounds = array<i64: 1, 768>}, {transform_indices = @transform_8, window_bounds = array<i64: 1000, 1>}, {transform_indices = @transform_9, window_bounds = array<i64: 1000, 1>}, {transform_indices = @transform_10, window_bounds = array<i64: 1000, 128>}, {transform_indices = @transform_11, window_bounds = array<i64: 1000, 128>}, {transform_indices = @transform_12, window_bounds = array<i64: 1000, 1>}]} {
    %eq3A = arith.constant 0 : i32
    %eq3A_0 = arith.cmpi eq, %arg0, %eq3A : i32
    %convert_element_type3A = arith.extui %eq3A_0 : i1 to i32
    %cond3A = arith.constant 0 : i32
    %cond3A_1 = arith.cmpi ne, %convert_element_type3A, %cond3A : i32
    scf.if %cond3A_1 {
      %get3A_27 = arith.constant 0 : index
      %get3A_28 = arith.constant 0 : index
      %get3A_29 = vector.load %arg2[%get3A_27, %get3A_28] : memref<256x256xf32, #tpu.memory_space<vmem>>, vector<256x256xf32>
      %get3A_30 = arith.constant 0 : index
      %get3A_31 = arith.constant 0 : index
      %get3A_32 = vector.load %arg3[%get3A_30, %get3A_31] : memref<256x1xf32, #tpu.memory_space<vmem>>, vector<256x1xf32>
      %get3A_33 = arith.constant 0 : index
      %get3A_34 = arith.constant 0 : index
      %get3A_35 = vector.load %arg4[%get3A_33, %get3A_34] : memref<256x256xf32, #tpu.memory_space<vmem>>, vector<256x256xf32>
      %get3A_36 = arith.constant 0 : index
      %get3A_37 = arith.constant 0 : index
      %get3A_38 = vector.load %arg5[%get3A_36, %get3A_37] : memref<768x256xf32, #tpu.memory_space<vmem>>, vector<768x256xf32>
      %get3A_39 = arith.constant 0 : index
      %get3A_40 = arith.constant 0 : index
      %get3A_41 = vector.load %arg6[%get3A_39, %get3A_40] : memref<768x256xf32, #tpu.memory_space<vmem>>, vector<768x256xf32>
      %get3A_42 = arith.constant 0 : index
      %get3A_43 = arith.constant 0 : index
      %get3A_44 = vector.load %arg7[%get3A_42, %get3A_43] : memref<1x768xf32, #tpu.memory_space<vmem>>, vector<1x768xf32>
      %get3A_45 = arith.constant 0 : index
      %get3A_46 = arith.constant 0 : index
      %get3A_47 = vector.load %arg8[%get3A_45, %get3A_46] : memref<1x768xf32, #tpu.memory_space<vmem>>, vector<1x768xf32>
      %tanh3A = math.tanh %get3A_32 : vector<256x1xf32>
      %mul3A_48 = vector.broadcast %tanh3A : vector<256x1xf32> to vector<256x256xf32>
      %mul3A_49 = arith.mulf %get3A_29, %mul3A_48 : vector<256x256xf32>
      %dot_general3A_50 = arith.constant dense<0.000000e+00> : vector<256x768xf32>
      %dot_general3A_51 = tpu.matmul %mul3A_49, %get3A_38, %dot_general3A_50 {dimension_numbers = #tpu.dot_dimension_numbers<[1], [1], [0], [0], [0, 0, 1, 0], [], []>, precision = #tpu.contract_precision<fp32>, transpose_lhs_hint = false} : vector<256x256xf32>, vector<768x256xf32>, vector<256x768xf32> -> vector<256x768xf32>
      %add3A_52 = vector.broadcast %get3A_44 : vector<1x768xf32> to vector<256x768xf32>
      %add3A_53 = arith.addf %dot_general3A_51, %add3A_52 : vector<256x768xf32>
      %dot_general3A_54 = arith.constant dense<0.000000e+00> : vector<256x768xf32>
      %dot_general3A_55 = tpu.matmul %get3A_35, %get3A_41, %dot_general3A_54 {dimension_numbers = #tpu.dot_dimension_numbers<[1], [1], [0], [0], [0, 0, 1, 0], [], []>, precision = #tpu.contract_precision<fp32>, transpose_lhs_hint = false} : vector<256x256xf32>, vector<768x256xf32>, vector<256x768xf32> -> vector<256x768xf32>
      %add3A_56 = vector.broadcast %get3A_47 : vector<1x768xf32> to vector<256x768xf32>
      %add3A_57 = arith.addf %dot_general3A_55, %add3A_56 : vector<256x768xf32>
      %slice3A_58 = vector.extract_strided_slice %add3A_53 {offsets = [0, 0], sizes = [256, 256], strides = [1, 1]} : vector<256x768xf32> to vector<256x256xf32>
      %slice3A_59 = vector.extract_strided_slice %add3A_57 {offsets = [0, 0], sizes = [256, 256], strides = [1, 1]} : vector<256x768xf32> to vector<256x256xf32>
      %add3A_60 = arith.addf %slice3A_58, %slice3A_59 : vector<256x256xf32>
      %logistic3A = arith.negf %add3A_60 : vector<256x256xf32>
      %logistic3A_61 = math.exp %logistic3A : vector<256x256xf32>
      %logistic3A_62 = arith.constant 1.000000e+00 : f32
      %logistic3A_63 = vector.broadcast %logistic3A_62 : f32 to vector<256x256xf32>
      %logistic3A_64 = arith.addf %logistic3A_63, %logistic3A_61 : vector<256x256xf32>
      %logistic3A_65 = arith.divf %logistic3A_63, %logistic3A_64 : vector<256x256xf32>
      %slice3A_66 = vector.extract_strided_slice %add3A_53 {offsets = [0, 256], sizes = [256, 256], strides = [1, 1]} : vector<256x768xf32> to vector<256x256xf32>
      %slice3A_67 = vector.extract_strided_slice %add3A_57 {offsets = [0, 256], sizes = [256, 256], strides = [1, 1]} : vector<256x768xf32> to vector<256x256xf32>
      %add3A_68 = arith.addf %slice3A_66, %slice3A_67 : vector<256x256xf32>
      %logistic3A_69 = arith.negf %add3A_68 : vector<256x256xf32>
      %logistic3A_70 = math.exp %logistic3A_69 : vector<256x256xf32>
      %logistic3A_71 = arith.constant 1.000000e+00 : f32
      %logistic3A_72 = vector.broadcast %logistic3A_71 : f32 to vector<256x256xf32>
      %logistic3A_73 = arith.addf %logistic3A_72, %logistic3A_70 : vector<256x256xf32>
      %logistic3A_74 = arith.divf %logistic3A_72, %logistic3A_73 : vector<256x256xf32>
      %slice3A_75 = vector.extract_strided_slice %add3A_53 {offsets = [0, 512], sizes = [256, 256], strides = [1, 1]} : vector<256x768xf32> to vector<256x256xf32>
      %slice3A_76 = vector.extract_strided_slice %add3A_57 {offsets = [0, 512], sizes = [256, 256], strides = [1, 1]} : vector<256x768xf32> to vector<256x256xf32>
      %mul3A_77 = arith.mulf %logistic3A_65, %slice3A_76 : vector<256x256xf32>
      %add3A_78 = arith.addf %slice3A_75, %mul3A_77 : vector<256x256xf32>
      %tanh3A_79 = math.tanh %add3A_78 : vector<256x256xf32>
      %sub3A = arith.constant 1.000000e+00 : f32
      %sub3A_80 = vector.broadcast %sub3A : f32 to vector<256x256xf32>
      %sub3A_81 = arith.subf %sub3A_80, %logistic3A_74 : vector<256x256xf32>
      %mul3A_82 = arith.mulf %sub3A_81, %tanh3A_79 : vector<256x256xf32>
      %mul3A_83 = arith.mulf %logistic3A_74, %get3A_35 : vector<256x256xf32>
      %add3A_84 = arith.addf %mul3A_82, %mul3A_83 : vector<256x256xf32>
      %swap3A_85 = arith.constant 0 : index
      %swap3A_86 = arith.constant 0 : index
      %swap3A_87 = vector.load %arg14[%swap3A_85, %swap3A_86] : memref<256x256xf32, #tpu.memory_space<vmem>>, vector<256x256xf32>
      tpu.vector_store %arg14[%swap3A_85, %swap3A_86], %add3A_84 {strides = array<i32>} : memref<256x256xf32, #tpu.memory_space<vmem>>, vector<256x256xf32>,
    } else {
    }
    %get3A = arith.constant 0 : index
    %get3A_2 = arith.constant 0 : index
    %get3A_3 = vector.load %arg9[%get3A, %get3A_2] : memref<1000x1xf32, #tpu.memory_space<vmem>>, vector<1000x1xf32>
    %get3A_4 = arith.constant 0 : index
    %get3A_5 = arith.constant 0 : index
    %get3A_6 = vector.load %arg10[%get3A_4, %get3A_5] : memref<1000x1xf32, #tpu.memory_space<vmem>>, vector<1000x1xf32>
    %add3A = arith.addf %get3A_3, %get3A_6 : vector<1000x1xf32>
    %add3A_7 = arith.constant 1.000000e+00 : f32
    %add3A_8 = vector.broadcast %add3A_7 : f32 to vector<1000x1xf32>
    %add3A_9 = arith.addf %add3A, %add3A_8 : vector<1000x1xf32>
    %rsqrt3A = math.rsqrt %add3A_9 : vector<1000x1xf32>
    %get3A_10 = arith.constant 0 : index
    %get3A_11 = arith.constant 0 : index
    %get3A_12 = vector.load %arg1[%get3A_10, %get3A_11] : memref<1000x256xf32, #tpu.memory_space<vmem>>, vector<1000x256xf32>
    %get3A_13 = arith.constant 0 : index
    %get3A_14 = arith.constant 0 : index
    %get3A_15 = vector.load %arg14[%get3A_13, %get3A_14] : memref<256x256xf32, #tpu.memory_space<vmem>>, vector<256x256xf32>
    %dot_general3A = arith.constant dense<0.000000e+00> : vector<1000x256xf32>
    %dot_general3A_16 = tpu.matmul %get3A_12, %get3A_15, %dot_general3A {dimension_numbers = #tpu.dot_dimension_numbers<[1], [0], [0], [1], [0, 0, 1, 1], [], []>, precision = #tpu.contract_precision<fp32>, transpose_lhs_hint = false} : vector<1000x256xf32>, vector<256x256xf32>, vector<1000x256xf32> -> vector<1000x256xf32>
    %mul3A = vector.broadcast %rsqrt3A : vector<1000x1xf32> to vector<1000x256xf32>
    %mul3A_17 = arith.mulf %dot_general3A_16, %mul3A : vector<1000x256xf32>
    %slice3A = vector.extract_strided_slice %mul3A_17 {offsets = [0, 0], sizes = [1000, 128], strides = [1, 1]} : vector<1000x256xf32> to vector<1000x128xf32>
    %swap3A = arith.constant 0 : index
    %swap3A_18 = arith.constant 0 : index
    %swap3A_19 = vector.load %arg11[%swap3A, %swap3A_18] : memref<1000x128xf32, #tpu.memory_space<vmem>>, vector<1000x128xf32>
    tpu.vector_store %arg11[%swap3A, %swap3A_18], %slice3A {strides = array<i32>} : memref<1000x128xf32, #tpu.memory_space<vmem>>, vector<1000x128xf32>,
    %slice3A_20 = vector.extract_strided_slice %mul3A_17 {offsets = [0, 128], sizes = [1000, 128], strides = [1, 1]} : vector<1000x256xf32> to vector<1000x128xf32>
    %swap3A_21 = arith.constant 0 : index
    %swap3A_22 = arith.constant 0 : index
    %swap3A_23 = vector.load %arg12[%swap3A_21, %swap3A_22] : memref<1000x128xf32, #tpu.memory_space<vmem>>, vector<1000x128xf32>
    tpu.vector_store %arg12[%swap3A_21, %swap3A_22], %slice3A_20 {strides = array<i32>} : memref<1000x128xf32, #tpu.memory_space<vmem>>, vector<1000x128xf32>,
    %swap3A_24 = arith.constant 0 : index
    %swap3A_25 = arith.constant 0 : index
    %swap3A_26 = vector.load %arg13[%swap3A_24, %swap3A_25] : memref<1000x1xf32, #tpu.memory_space<vmem>>, vector<1000x1xf32>
    tpu.vector_store %arg13[%swap3A_24, %swap3A_25], %rsqrt3A {strides = array<i32>} : memref<1000x1xf32, #tpu.memory_space<vmem>>, vector<1000x1xf32>,
    return
  }
  func.func @transform_0(%arg0: i32) -> (i32, i32) {
    %c0_i32 = arith.constant 0 : i32
    %c0_i32_0 = arith.constant 0 : i32
    return %arg0, %c0_i32 : i32, i32
  }
  func.func @transform_1(%arg0: i32) -> (i32, i32) {
    %c0_i32 = arith.constant 0 : i32
    %c0_i32_0 = arith.constant 0 : i32
    %c0_i32_1 = arith.constant 0 : i32
    return %c0_i32, %c0_i32_0 : i32, i32
  }
  func.func @transform_2(%arg0: i32) -> (i32, i32) {
    %c0_i32 = arith.constant 0 : i32
    %c0_i32_0 = arith.constant 0 : i32
    %c0_i32_1 = arith.constant 0 : i32
    return %c0_i32, %c0_i32_0 : i32, i32
  }
  func.func @transform_3(%arg0: i32) -> (i32, i32) {
    %c0_i32 = arith.constant 0 : i32
    %c0_i32_0 = arith.constant 0 : i32
    %c0_i32_1 = arith.constant 0 : i32
    return %c0_i32, %c0_i32_0 : i32, i32
  }
  func.func @transform_4(%arg0: i32) -> (i32, i32) {
    %c0_i32 = arith.constant 0 : i32
    %c0_i32_0 = arith.constant 0 : i32
    %c0_i32_1 = arith.constant 0 : i32
    return %c0_i32, %c0_i32_0 : i32, i32
  }
  func.func @transform_5(%arg0: i32) -> (i32, i32) {
    %c0_i32 = arith.constant 0 : i32
    %c0_i32_0 = arith.constant 0 : i32
    %c0_i32_1 = arith.constant 0 : i32
    return %c0_i32, %c0_i32_0 : i32, i32
  }
  func.func @transform_6(%arg0: i32) -> (i32, i32) {
    %c0_i32 = arith.constant 0 : i32
    %c0_i32_0 = arith.constant 0 : i32
    %c0_i32_1 = arith.constant 0 : i32
    return %c0_i32, %c0_i32_0 : i32, i32
  }
  func.func @transform_7(%arg0: i32) -> (i32, i32) {
    %c0_i32 = arith.constant 0 : i32
    %c0_i32_0 = arith.constant 0 : i32
    %c0_i32_1 = arith.constant 0 : i32
    return %c0_i32, %c0_i32_0 : i32, i32
  }
  func.func @transform_8(%arg0: i32) -> (i32, i32) {
    %c0_i32 = arith.constant 0 : i32
    %c0_i32_0 = arith.constant 0 : i32
    return %arg0, %c0_i32 : i32, i32
  }
  func.func @transform_9(%arg0: i32) -> (i32, i32) {
    %c0_i32 = arith.constant 0 : i32
    %c0_i32_0 = arith.constant 0 : i32
    return %arg0, %c0_i32 : i32, i32
  }
  func.func @transform_10(%arg0: i32) -> (i32, i32) {
    %c0_i32 = arith.constant 0 : i32
    %c0_i32_0 = arith.constant 0 : i32
    return %arg0, %c0_i32 : i32, i32
  }
  func.func @transform_11(%arg0: i32) -> (i32, i32) {
    %c0_i32 = arith.constant 0 : i32
    %c0_i32_0 = arith.constant 0 : i32
    return %arg0, %c0_i32 : i32, i32
  }
  func.func @transform_12(%arg0: i32) -> (i32, i32) {
    %c0_i32 = arith.constant 0 : i32
    %c0_i32_0 = arith.constant 0 : i32
    return %arg0, %c0_i32 : i32, i32
  }
}

module attributes {stable_mosaic.version = 14 : i64} {
  func.func @_out_body(%arg0: i32, %arg1: memref<1000x128xf32, #tpu.memory_space<vmem>>, %arg2: memref<1000x128xf32, #tpu.memory_space<vmem>>, %arg3: memref<1000x128xf32, #tpu.memory_space<vmem>>, %arg4: memref<1000x128xf32, #tpu.memory_space<vmem>>, %arg5: memref<1000x1xf32, #tpu.memory_space<vmem>>, %arg6: memref<256x256xf32, #tpu.memory_space<vmem>>, %arg7: memref<1x256xf32, #tpu.memory_space<vmem>>, %arg8: memref<1000x256xf32, #tpu.memory_space<vmem>>) attributes {dimension_semantics = [#tpu.dimension_semantics<arbitrary>], iteration_bounds = array<i64: 10>, scalar_prefetch = 0 : i64, scratch_operands = 0 : i64, tpu.core_type = #tpu.core_type<tc>, window_params = [{transform_indices = @transform_0, window_bounds = array<i64: 1000, 128>}, {transform_indices = @transform_1, window_bounds = array<i64: 1000, 128>}, {transform_indices = @transform_2, window_bounds = array<i64: 1000, 128>}, {transform_indices = @transform_3, window_bounds = array<i64: 1000, 128>}, {transform_indices = @transform_4, window_bounds = array<i64: 1000, 1>}, {pipeline_mode = #tpu.pipeline_mode<synchronous>, transform_indices = @transform_5, window_bounds = array<i64: 256, 256>}, {pipeline_mode = #tpu.pipeline_mode<synchronous>, transform_indices = @transform_6, window_bounds = array<i64: 1, 256>}, {transform_indices = @transform_7, window_bounds = array<i64: 1000, 256>}]} {
    %get3A = arith.constant 0 : index
    %get3A_0 = arith.constant 0 : index
    %get3A_1 = vector.load %arg5[%get3A, %get3A_0] : memref<1000x1xf32, #tpu.memory_space<vmem>>, vector<1000x1xf32>
    %get3A_2 = arith.constant 0 : index
    %get3A_3 = arith.constant 0 : index
    %get3A_4 = vector.load %arg1[%get3A_2, %get3A_3] : memref<1000x128xf32, #tpu.memory_space<vmem>>, vector<1000x128xf32>
    %get3A_5 = arith.constant 0 : index
    %get3A_6 = arith.constant 0 : index
    %get3A_7 = vector.load %arg3[%get3A_5, %get3A_6] : memref<1000x128xf32, #tpu.memory_space<vmem>>, vector<1000x128xf32>
    %add3A = arith.addf %get3A_4, %get3A_7 : vector<1000x128xf32>
    %get3A_8 = arith.constant 0 : index
    %get3A_9 = arith.constant 0 : index
    %get3A_10 = vector.load %arg2[%get3A_8, %get3A_9] : memref<1000x128xf32, #tpu.memory_space<vmem>>, vector<1000x128xf32>
    %get3A_11 = arith.constant 0 : index
    %get3A_12 = arith.constant 0 : index
    %get3A_13 = vector.load %arg4[%get3A_11, %get3A_12] : memref<1000x128xf32, #tpu.memory_space<vmem>>, vector<1000x128xf32>
    %add3A_14 = arith.addf %get3A_10, %get3A_13 : vector<1000x128xf32>
    %concatenate3A = tpu.concatenate %add3A, %add3A_14 in 1 : vector<1000x128xf32>, vector<1000x128xf32> -> vector<1000x256xf32>
    %mul3A = vector.broadcast %get3A_1 : vector<1000x1xf32> to vector<1000x256xf32>
    %mul3A_15 = arith.mulf %concatenate3A, %mul3A : vector<1000x256xf32>
    %max3A = arith.constant 0.000000e+00 : f32
    %max3A_16 = vector.broadcast %max3A : f32 to vector<1000x256xf32>
    %max3A_17 = arith.maximumf %mul3A_15, %max3A_16 : vector<1000x256xf32>
    %get3A_18 = arith.constant 0 : index
    %get3A_19 = arith.constant 0 : index
    %get3A_20 = vector.load %arg6[%get3A_18, %get3A_19] : memref<256x256xf32, #tpu.memory_space<vmem>>, vector<256x256xf32>
    %dot_general3A = arith.constant dense<0.000000e+00> : vector<1000x256xf32>
    %dot_general3A_21 = tpu.matmul %max3A_17, %get3A_20, %dot_general3A {dimension_numbers = #tpu.dot_dimension_numbers<[1], [1], [0], [0], [0, 0, 1, 0], [], []>, precision = #tpu.contract_precision<fp32>, transpose_lhs_hint = false} : vector<1000x256xf32>, vector<256x256xf32>, vector<1000x256xf32> -> vector<1000x256xf32>
    %get3A_22 = arith.constant 0 : index
    %get3A_23 = arith.constant 0 : index
    %get3A_24 = vector.load %arg7[%get3A_22, %get3A_23] : memref<1x256xf32, #tpu.memory_space<vmem>>, vector<1x256xf32>
    %add3A_25 = vector.broadcast %get3A_24 : vector<1x256xf32> to vector<1000x256xf32>
    %add3A_26 = arith.addf %dot_general3A_21, %add3A_25 : vector<1000x256xf32>
    %swap3A = arith.constant 0 : index
    %swap3A_27 = arith.constant 0 : index
    %swap3A_28 = vector.load %arg8[%swap3A, %swap3A_27] : memref<1000x256xf32, #tpu.memory_space<vmem>>, vector<1000x256xf32>
    tpu.vector_store %arg8[%swap3A, %swap3A_27], %add3A_26 {strides = array<i32>} : memref<1000x256xf32, #tpu.memory_space<vmem>>, vector<1000x256xf32>,
    return
  }
  func.func @transform_0(%arg0: i32) -> (i32, i32) {
    %c0_i32 = arith.constant 0 : i32
    %c0_i32_0 = arith.constant 0 : i32
    return %arg0, %c0_i32 : i32, i32
  }
  func.func @transform_1(%arg0: i32) -> (i32, i32) {
    %c0_i32 = arith.constant 0 : i32
    %c0_i32_0 = arith.constant 0 : i32
    return %arg0, %c0_i32 : i32, i32
  }
  func.func @transform_2(%arg0: i32) -> (i32, i32) {
    %c0_i32 = arith.constant 0 : i32
    %c0_i32_0 = arith.constant 0 : i32
    return %arg0, %c0_i32 : i32, i32
  }
  func.func @transform_3(%arg0: i32) -> (i32, i32) {
    %c0_i32 = arith.constant 0 : i32
    %c0_i32_0 = arith.constant 0 : i32
    return %arg0, %c0_i32 : i32, i32
  }
  func.func @transform_4(%arg0: i32) -> (i32, i32) {
    %c0_i32 = arith.constant 0 : i32
    %c0_i32_0 = arith.constant 0 : i32
    return %arg0, %c0_i32 : i32, i32
  }
  func.func @transform_5(%arg0: i32) -> (i32, i32) {
    %c0_i32 = arith.constant 0 : i32
    %c0_i32_0 = arith.constant 0 : i32
    %c0_i32_1 = arith.constant 0 : i32
    return %c0_i32, %c0_i32_0 : i32, i32
  }
  func.func @transform_6(%arg0: i32) -> (i32, i32) {
    %c0_i32 = arith.constant 0 : i32
    %c0_i32_0 = arith.constant 0 : i32
    %c0_i32_1 = arith.constant 0 : i32
    return %c0_i32, %c0_i32_0 : i32, i32
  }
  func.func @transform_7(%arg0: i32) -> (i32, i32) {
    %c0_i32 = arith.constant 0 : i32
    %c0_i32_0 = arith.constant 0 : i32
    return %arg0, %c0_i32 : i32, i32
  }
}

</mosaic_0001>

<sc_bundles>
// kernel: kernel.11.cloned.1.call-start
scs
__scs_entry_jumppad:
0x0: {  	(pc) =	sbr.rel $0x88, $3  }
0x1: {  	(tag) =	ssettag $0x0;
	lr =	simm.s32 $0x1  }
0x2: {  	[smem:$0x3F97] =	sst lr;
	_ =	strace $0xD0000000  }
0x3: {  	_ = 	snop  }
0x4: {  	_ = 	snop  }
0x5: {  	_ = 	snop  }
0x6: {  	_ = 	snop  }
0x7: {  	_ = 	snop  }
__scs_overlays_trampoline_lowered:
0x8: {  	[smem:$0x3FA6] =	sst s0  }
0x9: {  	[smem:$0x3FA7] =	sst s1  }
0xa: {  	[smem:$0x3FA8] =	sst s2  }
0xb: {  	[smem:$0x3FA9] =	sst s3  }
0xc: {  	[smem:$0x3FAA] =	sst s4  }
0xd: {  	[smem:$0x3FAB] =	sst s5  }
0xe: {  	[smem:$0x3FAC] =	sst s6  }
0xf: {  	[smem:$0x3FAD] =	sst s7  }
0x10: {  	[smem:$0x3FAE] =	sst s8  }
0x11: {  	[smem:$0x3FAF] =	sst s9;
	s0 =	simm.s32 @!p0 $0x0  }
0x12: {  	s1 =	sld [smem:$0x3F95];
	s0 =	simm.s32 @p0 $0x1  }
0x13: {  	[smem:$0x3FB0] =	sst s0;
	s0 =	simm.s32 @!p1 $0x0  }
0x14: {  	s2 =	sld [smem:$0x3F94];
	s0 =	simm.s32 @p1 $0x1  }
0x15: {  	[smem:$0x3FB1] =	sst s0;
	s0 =	simm.s32 @!p2 $0x0  }
0x16: {  	s3 =	sld [smem:$0x3FDB];
	s0 =	simm.s32 @p2 $0x1  }
0x17: {  	s4 =	simm.s32 $0x1BF5;
	[smem:$0x3FB3] =	sst s0  }
0x18: {  	s0 =	sld [smem:$0x3F96];
	_ =	swait.ge [sflag:s4], $0x0  }
0x19: {  	s7 =	sld [smem:$0x3F97]  }
0x1a: {  	s8 =	sadd.s32 $0xFFFFE003, lr  }
0x1b: {  	s9 =	sadd.s32 $0xFFFFFEF7, lr;
	s5 =	simm.s32 $0xFFFFFFFF;
	p2 =	slt.u32 s8, $0xFFFFF086  }
0x1c: {  	p1 =	slt.u32 s9, $0xF7A;
	s5 =	simm.s32 @!p2 $0x0  }
0x1d: {  	s5 =	simm.s32 @p1 $0x1;
	p0 =	seq.s32 s7, s2  }
0x1e: {  	s7 =	smul.u32 @!p0 $0xF7A, s2;
	p2 =	seq.s32 @!p0 s5, $0x0  }
0x1f: {  	s9 =	smul.u32 $0xF7A, s1;
	s8 =	simm.s32 @!p0 $0x1BF5;
	p2 =	por !p2, p0  }
0x20: {  	[sflag:s8] =	ssyncset.s32 @!p0 $0xFFFFF086;
	s6 =	sadd.s32 @!p0 s3, s7;
	s7 =	simm.s32 @!p0 $0x108  }
0x21: {  	s3 =	sadd.s32 s3, s9;
	s6 =	sadd.s32 @!p0 $0x88, s6;
	s7 =	simm.s32 @p2 $0x1082  }
0x22: {  	[simem:s7], [sflag:s8] =	dma.local @!p0 [hbm:s6], $0xF7A  }
0x23: {  	s9 =	sor.u32 $0xD0000000, s2;
	s6 =	simm.s32 $0x108;
	_ =	swait.ge @!p0 [sflag:s8], $0x0  }
0x24: {  	s3 =	sadd.s32 $0x88, s3;
	s6 =	simm.s32 @!p1 $0x1082;
	[sflag:s4] =	ssyncset.s32 $0xFFFFF086  }
0x25: {  	[simem:s6], [sflag:s4] =	dma.local [hbm:s3], $0xF7A  }
0x26: {  	[smem:$0x3F97] =	sst s1;
	(tag) =	ssettag s2;
	_ =	strace s9  }
0x27: {  	s1 =	sld [smem:$0x3FA7]  }
0x28: {  	s2 =	sld [smem:$0x3FA8]  }
0x29: {  	s4 =	sld [smem:$0x3FAA]  }
0x2a: {  	p0 =	seq.s32 s5, $0x0;
	s5 =	sld [smem:$0x3FAB]  }
0x2b: {  	s6 =	sld [smem:$0x3FAC]  }
0x2c: {  	s7 =	sld [smem:$0x3FAD]  }
0x2d: {  	s3 =	simm.s32 $0x108;
	s8 =	sld [smem:$0x3FAE]  }
0x2e: {  	s3 =	simm.s32 @!p0 $0x1082;
	s9 =	sld [smem:$0x3FAF]  }
0x2f: {  	lr =	sadd.s32 s0, s3;
	s0 =	sld [smem:$0x3FA6]  }
0x30: {  	s3 =	sld [smem:$0x3FA9]  }
0x31: {  	[smem:$0x3FB2] =	sst s10  }
0x32: {  	s10 =	sld [smem:$0x3FB0];
	_ =	sdelay $0x3  }
0x33: {  	p0 =	seq.s32 s10, $0x1;
	s10 =	sld [smem:$0x3FB2];
	_ =	sdelay $0x3  }
0x34: {  	[smem:$0x3FB2] =	sst s10  }
0x35: {  	s10 =	sld [smem:$0x3FB1];
	_ =	sdelay $0x3  }
0x36: {  	p1 =	seq.s32 s10, $0x1;
	s10 =	sld [smem:$0x3FB2];
	_ =	sdelay $0x3  }
0x37: {  	[smem:$0x3FB2] =	sst s10  }
0x38: {  	s10 =	sld [smem:$0x3FB3]  }
0x39: {  	_ = 	snop;
	(pc) =	sbr.ind lr, $3  }
0x3a: {  	_ = 	snop  }
0x3b: {  	_ = 	snop  }
0x3c: {  	p2 =	seq.s32 s10, $0x1;
	s10 =	sld [smem:$0x3FB2]  }
0x3d: {  	_ =	shalt  }
0x3e: {  	_ =	shalt  }
0x3f: {  	_ =	shalt  }
0x40: {  	_ =	shalt  }
0x41: {  	_ =	shalt  }
0x42: {  	_ =	shalt  }
0x43: {  	_ =	shalt  }
0x44: {  	_ =	shalt  }
0x45: {  	_ =	shalt  }
0x46: {  	_ =	shalt  }
0x47: {  	_ =	shalt  }
0x48: {  	_ =	shalt  }
0x49: {  	_ =	shalt  }
0x4a: {  	_ =	shalt  }
0x4b: {  	_ =	shalt  }
0x4c: {  	_ =	shalt  }
0x4d: {  	_ =	shalt  }
0x4e: {  	_ =	shalt  }
0x4f: {  	_ =	shalt  }
0x50: {  	_ =	shalt  }
0x51: {  	_ =	shalt  }
0x52: {  	_ =	shalt  }
0x53: {  	_ =	shalt  }
0x54: {  	_ =	shalt  }
0x55: {  	_ =	shalt  }
0x56: {  	_ =	shalt  }
0x57: {  	_ =	shalt  }
0x58: {  	_ =	shalt  }
0x59: {  	_ =	shalt  }
0x5a: {  	_ =	shalt  }
0x5b: {  	_ =	shalt  }
0x5c: {  	_ =	shalt  }
0x5d: {  	_ =	shalt  }
0x5e: {  	_ =	shalt  }
0x5f: {  	_ =	shalt  }
0x60: {  	_ =	shalt  }
0x61: {  	_ =	shalt  }
0x62: {  	_ =	shalt  }
0x63: {  	_ =	shalt  }
0x64: {  	_ =	shalt  }
0x65: {  	_ =	shalt  }
0x66: {  	_ =	shalt  }
0x67: {  	_ =	shalt  }
0x68: {  	_ =	shalt  }
0x69: {  	_ =	shalt  }
0x6a: {  	_ =	shalt  }
0x6b: {  	_ =	shalt  }
0x6c: {  	_ =	shalt  }
0x6d: {  	_ =	shalt  }
0x6e: {  	_ =	shalt  }
0x6f: {  	_ =	shalt  }
0x70: {  	_ =	shalt  }
0x71: {  	_ =	shalt  }
0x72: {  	_ =	shalt  }
0x73: {  	_ =	shalt  }
0x74: {  	_ =	shalt  }
0x75: {  	_ =	shalt  }
0x76: {  	_ =	shalt  }
0x77: {  	_ =	shalt  }
0x78: {  	_ =	shalt  }
0x79: {  	_ =	shalt  }
0x7a: {  	_ =	shalt  }
0x7b: {  	_ =	shalt  }
0x7c: {  	_ =	shalt  }
0x7d: {  	_ =	shalt  }
0x7e: {  	_ =	shalt  }
0x7f: {  	_ =	shalt  }
0x80: {  	_ =	shalt  }
0x81: {  	_ =	shalt  }
0x82: {  	_ =	shalt  }
0x83: {  	_ =	shalt  }
0x84: {  	_ =	shalt  }
0x85: {  	_ =	shalt  }
0x86: {  	_ =	shalt  }
0x87: {  	_ =	shalt  }
.Lfunc_end0:
.L_simem_size_0:
called_computation.1_lowered:
.L_overlay_start_0:
0x88: {  	s2 =	sld [smem:$0x3FD9]  }
0x89: {  	s3 =	sld [smem:$0x3FFE];
	_ =	sdelay $0x1  }
0x8a: {  	s1 =	srdreg.scid  }
0x8b: {  	s0 =	sand.u32 $0x1, s1  }
0x8c: {  	s17 =	sshll.u32 s0, $0xA;
	s2 =	sadd.s32 s3, s2  }
0x8d: {  	s2 =	sadd.s32 s2, s17  }
0x8e: {  	[smem:$0x3FBE] =	sst s2  }
0x8f: {  	_ = 	snop  }
0x90: {  	s18 =	sld [smem:$0x3FC9];
	(tm) =	ssettm $0x1  }
0x91: {  	s19 =	sld [smem:$0x3FFB];
	_ =	sdelay $0x3  }
0x92: {  	_ =	strace s19  }
0x93: {  	s2 =	sld [smem:$0x3FFC];
	_ =	sdelay $0x3  }
0x94: {  	_ =	strace s2  }
0x95: {  	s2 =	sld [smem:$0x3FFD];
	_ =	sdelay $0x3  }
0x96: {  	_ =	strace s2  }
0x97: {  	_ =	strace $0x8FFFFFFF  }
0x98: {  	s20 =	sld [smem:$0x3FDB];
	_ =	sdelay $0x1  }
0x99: {  	s4 =	simm.s32 $_scs_section_size  }
0x9a: {  	s5 =	simm.s32 $_size__tile_overlayer_lowered;
	s6 =	simm.s32 $_tile_overlayer_lowered  }
0x9b: {  	s7 =	simm.s32 $0x1BFF;
	s21 =	sshll.u32 s6, $0x1;
	s4 =	sadd.s32 s4, s20  }
0x9c: {  	s22 =	simm.s32 $0x0;
	s5 =	sshll.u32 s5, $0x1;
	s6 =	sadd.s32 s21, s4  }
0x9d: {  	[timem:s22], [sflag:s7] =	dma.local [hbm:s6], s5  }
0x9e: {  	_ =	swait.ge [sflag:s7], s5  }
0x9f: {  	s5 =	ssub.s32 $0x0, s5;
	[sflag:s7] =	ssyncset.done $0x0  }
0xa0: {  	[sflag:s7] =	ssyncadd.s32 s5;
	_ =	sdelay $0x1  }
0xa1: {  	s23 =	simm.s32 $0x1B8B  }
0xa2: {  	_ =	swait.ge [sflag:s23], $0x1  }
0xa3: {  	[sflag:s23] =	ssyncset.done $0x0  }
0xa4: {  	[sflag:s23] =	ssyncadd.s32 $0xFFFFFFFF  }
0xa5: {  	s5 =	sld [smem:$0x0]  }
0xa6: {  	s6 =	sand.u32 $0xFFFFFFFE, s1  }
0xa7: {  	p0 =	sne.s32 s1, s6  }
0xa8: {  	s6 =	sshll.u32 @p0 s6, $0xE  }
0xa9: {  	s6 =	sadd.s32 @p0 $0x11B8D, s6;
	s7 =	sshll.u32 @p0 s5, $0x11  }
0xaa: {  	s6 =	sor.u32 @p0 s7, s6  }
0xab: {  	[sflag:s6] =	ssyncadd.remote.s32 @p0 $0x1;
	_ =	sdelay $0x1  }
0xac: {  	s6 =	simm.s32 @p0 $0x1B8D  }
0xad: {  	_ =	swait.eq @p0 [sflag:s6], $0x1  }
0xae: {  	[sflag:s6] =	ssyncadd.s32 @p0 $0xFFFFFFFF  }
0xaf: {  	s7 =	sshll.u32 @!p0 s1, $0xE  }
0xb0: {  	s7 =	sor.u32 @!p0 $0x4000, s7;
	s6 =	simm.s32 @!p0 $0x1B8D  }
0xb1: {  	s5 =	sshll.u32 @!p0 s5, $0x11;
	s7 =	sadd.s32 @!p0 $0x11B8D, s7;
	_ =	swait.eq @!p0 [sflag:s6], $0x1  }
0xb2: {  	s5 =	sor.u32 @!p0 s5, s7;
	[sflag:s6] =	ssyncadd.s32 @!p0 $0xFFFFFFFF  }
0xb3: {  	s25 =	simm.s32 $0x1B8E;
	s24 =	sld [smem:$0x3FFE];
	[sflag:s5] =	ssyncadd.remote.s32 @!p0 $0x1  }
0xb4: {  	s26 =	simm.s32 $execute0_lowered;
	[smem:$0x3FD2] =	sst s25  }
0xb5: {  	s6 =	sshll.u32 s26, $0x1;
	_ =	strace $0x80000049;
	[dreg:$0x1] =	wrdreg $0xFFFFFFFF  }
0xb6: {  	s28 =	simm.s32 $_size_execute0_lowered;
	s4 =	sadd.s32 s4, s6;
	[dreg:$0x0] =	wrdreg $0x0  }
0xb7: {  	s6 =	sshll.u32 s28, $0x1;
	[dreg:$0x2] =	wrdreg s4  }
0xb8: {  	[dreg:$0x3] =	wrdreg s6  }
0xb9: {  	[dreg:$0x4] =	wrdreg $0xC0  }
0xba: {  	_ =	task [dreg:s22], $0x5FFFF  }
0xbb: {  	[dreg:$0x1] =	wrdreg $0xFFFFFFFF  }
0xbc: {  	[dreg:$0x0] =	wrdreg $0x60  }
0xbd: {  	[dreg:$0x2] =	wrdreg s18  }
0xbe: {  	[dreg:$0x3] =	wrdreg s24  }
0xbf: {  	[dreg:$0x4] =	wrdreg $0xA  }
0xc0: {  	_ =	task.clear_ibuf [dreg:s22], $0x5FFFF;
	_ =	strace $0x90000049  }
0xc1: {  	s29 =	simm.s32 $0xA;
	_ =	strace $0x8000004B  }
0xc2: {  	_ =	swait.ge [sflag:s29], $0x1  }
0xc3: {  	[sflag:s29] =	ssyncadd.s32 $0xFFFFFFFF  }
0xc4: {  	_ =	strace $0x9000004B  }
0xc5: {  	_ =	sfence  }
0xc6: {  	s30 =	sld [smem:$0x0];
	_ =	sdelay $0x2  }
0xc7: {  	s31 =	sshll.u32 s1, $0xD;
	s1 =	sshrl.u32 s1, $0x2  }
0xc8: {  	s4 =	sand.u32 $0x4000, s31;
	s1 =	sadd.s32 s1, s30  }
0xc9: {  	s0 =	sor.u32 s4, s0;
	s1 =	sshll.u32 s1, $0x11  }
0xca: {  	s0 =	sor.u32 s1, s0  }
0xcb: {  	s0 =	sadd.s32 $0x8F2B, s0  }
0xcc: {  	[sflag:s0] =	ssyncadd.remote.s32 $0x1  }
0xcd: {  	_ =	sfence.sel $0xFFFF  }
0xce: {  	[dreg:$0x0] =	wrdreg $0xFFFFFFFF;
	(pc) =	sbr.abs _section_cstart, $3  }
0xcf: {  	[dreg:$0x1] =	wrdreg $0xFFFFFFFF  }
0xd0: {  	_ =	task.clear_ibuf [dreg:s22], $0x2FFFF;
	_ =	strace $0x9FFFFFFF  }
0xd1: {  	(tm) =	ssettm $0x7FFFFFFF  }
tec
execute0_lowered:
.L_overlay_start_1:
0x0: {  	(tag) =	ssettag $0x1  }
0x1: {  	s1 =	srdreg.scid  }
0x2: {  	s0 =	stileid.u32;
	s6 =	sand.u32 $0x1, s1  }
0x3: {  	s2 =	rddreg [dreg:$0x0];
	s3 =	sshll.u32 s0, $0x3;
	s1 =	sshll.u32 s6, $0x7  }
0x4: {  	s8 =	rddreg [dreg:$0x1];
	s9 =	sor.u32 s3, s1  }
0x5: {  	s1 =	rddreg [dreg:$0x2];
	s3 =	simm.s32 $0x0;
	s4 =	sshrl.u32 s9, $0x3  }
0x6: {  	[smem:$0x7FF] =	sst s3;
	s4 =	sadd.s32 s4, s8  }
0x7: {  	_ =	strace $0x8000004A;
	s5 =	sadd.s32 $0x1800, s4;
	s4 =	simm.s32 $0x2  }
0x8: {  	[tilespmem:s3], [sflag:$0x2] =	stream.linear.gather [hbm4b:s5+s3], $0x8, $0x38;
	[tilespmem:$0x880] =	vst v63  }
0x9: {  	_ =	swait.ge [sflag:s4], $0x8  }
0xa: {  	[sflag:s4] =	ssyncset.done $0x0  }
0xb: {  	[sflag:s4] =	ssyncadd.s32 $0xFFFFFFF8  }
0xc: {  	v0 =	vld.msk [tilespmem:$0x0], $0xff;
	_ =	sdelay $0x4  }
0xd: {  	v1 =	vshll.u32 v0, $0x1  }
0xe: {  	v2 =	vlaneseq.u32;
	v3 =	vand.u32 $0x7, v0;
	v1 =	vand.u32 $0xFFFFFFF0, v1  }
0xf: {  	v0 =	vand.u32 $0x7, v2;
	v2 =	vshrl.u32 v2, $0x3;
	v3 =	vor.u32 v3, v1  }
0x10: {  	v1 =	vmul.u32 $0x8, v2;
	v2 =	vperm.xlane v3, v0;
	_ =	sdelay $0x1  }
0x11: {  	v2 =	vadd.s32 v1, v2  }
0x12: {  	s10 =	ssub.s32 $0x2, s6  }
0x13: {  	s11 =	sshrl.u32 s10, $0x1  }
0x14: {  	s7 =	simm.s32 $0x1;
	s9 =	sshll.u32 s9, $0x5;
	s31 =	ssub.s32 s10, s11  }
0x15: {  	vm0 =	vmmov $0xffff;
	s6 =	simm.s32 $0x80;
	s8 =	sadd.s32 s9, s8;
	s9 =	smax.u32 s31, $0x1  }
0x16: {  	[tilespmem:s6], [sflag:$0x1] =	stream.indirect_vreg.gather [hbm4b:s2+s3], $0x80, v2, vm0, $0xb8;
	[tilespmem:$0x880] =	vst v63  }
0x17: {  	p0 =	sne.s32 s9, $0x1;
	_ =	swait.ge [sflag:s7], $0x800  }
.Ltmp0:
0x18: {  	[sflag:s7] =	ssyncset.done $0x0;
	(pc) =	sbr.rel @!p0 .LBB2_2-.Ltmp0, $4  }
0x19: {  	s8 =	sadd.s32 $0x1A00, s8;
	[sflag:s7] =	ssyncadd.s32 $0xFFFFF800  }
0x1a: {  	[hbm4b:s8+s3] =	stream.linear.scatter [tilespmem:s6], [sflag:$0x2], $0x800, $0x38;
	[tilespmem:$0x880] =	vst v63  }
0x1b: {  	_ =	swait.ge [sflag:s4], $0x800  }
0x1c: {  	s9 =	sadd.s32 $0xFFFFFFFF, s9;
	[sflag:s4] =	ssyncset.done $0x0  }
.LBB2_1:
0x1d: {  	p0 =	sne.s32 s9, $0x1;
	s9 =	sadd.s32 $0xFFFFFFFF, s9;
	[sflag:s4] =	ssyncadd.s32 $0xFFFFF800  }
0x1e: {  	[tilespmem:s3], [sflag:$0x2] =	stream.linear.gather [hbm4b:s5+s3], $0x8, $0x38;
	[tilespmem:$0x880] =	vst v63  }
0x1f: {  	_ =	swait.ge [sflag:s4], $0x8  }
0x20: {  	[sflag:s4] =	ssyncset.done $0x0  }
0x21: {  	[sflag:s4] =	ssyncadd.s32 $0xFFFFFFF8  }
0x22: {  	v2 =	vld.msk [tilespmem:$0x0], $0xff;
	_ =	sdelay $0x4  }
0x23: {  	v3 =	vshll.u32 v2, $0x1  }
0x24: {  	v2 =	vand.u32 $0x7, v2;
	v3 =	vand.u32 $0xFFFFFFF0, v3  }
0x25: {  	v2 =	vor.u32 v2, v3  }
0x26: {  	v2 =	vperm.xlane v2, v0;
	_ =	sdelay $0x1  }
0x27: {  	v2 =	vadd.s32 v1, v2;
	_ =	sdelay $0x4  }
0x28: {  	[tilespmem:s6], [sflag:$0x1] =	stream.indirect_vreg.gather [hbm4b:s2+s3], $0x80, v2, vm0, $0xb8;
	[tilespmem:$0x880] =	vst v63  }
0x29: {  	_ =	swait.ge [sflag:s7], $0x800  }
.Ltmp1:
0x2a: {  	[sflag:s7] =	ssyncset.done $0x0;
	(pc) =	sbr.rel @p0 .LBB2_1-.Ltmp1, $4  }
0x2b: {  	[sflag:s7] =	ssyncadd.s32 $0xFFFFF800  }
0x2c: {  	[hbm4b:s8+s3] =	stream.linear.scatter [tilespmem:s6], [sflag:$0x2], $0x800, $0x38;
	[tilespmem:$0x880] =	vst v63  }
0x2d: {  	_ =	swait.ge [sflag:s4], $0x800  }
0x2e: {  	[sflag:s4] =	ssyncset.done $0x0  }
.LBB2_2:
0x2f: {  	[sflag:s4] =	ssyncadd.s32 $0xFFFFF800  }
0x30: {  	_ =	sfence.sel $0x180000  }
0x31: {  	[bflag:$0x0] =	sbarrier.arrive $0xFFFF  }
0x32: {  	p0 =	sne.s32 s0, $0x0;
	_ =	strace $0x9000004A  }
0x33: {  	s0 =	sadd.s32 @!p0 $0x100000, s1;
	[bflag:$0x2] =	sbarrier.arrive $0xFFFF  }
0x34: {  	[sflag:s0] =	ssyncadd.tile.s32 @!p0 $0x1;
	_ =	shalt  }
.Lfunc_end2:
_tile_overlayer_lowered:
.L_overlay_start_2:
0x35: {  	(tag) =	ssettag $0x2  }
0x36: {  	s0 =	rddreg [dreg:$0x0];
	s2 =	stileid.u32  }
0x37: {  	s1 =	rddreg [dreg:$0x1];
	p0 =	sne.s32 s2, $0x0  }
0x38: {  	s3 =	rddreg [dreg:$0x2];
	[bflag:$0x3] =	sbarrier.arrive $0xFFFF;
	s2 =	simm.s32 @!p0 $0x1C02  }
0x39: {  	[timem:s3], [sflag:s2] =	dma.local @!p0 [hbm:s0], s1  }
0x3a: {  	s0 =	simm.s32 @!p0 $0x2  }
0x3b: {  	_ =	swait.ge @!p0 [sflag:s0], s1  }
0x3c: {  	s1 =	ssub.s32 @!p0 $0x0, s1;
	[sflag:s0] =	ssyncset.done @!p0 $0x0  }
0x3d: {  	[sflag:s0] =	ssyncadd.s32 @!p0 s1  }
0x3e: {  	[bflag:$0x3] =	sbarrier.arrive $0xFFFF  }
0x3f: {  	_ =	shalt  }

// kernel: kernel.14.cloned.1.call-start
scs
__scs_entry_jumppad:
0x0: {  	(pc) =	sbr.rel $0x88, $3  }
0x1: {  	(tag) =	ssettag $0x0;
	lr =	simm.s32 $0x1  }
0x2: {  	[smem:$0x3F97] =	sst lr;
	_ =	strace $0xD0000000  }
0x3: {  	_ = 	snop  }
0x4: {  	_ = 	snop  }
0x5: {  	_ = 	snop  }
0x6: {  	_ = 	snop  }
0x7: {  	_ = 	snop  }
__scs_overlays_trampoline_lowered:
0x8: {  	[smem:$0x3FA6] =	sst s0  }
0x9: {  	[smem:$0x3FA7] =	sst s1  }
0xa: {  	[smem:$0x3FA8] =	sst s2  }
0xb: {  	[smem:$0x3FA9] =	sst s3  }
0xc: {  	[smem:$0x3FAA] =	sst s4  }
0xd: {  	[smem:$0x3FAB] =	sst s5  }
0xe: {  	[smem:$0x3FAC] =	sst s6  }
0xf: {  	[smem:$0x3FAD] =	sst s7  }
0x10: {  	[smem:$0x3FAE] =	sst s8  }
0x11: {  	[smem:$0x3FAF] =	sst s9;
	s0 =	simm.s32 @!p0 $0x0  }
0x12: {  	s1 =	sld [smem:$0x3F95];
	s0 =	simm.s32 @p0 $0x1  }
0x13: {  	[smem:$0x3FB0] =	sst s0;
	s0 =	simm.s32 @!p1 $0x0  }
0x14: {  	s2 =	sld [smem:$0x3F94];
	s0 =	simm.s32 @p1 $0x1  }
0x15: {  	[smem:$0x3FB1] =	sst s0;
	s0 =	simm.s32 @!p2 $0x0  }
0x16: {  	s3 =	sld [smem:$0x3FDB];
	s0 =	simm.s32 @p2 $0x1  }
0x17: {  	s4 =	simm.s32 $0x1BF5;
	[smem:$0x3FB3] =	sst s0  }
0x18: {  	s0 =	sld [smem:$0x3F96];
	_ =	swait.ge [sflag:s4], $0x0  }
0x19: {  	s7 =	sld [smem:$0x3F97]  }
0x1a: {  	s8 =	sadd.s32 $0xFFFFE003, lr  }
0x1b: {  	s9 =	sadd.s32 $0xFFFFFEF7, lr;
	s5 =	simm.s32 $0xFFFFFFFF;
	p2 =	slt.u32 s8, $0xFFFFF086  }
0x1c: {  	p1 =	slt.u32 s9, $0xF7A;
	s5 =	simm.s32 @!p2 $0x0  }
0x1d: {  	s5 =	simm.s32 @p1 $0x1;
	p0 =	seq.s32 s7, s2  }
0x1e: {  	s7 =	smul.u32 @!p0 $0xF7A, s2;
	p2 =	seq.s32 @!p0 s5, $0x0  }
0x1f: {  	s9 =	smul.u32 $0xF7A, s1;
	s8 =	simm.s32 @!p0 $0x1BF5;
	p2 =	por !p2, p0  }
0x20: {  	[sflag:s8] =	ssyncset.s32 @!p0 $0xFFFFF086;
	s6 =	sadd.s32 @!p0 s3, s7;
	s7 =	simm.s32 @!p0 $0x108  }
0x21: {  	s3 =	sadd.s32 s3, s9;
	s6 =	sadd.s32 @!p0 $0x88, s6;
	s7 =	simm.s32 @p2 $0x1082  }
0x22: {  	[simem:s7], [sflag:s8] =	dma.local @!p0 [hbm:s6], $0xF7A  }
0x23: {  	s9 =	sor.u32 $0xD0000000, s2;
	s6 =	simm.s32 $0x108;
	_ =	swait.ge @!p0 [sflag:s8], $0x0  }
0x24: {  	s3 =	sadd.s32 $0x88, s3;
	s6 =	simm.s32 @!p1 $0x1082;
	[sflag:s4] =	ssyncset.s32 $0xFFFFF086  }
0x25: {  	[simem:s6], [sflag:s4] =	dma.local [hbm:s3], $0xF7A  }
0x26: {  	[smem:$0x3F97] =	sst s1;
	(tag) =	ssettag s2;
	_ =	strace s9  }
0x27: {  	s1 =	sld [smem:$0x3FA7]  }
0x28: {  	s2 =	sld [smem:$0x3FA8]  }
0x29: {  	s4 =	sld [smem:$0x3FAA]  }
0x2a: {  	p0 =	seq.s32 s5, $0x0;
	s5 =	sld [smem:$0x3FAB]  }
0x2b: {  	s6 =	sld [smem:$0x3FAC]  }
0x2c: {  	s7 =	sld [smem:$0x3FAD]  }
0x2d: {  	s3 =	simm.s32 $0x108;
	s8 =	sld [smem:$0x3FAE]  }
0x2e: {  	s3 =	simm.s32 @!p0 $0x1082;
	s9 =	sld [smem:$0x3FAF]  }
0x2f: {  	lr =	sadd.s32 s0, s3;
	s0 =	sld [smem:$0x3FA6]  }
0x30: {  	s3 =	sld [smem:$0x3FA9]  }
0x31: {  	[smem:$0x3FB2] =	sst s10  }
0x32: {  	s10 =	sld [smem:$0x3FB0];
	_ =	sdelay $0x3  }
0x33: {  	p0 =	seq.s32 s10, $0x1;
	s10 =	sld [smem:$0x3FB2];
	_ =	sdelay $0x3  }
0x34: {  	[smem:$0x3FB2] =	sst s10  }
0x35: {  	s10 =	sld [smem:$0x3FB1];
	_ =	sdelay $0x3  }
0x36: {  	p1 =	seq.s32 s10, $0x1;
	s10 =	sld [smem:$0x3FB2];
	_ =	sdelay $0x3  }
0x37: {  	[smem:$0x3FB2] =	sst s10  }
0x38: {  	s10 =	sld [smem:$0x3FB3]  }
0x39: {  	_ = 	snop;
	(pc) =	sbr.ind lr, $3  }
0x3a: {  	_ = 	snop  }
0x3b: {  	_ = 	snop  }
0x3c: {  	p2 =	seq.s32 s10, $0x1;
	s10 =	sld [smem:$0x3FB2]  }
0x3d: {  	_ =	shalt  }
0x3e: {  	_ =	shalt  }
0x3f: {  	_ =	shalt  }
0x40: {  	_ =	shalt  }
0x41: {  	_ =	shalt  }
0x42: {  	_ =	shalt  }
0x43: {  	_ =	shalt  }
0x44: {  	_ =	shalt  }
0x45: {  	_ =	shalt  }
0x46: {  	_ =	shalt  }
0x47: {  	_ =	shalt  }
0x48: {  	_ =	shalt  }
0x49: {  	_ =	shalt  }
0x4a: {  	_ =	shalt  }
0x4b: {  	_ =	shalt  }
0x4c: {  	_ =	shalt  }
0x4d: {  	_ =	shalt  }
0x4e: {  	_ =	shalt  }
0x4f: {  	_ =	shalt  }
0x50: {  	_ =	shalt  }
0x51: {  	_ =	shalt  }
0x52: {  	_ =	shalt  }
0x53: {  	_ =	shalt  }
0x54: {  	_ =	shalt  }
0x55: {  	_ =	shalt  }
0x56: {  	_ =	shalt  }
0x57: {  	_ =	shalt  }
0x58: {  	_ =	shalt  }
0x59: {  	_ =	shalt  }
0x5a: {  	_ =	shalt  }
0x5b: {  	_ =	shalt  }
0x5c: {  	_ =	shalt  }
0x5d: {  	_ =	shalt  }
0x5e: {  	_ =	shalt  }
0x5f: {  	_ =	shalt  }
0x60: {  	_ =	shalt  }
0x61: {  	_ =	shalt  }
0x62: {  	_ =	shalt  }
0x63: {  	_ =	shalt  }
0x64: {  	_ =	shalt  }
0x65: {  	_ =	shalt  }
0x66: {  	_ =	shalt  }
0x67: {  	_ =	shalt  }
0x68: {  	_ =	shalt  }
0x69: {  	_ =	shalt  }
0x6a: {  	_ =	shalt  }
0x6b: {  	_ =	shalt  }
0x6c: {  	_ =	shalt  }
0x6d: {  	_ =	shalt  }
0x6e: {  	_ =	shalt  }
0x6f: {  	_ =	shalt  }
0x70: {  	_ =	shalt  }
0x71: {  	_ =	shalt  }
0x72: {  	_ =	shalt  }
0x73: {  	_ =	shalt  }
0x74: {  	_ =	shalt  }
0x75: {  	_ =	shalt  }
0x76: {  	_ =	shalt  }
0x77: {  	_ =	shalt  }
0x78: {  	_ =	shalt  }
0x79: {  	_ =	shalt  }
0x7a: {  	_ =	shalt  }
0x7b: {  	_ =	shalt  }
0x7c: {  	_ =	shalt  }
0x7d: {  	_ =	shalt  }
0x7e: {  	_ =	shalt  }
0x7f: {  	_ =	shalt  }
0x80: {  	_ =	shalt  }
0x81: {  	_ =	shalt  }
0x82: {  	_ =	shalt  }
0x83: {  	_ =	shalt  }
0x84: {  	_ =	shalt  }
0x85: {  	_ =	shalt  }
0x86: {  	_ =	shalt  }
0x87: {  	_ =	shalt  }
.Lfunc_end0:
.L_simem_size_0:
called_computation.2_lowered:
.L_overlay_start_0:
0x88: {  	s2 =	sld [smem:$0x3FD9]  }
0x89: {  	s3 =	sld [smem:$0x3FFE];
	_ =	sdelay $0x1  }
0x8a: {  	s1 =	srdreg.scid  }
0x8b: {  	s0 =	sand.u32 $0x1, s1  }
0x8c: {  	s17 =	sshll.u32 s0, $0xA;
	s2 =	sadd.s32 s3, s2  }
0x8d: {  	s2 =	sadd.s32 s2, s17  }
0x8e: {  	[smem:$0x3FBE] =	sst s2  }
0x8f: {  	_ = 	snop  }
0x90: {  	s2 =	sld [smem:$0x3FC8]  }
0x91: {  	s18 =	sld [smem:$0x3FD0];
	(tm) =	ssettm $0x1  }
0x92: {  	s4 =	sld [smem:$0x3FFB];
	_ =	sdelay $0x3  }
0x93: {  	_ =	strace s4  }
0x94: {  	s4 =	sld [smem:$0x3FFC];
	_ =	sdelay $0x3  }
0x95: {  	_ =	strace s4  }
0x96: {  	s4 =	sld [smem:$0x3FFD];
	_ =	sdelay $0x3  }
0x97: {  	_ =	strace s4  }
0x98: {  	_ =	strace $0x8FFFFFFF  }
0x99: {  	s19 =	sld [smem:$0x3FDB];
	_ =	sdelay $0x1  }
0x9a: {  	s5 =	simm.s32 $_scs_section_size  }
0x9b: {  	s6 =	simm.s32 $_size__tile_overlayer_lowered;
	s7 =	simm.s32 $_tile_overlayer_lowered  }
0x9c: {  	s22 =	simm.s32 $0x1BFF;
	s21 =	sshll.u32 s7, $0x1;
	s4 =	sadd.s32 s5, s19  }
0x9d: {  	s8 =	simm.s32 $0x0;
	s20 =	sshll.u32 s6, $0x1;
	s6 =	sadd.s32 s21, s4  }
0x9e: {  	[timem:s8], [sflag:s22] =	dma.local [hbm:s6], s20  }
0x9f: {  	_ =	swait.ge [sflag:s22], s20  }
0xa0: {  	s5 =	ssub.s32 $0x0, s20;
	[sflag:s22] =	ssyncset.done $0x0  }
0xa1: {  	[sflag:s22] =	ssyncadd.s32 s5;
	_ =	sdelay $0x1  }
0xa2: {  	s23 =	simm.s32 $0x1B8B  }
0xa3: {  	_ =	swait.ge [sflag:s23], $0x1  }
0xa4: {  	[sflag:s23] =	ssyncset.done $0x0  }
0xa5: {  	s25 =	simm.s32 $0x1B8E;
	s24 =	sld [smem:$0x3FFE];
	[sflag:s23] =	ssyncadd.s32 $0xFFFFFFFF  }
0xa6: {  	s26 =	simm.s32 $execute0_lowered;
	[smem:$0x3FD2] =	sst s25  }
0xa7: {  	s6 =	sshll.u32 s26, $0x1;
	_ =	strace $0x8000004C;
	[dreg:$0x1] =	wrdreg $0xFFFFFFFF  }
0xa8: {  	s28 =	simm.s32 $_size_execute0_lowered;
	s4 =	sadd.s32 s4, s6;
	[dreg:$0x0] =	wrdreg $0x0  }
0xa9: {  	s6 =	sshll.u32 s28, $0x1;
	[dreg:$0x2] =	wrdreg s4  }
0xaa: {  	[dreg:$0x3] =	wrdreg s6  }
0xab: {  	[dreg:$0x4] =	wrdreg $0xC0  }
0xac: {  	_ =	task [dreg:s8], $0x5FFFF  }
0xad: {  	[dreg:$0x1] =	wrdreg $0xFFFFFFFF  }
0xae: {  	[dreg:$0x0] =	wrdreg $0x60  }
0xaf: {  	[dreg:$0x2] =	wrdreg s18  }
0xb0: {  	[dreg:$0x3] =	wrdreg s24  }
0xb1: {  	[dreg:$0x4] =	wrdreg s2  }
0xb2: {  	[dreg:$0x5] =	wrdreg $0xC3000  }
0xb3: {  	[dreg:$0x6] =	wrdreg $0x9  }
0xb4: {  	_ =	task.clear_ibuf [dreg:s8], $0x7FFFF;
	_ =	strace $0x9000004C  }
0xb5: {  	s29 =	simm.s32 $0x9;
	_ =	strace $0x8000004E  }
0xb6: {  	_ =	swait.ge [sflag:s29], $0x1  }
0xb7: {  	[sflag:s29] =	ssyncadd.s32 $0xFFFFFFFF  }
0xb8: {  	_ =	strace $0x9000004E  }
0xb9: {  	_ =	sfence  }
0xba: {  	s30 =	sld [smem:$0x0];
	_ =	sdelay $0x2  }
0xbb: {  	s31 =	sshll.u32 s1, $0xD;
	s1 =	sshrl.u32 s1, $0x2  }
0xbc: {  	s3 =	sand.u32 $0x4000, s31;
	s1 =	sadd.s32 s1, s30  }
0xbd: {  	s0 =	sor.u32 s3, s0;
	s1 =	sshll.u32 s1, $0x11  }
0xbe: {  	s0 =	sor.u32 s1, s0  }
0xbf: {  	s0 =	sadd.s32 $0x8F2B, s0  }
0xc0: {  	[sflag:s0] =	ssyncadd.remote.s32 $0x1  }
0xc1: {  	_ =	sfence.sel $0xFFFF  }
0xc2: {  	[dreg:$0x0] =	wrdreg $0xFFFFFFFF;
	(pc) =	sbr.abs _section_cstart, $3  }
0xc3: {  	[dreg:$0x1] =	wrdreg $0xFFFFFFFF  }
0xc4: {  	_ =	task.clear_ibuf [dreg:s8], $0x2FFFF;
	_ =	strace $0x9FFFFFFF  }
0xc5: {  	(tm) =	ssettm $0x7FFFFFFF  }
tec
execute0_lowered:
.L_overlay_start_1:
0x0: {  	(tag) =	ssettag $0x1  }
0x1: {  	s1 =	rddreg [dreg:$0x0]  }
0x2: {  	s0 =	rddreg [dreg:$0x1]  }
0x3: {  	s2 =	rddreg [dreg:$0x2]  }
0x4: {  	s3 =	rddreg [dreg:$0x3]  }
0x5: {  	s5 =	srdreg.scid;
	s24 =	stileid.u32  }
0x6: {  	s4 =	simm.s32 $0x0;
	s19 =	simm.s32 $0x4F000;
	s7 =	sand.u32 $0x1, s5  }
0x7: {  	s22 =	smul.u32 $0x7D000, s24;
	[smem:$0x7FF] =	sst s4;
	s5 =	sadd.s32 $0xC00, s0  }
0x8: {  	s23 =	sshll.u32 s24, $0x5;
	s25 =	smul.u32 $0x3E8, s24;
	s10 =	ssub.s32 $0x4F1, s24  }
0x9: {  	s26 =	smul.u32 $0x3E80, s24;
	p2 =	sgt.u32 s24, $0x9;
	s24 =	simm.s32 $0x5  }
0xa: {  	s6 =	ssub.s32 $0x2, s7;
	_ =	strace $0x8000004D;
	p0 =	seq.s32 s7, $0x0  }
0xb: {  	s7 =	sadd.s32 s2, s23;
	s8 =	sshrl.u32 s6, $0x1;
	s9 =	sshrl.u32 s22, $0x2  }
0xc: {  	s11 =	sadd.s32 $0x80, s25;
	s12 =	sadd.s32 $0x100, s25;
	s13 =	sadd.s32 $0x180, s25  }
0xd: {  	s17 =	sadd.s32 $0x200, s25;
	s18 =	sadd.s32 $0x280, s25;
	s19 =	simm.s32 @!p0 $0x76200  }
0xe: {  	s22 =	sadd.s32 $0x300, s25;
	s8 =	ssub.s32 s6, s8;
	s6 =	sadd.s32 s9, s3  }
0xf: {  	s14 =	sshll.u32 s11, $0x4;
	s15 =	sshll.u32 s12, $0x4;
	s16 =	sshll.u32 s13, $0x4  }
0x10: {  	s20 =	sshll.u32 s17, $0x4;
	s21 =	sshll.u32 s18, $0x4;
	s0 =	sadd.s32 s19, s0  }
0x11: {  	s9 =	sadd.s32 $0x380, s25;
	s28 =	sshll.u32 s22, $0x4;
	s2 =	sadd.s32 s0, s26  }
0x12: {  	s11 =	sshll.u32 s11, $0x7;
	s14 =	sadd.s32 s0, s14;
	[dreg:$0x5] =	wrdreg s2  }
0x13: {  	s17 =	sshll.u32 s17, $0x7;
	s15 =	sadd.s32 s0, s15;
	[dreg:$0x6] =	wrdreg s14  }
0x14: {  	s19 =	sshll.u32 s18, $0x7;
	s16 =	sadd.s32 s0, s16;
	[dreg:$0x7] =	wrdreg s15  }
0x15: {  	s18 =	simm.s32 $0x1;
	s20 =	sadd.s32 s0, s20;
	[dreg:$0x8] =	wrdreg s16  }
0x16: {  	s23 =	sshll.u32 s9, $0x4;
	s25 =	sadd.s32 s0, s21;
	[dreg:$0x9] =	wrdreg s20  }
0x17: {  	s26 =	sadd.s32 s0, s28;
	s28 =	sadd.s32 $0x4000, s6;
	[dreg:$0xa] =	wrdreg s25  }
0x18: {  	s29 =	sadd.s32 $0x14000, s6;
	s30 =	sadd.s32 $0x18000, s6;
	[dreg:$0xb] =	wrdreg s26  }
0x19: {  	s31 =	sadd.s32 $0x1C000, s6;
	s0 =	sadd.s32 s0, s23;
	[dreg:$0xd] =	wrdreg s28  }
0x1a: {  	s2 =	sand.u32 $0x4F0, s10;
	s10 =	sadd.s32 $0x8000, s6;
	s14 =	sshll.u32 s12, $0x7  }
0x1b: {  	s15 =	sshll.u32 s13, $0x7;
	s20 =	sshll.u32 s22, $0x7;
	s22 =	sshll.u32 s9, $0x7  }
0x1c: {  	s23 =	smax.u32 s8, $0x1;
	s25 =	sadd.s32 $0xC000, s6;
	[dreg:$0xc] =	wrdreg s0  }
0x1d: {  	s26 =	sadd.s32 $0x10000, s6;
	s28 =	sadd.s32 $0x9C00, s7;
	[dreg:$0xe] =	wrdreg s10  }
0x1e: {  	s8 =	sadd.s32 $0x400, s7;
	s9 =	simm.s32 $0x7;
	[dreg:$0x16] =	wrdreg s23  }
0x1f: {  	s12 =	simm.s32 $0x100;
	s13 =	simm.s32 $0x4300;
	[dreg:$0x17] =	wrdreg s25  }
0x20: {  	p1 =	seq.s32 s2, $0x4E0;
	s0 =	sadd.s32 s11, s3;
	[dreg:$0x18] =	wrdreg s26  }
0x21: {  	s16 =	sadd.s32 s15, s3;
	s21 =	sadd.s32 s20, s3;
	[dreg:$0x19] =	wrdreg s28  }
0x22: {  	s2 =	sadd.s32 $0x200, s7;
	s10 =	simm.s32 $0x80;
	s11 =	simm.s32 $0x300  }
0x23: {  	s15 =	simm.s32 $0x8300;
	s20 =	simm.s32 $0x180;
	[dreg:$0xf] =	wrdreg s0  }
0x24: {  	s23 =	simm.s32 $0x4;
	s0 =	sadd.s32 s14, s3;
	[dreg:$0x11] =	wrdreg s16  }
.Ltmp0:
0x25: {  	[dreg:$0x14] =	wrdreg s21;
	s14 =	simm.s32 $0x200;
	(pc) =	sbr.rel .LBB2_1-.Ltmp0, $4  }
0x26: {  	s21 =	simm.s32 $0x3;
	[dreg:$0x10] =	wrdreg s0;
	s0 =	sadd.s32 s17, s3  }
0x27: {  	s16 =	simm.s32 $0x0;
	[dreg:$0x12] =	wrdreg s0;
	s0 =	sadd.s32 s19, s3  }
0x28: {  	s19 =	simm.s32 $0x2;
	[dreg:$0x13] =	wrdreg s0;
	s0 =	sadd.s32 s22, s3  }
0x29: {  	v0 =	vimm.f32 $0.0e+00;
	s22 =	simm.s32 $0x280;
	[dreg:$0x15] =	wrdreg s0;
	s0 =	simm.s32 $0x6  }
.LBB2_13:
0x2a: {  	s16 =	sadd.s32 $0x1, s16;
	s17 =	rddreg [dreg:$0x16]  }
0x2b: {  	p3 =	sne.s32 s16, s17  }
.Ltmp1:
0x2c: {  	_ = 	snop;
	(pc) =	sbr.rel @!p3 .LBB2_14-.Ltmp1, $1  }
0x2d: {  	_ =	sdelay $0x3  }
.LBB2_1:
0x2e: {  	s17 =	sand.u32 $0xFE00, s4  }
0x2f: {  	s25 =	sand.u32 $0x70, s4;
	s26 =	sshrl.u32 s17, $0x2  }
0x30: {  	s17 =	simm.s32 $0x40;
	s26 =	sor.u32 s25, s26;
	s25 =	simm.s32 $0x0  }
.LBB2_2:
0x31: {  	p3 =	sne.s32 s17, $0xFFC0  }
0x32: {  	[tilespmem:s26+$0x300] =	vst v0;
	s25 =	sadd.s32 $0x10, s25;
	s26 =	smov.u32 s17;
	s17 =	sadd.s32 $0x40, s17  }
.Ltmp2:
0x33: {  	(pc) =	sbr.rel @p3 .LBB2_2-.Ltmp2, $4  }
0x34: {  	_ = 	snop  }
0x35: {  	s26 =	sand.u32 $0xFE00, s26  }
0x36: {  	s28 =	sand.u32 $0x70, s25;
	s26 =	sshrl.u32 s26, $0x2  }
0x37: {  	s26 =	sor.u32 s28, s26  }
0x38: {  	[tilespmem:s26+$0x300] =	vst v0;
	s17 =	simm.s32 @!p2 $0x300  }
0x39: {  	[spmem:s6] =	stream.linear.scatter @!p2 [tilespmem:s17], [sflag:$0x1], $0x4000, $0x38;
	[tilespmem:$0x1FB80] =	vst v63  }
0x3a: {  	s25 =	rddreg [dreg:$0xd]  }
0x3b: {  	[spmem:s25] =	stream.linear.scatter @!p2 [tilespmem:s17], [sflag:$0x2], $0x4000, $0x38;
	[tilespmem:$0x1FB80] =	vst v63  }
0x3c: {  	s25 =	rddreg [dreg:$0xe]  }
0x3d: {  	[spmem:s25] =	stream.linear.scatter @!p2 [tilespmem:s17], [sflag:$0x3], $0x4000, $0x38;
	[tilespmem:$0x1FB80] =	vst v63  }
0x3e: {  	s25 =	rddreg [dreg:$0x17]  }
0x3f: {  	[spmem:s25] =	stream.linear.scatter @!p2 [tilespmem:s17], [sflag:$0x4], $0x4000, $0x38;
	[tilespmem:$0x1FB80] =	vst v63  }
0x40: {  	s25 =	rddreg [dreg:$0x18]  }
0x41: {  	[spmem:s25] =	stream.linear.scatter @!p2 [tilespmem:s17], [sflag:$0x5], $0x4000, $0x38;
	[tilespmem:$0x1FB80] =	vst v63  }
0x42: {  	_ = 	snop  }
0x43: {  	[spmem:s29] =	stream.linear.scatter @!p2 [tilespmem:s17], [sflag:$0x6], $0x4000, $0x38;
	[tilespmem:$0x1FB80] =	vst v63  }
0x44: {  	_ = 	snop  }
0x45: {  	[spmem:s30] =	stream.linear.scatter @!p2 [tilespmem:s17], [sflag:$0x1], $0x4000, $0x38;
	[tilespmem:$0x1FB80] =	vst v63  }
0x46: {  	_ = 	snop  }
0x47: {  	[spmem:s31] =	stream.linear.scatter @!p2 [tilespmem:s17], [sflag:$0x2], $0x3400, $0x38;
	[tilespmem:$0x1FB80] =	vst v63  }
0x48: {  	s17 =	simm.s32 @!p2 $0x1  }
0x49: {  	_ =	swait.ge @!p2 [sflag:s17], $0x4000  }
0x4a: {  	[sflag:s17] =	ssyncset.done @!p2 $0x0  }
0x4b: {  	s25 =	simm.s32 @!p2 $0x2;
	[sflag:s17] =	ssyncadd.s32 @!p2 $0xFFFFC000  }
0x4c: {  	_ =	swait.ge @!p2 [sflag:s25], $0x4000  }
0x4d: {  	[sflag:s25] =	ssyncset.done @!p2 $0x0  }
0x4e: {  	s26 =	simm.s32 @!p2 $0x3;
	[sflag:s25] =	ssyncadd.s32 @!p2 $0xFFFFC000  }
0x4f: {  	_ =	swait.ge @!p2 [sflag:s26], $0x4000  }
0x50: {  	[sflag:s26] =	ssyncset.done @!p2 $0x0  }
0x51: {  	[sflag:s26] =	ssyncadd.s32 @!p2 $0xFFFFC000;
	s26 =	simm.s32 @!p2 $0x4  }
0x52: {  	_ =	swait.ge @!p2 [sflag:s26], $0x4000  }
0x53: {  	[sflag:s26] =	ssyncset.done @!p2 $0x0  }
0x54: {  	[sflag:s26] =	ssyncadd.s32 @!p2 $0xFFFFC000;
	s26 =	simm.s32 @!p2 $0x5  }
0x55: {  	_ =	swait.ge @!p2 [sflag:s26], $0x4000  }
0x56: {  	[sflag:s26] =	ssyncset.done @!p2 $0x0  }
0x57: {  	[sflag:s26] =	ssyncadd.s32 @!p2 $0xFFFFC000;
	s26 =	simm.s32 @!p2 $0x6  }
0x58: {  	_ =	swait.ge @!p2 [sflag:s26], $0x4000  }
0x59: {  	[sflag:s26] =	ssyncset.done @!p2 $0x0  }
0x5a: {  	[sflag:s26] =	ssyncadd.s32 @!p2 $0xFFFFC000  }
0x5b: {  	_ =	swait.ge @!p2 [sflag:s17], $0x4000  }
0x5c: {  	[sflag:s17] =	ssyncset.done @!p2 $0x0  }
0x5d: {  	[sflag:s17] =	ssyncadd.s32 @!p2 $0xFFFFC000  }
.Ltmp3:
0x5e: {  	_ =	swait.ge @!p2 [sflag:s25], $0x3400;
	(pc) =	sbr.rel @!p0 .LBB2_4-.Ltmp3, $3  }
0x5f: {  	[sflag:s25] =	ssyncset.done @!p2 $0x0  }
0x60: {  	[sflag:s25] =	ssyncadd.s32 @!p2 $0xFFFFCC00  }
0x61: {  	[bflag:$0x0] =	sbarrier.arrive $0xFFFF;
	_ =	sdelay $0x1  }
0x62: {  	[tilespmem:s4], [sflag:$0x7] =	stream.linear.gather [hbm4b:s7+s4], $0x100, $0x38;
	[tilespmem:$0x1FB80] =	vst v63  }
0x63: {  	_ =	swait.ge [sflag:s9], $0x100  }
0x64: {  	[sflag:s9] =	ssyncset.done $0x0  }
0x65: {  	[sflag:s9] =	ssyncadd.s32 $0xFFFFFF00  }
0x66: {  	[tilespmem:s11], [sflag:$0x1] =	stream.indirect.gather [hbm4b:s1+s10], $0x80, s4, s10, $0xb8;
	[tilespmem:$0x1FB80] =	vst v63  }
0x67: {  	_ = 	snop  }
0x68: {  	[tilespmem:s12], [sflag:$0x7] =	stream.linear.gather [hbm4b:s2+s4], $0x100, $0x38;
	[tilespmem:$0x1FB80] =	vst v63  }
0x69: {  	_ =	swait.ge [sflag:s9], $0x100  }
0x6a: {  	[sflag:s9] =	ssyncset.done $0x0  }
0x6b: {  	[sflag:s9] =	ssyncadd.s32 $0xFFFFFF00  }
0x6c: {  	[tilespmem:s13], [sflag:$0x2] =	stream.indirect.gather [hbm4b:s1+s10], $0x80, s12, s10, $0xb8;
	[tilespmem:$0x1FB80] =	vst v63  }
0x6d: {  	_ = 	snop  }
0x6e: {  	[tilespmem:s14], [sflag:$0x7] =	stream.linear.gather [hbm4b:s8+s4], $0x100, $0x38;
	[tilespmem:$0x1FB80] =	vst v63  }
0x6f: {  	_ =	swait.ge [sflag:s9], $0x100  }
0x70: {  	[sflag:s9] =	ssyncset.done $0x0  }
0x71: {  	[sflag:s9] =	ssyncadd.s32 $0xFFFFFF00  }
0x72: {  	[tilespmem:s15], [sflag:$0x3] =	stream.indirect.gather [hbm4b:s1+s10], $0x80, s14, s10, $0xb8;
	[tilespmem:$0x1FB80] =	vst v63  }
0x73: {  	_ =	swait.ge [sflag:s18], $0x4000  }
0x74: {  	[sflag:s18] =	ssyncset.done $0x0  }
0x75: {  	[sflag:s18] =	ssyncadd.s32 $0xFFFFC000  }
0x76: {  	[spmem:s3] =	stream.indirect.scatter.add.f32 [tilespmem:s11], [sflag:$0x4], $0x80, s10, s10, $0xb8;
	[tilespmem:$0x1FB80] =	vst v63  }
0x77: {  	_ =	swait.ge [sflag:s19], $0x4000  }
0x78: {  	[sflag:s19] =	ssyncset.done $0x0  }
0x79: {  	[sflag:s19] =	ssyncadd.s32 $0xFFFFC000  }
0x7a: {  	[spmem:s3] =	stream.indirect.scatter.add.f32 [tilespmem:s13], [sflag:$0x5], $0x80, s20, s10, $0xb8;
	[tilespmem:$0x1FB80] =	vst v63  }
0x7b: {  	_ =	swait.ge [sflag:s21], $0x4000  }
0x7c: {  	[sflag:s21] =	ssyncset.done $0x0  }
0x7d: {  	[sflag:s21] =	ssyncadd.s32 $0xFFFFC000  }
0x7e: {  	[spmem:s3] =	stream.indirect.scatter.add.f32 [tilespmem:s15], [sflag:$0x6], $0x80, s22, s10, $0xb8;
	[tilespmem:$0x1FB80] =	vst v63  }
0x7f: {  	_ =	swait.ge [sflag:s23], $0x4000  }
0x80: {  	s17 =	sadd.s32 $0xFFFF6A00, s7;
	[sflag:s23] =	ssyncset.done $0x0  }
0x81: {  	s25 =	sadd.s32 $0x9C00, s17;
	[sflag:s23] =	ssyncadd.s32 $0xFFFFC000  }
0x82: {  	[tilespmem:s4], [sflag:$0x7] =	stream.linear.gather [hbm4b:s25+s4], $0x100, $0x38;
	[tilespmem:$0x1FB80] =	vst v63  }
0x83: {  	_ =	swait.ge [sflag:s9], $0x100  }
0x84: {  	[sflag:s9] =	ssyncset.done $0x0  }
0x85: {  	[sflag:s9] =	ssyncadd.s32 $0xFFFFFF00  }
0x86: {  	[tilespmem:s11], [sflag:$0x1] =	stream.indirect.gather [hbm4b:s1+s10], $0x80, s4, s10, $0xb8;
	[tilespmem:$0x1FB80] =	vst v63  }
0x87: {  	_ =	swait.ge [sflag:s24], $0x4000  }
0x88: {  	[sflag:s24] =	ssyncset.done $0x0  }
0x89: {  	s28 =	sadd.s32 $0x9E00, s17;
	[sflag:s24] =	ssyncadd.s32 $0xFFFFC000  }
0x8a: {  	[tilespmem:s12], [sflag:$0x7] =	stream.linear.gather [hbm4b:s28+s4], $0x100, $0x38;
	[tilespmem:$0x1FB80] =	vst v63  }
0x8b: {  	_ =	swait.ge [sflag:s9], $0x100  }
0x8c: {  	[sflag:s9] =	ssyncset.done $0x0  }
0x8d: {  	[sflag:s9] =	ssyncadd.s32 $0xFFFFFF00  }
0x8e: {  	[tilespmem:s13], [sflag:$0x2] =	stream.indirect.gather [hbm4b:s1+s10], $0x80, s12, s10, $0xb8;
	[tilespmem:$0x1FB80] =	vst v63  }
0x8f: {  	_ =	swait.ge [sflag:s0], $0x4000  }
0x90: {  	[sflag:s0] =	ssyncset.done $0x0  }
0x91: {  	s17 =	sadd.s32 $0xA000, s17;
	[sflag:s0] =	ssyncadd.s32 $0xFFFFC000  }
0x92: {  	[tilespmem:s14], [sflag:$0x7] =	stream.linear.gather [hbm4b:s17+s4], $0x100, $0x38;
	[tilespmem:$0x1FB80] =	vst v63  }
0x93: {  	_ =	swait.ge [sflag:s9], $0x100  }
0x94: {  	[sflag:s9] =	ssyncset.done $0x0  }
0x95: {  	[sflag:s9] =	ssyncadd.s32 $0xFFFFFF00  }
0x96: {  	[tilespmem:s15], [sflag:$0x3] =	stream.indirect.gather [hbm4b:s1+s10], $0x80, s14, s10, $0xb8;
	[tilespmem:$0x1FB80] =	vst v63  }
0x97: {  	_ =	swait.ge [sflag:s18], $0x4000  }
0x98: {  	[sflag:s18] =	ssyncset.done $0x0  }
0x99: {  	[sflag:s18] =	ssyncadd.s32 $0xFFFFC000  }
0x9a: {  	[spmem:s3] =	stream.indirect.scatter.add.f32 [tilespmem:s11], [sflag:$0x4], $0x80, s10, s10, $0xb8;
	[tilespmem:$0x1FB80] =	vst v63  }
0x9b: {  	_ =	swait.ge [sflag:s19], $0x4000  }
0x9c: {  	[sflag:s19] =	ssyncset.done $0x0  }
0x9d: {  	[sflag:s19] =	ssyncadd.s32 $0xFFFFC000  }
0x9e: {  	[spmem:s3] =	stream.indirect.scatter.add.f32 [tilespmem:s13], [sflag:$0x5], $0x80, s20, s10, $0xb8;
	[tilespmem:$0x1FB80] =	vst v63  }
0x9f: {  	_ =	swait.ge [sflag:s21], $0x4000  }
0xa0: {  	[sflag:s21] =	ssyncset.done $0x0  }
0xa1: {  	s17 =	simm.s32 $0xFFFF7000;
	[sflag:s21] =	ssyncadd.s32 $0xFFFFC000  }
.LBB2_8:
0xa2: {  	[spmem:s3] =	stream.indirect.scatter.add.f32 [tilespmem:s15], [sflag:$0x6], $0x80, s22, s10, $0xb8;
	[tilespmem:$0x1FB80] =	vst v63  }
0xa3: {  	s25 =	smov.u32 s17  }
0xa4: {  	p3 =	sne.s32 s17, $0xFFFFFA00;
	s17 =	sadd.s32 $0x600, s17;
	_ =	swait.ge [sflag:s23], $0x4000  }
0xa5: {  	s25 =	sadd.s32 s25, s7;
	[sflag:s23] =	ssyncset.done $0x0  }
0xa6: {  	s26 =	sadd.s32 $0x9C00, s25;
	[sflag:s23] =	ssyncadd.s32 $0xFFFFC000  }
0xa7: {  	[tilespmem:s4], [sflag:$0x7] =	stream.linear.gather [hbm4b:s26+s4], $0x100, $0x38;
	[tilespmem:$0x1FB80] =	vst v63  }
0xa8: {  	_ =	swait.ge [sflag:s9], $0x100  }
0xa9: {  	[sflag:s9] =	ssyncset.done $0x0  }
0xaa: {  	[sflag:s9] =	ssyncadd.s32 $0xFFFFFF00  }
0xab: {  	[tilespmem:s11], [sflag:$0x1] =	stream.indirect.gather [hbm4b:s1+s10], $0x80, s4, s10, $0xb8;
	[tilespmem:$0x1FB80] =	vst v63  }
0xac: {  	_ =	swait.ge [sflag:s24], $0x4000  }
0xad: {  	[sflag:s24] =	ssyncset.done $0x0  }
0xae: {  	s26 =	sadd.s32 $0x9E00, s25;
	[sflag:s24] =	ssyncadd.s32 $0xFFFFC000  }
0xaf: {  	[tilespmem:s12], [sflag:$0x7] =	stream.linear.gather [hbm4b:s26+s4], $0x100, $0x38;
	[tilespmem:$0x1FB80] =	vst v63  }
0xb0: {  	_ =	swait.ge [sflag:s9], $0x100  }
0xb1: {  	[sflag:s9] =	ssyncset.done $0x0  }
0xb2: {  	[sflag:s9] =	ssyncadd.s32 $0xFFFFFF00  }
0xb3: {  	[tilespmem:s13], [sflag:$0x2] =	stream.indirect.gather [hbm4b:s1+s10], $0x80, s12, s10, $0xb8;
	[tilespmem:$0x1FB80] =	vst v63  }
0xb4: {  	_ =	swait.ge [sflag:s0], $0x4000  }
0xb5: {  	[sflag:s0] =	ssyncset.done $0x0  }
0xb6: {  	s25 =	sadd.s32 $0xA000, s25;
	[sflag:s0] =	ssyncadd.s32 $0xFFFFC000  }
0xb7: {  	[tilespmem:s14], [sflag:$0x7] =	stream.linear.gather [hbm4b:s25+s4], $0x100, $0x38;
	[tilespmem:$0x1FB80] =	vst v63  }
0xb8: {  	_ =	swait.ge [sflag:s9], $0x100  }
0xb9: {  	[sflag:s9] =	ssyncset.done $0x0  }
0xba: {  	[sflag:s9] =	ssyncadd.s32 $0xFFFFFF00  }
0xbb: {  	[tilespmem:s15], [sflag:$0x3] =	stream.indirect.gather [hbm4b:s1+s10], $0x80, s14, s10, $0xb8;
	[tilespmem:$0x1FB80] =	vst v63  }
0xbc: {  	_ =	swait.ge [sflag:s18], $0x4000  }
0xbd: {  	[sflag:s18] =	ssyncset.done $0x0  }
0xbe: {  	[sflag:s18] =	ssyncadd.s32 $0xFFFFC000  }
0xbf: {  	[spmem:s3] =	stream.indirect.scatter.add.f32 [tilespmem:s11], [sflag:$0x4], $0x80, s10, s10, $0xb8;
	[tilespmem:$0x1FB80] =	vst v63  }
0xc0: {  	_ =	swait.ge [sflag:s19], $0x4000  }
0xc1: {  	[sflag:s19] =	ssyncset.done $0x0  }
.Ltmp4:
0xc2: {  	[sflag:s19] =	ssyncadd.s32 $0xFFFFC000;
	(pc) =	sbr.rel @p3 .LBB2_8-.Ltmp4, $4  }
0xc3: {  	[spmem:s3] =	stream.indirect.scatter.add.f32 [tilespmem:s13], [sflag:$0x5], $0x80, s20, s10, $0xb8;
	[tilespmem:$0x1FB80] =	vst v63  }
0xc4: {  	_ =	swait.ge [sflag:s21], $0x4000  }
0xc5: {  	[sflag:s21] =	ssyncset.done $0x0  }
0xc6: {  	[sflag:s21] =	ssyncadd.s32 $0xFFFFC000  }
0xc7: {  	[spmem:s3] =	stream.indirect.scatter.add.f32 [tilespmem:s15], [sflag:$0x6], $0x80, s22, s10, $0xb8;
	[tilespmem:$0x1FB80] =	vst v63  }
0xc8: {  	_ =	swait.ge [sflag:s23], $0x4000  }
0xc9: {  	[sflag:s23] =	ssyncset.done $0x0  }
0xca: {  	[sflag:s23] =	ssyncadd.s32 $0xFFFFC000  }
0xcb: {  	_ =	swait.ge [sflag:s24], $0x4000  }
.Ltmp5:
0xcc: {  	[sflag:s24] =	ssyncset.done $0x0;
	(pc) =	sbr.rel @p1 .LBB2_11-.Ltmp5, $4  }
0xcd: {  	[sflag:s24] =	ssyncadd.s32 $0xFFFFC000  }
0xce: {  	_ =	swait.ge [sflag:s0], $0x4000  }
0xcf: {  	[sflag:s0] =	ssyncset.done $0x0  }
0xd0: {  	s17 =	smov.u32 s1;
	[sflag:s0] =	ssyncadd.s32 $0xFFFFC000  }
.LBB2_10:
0xd1: {  	s25 =	rddreg [dreg:$0x19]  }
0xd2: {  	[tilespmem:s4], [sflag:$0x7] =	stream.linear.gather [hbm4b:s25+s4], $0x100, $0x38;
	[tilespmem:$0x1FB80] =	vst v63  }
0xd3: {  	_ =	swait.ge [sflag:s9], $0x100  }
0xd4: {  	[sflag:s9] =	ssyncset.done $0x0  }
0xd5: {  	[sflag:s9] =	ssyncadd.s32 $0xFFFFFF00  }
0xd6: {  	[tilespmem:s11], [sflag:$0x1] =	stream.indirect.gather [hbm4b:s17+s10], $0x80, s4, s10, $0xb8;
	[tilespmem:$0x1FB80] =	vst v63  }
0xd7: {  	_ =	swait.ge [sflag:s18], $0x4000  }
0xd8: {  	[sflag:s18] =	ssyncset.done $0x0  }
0xd9: {  	[sflag:s18] =	ssyncadd.s32 $0xFFFFC000  }
0xda: {  	[spmem:s3] =	stream.indirect.scatter.add.f32 [tilespmem:s11], [sflag:$0x7], $0x80, s10, s10, $0xb8;
	[tilespmem:$0x1FB80] =	vst v63  }
0xdb: {  	_ =	swait.ge [sflag:s9], $0x4000  }
0xdc: {  	[sflag:s9] =	ssyncset.done $0x0  }
0xdd: {  	[sflag:s9] =	ssyncadd.s32 $0xFFFFC000  }
.LBB2_11:
.Ltmp6:
0xde: {  	(pc) =	sbr.rel @p2 .LBB2_13-.Ltmp6, $2  }
0xdf: {  	_ =	sdelay $0x1  }
0xe0: {  	[bflag:$0x0] =	sbarrier.arrive $0xFFFF;
	_ =	sdelay $0x1  }
0xe1: {  	[tilespmem:s11], [sflag:$0x7] =	stream.linear.gather [spmem:s6], $0x4000, $0x38;
	[tilespmem:$0x1FB80] =	vst v63  }
0xe2: {  	_ =	swait.ge [sflag:s9], $0x4000  }
0xe3: {  	[sflag:s9] =	ssyncset.done $0x0  }
0xe4: {  	s17 =	rddreg [dreg:$0x5];
	[sflag:s9] =	ssyncadd.s32 $0xFFFFC000  }
0xe5: {  	[hbm4b:s17+s4] =	stream.linear.scatter [tilespmem:s11], [sflag:$0x7], $0x4000, $0x38;
	[tilespmem:$0x1FB80] =	vst v63  }
0xe6: {  	_ =	swait.ge [sflag:s9], $0x4000  }
0xe7: {  	[sflag:s9] =	ssyncset.done $0x0  }
0xe8: {  	s26 =	rddreg [dreg:$0xf];
	[sflag:s9] =	ssyncadd.s32 $0xFFFFC000  }
0xe9: {  	[tilespmem:s11], [sflag:$0x7] =	stream.linear.gather [spmem:s26], $0x4000, $0x38;
	[tilespmem:$0x1FB80] =	vst v63  }
0xea: {  	_ =	swait.ge [sflag:s9], $0x4000  }
0xeb: {  	[sflag:s9] =	ssyncset.done $0x0  }
0xec: {  	s28 =	rddreg [dreg:$0x6];
	[sflag:s9] =	ssyncadd.s32 $0xFFFFC000  }
0xed: {  	[hbm4b:s28+s4] =	stream.linear.scatter [tilespmem:s11], [sflag:$0x7], $0x4000, $0x38;
	[tilespmem:$0x1FB80] =	vst v63  }
0xee: {  	_ =	swait.ge [sflag:s9], $0x4000  }
0xef: {  	[sflag:s9] =	ssyncset.done $0x0  }
0xf0: {  	s25 =	rddreg [dreg:$0x10];
	[sflag:s9] =	ssyncadd.s32 $0xFFFFC000  }
0xf1: {  	[tilespmem:s11], [sflag:$0x7] =	stream.linear.gather [spmem:s25], $0x4000, $0x38;
	[tilespmem:$0x1FB80] =	vst v63  }
0xf2: {  	_ =	swait.ge [sflag:s9], $0x4000  }
0xf3: {  	[sflag:s9] =	ssyncset.done $0x0  }
0xf4: {  	s26 =	rddreg [dreg:$0x7];
	[sflag:s9] =	ssyncadd.s32 $0xFFFFC000  }
0xf5: {  	[hbm4b:s26+s4] =	stream.linear.scatter [tilespmem:s11], [sflag:$0x7], $0x4000, $0x38;
	[tilespmem:$0x1FB80] =	vst v63  }
0xf6: {  	_ =	swait.ge [sflag:s9], $0x4000  }
0xf7: {  	[sflag:s9] =	ssyncset.done $0x0  }
0xf8: {  	s28 =	rddreg [dreg:$0x11];
	[sflag:s9] =	ssyncadd.s32 $0xFFFFC000  }
0xf9: {  	[tilespmem:s11], [sflag:$0x7] =	stream.linear.gather [spmem:s28], $0x4000, $0x38;
	[tilespmem:$0x1FB80] =	vst v63  }
0xfa: {  	_ =	swait.ge [sflag:s9], $0x4000  }
0xfb: {  	[sflag:s9] =	ssyncset.done $0x0  }
0xfc: {  	s25 =	rddreg [dreg:$0x8];
	[sflag:s9] =	ssyncadd.s32 $0xFFFFC000  }
0xfd: {  	[hbm4b:s25+s4] =	stream.linear.scatter [tilespmem:s11], [sflag:$0x7], $0x4000, $0x38;
	[tilespmem:$0x1FB80] =	vst v63  }
0xfe: {  	_ =	swait.ge [sflag:s9], $0x4000  }
0xff: {  	[sflag:s9] =	ssyncset.done $0x0  }
0x100: {  	s26 =	rddreg [dreg:$0x12];
	[sflag:s9] =	ssyncadd.s32 $0xFFFFC000  }
0x101: {  	[tilespmem:s11], [sflag:$0x7] =	stream.linear.gather [spmem:s26], $0x4000, $0x38;
	[tilespmem:$0x1FB80] =	vst v63  }
0x102: {  	_ =	swait.ge [sflag:s9], $0x4000  }
0x103: {  	[sflag:s9] =	ssyncset.done $0x0  }
0x104: {  	s28 =	rddreg [dreg:$0x9];
	[sflag:s9] =	ssyncadd.s32 $0xFFFFC000  }
0x105: {  	[hbm4b:s28+s4] =	stream.linear.scatter [tilespmem:s11], [sflag:$0x7], $0x4000, $0x38;
	[tilespmem:$0x1FB80] =	vst v63  }
0x106: {  	_ =	swait.ge [sflag:s9], $0x4000  }
0x107: {  	[sflag:s9] =	ssyncset.done $0x0  }
0x108: {  	s25 =	rddreg [dreg:$0x13];
	[sflag:s9] =	ssyncadd.s32 $0xFFFFC000  }
0x109: {  	[tilespmem:s11], [sflag:$0x7] =	stream.linear.gather [spmem:s25], $0x4000, $0x38;
	[tilespmem:$0x1FB80] =	vst v63  }
0x10a: {  	_ =	swait.ge [sflag:s9], $0x4000  }
0x10b: {  	[sflag:s9] =	ssyncset.done $0x0  }
0x10c: {  	s26 =	rddreg [dreg:$0xa];
	[sflag:s9] =	ssyncadd.s32 $0xFFFFC000  }
0x10d: {  	[hbm4b:s26+s4] =	stream.linear.scatter [tilespmem:s11], [sflag:$0x7], $0x4000, $0x38;
	[tilespmem:$0x1FB80] =	vst v63  }
0x10e: {  	_ =	swait.ge [sflag:s9], $0x4000  }
0x10f: {  	[sflag:s9] =	ssyncset.done $0x0  }
0x110: {  	s28 =	rddreg [dreg:$0x14];
	[sflag:s9] =	ssyncadd.s32 $0xFFFFC000  }
0x111: {  	[tilespmem:s11], [sflag:$0x7] =	stream.linear.gather [spmem:s28], $0x4000, $0x38;
	[tilespmem:$0x1FB80] =	vst v63  }
0x112: {  	_ =	swait.ge [sflag:s9], $0x4000  }
0x113: {  	[sflag:s9] =	ssyncset.done $0x0  }
0x114: {  	s25 =	rddreg [dreg:$0xb];
	[sflag:s9] =	ssyncadd.s32 $0xFFFFC000  }
0x115: {  	[hbm4b:s25+s4] =	stream.linear.scatter [tilespmem:s11], [sflag:$0x7], $0x4000, $0x38;
	[tilespmem:$0x1FB80] =	vst v63  }
0x116: {  	_ =	swait.ge [sflag:s9], $0x4000  }
0x117: {  	[sflag:s9] =	ssyncset.done $0x0  }
0x118: {  	s26 =	rddreg [dreg:$0x15];
	[sflag:s9] =	ssyncadd.s32 $0xFFFFC000  }
0x119: {  	[tilespmem:s11], [sflag:$0x7] =	stream.linear.gather [spmem:s26], $0x3400, $0x38;
	[tilespmem:$0x1FB80] =	vst v63  }
0x11a: {  	_ =	swait.ge [sflag:s9], $0x3400  }
0x11b: {  	[sflag:s9] =	ssyncset.done $0x0  }
.Ltmp7:
0x11c: {  	s28 =	rddreg [dreg:$0xc];
	[sflag:s9] =	ssyncadd.s32 $0xFFFFCC00;
	(pc) =	sbr.rel .LBB2_13-.Ltmp7, $4  }
0x11d: {  	[hbm4b:s28+s4] =	stream.linear.scatter [tilespmem:s11], [sflag:$0x7], $0x3400, $0x38;
	[tilespmem:$0x1FB80] =	vst v63  }
0x11e: {  	_ =	swait.ge [sflag:s9], $0x3400  }
0x11f: {  	[sflag:s9] =	ssyncset.done $0x0  }
0x120: {  	[sflag:s9] =	ssyncadd.s32 $0xFFFFCC00  }
.LBB2_4:
0x121: {  	[tilespmem:s4], [sflag:$0x7] =	stream.linear.gather [hbm4b:s7+s4], $0x100, $0x38;
	[tilespmem:$0x1FB80] =	vst v63  }
0x122: {  	_ =	swait.ge [sflag:s9], $0x100  }
0x123: {  	[sflag:s9] =	ssyncset.done $0x0  }
0x124: {  	[sflag:s9] =	ssyncadd.s32 $0xFFFFFF00  }
0x125: {  	[tilespmem:s11], [sflag:$0x1] =	stream.indirect.gather [hbm4b:s5+s10], $0x80, s4, s10, $0xb8;
	[tilespmem:$0x1FB80] =	vst v63  }
0x126: {  	_ = 	snop  }
0x127: {  	[tilespmem:s12], [sflag:$0x7] =	stream.linear.gather [hbm4b:s2+s4], $0x100, $0x38;
	[tilespmem:$0x1FB80] =	vst v63  }
0x128: {  	_ =	swait.ge [sflag:s9], $0x100  }
0x129: {  	[sflag:s9] =	ssyncset.done $0x0  }
0x12a: {  	[sflag:s9] =	ssyncadd.s32 $0xFFFFFF00  }
0x12b: {  	[tilespmem:s13], [sflag:$0x2] =	stream.indirect.gather [hbm4b:s5+s10], $0x80, s12, s10, $0xb8;
	[tilespmem:$0x1FB80] =	vst v63  }
0x12c: {  	_ = 	snop  }
0x12d: {  	[tilespmem:s14], [sflag:$0x7] =	stream.linear.gather [hbm4b:s8+s4], $0x100, $0x38;
	[tilespmem:$0x1FB80] =	vst v63  }
0x12e: {  	_ =	swait.ge [sflag:s9], $0x100  }
0x12f: {  	[sflag:s9] =	ssyncset.done $0x0  }
0x130: {  	[sflag:s9] =	ssyncadd.s32 $0xFFFFFF00  }
0x131: {  	[tilespmem:s15], [sflag:$0x3] =	stream.indirect.gather [hbm4b:s5+s10], $0x80, s14, s10, $0xb8;
	[tilespmem:$0x1FB80] =	vst v63  }
0x132: {  	_ =	swait.ge [sflag:s18], $0x4000  }
0x133: {  	[sflag:s18] =	ssyncset.done $0x0  }
0x134: {  	[sflag:s18] =	ssyncadd.s32 $0xFFFFC000  }
0x135: {  	[spmem:s3] =	stream.indirect.scatter.add.f32 [tilespmem:s11], [sflag:$0x4], $0x80, s10, s10, $0xb8;
	[tilespmem:$0x1FB80] =	vst v63  }
0x136: {  	_ =	swait.ge [sflag:s19], $0x4000  }
0x137: {  	[sflag:s19] =	ssyncset.done $0x0  }
0x138: {  	[sflag:s19] =	ssyncadd.s32 $0xFFFFC000  }
0x139: {  	[spmem:s3] =	stream.indirect.scatter.add.f32 [tilespmem:s13], [sflag:$0x5], $0x80, s20, s10, $0xb8;
	[tilespmem:$0x1FB80] =	vst v63  }
0x13a: {  	_ =	swait.ge [sflag:s21], $0x4000  }
0x13b: {  	[sflag:s21] =	ssyncset.done $0x0  }
0x13c: {  	[sflag:s21] =	ssyncadd.s32 $0xFFFFC000  }
0x13d: {  	[spmem:s3] =	stream.indirect.scatter.add.f32 [tilespmem:s15], [sflag:$0x6], $0x80, s22, s10, $0xb8;
	[tilespmem:$0x1FB80] =	vst v63  }
0x13e: {  	_ =	swait.ge [sflag:s23], $0x4000  }
0x13f: {  	s17 =	sadd.s32 $0xFFFF6A00, s7;
	[sflag:s23] =	ssyncset.done $0x0  }
0x140: {  	s25 =	sadd.s32 $0x9C00, s17;
	[sflag:s23] =	ssyncadd.s32 $0xFFFFC000  }
0x141: {  	[tilespmem:s4], [sflag:$0x7] =	stream.linear.gather [hbm4b:s25+s4], $0x100, $0x38;
	[tilespmem:$0x1FB80] =	vst v63  }
0x142: {  	_ =	swait.ge [sflag:s9], $0x100  }
0x143: {  	[sflag:s9] =	ssyncset.done $0x0  }
0x144: {  	[sflag:s9] =	ssyncadd.s32 $0xFFFFFF00  }
0x145: {  	[tilespmem:s11], [sflag:$0x1] =	stream.indirect.gather [hbm4b:s5+s10], $0x80, s4, s10, $0xb8;
	[tilespmem:$0x1FB80] =	vst v63  }
0x146: {  	_ =	swait.ge [sflag:s24], $0x4000  }
0x147: {  	[sflag:s24] =	ssyncset.done $0x0  }
0x148: {  	s28 =	sadd.s32 $0x9E00, s17;
	[sflag:s24] =	ssyncadd.s32 $0xFFFFC000  }
0x149: {  	[tilespmem:s12], [sflag:$0x7] =	stream.linear.gather [hbm4b:s28+s4], $0x100, $0x38;
	[tilespmem:$0x1FB80] =	vst v63  }
0x14a: {  	_ =	swait.ge [sflag:s9], $0x100  }
0x14b: {  	[sflag:s9] =	ssyncset.done $0x0  }
0x14c: {  	[sflag:s9] =	ssyncadd.s32 $0xFFFFFF00  }
0x14d: {  	[tilespmem:s13], [sflag:$0x2] =	stream.indirect.gather [hbm4b:s5+s10], $0x80, s12, s10, $0xb8;
	[tilespmem:$0x1FB80] =	vst v63  }
0x14e: {  	_ =	swait.ge [sflag:s0], $0x4000  }
0x14f: {  	[sflag:s0] =	ssyncset.done $0x0  }
0x150: {  	s17 =	sadd.s32 $0xA000, s17;
	[sflag:s0] =	ssyncadd.s32 $0xFFFFC000  }
0x151: {  	[tilespmem:s14], [sflag:$0x7] =	stream.linear.gather [hbm4b:s17+s4], $0x100, $0x38;
	[tilespmem:$0x1FB80] =	vst v63  }
0x152: {  	_ =	swait.ge [sflag:s9], $0x100  }
0x153: {  	[sflag:s9] =	ssyncset.done $0x0  }
0x154: {  	[sflag:s9] =	ssyncadd.s32 $0xFFFFFF00  }
0x155: {  	[tilespmem:s15], [sflag:$0x3] =	stream.indirect.gather [hbm4b:s5+s10], $0x80, s14, s10, $0xb8;
	[tilespmem:$0x1FB80] =	vst v63  }
0x156: {  	_ =	swait.ge [sflag:s18], $0x4000  }
0x157: {  	[sflag:s18] =	ssyncset.done $0x0  }
0x158: {  	[sflag:s18] =	ssyncadd.s32 $0xFFFFC000  }
0x159: {  	[spmem:s3] =	stream.indirect.scatter.add.f32 [tilespmem:s11], [sflag:$0x4], $0x80, s10, s10, $0xb8;
	[tilespmem:$0x1FB80] =	vst v63  }
0x15a: {  	_ =	swait.ge [sflag:s19], $0x4000  }
0x15b: {  	[sflag:s19] =	ssyncset.done $0x0  }
0x15c: {  	[sflag:s19] =	ssyncadd.s32 $0xFFFFC000  }
0x15d: {  	[spmem:s3] =	stream.indirect.scatter.add.f32 [tilespmem:s13], [sflag:$0x5], $0x80, s20, s10, $0xb8;
	[tilespmem:$0x1FB80] =	vst v63  }
0x15e: {  	_ =	swait.ge [sflag:s21], $0x4000  }
0x15f: {  	[sflag:s21] =	ssyncset.done $0x0  }
0x160: {  	s17 =	simm.s32 $0xFFFF7000;
	[sflag:s21] =	ssyncadd.s32 $0xFFFFC000  }
.LBB2_5:
0x161: {  	[spmem:s3] =	stream.indirect.scatter.add.f32 [tilespmem:s15], [sflag:$0x6], $0x80, s22, s10, $0xb8;
	[tilespmem:$0x1FB80] =	vst v63  }
0x162: {  	s25 =	smov.u32 s17  }
0x163: {  	p3 =	sne.s32 s17, $0xFFFFFA00;
	s17 =	sadd.s32 $0x600, s17;
	_ =	swait.ge [sflag:s23], $0x4000  }
0x164: {  	s25 =	sadd.s32 s25, s7;
	[sflag:s23] =	ssyncset.done $0x0  }
0x165: {  	s26 =	sadd.s32 $0x9C00, s25;
	[sflag:s23] =	ssyncadd.s32 $0xFFFFC000  }
0x166: {  	[tilespmem:s4], [sflag:$0x7] =	stream.linear.gather [hbm4b:s26+s4], $0x100, $0x38;
	[tilespmem:$0x1FB80] =	vst v63  }
0x167: {  	_ =	swait.ge [sflag:s9], $0x100  }
0x168: {  	[sflag:s9] =	ssyncset.done $0x0  }
0x169: {  	[sflag:s9] =	ssyncadd.s32 $0xFFFFFF00  }
0x16a: {  	[tilespmem:s11], [sflag:$0x1] =	stream.indirect.gather [hbm4b:s5+s10], $0x80, s4, s10, $0xb8;
	[tilespmem:$0x1FB80] =	vst v63  }
0x16b: {  	_ =	swait.ge [sflag:s24], $0x4000  }
0x16c: {  	[sflag:s24] =	ssyncset.done $0x0  }
0x16d: {  	s26 =	sadd.s32 $0x9E00, s25;
	[sflag:s24] =	ssyncadd.s32 $0xFFFFC000  }
0x16e: {  	[tilespmem:s12], [sflag:$0x7] =	stream.linear.gather [hbm4b:s26+s4], $0x100, $0x38;
	[tilespmem:$0x1FB80] =	vst v63  }
0x16f: {  	_ =	swait.ge [sflag:s9], $0x100  }
0x170: {  	[sflag:s9] =	ssyncset.done $0x0  }
0x171: {  	[sflag:s9] =	ssyncadd.s32 $0xFFFFFF00  }
0x172: {  	[tilespmem:s13], [sflag:$0x2] =	stream.indirect.gather [hbm4b:s5+s10], $0x80, s12, s10, $0xb8;
	[tilespmem:$0x1FB80] =	vst v63  }
0x173: {  	_ =	swait.ge [sflag:s0], $0x4000  }
0x174: {  	[sflag:s0] =	ssyncset.done $0x0  }
0x175: {  	s25 =	sadd.s32 $0xA000, s25;
	[sflag:s0] =	ssyncadd.s32 $0xFFFFC000  }
0x176: {  	[tilespmem:s14], [sflag:$0x7] =	stream.linear.gather [hbm4b:s25+s4], $0x100, $0x38;
	[tilespmem:$0x1FB80] =	vst v63  }
0x177: {  	_ =	swait.ge [sflag:s9], $0x100  }
0x178: {  	[sflag:s9] =	ssyncset.done $0x0  }
0x179: {  	[sflag:s9] =	ssyncadd.s32 $0xFFFFFF00  }
0x17a: {  	[tilespmem:s15], [sflag:$0x3] =	stream.indirect.gather [hbm4b:s5+s10], $0x80, s14, s10, $0xb8;
	[tilespmem:$0x1FB80] =	vst v63  }
0x17b: {  	_ =	swait.ge [sflag:s18], $0x4000  }
0x17c: {  	[sflag:s18] =	ssyncset.done $0x0  }
0x17d: {  	[sflag:s18] =	ssyncadd.s32 $0xFFFFC000  }
0x17e: {  	[spmem:s3] =	stream.indirect.scatter.add.f32 [tilespmem:s11], [sflag:$0x4], $0x80, s10, s10, $0xb8;
	[tilespmem:$0x1FB80] =	vst v63  }
0x17f: {  	_ =	swait.ge [sflag:s19], $0x4000  }
0x180: {  	[sflag:s19] =	ssyncset.done $0x0  }
.Ltmp8:
0x181: {  	[sflag:s19] =	ssyncadd.s32 $0xFFFFC000;
	(pc) =	sbr.rel @p3 .LBB2_5-.Ltmp8, $4  }
0x182: {  	[spmem:s3] =	stream.indirect.scatter.add.f32 [tilespmem:s13], [sflag:$0x5], $0x80, s20, s10, $0xb8;
	[tilespmem:$0x1FB80] =	vst v63  }
0x183: {  	_ =	swait.ge [sflag:s21], $0x4000  }
0x184: {  	[sflag:s21] =	ssyncset.done $0x0  }
0x185: {  	[sflag:s21] =	ssyncadd.s32 $0xFFFFC000  }
0x186: {  	[spmem:s3] =	stream.indirect.scatter.add.f32 [tilespmem:s15], [sflag:$0x6], $0x80, s22, s10, $0xb8;
	[tilespmem:$0x1FB80] =	vst v63  }
0x187: {  	_ =	swait.ge [sflag:s23], $0x4000  }
0x188: {  	[sflag:s23] =	ssyncset.done $0x0  }
0x189: {  	[sflag:s23] =	ssyncadd.s32 $0xFFFFC000  }
0x18a: {  	_ =	swait.ge [sflag:s24], $0x4000  }
.Ltmp9:
0x18b: {  	[sflag:s24] =	ssyncset.done $0x0;
	(pc) =	sbr.rel @p1 .LBB2_11-.Ltmp9, $4  }
.Ltmp10:
0x18c: {  	[sflag:s24] =	ssyncadd.s32 $0xFFFFC000;
	(pc) =	sbr.rel @!p1 .LBB2_10-.Ltmp10, $4  }
0x18d: {  	_ =	swait.ge [sflag:s0], $0x4000  }
0x18e: {  	[sflag:s0] =	ssyncset.done $0x0  }
0x18f: {  	s17 =	smov.u32 s5;
	[sflag:s0] =	ssyncadd.s32 $0xFFFFC000  }
0x190: {  	_ = 	snop  }
.LBB2_14:
0x191: {  	_ =	sfence.sel $0x180000  }
0x192: {  	[bflag:$0x0] =	sbarrier.arrive $0xFFFF  }
0x193: {  	_ =	strace $0x9000004D  }
0x194: {  	s0 =	stileid.u32;
	[bflag:$0x2] =	sbarrier.arrive $0xFFFF  }
0x195: {  	p0 =	sne.s32 s0, $0x0;
	s0 =	rddreg [dreg:$0x4]  }
0x196: {  	s0 =	sadd.s32 @!p0 $0x100000, s0  }
0x197: {  	[sflag:s0] =	ssyncadd.tile.s32 @!p0 $0x1;
	_ =	shalt  }
.Lfunc_end2:
_tile_overlayer_lowered:
.L_overlay_start_2:
0x198: {  	(tag) =	ssettag $0x2  }
0x199: {  	s0 =	rddreg [dreg:$0x0];
	s2 =	stileid.u32  }
0x19a: {  	s1 =	rddreg [dreg:$0x1];
	p0 =	sne.s32 s2, $0x0  }
0x19b: {  	s3 =	rddreg [dreg:$0x2];
	[bflag:$0x3] =	sbarrier.arrive $0xFFFF;
	s2 =	simm.s32 @!p0 $0x1C07  }
0x19c: {  	[timem:s3], [sflag:s2] =	dma.local @!p0 [hbm:s0], s1  }
0x19d: {  	s0 =	simm.s32 @!p0 $0x7  }
0x19e: {  	_ =	swait.ge @!p0 [sflag:s0], s1  }
0x19f: {  	s1 =	ssub.s32 @!p0 $0x0, s1;
	[sflag:s0] =	ssyncset.done @!p0 $0x0  }
0x1a0: {  	[sflag:s0] =	ssyncadd.s32 @!p0 s1  }
0x1a1: {  	[bflag:$0x3] =	sbarrier.arrive $0xFFFF  }
0x1a2: {  	_ =	shalt  }

// kernel: kernel.8.cloned.1.call-start
scs
__scs_entry_jumppad:
0x0: {  	(pc) =	sbr.rel $0x88, $3  }
0x1: {  	(tag) =	ssettag $0x0;
	lr =	simm.s32 $0x1  }
0x2: {  	[smem:$0x3F97] =	sst lr;
	_ =	strace $0xD0000000  }
0x3: {  	_ = 	snop  }
0x4: {  	_ = 	snop  }
0x5: {  	_ = 	snop  }
0x6: {  	_ = 	snop  }
0x7: {  	_ = 	snop  }
__scs_overlays_trampoline_lowered:
0x8: {  	[smem:$0x3FA6] =	sst s0  }
0x9: {  	[smem:$0x3FA7] =	sst s1  }
0xa: {  	[smem:$0x3FA8] =	sst s2  }
0xb: {  	[smem:$0x3FA9] =	sst s3  }
0xc: {  	[smem:$0x3FAA] =	sst s4  }
0xd: {  	[smem:$0x3FAB] =	sst s5  }
0xe: {  	[smem:$0x3FAC] =	sst s6  }
0xf: {  	[smem:$0x3FAD] =	sst s7  }
0x10: {  	[smem:$0x3FAE] =	sst s8  }
0x11: {  	[smem:$0x3FAF] =	sst s9;
	s0 =	simm.s32 @!p0 $0x0  }
0x12: {  	s1 =	sld [smem:$0x3F95];
	s0 =	simm.s32 @p0 $0x1  }
0x13: {  	[smem:$0x3FB0] =	sst s0;
	s0 =	simm.s32 @!p1 $0x0  }
0x14: {  	s2 =	sld [smem:$0x3F94];
	s0 =	simm.s32 @p1 $0x1  }
0x15: {  	[smem:$0x3FB1] =	sst s0;
	s0 =	simm.s32 @!p2 $0x0  }
0x16: {  	s3 =	sld [smem:$0x3FDB];
	s0 =	simm.s32 @p2 $0x1  }
0x17: {  	s4 =	simm.s32 $0x1BF5;
	[smem:$0x3FB3] =	sst s0  }
0x18: {  	s0 =	sld [smem:$0x3F96];
	_ =	swait.ge [sflag:s4], $0x0  }
0x19: {  	s7 =	sld [smem:$0x3F97]  }
0x1a: {  	s8 =	sadd.s32 $0xFFFFE003, lr  }
0x1b: {  	s9 =	sadd.s32 $0xFFFFFEF7, lr;
	s5 =	simm.s32 $0xFFFFFFFF;
	p2 =	slt.u32 s8, $0xFFFFF086  }
0x1c: {  	p1 =	slt.u32 s9, $0xF7A;
	s5 =	simm.s32 @!p2 $0x0  }
0x1d: {  	s5 =	simm.s32 @p1 $0x1;
	p0 =	seq.s32 s7, s2  }
0x1e: {  	s7 =	smul.u32 @!p0 $0xF7A, s2;
	p2 =	seq.s32 @!p0 s5, $0x0  }
0x1f: {  	s9 =	smul.u32 $0xF7A, s1;
	s8 =	simm.s32 @!p0 $0x1BF5;
	p2 =	por !p2, p0  }
0x20: {  	[sflag:s8] =	ssyncset.s32 @!p0 $0xFFFFF086;
	s6 =	sadd.s32 @!p0 s3, s7;
	s7 =	simm.s32 @!p0 $0x108  }
0x21: {  	s3 =	sadd.s32 s3, s9;
	s6 =	sadd.s32 @!p0 $0x88, s6;
	s7 =	simm.s32 @p2 $0x1082  }
0x22: {  	[simem:s7], [sflag:s8] =	dma.local @!p0 [hbm:s6], $0xF7A  }
0x23: {  	s9 =	sor.u32 $0xD0000000, s2;
	s6 =	simm.s32 $0x108;
	_ =	swait.ge @!p0 [sflag:s8], $0x0  }
0x24: {  	s3 =	sadd.s32 $0x88, s3;
	s6 =	simm.s32 @!p1 $0x1082;
	[sflag:s4] =	ssyncset.s32 $0xFFFFF086  }
0x25: {  	[simem:s6], [sflag:s4] =	dma.local [hbm:s3], $0xF7A  }
0x26: {  	[smem:$0x3F97] =	sst s1;
	(tag) =	ssettag s2;
	_ =	strace s9  }
0x27: {  	s1 =	sld [smem:$0x3FA7]  }
0x28: {  	s2 =	sld [smem:$0x3FA8]  }
0x29: {  	s4 =	sld [smem:$0x3FAA]  }
0x2a: {  	p0 =	seq.s32 s5, $0x0;
	s5 =	sld [smem:$0x3FAB]  }
0x2b: {  	s6 =	sld [smem:$0x3FAC]  }
0x2c: {  	s7 =	sld [smem:$0x3FAD]  }
0x2d: {  	s3 =	simm.s32 $0x108;
	s8 =	sld [smem:$0x3FAE]  }
0x2e: {  	s3 =	simm.s32 @!p0 $0x1082;
	s9 =	sld [smem:$0x3FAF]  }
0x2f: {  	lr =	sadd.s32 s0, s3;
	s0 =	sld [smem:$0x3FA6]  }
0x30: {  	s3 =	sld [smem:$0x3FA9]  }
0x31: {  	[smem:$0x3FB2] =	sst s10  }
0x32: {  	s10 =	sld [smem:$0x3FB0];
	_ =	sdelay $0x3  }
0x33: {  	p0 =	seq.s32 s10, $0x1;
	s10 =	sld [smem:$0x3FB2];
	_ =	sdelay $0x3  }
0x34: {  	[smem:$0x3FB2] =	sst s10  }
0x35: {  	s10 =	sld [smem:$0x3FB1];
	_ =	sdelay $0x3  }
0x36: {  	p1 =	seq.s32 s10, $0x1;
	s10 =	sld [smem:$0x3FB2];
	_ =	sdelay $0x3  }
0x37: {  	[smem:$0x3FB2] =	sst s10  }
0x38: {  	s10 =	sld [smem:$0x3FB3]  }
0x39: {  	_ = 	snop;
	(pc) =	sbr.ind lr, $3  }
0x3a: {  	_ = 	snop  }
0x3b: {  	_ = 	snop  }
0x3c: {  	p2 =	seq.s32 s10, $0x1;
	s10 =	sld [smem:$0x3FB2]  }
0x3d: {  	_ =	shalt  }
0x3e: {  	_ =	shalt  }
0x3f: {  	_ =	shalt  }
0x40: {  	_ =	shalt  }
0x41: {  	_ =	shalt  }
0x42: {  	_ =	shalt  }
0x43: {  	_ =	shalt  }
0x44: {  	_ =	shalt  }
0x45: {  	_ =	shalt  }
0x46: {  	_ =	shalt  }
0x47: {  	_ =	shalt  }
0x48: {  	_ =	shalt  }
0x49: {  	_ =	shalt  }
0x4a: {  	_ =	shalt  }
0x4b: {  	_ =	shalt  }
0x4c: {  	_ =	shalt  }
0x4d: {  	_ =	shalt  }
0x4e: {  	_ =	shalt  }
0x4f: {  	_ =	shalt  }
0x50: {  	_ =	shalt  }
0x51: {  	_ =	shalt  }
0x52: {  	_ =	shalt  }
0x53: {  	_ =	shalt  }
0x54: {  	_ =	shalt  }
0x55: {  	_ =	shalt  }
0x56: {  	_ =	shalt  }
0x57: {  	_ =	shalt  }
0x58: {  	_ =	shalt  }
0x59: {  	_ =	shalt  }
0x5a: {  	_ =	shalt  }
0x5b: {  	_ =	shalt  }
0x5c: {  	_ =	shalt  }
0x5d: {  	_ =	shalt  }
0x5e: {  	_ =	shalt  }
0x5f: {  	_ =	shalt  }
0x60: {  	_ =	shalt  }
0x61: {  	_ =	shalt  }
0x62: {  	_ =	shalt  }
0x63: {  	_ =	shalt  }
0x64: {  	_ =	shalt  }
0x65: {  	_ =	shalt  }
0x66: {  	_ =	shalt  }
0x67: {  	_ =	shalt  }
0x68: {  	_ =	shalt  }
0x69: {  	_ =	shalt  }
0x6a: {  	_ =	shalt  }
0x6b: {  	_ =	shalt  }
0x6c: {  	_ =	shalt  }
0x6d: {  	_ =	shalt  }
0x6e: {  	_ =	shalt  }
0x6f: {  	_ =	shalt  }
0x70: {  	_ =	shalt  }
0x71: {  	_ =	shalt  }
0x72: {  	_ =	shalt  }
0x73: {  	_ =	shalt  }
0x74: {  	_ =	shalt  }
0x75: {  	_ =	shalt  }
0x76: {  	_ =	shalt  }
0x77: {  	_ =	shalt  }
0x78: {  	_ =	shalt  }
0x79: {  	_ =	shalt  }
0x7a: {  	_ =	shalt  }
0x7b: {  	_ =	shalt  }
0x7c: {  	_ =	shalt  }
0x7d: {  	_ =	shalt  }
0x7e: {  	_ =	shalt  }
0x7f: {  	_ =	shalt  }
0x80: {  	_ =	shalt  }
0x81: {  	_ =	shalt  }
0x82: {  	_ =	shalt  }
0x83: {  	_ =	shalt  }
0x84: {  	_ =	shalt  }
0x85: {  	_ =	shalt  }
0x86: {  	_ =	shalt  }
0x87: {  	_ =	shalt  }
.Lfunc_end0:
.L_simem_size_0:
called_computation_lowered:
.L_overlay_start_0:
0x88: {  	s2 =	sld [smem:$0x3FD9]  }
0x89: {  	s3 =	sld [smem:$0x3FFE];
	_ =	sdelay $0x1  }
0x8a: {  	s1 =	srdreg.scid  }
0x8b: {  	s0 =	sand.u32 $0x1, s1  }
0x8c: {  	s17 =	sshll.u32 s0, $0xA;
	s2 =	sadd.s32 s3, s2  }
0x8d: {  	s2 =	sadd.s32 s2, s17  }
0x8e: {  	[smem:$0x3FBE] =	sst s2  }
0x8f: {  	_ = 	snop  }
0x90: {  	s2 =	sld [smem:$0x3FD0];
	(tm) =	ssettm $0x1  }
0x91: {  	s18 =	sld [smem:$0x3FFB];
	_ =	sdelay $0x3  }
0x92: {  	_ =	strace s18  }
0x93: {  	s3 =	sld [smem:$0x3FFC];
	_ =	sdelay $0x3  }
0x94: {  	_ =	strace s3  }
0x95: {  	s3 =	sld [smem:$0x3FFD];
	_ =	sdelay $0x3  }
0x96: {  	_ =	strace s3  }
0x97: {  	_ =	strace $0x8FFFFFFF  }
0x98: {  	s19 =	sld [smem:$0x3FDB];
	_ =	sdelay $0x1  }
0x99: {  	s4 =	simm.s32 $_scs_section_size  }
0x9a: {  	s5 =	simm.s32 $_size__tile_overlayer_lowered;
	s6 =	simm.s32 $_tile_overlayer_lowered  }
0x9b: {  	s22 =	simm.s32 $0x1BFF;
	s21 =	sshll.u32 s6, $0x1;
	s3 =	sadd.s32 s4, s19  }
0x9c: {  	s7 =	simm.s32 $0x0;
	s20 =	sshll.u32 s5, $0x1;
	s5 =	sadd.s32 s21, s3  }
0x9d: {  	[timem:s7], [sflag:s22] =	dma.local [hbm:s5], s20  }
0x9e: {  	_ =	swait.ge [sflag:s22], s20  }
0x9f: {  	s4 =	ssub.s32 $0x0, s20;
	[sflag:s22] =	ssyncset.done $0x0  }
0xa0: {  	[sflag:s22] =	ssyncadd.s32 s4;
	_ =	sdelay $0x1  }
0xa1: {  	s23 =	simm.s32 $0x1B8B  }
0xa2: {  	_ =	swait.ge [sflag:s23], $0x1  }
0xa3: {  	[sflag:s23] =	ssyncset.done $0x0  }
0xa4: {  	s25 =	simm.s32 $0x1B8E;
	s24 =	sld [smem:$0x3FFE];
	[sflag:s23] =	ssyncadd.s32 $0xFFFFFFFF  }
0xa5: {  	s26 =	simm.s32 $execute0_lowered;
	[smem:$0x3FD2] =	sst s25  }
0xa6: {  	s5 =	sshll.u32 s26, $0x1;
	_ =	strace $0x80000046;
	[dreg:$0x1] =	wrdreg $0xFFFFFFFF  }
0xa7: {  	s28 =	simm.s32 $_size_execute0_lowered;
	s3 =	sadd.s32 s3, s5;
	[dreg:$0x0] =	wrdreg $0x0  }
0xa8: {  	s5 =	sshll.u32 s28, $0x1;
	[dreg:$0x2] =	wrdreg s3  }
0xa9: {  	[dreg:$0x3] =	wrdreg s5  }
0xaa: {  	[dreg:$0x4] =	wrdreg $0xC0  }
0xab: {  	_ =	task [dreg:s7], $0x5FFFF  }
0xac: {  	[dreg:$0x1] =	wrdreg $0xFFFFFFFF  }
0xad: {  	[dreg:$0x0] =	wrdreg $0x60  }
0xae: {  	[dreg:$0x2] =	wrdreg s2  }
0xaf: {  	[dreg:$0x3] =	wrdreg s24  }
0xb0: {  	[dreg:$0x4] =	wrdreg $0x5800  }
0xb1: {  	[dreg:$0x5] =	wrdreg $0x9  }
0xb2: {  	_ =	task.clear_ibuf [dreg:s7], $0x6FFFF;
	_ =	strace $0x90000046  }
0xb3: {  	s29 =	simm.s32 $0x9;
	_ =	strace $0x80000048  }
0xb4: {  	_ =	swait.ge [sflag:s29], $0x1  }
0xb5: {  	[sflag:s29] =	ssyncadd.s32 $0xFFFFFFFF  }
0xb6: {  	_ =	strace $0x90000048  }
0xb7: {  	_ =	sfence  }
0xb8: {  	s30 =	sld [smem:$0x0];
	_ =	sdelay $0x2  }
0xb9: {  	s31 =	sshll.u32 s1, $0xD;
	s1 =	sshrl.u32 s1, $0x2  }
0xba: {  	s3 =	sand.u32 $0x4000, s31;
	s1 =	sadd.s32 s1, s30  }
0xbb: {  	s0 =	sor.u32 s3, s0;
	s1 =	sshll.u32 s1, $0x11  }
0xbc: {  	s0 =	sor.u32 s1, s0  }
0xbd: {  	s0 =	sadd.s32 $0x8F2B, s0  }
0xbe: {  	[sflag:s0] =	ssyncadd.remote.s32 $0x1  }
0xbf: {  	_ =	sfence.sel $0xFFFF  }
0xc0: {  	[dreg:$0x0] =	wrdreg $0xFFFFFFFF;
	(pc) =	sbr.abs _section_cstart, $3  }
0xc1: {  	[dreg:$0x1] =	wrdreg $0xFFFFFFFF  }
0xc2: {  	_ =	task.clear_ibuf [dreg:s7], $0x2FFFF;
	_ =	strace $0x9FFFFFFF  }
0xc3: {  	(tm) =	ssettm $0x7FFFFFFF  }
tec
execute0_lowered:
.L_overlay_start_1:
0x0: {  	(tag) =	ssettag $0x1  }
0x1: {  	s10 =	rddreg [dreg:$0x0]  }
0x2: {  	s7 =	rddreg [dreg:$0x1]  }
0x3: {  	s2 =	rddreg [dreg:$0x2]  }
0x4: {  	s0 =	rddreg [dreg:$0x3]  }
0x5: {  	s4 =	srdreg.scid;
	s1 =	stileid.u32  }
0x6: {  	s3 =	simm.s32 $0x0;
	s12 =	simm.s32 $0x1200;
	s28 =	smul.u32 $0xFA0, s1  }
0x7: {  	s8 =	sand.u32 $0x1, s4;
	[smem:$0x7FF] =	sst s3;
	s11 =	smul.u32 $0x3E8, s1  }
0x8: {  	s29 =	sshll.u32 s1, $0x4;
	s5 =	ssub.s32 $0x2, s8;
	s6 =	smul.u32 $0x271, s8  }
0x9: {  	_ =	strace $0x80000047;
	p0 =	seq.s32 s8, $0x1;
	s8 =	smul.u32 $0x2710, s8  }
0xa: {  	s9 =	sshrl.u32 s5, $0x1;
	s4 =	sshrl.u32 s28, $0x2;
	s12 =	simm.s32 @!p0 $0xC00  }
0xb: {  	s9 =	ssub.s32 s5, s9;
	s5 =	sadd.s32 $0x271, s6;
	s6 =	sadd.s32 s1, s6  }
0xc: {  	p0 =	sgt.u32 s1, $0x9;
	s4 =	sadd.s32 s4, s2;
	s13 =	sshll.u32 s6, $0x4  }
0xd: {  	s12 =	sadd.s32 s12, s7;
	s14 =	sadd.s32 s29, s8;
	s13 =	sadd.s32 $0x100, s13  }
0xe: {  	s7 =	sadd.s32 s11, s2;
	s11 =	sshrl.u32 s11, $0x3;
	s13 =	sand.u32 $0xFF80, s13  }
0xf: {  	s8 =	smax.u32 s9, $0x1;
	s31 =	sand.u32 $0x70, s14;
	s30 =	sadd.s32 s13, s10  }
0x10: {  	v0 =	vimm.f32 $1.000000000e+00;
	v1 =	vimm.f32 $0.0e+00;
	s9 =	sadd.s32 s12, s11;
	s10 =	sadd.s32 s10, s14;
	s11 =	sadd.s32 s31, s30  }
.LBB2_1:
0x11: {  	[tilespmem:$0x100] =	vst v0  }
0x12: {  	[tilespmem:$0x110] =	vst v0  }
0x13: {  	[tilespmem:$0x120] =	vst v0  }
0x14: {  	[tilespmem:$0x130] =	vst v0  }
0x15: {  	[tilespmem:$0x140] =	vst v0  }
0x16: {  	[tilespmem:$0x150] =	vst v0  }
0x17: {  	[tilespmem:$0x160] =	vst v0  }
0x18: {  	[tilespmem:$0x170] =	vst v0;
	s12 =	simm.s32 $0x40;
	s13 =	simm.s32 $0x0  }
.LBB2_2:
0x19: {  	p1 =	sne.s32 s12, $0xF80;
	[tilespmem:s13+$0x180] =	vst v1;
	s13 =	smov.u32 s12;
	s12 =	sadd.s32 $0x40, s12  }
.Ltmp0:
0x1a: {  	(pc) =	sbr.rel @p1 .LBB2_2-.Ltmp0, $2  }
0x1b: {  	_ =	sdelay $0x2  }
0x1c: {  	s13 =	sshra.s32 s13, $0x2  }
0x1d: {  	[tilespmem:s13+$0x180] =	vst v1;
	s12 =	simm.s32 @!p0 $0x180  }
0x1e: {  	[spmem:s4] =	stream.linear.scatter @!p0 [tilespmem:s12], [sflag:$0x3], $0x3E8, $0x38;
	[tilespmem:$0x7F8] =	vst v63  }
0x1f: {  	s12 =	simm.s32 @!p0 $0x3  }
0x20: {  	_ =	swait.ge @!p0 [sflag:s12], $0x3E8  }
0x21: {  	p1 =	sge.u32 s6, s5;
	[sflag:s12] =	ssyncset.done @!p0 $0x0  }
0x22: {  	s13 =	sadd.s32 @!p1 $0x0, s10;
	s14 =	simm.s32 @!p1 $0x0;
	[sflag:s12] =	ssyncadd.s32 @!p0 $0xFFFFFC18  }
0x23: {  	s15 =	simm.s32 @!p1 $0x3;
	s12 =	sadd.s32 $0x10, s6;
	[bflag:$0x0] =	sbarrier.arrive $0xFFFF  }
0x24: {  	[tilespmem:s14], [sflag:$0x3] =	stream.linear.gather @!p1 [hbm4b:s13+s14], $0x80, $0x38;
	[tilespmem:$0x7F8] =	vst v63  }
0x25: {  	p2 =	sge.u32 @!p1 s12, s5;
	_ =	swait.ge @!p1 [sflag:s15], $0x80  }
0x26: {  	s12 =	simm.s32 @!p1 $0x100;
	p2 =	por p2, p1;
	[sflag:s15] =	ssyncset.done @!p1 $0x0  }
0x27: {  	s13 =	simm.s32 @!p1 $0x80;
	[sflag:s15] =	ssyncadd.s32 @!p1 $0xFFFFFF80;
	s15 =	simm.s32 @!p2 $0x3  }
0x28: {  	[spmem:s2] =	stream.indirect.scatter.add.f32 @!p1 [tilespmem:s12], [sflag:$0x1], $0x1, s14, s13, $0xb8;
	[tilespmem:$0x7F8] =	vst v63  }
0x29: {  	s12 =	sadd.s32 @!p2 $0x0, s11;
	s13 =	simm.s32 @!p2 $0x0;
	s14 =	simm.s32 @!p2 $0x80  }
0x2a: {  	[tilespmem:s14], [sflag:$0x3] =	stream.linear.gather @!p2 [hbm4b:s12+s13], $0x80, $0x38;
	[tilespmem:$0x7F8] =	vst v63  }
0x2b: {  	_ =	swait.ge @!p2 [sflag:s15], $0x80  }
0x2c: {  	[sflag:s15] =	ssyncset.done @!p2 $0x0  }
0x2d: {  	s12 =	simm.s32 @!p2 $0x100;
	s13 =	simm.s32 @!p2 $0x2;
	[sflag:s15] =	ssyncadd.s32 @!p2 $0xFFFFFF80  }
0x2e: {  	[spmem:s2] =	stream.indirect.scatter.add.f32 @!p2 [tilespmem:s12], [sflag:$0x2], $0x1, s14, s14, $0xb8;
	[tilespmem:$0x7F8] =	vst v63  }
0x2f: {  	_ =	swait.ge @!p2 [sflag:s13], $0x80  }
0x30: {  	[sflag:s13] =	ssyncset.done @!p2 $0x0  }
0x31: {  	s15 =	simm.s32 @!p1 $0x1;
	[sflag:s13] =	ssyncadd.s32 @!p2 $0xFFFFFF80  }
0x32: {  	s12 =	simm.s32 $0x200;
	_ =	swait.ge @!p1 [sflag:s15], $0x80  }
0x33: {  	s14 =	simm.s32 $0x400;
	s13 =	sadd.s32 $0x20, s6;
	[sflag:s15] =	ssyncset.done @!p1 $0x0  }
.LBB2_4:
0x34: {  	s16 =	sadd.s32 $0x10, s13  }
0x35: {  	[sflag:s15] =	ssyncadd.s32 @!p1 $0xFFFFFF80;
	p1 =	sge.u32 s13, s5;
	s15 =	smov.u32 s14  }
0x36: {  	s17 =	sadd.s32 @!p1 s12, s10;
	s18 =	simm.s32 @!p1 $0x0;
	s19 =	simm.s32 @!p1 $0x3  }
0x37: {  	[tilespmem:s18], [sflag:$0x3] =	stream.linear.gather @!p1 [hbm4b:s17+s18], $0x80, $0x38;
	[tilespmem:$0x7F8] =	vst v63  }
0x38: {  	s14 =	sadd.s32 $0x200, s14;
	p2 =	sge.u32 @!p1 s16, s5;
	_ =	swait.ge @!p1 [sflag:s19], $0x80  }
0x39: {  	s16 =	simm.s32 @!p1 $0x100;
	p2 =	por p2, p1;
	[sflag:s19] =	ssyncset.done @!p1 $0x0  }
0x3a: {  	s17 =	simm.s32 @!p1 $0x80;
	[sflag:s19] =	ssyncadd.s32 @!p1 $0xFFFFFF80;
	s19 =	simm.s32 @!p2 $0x3  }
0x3b: {  	[spmem:s2] =	stream.indirect.scatter.add.f32 @!p1 [tilespmem:s16], [sflag:$0x1], $0x1, s18, s17, $0xb8;
	[tilespmem:$0x7F8] =	vst v63  }
0x3c: {  	s12 =	sadd.s32 @!p2 s12, s11;
	s16 =	simm.s32 @!p2 $0x0;
	s17 =	simm.s32 @!p2 $0x80  }
0x3d: {  	[tilespmem:s17], [sflag:$0x3] =	stream.linear.gather @!p2 [hbm4b:s12+s16], $0x80, $0x38;
	[tilespmem:$0x7F8] =	vst v63  }
0x3e: {  	p3 =	sne.s32 s14, $0x2800;
	s12 =	smov.u32 s15;
	_ =	swait.ge @!p2 [sflag:s19], $0x80  }
0x3f: {  	[sflag:s19] =	ssyncset.done @!p2 $0x0  }
0x40: {  	s15 =	simm.s32 @!p2 $0x100;
	s16 =	simm.s32 @!p2 $0x2;
	[sflag:s19] =	ssyncadd.s32 @!p2 $0xFFFFFF80  }
0x41: {  	[spmem:s2] =	stream.indirect.scatter.add.f32 @!p2 [tilespmem:s15], [sflag:$0x2], $0x1, s17, s17, $0xb8;
	[tilespmem:$0x7F8] =	vst v63  }
.Ltmp1:
0x42: {  	_ =	swait.ge @!p2 [sflag:s16], $0x80;
	(pc) =	sbr.rel @p3 .LBB2_4-.Ltmp1, $4  }
0x43: {  	[sflag:s16] =	ssyncset.done @!p2 $0x0  }
0x44: {  	s15 =	simm.s32 @!p1 $0x1;
	[sflag:s16] =	ssyncadd.s32 @!p2 $0xFFFFFF80  }
0x45: {  	_ =	swait.ge @!p1 [sflag:s15], $0x80  }
0x46: {  	s13 =	sadd.s32 $0x20, s13;
	[sflag:s15] =	ssyncset.done @!p1 $0x0  }
0x47: {  	s14 =	sadd.s32 $0x10, s13;
	p2 =	sge.u32 s13, s5;
	[sflag:s15] =	ssyncadd.s32 @!p1 $0xFFFFFF80  }
0x48: {  	s13 =	sadd.s32 @!p2 s12, s10;
	s15 =	simm.s32 @!p2 $0x0;
	s16 =	simm.s32 @!p2 $0x3  }
0x49: {  	[tilespmem:s15], [sflag:$0x3] =	stream.linear.gather @!p2 [hbm4b:s13+s15], $0x80, $0x38;
	[tilespmem:$0x7F8] =	vst v63  }
0x4a: {  	p1 =	sge.u32 @!p2 s14, s5;
	_ =	swait.ge @!p2 [sflag:s16], $0x80  }
0x4b: {  	s14 =	simm.s32 @!p2 $0x80;
	p1 =	por p1, p2;
	[sflag:s16] =	ssyncset.done @!p2 $0x0  }
0x4c: {  	s13 =	simm.s32 @!p2 $0x100;
	s12 =	sadd.s32 @!p1 s12, s11;
	[sflag:s16] =	ssyncadd.s32 @!p2 $0xFFFFFF80  }
0x4d: {  	[spmem:s2] =	stream.indirect.scatter.add.f32 @!p2 [tilespmem:s13], [sflag:$0x1], $0x1, s15, s14, $0xb8;
	[tilespmem:$0x7F8] =	vst v63  }
0x4e: {  	s16 =	simm.s32 @!p1 $0x3;
	s13 =	simm.s32 @!p1 $0x0;
	s14 =	simm.s32 @!p1 $0x80  }
0x4f: {  	[tilespmem:s14], [sflag:$0x3] =	stream.linear.gather @!p1 [hbm4b:s12+s13], $0x80, $0x38;
	[tilespmem:$0x7F8] =	vst v63  }
0x50: {  	_ =	swait.ge @!p1 [sflag:s16], $0x80  }
0x51: {  	[sflag:s16] =	ssyncset.done @!p1 $0x0  }
0x52: {  	s12 =	simm.s32 @!p1 $0x100;
	s13 =	simm.s32 @!p1 $0x2;
	[sflag:s16] =	ssyncadd.s32 @!p1 $0xFFFFFF80  }
0x53: {  	[spmem:s2] =	stream.indirect.scatter.add.f32 @!p1 [tilespmem:s12], [sflag:$0x2], $0x1, s14, s14, $0xb8;
	[tilespmem:$0x7F8] =	vst v63  }
0x54: {  	_ =	swait.ge @!p1 [sflag:s13], $0x80  }
0x55: {  	[sflag:s13] =	ssyncset.done @!p1 $0x0  }
0x56: {  	s12 =	simm.s32 @!p2 $0x1;
	[sflag:s13] =	ssyncadd.s32 @!p1 $0xFFFFFF80  }
0x57: {  	_ =	swait.ge @!p2 [sflag:s12], $0x80  }
0x58: {  	[sflag:s12] =	ssyncset.done @!p2 $0x0  }
0x59: {  	[sflag:s12] =	ssyncadd.s32 @!p2 $0xFFFFFF80  }
0x5a: {  	s13 =	simm.s32 @!p0 $0x3;
	s12 =	simm.s32 @!p0 $0x180;
	[bflag:$0x0] =	sbarrier.arrive $0xFFFF  }
0x5b: {  	[tilespmem:s12], [sflag:$0x3] =	stream.linear.gather @!p0 [spmem:s7], $0x3E8, $0x38;
	[tilespmem:$0x7F8] =	vst v63  }
0x5c: {  	s3 =	sadd.s32 $0x1, s3;
	_ =	swait.ge @!p0 [sflag:s13], $0x3E8  }
0x5d: {  	p1 =	sne.s32 s3, s8;
	[sflag:s13] =	ssyncset.done @!p0 $0x0  }
.Ltmp2:
0x5e: {  	s14 =	simm.s32 @!p0 $0x0;
	[sflag:s13] =	ssyncadd.s32 @!p0 $0xFFFFFC18;
	(pc) =	sbr.rel @p1 .LBB2_1-.Ltmp2, $4  }
0x5f: {  	[hbm4b:s9+s14] =	stream.linear.scatter @!p0 [tilespmem:s12], [sflag:$0x3], $0x3E8, $0x38;
	[tilespmem:$0x7F8] =	vst v63  }
0x60: {  	_ =	swait.ge @!p0 [sflag:s13], $0x3E8  }
0x61: {  	[sflag:s13] =	ssyncset.done @!p0 $0x0  }
0x62: {  	[sflag:s13] =	ssyncadd.s32 @!p0 $0xFFFFFC18  }
0x63: {  	_ =	sfence.sel $0x180000  }
0x64: {  	[bflag:$0x0] =	sbarrier.arrive $0xFFFF  }
0x65: {  	p0 =	sne.s32 s1, $0x0;
	_ =	strace $0x90000047  }
0x66: {  	s0 =	sadd.s32 @!p0 $0x100000, s0;
	[bflag:$0x2] =	sbarrier.arrive $0xFFFF  }
0x67: {  	[sflag:s0] =	ssyncadd.tile.s32 @!p0 $0x1;
	_ =	shalt  }
.Lfunc_end2:
_tile_overlayer_lowered:
.L_overlay_start_2:
0x68: {  	(tag) =	ssettag $0x2  }
0x69: {  	s0 =	rddreg [dreg:$0x0];
	s2 =	stileid.u32  }
0x6a: {  	s1 =	rddreg [dreg:$0x1];
	p0 =	sne.s32 s2, $0x0  }
0x6b: {  	s3 =	rddreg [dreg:$0x2];
	[bflag:$0x3] =	sbarrier.arrive $0xFFFF;
	s2 =	simm.s32 @!p0 $0x1C03  }
0x6c: {  	[timem:s3], [sflag:s2] =	dma.local @!p0 [hbm:s0], s1  }
0x6d: {  	s0 =	simm.s32 @!p0 $0x3  }
0x6e: {  	_ =	swait.ge @!p0 [sflag:s0], s1  }
0x6f: {  	s1 =	ssub.s32 @!p0 $0x0, s1;
	[sflag:s0] =	ssyncset.done @!p0 $0x0  }
0x70: {  	[sflag:s0] =	ssyncadd.s32 @!p0 s1  }
0x71: {  	[bflag:$0x3] =	sbarrier.arrive $0xFFFF  }
0x72: {  	_ =	shalt  }

</sc_bundles>
